<compile_context>
chip_gen: v7x
topology: tpu7x:2x2x1
jax: 0.10.2.dev20260603
libtpu: 0.0.44.dev20260713+nightly
codegen_flags: <defaults>
</compile_context>

<pallas_src>
import functools

import jax
import jax.numpy as jnp
from jax import lax
from jax.experimental import pallas as pl
from jax.experimental.pallas import tpu as pltpu
from jax.experimental.pallas import tpu_sc as plsc

B = 16384
K = 64
D = 128
L = 16

NC = 2
NS = 16
NW = NC * NS
BPW = B // NW
G = 256
NG = BPW // G
CB = 1
NCHUNK = G // CB
NBUF = 4
KUNROLL = 16


def _sc_body(pos_u, pos_v, neg2d, uw, vw, pos_out, neg_out,
             uidx, vidx, nidx_all, urows, vrows, *rest):
    nbufs = rest[0:NBUF]
    nstages = rest[NBUF:2 * NBUF]
    pos_stage = rest[2 * NBUF]
    sem_u = rest[2 * NBUF + 1]
    sem_v = rest[2 * NBUF + 2]
    gsems = rest[2 * NBUF + 3:2 * NBUF + 3 + NBUF]
    wsems = rest[2 * NBUF + 3 + NBUF:2 * NBUF + 3 + 2 * NBUF]

    cid = lax.axis_index("c")
    sid = lax.axis_index("s")
    wid = sid * NC + cid
    base = wid * BPW

    iota = lax.iota(jnp.int32, L)
    mask_last = iota == (L - 1)

    def compute_chunk(c, buf, stage):
        uvec = [urows[c, pl.ds(j * L, L)] for j in range(D // L)]
        p0 = uvec[0] * vrows[c, pl.ds(0, L)]
        p1 = uvec[1] * vrows[c, pl.ds(L, L)]
        for j in range(2, D // L, 2):
            p0 = p0 + uvec[j] * vrows[c, pl.ds(j * L, L)]
            p1 = p1 + uvec[j + 1] * vrows[c, pl.ds((j + 1) * L, L)]
        plsc.store_scatter(pos_stage, [jnp.full((L,), c, jnp.int32)],
                           plsc.cumsum(p0 + p1), mask=mask_last)

        def row_dot(row):
            q0 = uvec[0] * buf[row, pl.ds(0, L)]
            q1 = uvec[1] * buf[row, pl.ds(L, L)]
            for j in range(2, D // L, 2):
                q0 = q0 + uvec[j] * buf[row, pl.ds(j * L, L)]
                q1 = q1 + uvec[j + 1] * buf[row, pl.ds((j + 1) * L, L)]
            return q0 + q1

        def kbody(kq, tgt):
            for kk in range(0, KUNROLL, 16):
                r = kq * KUNROLL + kk
                ds_ = [row_dot(r + i) for i in range(16)]
                for i in range(16):
                    plsc.store_scatter(stage, [tgt + i],
                                       plsc.cumsum(ds_[i]), mask=mask_last)
                tgt = tgt + 16
            return tgt

        lax.fori_loop(0, K // KUNROLL, kbody, jnp.zeros((L,), jnp.int32))

    def group_body(g, _):
        gbase = base + g * G
        pltpu.sync_copy(pos_u.at[pl.ds(gbase, G)], uidx)
        pltpu.sync_copy(pos_v.at[pl.ds(gbase, G)], vidx)
        cus = [pltpu.async_copy(uw.at[uidx.at[pl.ds(h * 128, 128)]],
                                urows.at[pl.ds(h * 128, 128)], sem_u)
               for h in range(G // 128)]
        cvs = [pltpu.async_copy(vw.at[vidx.at[pl.ds(h * 128, 128)]],
                                vrows.at[pl.ds(h * 128, 128)], sem_v)
               for h in range(G // 128)]
        row0 = pl.multiple_of(gbase // CB, NCHUNK)
        pltpu.sync_copy(neg2d.at[pl.ds(row0, NCHUNK)], nidx_all)
        for cp in cus + cvs:
            cp.wait()

        for j in range(NBUF):
            pltpu.async_copy(vw.at[nidx_all.at[j]], nbufs[j], gsems[j])

        def outer(co, _):
            for j in range(NBUF):
                c = co * NBUF + j
                pltpu.make_async_copy(
                    vw.at[nidx_all.at[c]], nbufs[j], gsems[j]).wait()

                @pl.when(co > 0)
                def _wait_wb():
                    pltpu.make_async_copy(
                        nstages[j], neg_out.at[pl.ds(0, CB * K)],
                        wsems[j]).wait()

                compute_chunk(c, nbufs[j], nstages[j])
                b0 = gbase + c * CB
                pltpu.async_copy(
                    nstages[j], neg_out.at[pl.ds(b0 * K, CB * K)], wsems[j])

                @pl.when(c + NBUF < NCHUNK)
                def _refill():
                    pltpu.async_copy(
                        vw.at[nidx_all.at[c + NBUF]], nbufs[j], gsems[j])
            return 0

        lax.fori_loop(0, NCHUNK // NBUF, outer, 0)
        for j in range(NBUF):
            pltpu.make_async_copy(
                nstages[j], neg_out.at[pl.ds(0, CB * K)], wsems[j]).wait()
        pltpu.sync_copy(pos_stage, pos_out.at[pl.ds(gbase, G)])
        return 0

    lax.fori_loop(0, NG, group_body, 0)


_sc_dots = functools.partial(
    pl.kernel,
    out_type=[
        jax.ShapeDtypeStruct((B,), jnp.float32),
        jax.ShapeDtypeStruct((B * K,), jnp.float32),
    ],
    mesh=plsc.VectorSubcoreMesh(core_axis_name="c", subcore_axis_name="s"),
    compiler_params=pltpu.CompilerParams(needs_layout_passes=False,
                                         use_tc_tiling_on_sc=False),
    scratch_types=[
        pltpu.VMEM((G,), jnp.int32),
        pltpu.VMEM((G,), jnp.int32),
        pltpu.VMEM((NCHUNK, CB * K), jnp.int32),
        pltpu.VMEM((G, D), jnp.float32),
        pltpu.VMEM((G, D), jnp.float32),
    ]
    + [pltpu.VMEM((CB * K, D), jnp.float32) for _ in range(NBUF)]
    + [pltpu.VMEM((CB * K,), jnp.float32) for _ in range(NBUF)]
    + [
        pltpu.VMEM((G,), jnp.float32),
        pltpu.SemaphoreType.DMA,
        pltpu.SemaphoreType.DMA,
    ]
    + [pltpu.SemaphoreType.DMA for _ in range(2 * NBUF)],
)(_sc_body)


def _loss_body(pos_ref, neg_ref, out_ref):
    s = jnp.sum(jax.nn.log_sigmoid(pos_ref[...]))
    s = s + jnp.sum(jax.nn.log_sigmoid(-neg_ref[...]))
    out_ref[...] = jnp.full((1, 1), -s, jnp.float32)


def kernel(pos_u, pos_v, neg_v, u_weight, v_weight):
    pos_u = pos_u.astype(jnp.int32)
    pos_v = pos_v.astype(jnp.int32)
    neg2d = neg_v.astype(jnp.int32).reshape(B * K // (CB * K), CB * K)
    pos_dot, neg_dot = _sc_dots(pos_u, pos_v, neg2d, u_weight, v_weight)
    loss2d = pl.pallas_call(
        _loss_body,
        out_shape=jax.ShapeDtypeStruct((1, 1), jnp.float32),
    )(pos_dot.reshape(B // D, D), neg_dot.reshape(B * K // D, D))
    return loss2d[0, 0]

# --- scband reference (transcript-rebuilt; emitter-appended) ---
"""Pipeline reference for scband-skip-gram-model-13700945674514 (READ-ONLY COPY).

The authoritative reference and input builder live on the scoring server;
editing this copy changes nothing except your own understanding.
"""

import jax, jax.numpy as jnp
import numpy as np

EMB_SIZE = 100000
EMB_DIM = 128
BATCH = 16384
NEG_K = 64


def setup_inputs(seed: int = 0) -> dict:
    key = jax.random.key(seed)
    k1, k2, k3, k4, k5 = jax.random.split(key, 5)
    pos_u = jax.random.randint(k1, (BATCH,), 0, EMB_SIZE, dtype=jnp.int64 if jax.config.jax_enable_x64 else jnp.int32)
    pos_v = jax.random.randint(k2, (BATCH,), 0, EMB_SIZE, dtype=jnp.int64 if jax.config.jax_enable_x64 else jnp.int32)
    neg_v = jax.random.randint(k3, (BATCH, NEG_K), 0, EMB_SIZE, dtype=jnp.int64 if jax.config.jax_enable_x64 else jnp.int32)
    initrange = 0.5 / EMB_DIM
    u_weight = jax.random.uniform(k4, (EMB_SIZE, EMB_DIM), dtype=jnp.float32, minval=-initrange, maxval=initrange)
    # torch reference inits v_embeddings to zeros; use small random values so the
    # computation is numerically non-degenerate while keeping the math identical.
    v_weight = jax.random.uniform(k5, (EMB_SIZE, EMB_DIM), dtype=jnp.float32, minval=-initrange, maxval=initrange)
    return {"pos_u": pos_u, "pos_v": pos_v, "neg_v": neg_v, "u_weight": u_weight, "v_weight": v_weight}


def reference(pos_u, pos_v, neg_v, u_weight, v_weight):
    # emb_u = self.u_embeddings(pos_u)
    emb_u = jnp.take(u_weight, pos_u, axis=0)            # [B, D]
    # emb_v = self.v_embeddings(pos_v)
    emb_v = jnp.take(v_weight, pos_v, axis=0)            # [B, D]
    # score = sum(mul(emb_u, emb_v), dim=1); logsigmoid
    score = jnp.sum(emb_u * emb_v, axis=1)               # [B]
    score = jax.nn.log_sigmoid(score)
    # neg_emb_v = self.v_embeddings(neg_v)
    neg_emb_v = jnp.take(v_weight, neg_v, axis=0)        # [B, K, D]
    # neg_score = bmm(neg_emb_v, emb_u.unsqueeze(2)).squeeze()
    neg_score = jnp.einsum("bkd,bd->bk", neg_emb_v, emb_u)  # [B, K]
    neg_score = jax.nn.log_sigmoid(-1.0 * neg_score)
    return -1.0 * (jnp.sum(score) + jnp.sum(neg_score))

if __name__ == "__main__":
    import jax
    _d = setup_inputs()
    print(jax.jit(kernel)(*tuple(_d.values())))

</pallas_src>

<mosaic_0001>
#map = affine_map<(d0, d1) -> (0)>
#map1 = affine_map<(d0, d1) -> (0, 0)>
module attributes {stable_mosaic.version = 14 : i64} {
  func.func @_sc_body(%arg0: i32, %arg1: i32, %arg2: memref<16384xi32, #tpu.memory_space<hbm>>, %arg3: memref<16384xi32, #tpu.memory_space<hbm>>, %arg4: memref<16384x64xi32, #tpu.memory_space<hbm>>, %arg5: memref<100000x128xf32, #tpu.memory_space<hbm>>, %arg6: memref<100000x128xf32, #tpu.memory_space<hbm>>, %arg7: memref<16384xf32, #tpu.memory_space<hbm>>, %arg8: memref<1048576xf32, #tpu.memory_space<hbm>>, %arg9: memref<256xi32, #tpu.memory_space<vmem>>, %arg10: memref<256xi32, #tpu.memory_space<vmem>>, %arg11: memref<256x64xi32, #tpu.memory_space<vmem>>, %arg12: memref<256x128xf32, #tpu.memory_space<vmem>>, %arg13: memref<256x128xf32, #tpu.memory_space<vmem>>, %arg14: memref<64x128xf32, #tpu.memory_space<vmem>>, %arg15: memref<64x128xf32, #tpu.memory_space<vmem>>, %arg16: memref<64x128xf32, #tpu.memory_space<vmem>>, %arg17: memref<64x128xf32, #tpu.memory_space<vmem>>, %arg18: memref<64xf32, #tpu.memory_space<vmem>>, %arg19: memref<64xf32, #tpu.memory_space<vmem>>, %arg20: memref<64xf32, #tpu.memory_space<vmem>>, %arg21: memref<64xf32, #tpu.memory_space<vmem>>, %arg22: memref<256xf32, #tpu.memory_space<vmem>>, %arg23: memref<!tpu.dma_semaphore, #tpu.memory_space<semaphore_mem>>, %arg24: memref<!tpu.dma_semaphore, #tpu.memory_space<semaphore_mem>>, %arg25: memref<!tpu.dma_semaphore, #tpu.memory_space<semaphore_mem>>, %arg26: memref<!tpu.dma_semaphore, #tpu.memory_space<semaphore_mem>>, %arg27: memref<!tpu.dma_semaphore, #tpu.memory_space<semaphore_mem>>, %arg28: memref<!tpu.dma_semaphore, #tpu.memory_space<semaphore_mem>>, %arg29: memref<!tpu.dma_semaphore, #tpu.memory_space<semaphore_mem>>, %arg30: memref<!tpu.dma_semaphore, #tpu.memory_space<semaphore_mem>>, %arg31: memref<!tpu.dma_semaphore, #tpu.memory_space<semaphore_mem>>, %arg32: memref<!tpu.dma_semaphore, #tpu.memory_space<semaphore_mem>>) attributes {dimension_semantics = [#tpu.dimension_semantics<core_parallel>, #tpu.dimension_semantics<subcore_parallel>], iteration_bounds = array<i64: 2, 16>, scalar_prefetch = 0 : i64, scratch_operands = 24 : i64, tpu.core_type = #tpu.core_type<sc_vector_subcore>, window_params = [{transform_indices = #map}, {transform_indices = #map}, {transform_indices = #map1}, {transform_indices = #map1}, {transform_indices = #map1}, {transform_indices = #map}, {transform_indices = #map}]} {
    %mul3A = arith.constant 2 : i32
    %mul3A_0 = arith.muli %arg1, %mul3A : i32
    %add3A = arith.addi %mul3A_0, %arg0 : i32
    %mul3A_1 = arith.constant 512 : i32
    %mul3A_2 = arith.muli %add3A, %mul3A_1 : i32
    %iota3A = tpu.iota {dimensions = array<i32: 0>} : vector<16xi32>
    %eq3A = arith.constant 15 : i32
    %eq3A_3 = vector.broadcast %eq3A : i32 to vector<16xi32>
    %eq3A_4 = arith.cmpi eq, %iota3A, %eq3A_3 : vector<16xi32>
    %scan3A = arith.constant 0 : i32
    %scan3A_5 = arith.constant 0 : i32
    %scan3A_6 = arith.constant 2 : i32
    %scan3A_7 = arith.addi %scan3A_5, %scan3A_6 : i32
    %scan3A_8 = arith.constant 1 : i32
    %scan3A_9 = scf.for %scan3A_11 = %scan3A_5 to %scan3A_7 step %scan3A_8 iter_args(%scan3A_12 = %scan3A) -> (i32)  : i32 {
      %mul3A_13 = arith.constant 256 : i32
      %mul3A_14 = arith.muli %scan3A_11, %mul3A_13 : i32
      %add3A_15 = arith.addi %mul3A_2, %mul3A_14 : i32
      "tpu.region"() ({
        %run_scoped3A = tpu.sem_alloc : memref<!tpu.dma_semaphore, #tpu.memory_space<semaphore_mem>>
        %dma_start3A_146 = tpu.memref_slice %arg2[%add3A_15] : memref<16384xi32, #tpu.memory_space<hbm>> -> memref<256xi32, #tpu.memory_space<hbm>>
        %dma_start3A_147 = tpu.memref_slice %arg2[%add3A_15] : memref<16384xi32, #tpu.memory_space<hbm>> -> memref<256xi32, #tpu.memory_space<hbm>>
        tpu.enqueue_dma source(%dma_start3A_147 : memref<256xi32, #tpu.memory_space<hbm>>) target(%arg9 : memref<256xi32, #tpu.memory_space<vmem>>) target_semaphore(%run_scoped3A : memref<!tpu.dma_semaphore, #tpu.memory_space<semaphore_mem>>)
        %dma_wait3A_148 = tpu.memref_slice %arg2[%add3A_15] : memref<16384xi32, #tpu.memory_space<hbm>> -> memref<256xi32, #tpu.memory_space<hbm>>
        %dma_wait3A_149 = tpu.memref_slice %arg2[%add3A_15] : memref<16384xi32, #tpu.memory_space<hbm>> -> memref<256xi32, #tpu.memory_space<hbm>>
        tpu.wait_dma2 semaphore(%run_scoped3A : memref<!tpu.dma_semaphore, #tpu.memory_space<semaphore_mem>>) src(%dma_wait3A_149 : memref<256xi32, #tpu.memory_space<hbm>>) dst(%arg9 : memref<256xi32, #tpu.memory_space<vmem>>)
        tpu.yield
      }) : () -> ()
      "tpu.region"() ({
        %run_scoped3A = tpu.sem_alloc : memref<!tpu.dma_semaphore, #tpu.memory_space<semaphore_mem>>
        %dma_start3A_146 = tpu.memref_slice %arg3[%add3A_15] : memref<16384xi32, #tpu.memory_space<hbm>> -> memref<256xi32, #tpu.memory_space<hbm>>
        %dma_start3A_147 = tpu.memref_slice %arg3[%add3A_15] : memref<16384xi32, #tpu.memory_space<hbm>> -> memref<256xi32, #tpu.memory_space<hbm>>
        tpu.enqueue_dma source(%dma_start3A_147 : memref<256xi32, #tpu.memory_space<hbm>>) target(%arg10 : memref<256xi32, #tpu.memory_space<vmem>>) target_semaphore(%run_scoped3A : memref<!tpu.dma_semaphore, #tpu.memory_space<semaphore_mem>>)
        %dma_wait3A_148 = tpu.memref_slice %arg3[%add3A_15] : memref<16384xi32, #tpu.memory_space<hbm>> -> memref<256xi32, #tpu.memory_space<hbm>>
        %dma_wait3A_149 = tpu.memref_slice %arg3[%add3A_15] : memref<16384xi32, #tpu.memory_space<hbm>> -> memref<256xi32, #tpu.memory_space<hbm>>
        tpu.wait_dma2 semaphore(%run_scoped3A : memref<!tpu.dma_semaphore, #tpu.memory_space<semaphore_mem>>) src(%dma_wait3A_149 : memref<256xi32, #tpu.memory_space<hbm>>) dst(%arg10 : memref<256xi32, #tpu.memory_space<vmem>>)
        tpu.yield
      }) : () -> ()
      %dma_start3A = arith.constant 0 : i32
      %dma_start3A_16 = arith.constant 0 : i32
      %dma_start3A_17 = tpu.memref_slice %arg12[%dma_start3A, %dma_start3A_16] : memref<256x128xf32, #tpu.memory_space<vmem>> -> memref<128x128xf32, #tpu.memory_space<vmem>>
      %dma_start3A_18 = arith.constant 0 : i32
      %dma_start3A_19 = tpu.memref_slice %arg9[%dma_start3A_18] : memref<256xi32, #tpu.memory_space<vmem>> -> memref<128xi32, #tpu.memory_space<vmem>>
      %dma_start3A_20 = arith.constant 0 : i32
      %dma_start3A_21 = arith.constant 0 : i32
      %dma_start3A_22 = tpu.memref_slice %arg5[%dma_start3A_20, %dma_start3A_21] : memref<100000x128xf32, #tpu.memory_space<hbm>> -> memref<100000x128xf32, #tpu.memory_space<hbm>>
      tpu.enqueue_indirect_dma source(%dma_start3A_22 : memref<100000x128xf32, #tpu.memory_space<hbm>>) target(%dma_start3A_17 : memref<128x128xf32, #tpu.memory_space<vmem>>) offsets(%dma_start3A_19 : memref<128xi32, #tpu.memory_space<vmem>>) semaphore(%arg23 : memref<!tpu.dma_semaphore, #tpu.memory_space<semaphore_mem>>)
      %dma_start3A_23 = arith.constant 128 : i32
      %dma_start3A_24 = arith.constant 0 : i32
      %dma_start3A_25 = tpu.memref_slice %arg12[%dma_start3A_23, %dma_start3A_24] : memref<256x128xf32, #tpu.memory_space<vmem>> -> memref<128x128xf32, #tpu.memory_space<vmem>>
      %dma_start3A_26 = arith.constant 128 : i32
      %dma_start3A_27 = tpu.memref_slice %arg9[%dma_start3A_26] : memref<256xi32, #tpu.memory_space<vmem>> -> memref<128xi32, #tpu.memory_space<vmem>>
      %dma_start3A_28 = arith.constant 0 : i32
      %dma_start3A_29 = arith.constant 0 : i32
      %dma_start3A_30 = tpu.memref_slice %arg5[%dma_start3A_28, %dma_start3A_29] : memref<100000x128xf32, #tpu.memory_space<hbm>> -> memref<100000x128xf32, #tpu.memory_space<hbm>>
      tpu.enqueue_indirect_dma source(%dma_start3A_30 : memref<100000x128xf32, #tpu.memory_space<hbm>>) target(%dma_start3A_25 : memref<128x128xf32, #tpu.memory_space<vmem>>) offsets(%dma_start3A_27 : memref<128xi32, #tpu.memory_space<vmem>>) semaphore(%arg23 : memref<!tpu.dma_semaphore, #tpu.memory_space<semaphore_mem>>)
      %dma_start3A_31 = arith.constant 0 : i32
      %dma_start3A_32 = arith.constant 0 : i32
      %dma_start3A_33 = tpu.memref_slice %arg13[%dma_start3A_31, %dma_start3A_32] : memref<256x128xf32, #tpu.memory_space<vmem>> -> memref<128x128xf32, #tpu.memory_space<vmem>>
      %dma_start3A_34 = arith.constant 0 : i32
      %dma_start3A_35 = tpu.memref_slice %arg10[%dma_start3A_34] : memref<256xi32, #tpu.memory_space<vmem>> -> memref<128xi32, #tpu.memory_space<vmem>>
      %dma_start3A_36 = arith.constant 0 : i32
      %dma_start3A_37 = arith.constant 0 : i32
      %dma_start3A_38 = tpu.memref_slice %arg6[%dma_start3A_36, %dma_start3A_37] : memref<100000x128xf32, #tpu.memory_space<hbm>> -> memref<100000x128xf32, #tpu.memory_space<hbm>>
      tpu.enqueue_indirect_dma source(%dma_start3A_38 : memref<100000x128xf32, #tpu.memory_space<hbm>>) target(%dma_start3A_33 : memref<128x128xf32, #tpu.memory_space<vmem>>) offsets(%dma_start3A_35 : memref<128xi32, #tpu.memory_space<vmem>>) semaphore(%arg24 : memref<!tpu.dma_semaphore, #tpu.memory_space<semaphore_mem>>)
      %dma_start3A_39 = arith.constant 128 : i32
      %dma_start3A_40 = arith.constant 0 : i32
      %dma_start3A_41 = tpu.memref_slice %arg13[%dma_start3A_39, %dma_start3A_40] : memref<256x128xf32, #tpu.memory_space<vmem>> -> memref<128x128xf32, #tpu.memory_space<vmem>>
      %dma_start3A_42 = arith.constant 128 : i32
      %dma_start3A_43 = tpu.memref_slice %arg10[%dma_start3A_42] : memref<256xi32, #tpu.memory_space<vmem>> -> memref<128xi32, #tpu.memory_space<vmem>>
      %dma_start3A_44 = arith.constant 0 : i32
      %dma_start3A_45 = arith.constant 0 : i32
      %dma_start3A_46 = tpu.memref_slice %arg6[%dma_start3A_44, %dma_start3A_45] : memref<100000x128xf32, #tpu.memory_space<hbm>> -> memref<100000x128xf32, #tpu.memory_space<hbm>>
      tpu.enqueue_indirect_dma source(%dma_start3A_46 : memref<100000x128xf32, #tpu.memory_space<hbm>>) target(%dma_start3A_41 : memref<128x128xf32, #tpu.memory_space<vmem>>) offsets(%dma_start3A_43 : memref<128xi32, #tpu.memory_space<vmem>>) semaphore(%arg24 : memref<!tpu.dma_semaphore, #tpu.memory_space<semaphore_mem>>)
      %jit3A = arith.constant 1 : i32
      %div3A = arith.divsi %add3A_15, %jit3A : i32
      %sign3A = arith.constant 0 : i32
      %sign3A_47 = arith.cmpi sgt, %add3A_15, %sign3A : i32
      %sign3A_48 = arith.extui %sign3A_47 : i1 to i32
      %sign3A_49 = arith.constant 0 : i32
      %sign3A_50 = arith.cmpi slt, %add3A_15, %sign3A_49 : i32
      %sign3A_51 = arith.extui %sign3A_50 : i1 to i32
      %sign3A_52 = arith.subi %sign3A_48, %sign3A_51 : i32
      %sign3A_53 = arith.constant 0 : i32
      %sign3A_54 = arith.cmpi sgt, %jit3A, %sign3A_53 : i32
      %sign3A_55 = arith.extui %sign3A_54 : i1 to i32
      %sign3A_56 = arith.constant 0 : i32
      %sign3A_57 = arith.cmpi slt, %jit3A, %sign3A_56 : i32
      %sign3A_58 = arith.extui %sign3A_57 : i1 to i32
      %sign3A_59 = arith.subi %sign3A_55, %sign3A_58 : i32
      %ne3A = arith.cmpi ne, %sign3A_52, %sign3A_59 : i32
      %rem3A = arith.remsi %add3A_15, %jit3A : i32
      %ne3A_60 = arith.constant 0 : i32
      %ne3A_61 = arith.cmpi ne, %rem3A, %ne3A_60 : i32
      %and3A = arith.andi %ne3A, %ne3A_61 : i1
      %sub3A = arith.constant 1 : i32
      %sub3A_62 = arith.subi %div3A, %sub3A : i32
      %select_n3A = arith.select %and3A, %sub3A_62, %div3A : i32
      %multiple_of3A = tpu.assume_multiple %select_n3A, 256 : i32
      "tpu.region"() ({
        %run_scoped3A = tpu.sem_alloc : memref<!tpu.dma_semaphore, #tpu.memory_space<semaphore_mem>>
        %dma_start3A_146 = arith.constant 0 : i32
        %dma_start3A_147 = tpu.memref_slice %arg4[%multiple_of3A, %dma_start3A_146] : memref<16384x64xi32, #tpu.memory_space<hbm>> -> memref<256x64xi32, #tpu.memory_space<hbm>>
        %dma_start3A_148 = arith.constant 0 : i32
        %dma_start3A_149 = tpu.memref_slice %arg4[%multiple_of3A, %dma_start3A_148] : memref<16384x64xi32, #tpu.memory_space<hbm>> -> memref<256x64xi32, #tpu.memory_space<hbm>>
        tpu.enqueue_dma source(%dma_start3A_149 : memref<256x64xi32, #tpu.memory_space<hbm>>) target(%arg11 : memref<256x64xi32, #tpu.memory_space<vmem>>) target_semaphore(%run_scoped3A : memref<!tpu.dma_semaphore, #tpu.memory_space<semaphore_mem>>)
        %dma_wait3A_150 = arith.constant 0 : i32
        %dma_wait3A_151 = tpu.memref_slice %arg4[%multiple_of3A, %dma_wait3A_150] : memref<16384x64xi32, #tpu.memory_space<hbm>> -> memref<256x64xi32, #tpu.memory_space<hbm>>
        %dma_wait3A_152 = arith.constant 0 : i32
        %dma_wait3A_153 = tpu.memref_slice %arg4[%multiple_of3A, %dma_wait3A_152] : memref<16384x64xi32, #tpu.memory_space<hbm>> -> memref<256x64xi32, #tpu.memory_space<hbm>>
        tpu.wait_dma2 semaphore(%run_scoped3A : memref<!tpu.dma_semaphore, #tpu.memory_space<semaphore_mem>>) src(%dma_wait3A_153 : memref<256x64xi32, #tpu.memory_space<hbm>>) dst(%arg11 : memref<256x64xi32, #tpu.memory_space<vmem>>)
        tpu.yield
      }) : () -> ()
      %dma_wait3A = arith.constant 0 : i32
      %dma_wait3A_63 = arith.constant 0 : i32
      %dma_wait3A_64 = tpu.memref_slice %arg12[%dma_wait3A, %dma_wait3A_63] : memref<256x128xf32, #tpu.memory_space<vmem>> -> memref<128x128xf32, #tpu.memory_space<vmem>>
      %dma_wait3A_65 = arith.constant 0 : i32
      %dma_wait3A_66 = tpu.memref_slice %arg9[%dma_wait3A_65] : memref<256xi32, #tpu.memory_space<vmem>> -> memref<128xi32, #tpu.memory_space<vmem>>
      %dma_wait3A_67 = arith.constant 0 : i32
      %dma_wait3A_68 = arith.constant 0 : i32
      %dma_wait3A_69 = tpu.memref_slice %arg5[%dma_wait3A_67, %dma_wait3A_68] : memref<100000x128xf32, #tpu.memory_space<hbm>> -> memref<100000x128xf32, #tpu.memory_space<hbm>>
      tpu.wait_indirect_dma semaphore(%arg23 : memref<!tpu.dma_semaphore, #tpu.memory_space<semaphore_mem>>) src(%dma_wait3A_69 : memref<100000x128xf32, #tpu.memory_space<hbm>>) dst(%dma_wait3A_64 : memref<128x128xf32, #tpu.memory_space<vmem>>)
      %dma_wait3A_70 = arith.constant 128 : i32
      %dma_wait3A_71 = arith.constant 0 : i32
      %dma_wait3A_72 = tpu.memref_slice %arg12[%dma_wait3A_70, %dma_wait3A_71] : memref<256x128xf32, #tpu.memory_space<vmem>> -> memref<128x128xf32, #tpu.memory_space<vmem>>
      %dma_wait3A_73 = arith.constant 128 : i32
      %dma_wait3A_74 = tpu.memref_slice %arg9[%dma_wait3A_73] : memref<256xi32, #tpu.memory_space<vmem>> -> memref<128xi32, #tpu.memory_space<vmem>>
      %dma_wait3A_75 = arith.constant 0 : i32
      %dma_wait3A_76 = arith.constant 0 : i32
      %dma_wait3A_77 = tpu.memref_slice %arg5[%dma_wait3A_75, %dma_wait3A_76] : memref<100000x128xf32, #tpu.memory_space<hbm>> -> memref<100000x128xf32, #tpu.memory_space<hbm>>
      tpu.wait_indirect_dma semaphore(%arg23 : memref<!tpu.dma_semaphore, #tpu.memory_space<semaphore_mem>>) src(%dma_wait3A_77 : memref<100000x128xf32, #tpu.memory_space<hbm>>) dst(%dma_wait3A_72 : memref<128x128xf32, #tpu.memory_space<vmem>>)
      %dma_wait3A_78 = arith.constant 0 : i32
      %dma_wait3A_79 = arith.constant 0 : i32
      %dma_wait3A_80 = tpu.memref_slice %arg13[%dma_wait3A_78, %dma_wait3A_79] : memref<256x128xf32, #tpu.memory_space<vmem>> -> memref<128x128xf32, #tpu.memory_space<vmem>>
      %dma_wait3A_81 = arith.constant 0 : i32
      %dma_wait3A_82 = tpu.memref_slice %arg10[%dma_wait3A_81] : memref<256xi32, #tpu.memory_space<vmem>> -> memref<128xi32, #tpu.memory_space<vmem>>
      %dma_wait3A_83 = arith.constant 0 : i32
      %dma_wait3A_84 = arith.constant 0 : i32
      %dma_wait3A_85 = tpu.memref_slice %arg6[%dma_wait3A_83, %dma_wait3A_84] : memref<100000x128xf32, #tpu.memory_space<hbm>> -> memref<100000x128xf32, #tpu.memory_space<hbm>>
      tpu.wait_indirect_dma semaphore(%arg24 : memref<!tpu.dma_semaphore, #tpu.memory_space<semaphore_mem>>) src(%dma_wait3A_85 : memref<100000x128xf32, #tpu.memory_space<hbm>>) dst(%dma_wait3A_80 : memref<128x128xf32, #tpu.memory_space<vmem>>)
      %dma_wait3A_86 = arith.constant 128 : i32
      %dma_wait3A_87 = arith.constant 0 : i32
      %dma_wait3A_88 = tpu.memref_slice %arg13[%dma_wait3A_86, %dma_wait3A_87] : memref<256x128xf32, #tpu.memory_space<vmem>> -> memref<128x128xf32, #tpu.memory_space<vmem>>
      %dma_wait3A_89 = arith.constant 128 : i32
      %dma_wait3A_90 = tpu.memref_slice %arg10[%dma_wait3A_89] : memref<256xi32, #tpu.memory_space<vmem>> -> memref<128xi32, #tpu.memory_space<vmem>>
      %dma_wait3A_91 = arith.constant 0 : i32
      %dma_wait3A_92 = arith.constant 0 : i32
      %dma_wait3A_93 = tpu.memref_slice %arg6[%dma_wait3A_91, %dma_wait3A_92] : memref<100000x128xf32, #tpu.memory_space<hbm>> -> memref<100000x128xf32, #tpu.memory_space<hbm>>
      tpu.wait_indirect_dma semaphore(%arg24 : memref<!tpu.dma_semaphore, #tpu.memory_space<semaphore_mem>>) src(%dma_wait3A_93 : memref<100000x128xf32, #tpu.memory_space<hbm>>) dst(%dma_wait3A_88 : memref<128x128xf32, #tpu.memory_space<vmem>>)
      %dma_start3A_94 = arith.constant 0 : i32
      %dma_start3A_95 = arith.constant 0 : i32
      %dma_start3A_96 = tpu.memref_slice %arg11[%dma_start3A_94, %dma_start3A_95] : memref<256x64xi32, #tpu.memory_space<vmem>> -> memref<1x64xi32, #tpu.memory_space<vmem>>
      %dma_start3A_97 = tpu.memref_squeeze %dma_start3A_96 : memref<1x64xi32, #tpu.memory_space<vmem>> -> memref<64xi32, #tpu.memory_space<vmem>>
      %dma_start3A_98 = arith.constant 0 : i32
      %dma_start3A_99 = arith.constant 0 : i32
      %dma_start3A_100 = tpu.memref_slice %arg6[%dma_start3A_98, %dma_start3A_99] : memref<100000x128xf32, #tpu.memory_space<hbm>> -> memref<100000x128xf32, #tpu.memory_space<hbm>>
      tpu.enqueue_indirect_dma source(%dma_start3A_100 : memref<100000x128xf32, #tpu.memory_space<hbm>>) target(%arg14 : memref<64x128xf32, #tpu.memory_space<vmem>>) offsets(%dma_start3A_97 : memref<64xi32, #tpu.memory_space<vmem>>) semaphore(%arg25 : memref<!tpu.dma_semaphore, #tpu.memory_space<semaphore_mem>>)
      %dma_start3A_101 = arith.constant 1 : i32
      %dma_start3A_102 = arith.constant 0 : i32
      %dma_start3A_103 = tpu.memref_slice %arg11[%dma_start3A_101, %dma_start3A_102] : memref<256x64xi32, #tpu.memory_space<vmem>> -> memref<1x64xi32, #tpu.memory_space<vmem>>
      %dma_start3A_104 = tpu.memref_squeeze %dma_start3A_103 : memref<1x64xi32, #tpu.memory_space<vmem>> -> memref<64xi32, #tpu.memory_space<vmem>>
      %dma_start3A_105 = arith.constant 0 : i32
      %dma_start3A_106 = arith.constant 0 : i32
      %dma_start3A_107 = tpu.memref_slice %arg6[%dma_start3A_105, %dma_start3A_106] : memref<100000x128xf32, #tpu.memory_space<hbm>> -> memref<100000x128xf32, #tpu.memory_space<hbm>>
      tpu.enqueue_indirect_dma source(%dma_start3A_107 : memref<100000x128xf32, #tpu.memory_space<hbm>>) target(%arg15 : memref<64x128xf32, #tpu.memory_space<vmem>>) offsets(%dma_start3A_104 : memref<64xi32, #tpu.memory_space<vmem>>) semaphore(%arg26 : memref<!tpu.dma_semaphore, #tpu.memory_space<semaphore_mem>>)
      %dma_start3A_108 = arith.constant 2 : i32
      %dma_start3A_109 = arith.constant 0 : i32
      %dma_start3A_110 = tpu.memref_slice %arg11[%dma_start3A_108, %dma_start3A_109] : memref<256x64xi32, #tpu.memory_space<vmem>> -> memref<1x64xi32, #tpu.memory_space<vmem>>
      %dma_start3A_111 = tpu.memref_squeeze %dma_start3A_110 : memref<1x64xi32, #tpu.memory_space<vmem>> -> memref<64xi32, #tpu.memory_space<vmem>>
      %dma_start3A_112 = arith.constant 0 : i32
      %dma_start3A_113 = arith.constant 0 : i32
      %dma_start3A_114 = tpu.memref_slice %arg6[%dma_start3A_112, %dma_start3A_113] : memref<100000x128xf32, #tpu.memory_space<hbm>> -> memref<100000x128xf32, #tpu.memory_space<hbm>>
      tpu.enqueue_indirect_dma source(%dma_start3A_114 : memref<100000x128xf32, #tpu.memory_space<hbm>>) target(%arg16 : memref<64x128xf32, #tpu.memory_space<vmem>>) offsets(%dma_start3A_111 : memref<64xi32, #tpu.memory_space<vmem>>) semaphore(%arg27 : memref<!tpu.dma_semaphore, #tpu.memory_space<semaphore_mem>>)
      %dma_start3A_115 = arith.constant 3 : i32
      %dma_start3A_116 = arith.constant 0 : i32
      %dma_start3A_117 = tpu.memref_slice %arg11[%dma_start3A_115, %dma_start3A_116] : memref<256x64xi32, #tpu.memory_space<vmem>> -> memref<1x64xi32, #tpu.memory_space<vmem>>
      %dma_start3A_118 = tpu.memref_squeeze %dma_start3A_117 : memref<1x64xi32, #tpu.memory_space<vmem>> -> memref<64xi32, #tpu.memory_space<vmem>>
      %dma_start3A_119 = arith.constant 0 : i32
      %dma_start3A_120 = arith.constant 0 : i32
      %dma_start3A_121 = tpu.memref_slice %arg6[%dma_start3A_119, %dma_start3A_120] : memref<100000x128xf32, #tpu.memory_space<hbm>> -> memref<100000x128xf32, #tpu.memory_space<hbm>>
      tpu.enqueue_indirect_dma source(%dma_start3A_121 : memref<100000x128xf32, #tpu.memory_space<hbm>>) target(%arg17 : memref<64x128xf32, #tpu.memory_space<vmem>>) offsets(%dma_start3A_118 : memref<64xi32, #tpu.memory_space<vmem>>) semaphore(%arg28 : memref<!tpu.dma_semaphore, #tpu.memory_space<semaphore_mem>>)
      %scan3A_122 = arith.constant 0 : i32
      %scan3A_123 = arith.constant 0 : i32
      %scan3A_124 = arith.constant 64 : i32
      %scan3A_125 = arith.addi %scan3A_123, %scan3A_124 : i32
      %scan3A_126 = arith.constant 1 : i32
      %scan3A_127 = scf.for %scan3A_146 = %scan3A_123 to %scan3A_125 step %scan3A_126 iter_args(%scan3A_147 = %scan3A_122) -> (i32)  : i32 {
        %mul3A_148 = arith.constant 4 : i32
        %mul3A_149 = arith.muli %scan3A_146, %mul3A_148 : i32
        %add3A_150 = arith.constant 0 : i32
        %add3A_151 = arith.addi %mul3A_149, %add3A_150 : i32
        %dma_wait3A_152 = arith.constant 0 : i32
        %dma_wait3A_153 = tpu.memref_slice %arg11[%add3A_151, %dma_wait3A_152] : memref<256x64xi32, #tpu.memory_space<vmem>> -> memref<1x64xi32, #tpu.memory_space<vmem>>
        %dma_wait3A_154 = tpu.memref_squeeze %dma_wait3A_153 : memref<1x64xi32, #tpu.memory_space<vmem>> -> memref<64xi32, #tpu.memory_space<vmem>>
        %dma_wait3A_155 = arith.constant 0 : i32
        %dma_wait3A_156 = arith.constant 0 : i32
        %dma_wait3A_157 = tpu.memref_slice %arg6[%dma_wait3A_155, %dma_wait3A_156] : memref<100000x128xf32, #tpu.memory_space<hbm>> -> memref<100000x128xf32, #tpu.memory_space<hbm>>
        tpu.wait_indirect_dma semaphore(%arg25 : memref<!tpu.dma_semaphore, #tpu.memory_space<semaphore_mem>>) src(%dma_wait3A_157 : memref<100000x128xf32, #tpu.memory_space<hbm>>) dst(%arg14 : memref<64x128xf32, #tpu.memory_space<vmem>>)
        %gt3A = arith.constant 0 : i32
        %gt3A_158 = arith.cmpi sgt, %scan3A_146, %gt3A : i32
        %convert_element_type3A = arith.extui %gt3A_158 : i1 to i32
        %cond3A = arith.constant 0 : i32
        %cond3A_159 = arith.cmpi ne, %convert_element_type3A, %cond3A : i32
        scf.if %cond3A_159 {
          %dma_wait3A_558 = arith.constant 0 : i32
          %dma_wait3A_559 = tpu.memref_slice %arg8[%dma_wait3A_558] : memref<1048576xf32, #tpu.memory_space<hbm>> -> memref<64xf32, #tpu.memory_space<hbm>>
          %dma_wait3A_560 = arith.constant 0 : i32
          %dma_wait3A_561 = tpu.memref_slice %arg8[%dma_wait3A_560] : memref<1048576xf32, #tpu.memory_space<hbm>> -> memref<64xf32, #tpu.memory_space<hbm>>
          tpu.wait_dma2 semaphore(%arg29 : memref<!tpu.dma_semaphore, #tpu.memory_space<semaphore_mem>>) src(%arg18 : memref<64xf32, #tpu.memory_space<vmem>>) dst(%dma_wait3A_561 : memref<64xf32, #tpu.memory_space<hbm>>)
        } else {
        }
        %get3A = arith.index_cast %add3A_151 : i32 to index
        %get3A_160 = arith.constant 0 : index
        %get3A_161 = tpu.vector_load %arg12[%get3A, %get3A_160] {strides = array<i32>} : memref<256x128xf32, #tpu.memory_space<vmem>>, vector<16xf32>,
        %get3A_162 = arith.index_cast %add3A_151 : i32 to index
        %get3A_163 = arith.constant 16 : index
        %get3A_164 = tpu.vector_load %arg12[%get3A_162, %get3A_163] {strides = array<i32>} : memref<256x128xf32, #tpu.memory_space<vmem>>, vector<16xf32>,
        %get3A_165 = arith.index_cast %add3A_151 : i32 to index
        %get3A_166 = arith.constant 32 : index
        %get3A_167 = tpu.vector_load %arg12[%get3A_165, %get3A_166] {strides = array<i32>} : memref<256x128xf32, #tpu.memory_space<vmem>>, vector<16xf32>,
        %get3A_168 = arith.index_cast %add3A_151 : i32 to index
        %get3A_169 = arith.constant 48 : index
        %get3A_170 = tpu.vector_load %arg12[%get3A_168, %get3A_169] {strides = array<i32>} : memref<256x128xf32, #tpu.memory_space<vmem>>, vector<16xf32>,
        %get3A_171 = arith.index_cast %add3A_151 : i32 to index
        %get3A_172 = arith.constant 64 : index
        %get3A_173 = tpu.vector_load %arg12[%get3A_171, %get3A_172] {strides = array<i32>} : memref<256x128xf32, #tpu.memory_space<vmem>>, vector<16xf32>,
        %get3A_174 = arith.index_cast %add3A_151 : i32 to index
        %get3A_175 = arith.constant 80 : index
        %get3A_176 = tpu.vector_load %arg12[%get3A_174, %get3A_175] {strides = array<i32>} : memref<256x128xf32, #tpu.memory_space<vmem>>, vector<16xf32>,
        %get3A_177 = arith.index_cast %add3A_151 : i32 to index
        %get3A_178 = arith.constant 96 : index
        %get3A_179 = tpu.vector_load %arg12[%get3A_177, %get3A_178] {strides = array<i32>} : memref<256x128xf32, #tpu.memory_space<vmem>>, vector<16xf32>,
        %get3A_180 = arith.index_cast %add3A_151 : i32 to index
        %get3A_181 = arith.constant 112 : index
        %get3A_182 = tpu.vector_load %arg12[%get3A_180, %get3A_181] {strides = array<i32>} : memref<256x128xf32, #tpu.memory_space<vmem>>, vector<16xf32>,
        %get3A_183 = arith.index_cast %add3A_151 : i32 to index
        %get3A_184 = arith.constant 0 : index
        %get3A_185 = tpu.vector_load %arg13[%get3A_183, %get3A_184] {strides = array<i32>} : memref<256x128xf32, #tpu.memory_space<vmem>>, vector<16xf32>,
        %mul3A_186 = arith.mulf %get3A_161, %get3A_185 : vector<16xf32>
        %get3A_187 = arith.index_cast %add3A_151 : i32 to index
        %get3A_188 = arith.constant 16 : index
        %get3A_189 = tpu.vector_load %arg13[%get3A_187, %get3A_188] {strides = array<i32>} : memref<256x128xf32, #tpu.memory_space<vmem>>, vector<16xf32>,
        %mul3A_190 = arith.mulf %get3A_164, %get3A_189 : vector<16xf32>
        %get3A_191 = arith.index_cast %add3A_151 : i32 to index
        %get3A_192 = arith.constant 32 : index
        %get3A_193 = tpu.vector_load %arg13[%get3A_191, %get3A_192] {strides = array<i32>} : memref<256x128xf32, #tpu.memory_space<vmem>>, vector<16xf32>,
        %mul3A_194 = arith.mulf %get3A_167, %get3A_193 : vector<16xf32>
        %add3A_195 = arith.addf %mul3A_186, %mul3A_194 : vector<16xf32>
        %get3A_196 = arith.index_cast %add3A_151 : i32 to index
        %get3A_197 = arith.constant 48 : index
        %get3A_198 = tpu.vector_load %arg13[%get3A_196, %get3A_197] {strides = array<i32>} : memref<256x128xf32, #tpu.memory_space<vmem>>, vector<16xf32>,
        %mul3A_199 = arith.mulf %get3A_170, %get3A_198 : vector<16xf32>
        %add3A_200 = arith.addf %mul3A_190, %mul3A_199 : vector<16xf32>
        %get3A_201 = arith.index_cast %add3A_151 : i32 to index
        %get3A_202 = arith.constant 64 : index
        %get3A_203 = tpu.vector_load %arg13[%get3A_201, %get3A_202] {strides = array<i32>} : memref<256x128xf32, #tpu.memory_space<vmem>>, vector<16xf32>,
        %mul3A_204 = arith.mulf %get3A_173, %get3A_203 : vector<16xf32>
        %add3A_205 = arith.addf %add3A_195, %mul3A_204 : vector<16xf32>
        %get3A_206 = arith.index_cast %add3A_151 : i32 to index
        %get3A_207 = arith.constant 80 : index
        %get3A_208 = tpu.vector_load %arg13[%get3A_206, %get3A_207] {strides = array<i32>} : memref<256x128xf32, #tpu.memory_space<vmem>>, vector<16xf32>,
        %mul3A_209 = arith.mulf %get3A_176, %get3A_208 : vector<16xf32>
        %add3A_210 = arith.addf %add3A_200, %mul3A_209 : vector<16xf32>
        %get3A_211 = arith.index_cast %add3A_151 : i32 to index
        %get3A_212 = arith.constant 96 : index
        %get3A_213 = tpu.vector_load %arg13[%get3A_211, %get3A_212] {strides = array<i32>} : memref<256x128xf32, #tpu.memory_space<vmem>>, vector<16xf32>,
        %mul3A_214 = arith.mulf %get3A_179, %get3A_213 : vector<16xf32>
        %add3A_215 = arith.addf %add3A_205, %mul3A_214 : vector<16xf32>
        %get3A_216 = arith.index_cast %add3A_151 : i32 to index
        %get3A_217 = arith.constant 112 : index
        %get3A_218 = tpu.vector_load %arg13[%get3A_216, %get3A_217] {strides = array<i32>} : memref<256x128xf32, #tpu.memory_space<vmem>>, vector<16xf32>,
        %mul3A_219 = arith.mulf %get3A_182, %get3A_218 : vector<16xf32>
        %add3A_220 = arith.addf %add3A_210, %mul3A_219 : vector<16xf32>
        %broadcast_in_dim3A = vector.broadcast %add3A_151 : i32 to vector<16xi32>
        %add3A_221 = arith.addf %add3A_215, %add3A_220 : vector<16xf32>
        %broadcast_in_dim3A_222 = arith.constant true
        %broadcast_in_dim3A_223 = vector.broadcast %broadcast_in_dim3A_222 : i1 to vector<16xi1>
        %masked_cumsum3A = tpu.scan <sum>, %add3A_221 masked %broadcast_in_dim3A_223 : vector<16xf32>, vector<16xi1> -> vector<16xf32>
        tpu.vector_store_idx %arg22[%broadcast_in_dim3A], %masked_cumsum3A masked %eq3A_4 : memref<256xf32, #tpu.memory_space<vmem>>[vector<16xi32>], vector<16xf32>, vector<16xi1>
        %broadcast_in_dim3A_224 = arith.constant 0 : i32
        %broadcast_in_dim3A_225 = vector.broadcast %broadcast_in_dim3A_224 : i32 to vector<16xi32>
        %scan3A_226 = arith.constant 0 : i32
        %scan3A_227 = arith.constant 4 : i32
        %scan3A_228 = arith.addi %scan3A_226, %scan3A_227 : i32
        %scan3A_229 = arith.constant 1 : i32
        %scan3A_230 = scf.for %scan3A_558 = %scan3A_226 to %scan3A_228 step %scan3A_229 iter_args(%scan3A_559 = %broadcast_in_dim3A_225) -> (vector<16xi32>)  : i32 {
          %mul3A_560 = arith.constant 16 : i32
          %mul3A_561 = arith.muli %scan3A_558, %mul3A_560 : i32
          %add3A_562 = arith.constant 0 : i32
          %add3A_563 = arith.addi %mul3A_561, %add3A_562 : i32
          %add3A_564 = arith.constant 0 : i32
          %add3A_565 = arith.addi %add3A_563, %add3A_564 : i32
          %get3A_566 = arith.index_cast %add3A_565 : i32 to index
          %get3A_567 = arith.constant 0 : index
          %get3A_568 = tpu.vector_load %arg14[%get3A_566, %get3A_567] {strides = array<i32>} : memref<64x128xf32, #tpu.memory_space<vmem>>, vector<16xf32>,
          %mul3A_569 = arith.mulf %get3A_161, %get3A_568 : vector<16xf32>
          %get3A_570 = arith.index_cast %add3A_565 : i32 to index
          %get3A_571 = arith.constant 16 : index
          %get3A_572 = tpu.vector_load %arg14[%get3A_570, %get3A_571] {strides = array<i32>} : memref<64x128xf32, #tpu.memory_space<vmem>>, vector<16xf32>,
          %mul3A_573 = arith.mulf %get3A_164, %get3A_572 : vector<16xf32>
          %get3A_574 = arith.index_cast %add3A_565 : i32 to index
          %get3A_575 = arith.constant 32 : index
          %get3A_576 = tpu.vector_load %arg14[%get3A_574, %get3A_575] {strides = array<i32>} : memref<64x128xf32, #tpu.memory_space<vmem>>, vector<16xf32>,
          %mul3A_577 = arith.mulf %get3A_167, %get3A_576 : vector<16xf32>
          %add3A_578 = arith.addf %mul3A_569, %mul3A_577 : vector<16xf32>
          %get3A_579 = arith.index_cast %add3A_565 : i32 to index
          %get3A_580 = arith.constant 48 : index
          %get3A_581 = tpu.vector_load %arg14[%get3A_579, %get3A_580] {strides = array<i32>} : memref<64x128xf32, #tpu.memory_space<vmem>>, vector<16xf32>,
          %mul3A_582 = arith.mulf %get3A_170, %get3A_581 : vector<16xf32>
          %add3A_583 = arith.addf %mul3A_573, %mul3A_582 : vector<16xf32>
          %get3A_584 = arith.index_cast %add3A_565 : i32 to index
          %get3A_585 = arith.constant 64 : index
          %get3A_586 = tpu.vector_load %arg14[%get3A_584, %get3A_585] {strides = array<i32>} : memref<64x128xf32, #tpu.memory_space<vmem>>, vector<16xf32>,
          %mul3A_587 = arith.mulf %get3A_173, %get3A_586 : vector<16xf32>
          %add3A_588 = arith.addf %add3A_578, %mul3A_587 : vector<16xf32>
          %get3A_589 = arith.index_cast %add3A_565 : i32 to index
          %get3A_590 = arith.constant 80 : index
          %get3A_591 = tpu.vector_load %arg14[%get3A_589, %get3A_590] {strides = array<i32>} : memref<64x128xf32, #tpu.memory_space<vmem>>, vector<16xf32>,
          %mul3A_592 = arith.mulf %get3A_176, %get3A_591 : vector<16xf32>
          %add3A_593 = arith.addf %add3A_583, %mul3A_592 : vector<16xf32>
          %get3A_594 = arith.index_cast %add3A_565 : i32 to index
          %get3A_595 = arith.constant 96 : index
          %get3A_596 = tpu.vector_load %arg14[%get3A_594, %get3A_595] {strides = array<i32>} : memref<64x128xf32, #tpu.memory_space<vmem>>, vector<16xf32>,
          %mul3A_597 = arith.mulf %get3A_179, %get3A_596 : vector<16xf32>
          %add3A_598 = arith.addf %add3A_588, %mul3A_597 : vector<16xf32>
          %get3A_599 = arith.index_cast %add3A_565 : i32 to index
          %get3A_600 = arith.constant 112 : index
          %get3A_601 = tpu.vector_load %arg14[%get3A_599, %get3A_600] {strides = array<i32>} : memref<64x128xf32, #tpu.memory_space<vmem>>, vector<16xf32>,
          %mul3A_602 = arith.mulf %get3A_182, %get3A_601 : vector<16xf32>
          %add3A_603 = arith.addf %add3A_593, %mul3A_602 : vector<16xf32>
          %add3A_604 = arith.addf %add3A_598, %add3A_603 : vector<16xf32>
          %add3A_605 = arith.constant 1 : i32
          %add3A_606 = arith.addi %add3A_563, %add3A_605 : i32
          %get3A_607 = arith.index_cast %add3A_606 : i32 to index
          %get3A_608 = arith.constant 0 : index
          %get3A_609 = tpu.vector_load %arg14[%get3A_607, %get3A_608] {strides = array<i32>} : memref<64x128xf32, #tpu.memory_space<vmem>>, vector<16xf32>,
          %mul3A_610 = arith.mulf %get3A_161, %get3A_609 : vector<16xf32>
          %get3A_611 = arith.index_cast %add3A_606 : i32 to index
          %get3A_612 = arith.constant 16 : index
          %get3A_613 = tpu.vector_load %arg14[%get3A_611, %get3A_612] {strides = array<i32>} : memref<64x128xf32, #tpu.memory_space<vmem>>, vector<16xf32>,
          %mul3A_614 = arith.mulf %get3A_164, %get3A_613 : vector<16xf32>
          %get3A_615 = arith.index_cast %add3A_606 : i32 to index
          %get3A_616 = arith.constant 32 : index
          %get3A_617 = tpu.vector_load %arg14[%get3A_615, %get3A_616] {strides = array<i32>} : memref<64x128xf32, #tpu.memory_space<vmem>>, vector<16xf32>,
          %mul3A_618 = arith.mulf %get3A_167, %get3A_617 : vector<16xf32>
          %add3A_619 = arith.addf %mul3A_610, %mul3A_618 : vector<16xf32>
          %get3A_620 = arith.index_cast %add3A_606 : i32 to index
          %get3A_621 = arith.constant 48 : index
          %get3A_622 = tpu.vector_load %arg14[%get3A_620, %get3A_621] {strides = array<i32>} : memref<64x128xf32, #tpu.memory_space<vmem>>, vector<16xf32>,
          %mul3A_623 = arith.mulf %get3A_170, %get3A_622 : vector<16xf32>
          %add3A_624 = arith.addf %mul3A_614, %mul3A_623 : vector<16xf32>
          %get3A_625 = arith.index_cast %add3A_606 : i32 to index
          %get3A_626 = arith.constant 64 : index
          %get3A_627 = tpu.vector_load %arg14[%get3A_625, %get3A_626] {strides = array<i32>} : memref<64x128xf32, #tpu.memory_space<vmem>>, vector<16xf32>,
          %mul3A_628 = arith.mulf %get3A_173, %get3A_627 : vector<16xf32>
          %add3A_629 = arith.addf %add3A_619, %mul3A_628 : vector<16xf32>
          %get3A_630 = arith.index_cast %add3A_606 : i32 to index
          %get3A_631 = arith.constant 80 : index
          %get3A_632 = tpu.vector_load %arg14[%get3A_630, %get3A_631] {strides = array<i32>} : memref<64x128xf32, #tpu.memory_space<vmem>>, vector<16xf32>,
          %mul3A_633 = arith.mulf %get3A_176, %get3A_632 : vector<16xf32>
          %add3A_634 = arith.addf %add3A_624, %mul3A_633 : vector<16xf32>
          %get3A_635 = arith.index_cast %add3A_606 : i32 to index
          %get3A_636 = arith.constant 96 : index
          %get3A_637 = tpu.vector_load %arg14[%get3A_635, %get3A_636] {strides = array<i32>} : memref<64x128xf32, #tpu.memory_space<vmem>>, vector<16xf32>,
          %mul3A_638 = arith.mulf %get3A_179, %get3A_637 : vector<16xf32>
          %add3A_639 = arith.addf %add3A_629, %mul3A_638 : vector<16xf32>
          %get3A_640 = arith.index_cast %add3A_606 : i32 to index
          %get3A_641 = arith.constant 112 : index
          %get3A_642 = tpu.vector_load %arg14[%get3A_640, %get3A_641] {strides = array<i32>} : memref<64x128xf32, #tpu.memory_space<vmem>>, vector<16xf32>,
          %mul3A_643 = arith.mulf %get3A_182, %get3A_642 : vector<16xf32>
          %add3A_644 = arith.addf %add3A_634, %mul3A_643 : vector<16xf32>
          %add3A_645 = arith.addf %add3A_639, %add3A_644 : vector<16xf32>
          %add3A_646 = arith.constant 2 : i32
          %add3A_647 = arith.addi %add3A_563, %add3A_646 : i32
          %get3A_648 = arith.index_cast %add3A_647 : i32 to index
          %get3A_649 = arith.constant 0 : index
          %get3A_650 = tpu.vector_load %arg14[%get3A_648, %get3A_649] {strides = array<i32>} : memref<64x128xf32, #tpu.memory_space<vmem>>, vector<16xf32>,
          %mul3A_651 = arith.mulf %get3A_161, %get3A_650 : vector<16xf32>
          %get3A_652 = arith.index_cast %add3A_647 : i32 to index
          %get3A_653 = arith.constant 16 : index
          %get3A_654 = tpu.vector_load %arg14[%get3A_652, %get3A_653] {strides = array<i32>} : memref<64x128xf32, #tpu.memory_space<vmem>>, vector<16xf32>,
          %mul3A_655 = arith.mulf %get3A_164, %get3A_654 : vector<16xf32>
          %get3A_656 = arith.index_cast %add3A_647 : i32 to index
          %get3A_657 = arith.constant 32 : index
          %get3A_658 = tpu.vector_load %arg14[%get3A_656, %get3A_657] {strides = array<i32>} : memref<64x128xf32, #tpu.memory_space<vmem>>, vector<16xf32>,
          %mul3A_659 = arith.mulf %get3A_167, %get3A_658 : vector<16xf32>
          %add3A_660 = arith.addf %mul3A_651, %mul3A_659 : vector<16xf32>
          %get3A_661 = arith.index_cast %add3A_647 : i32 to index
          %get3A_662 = arith.constant 48 : index
          %get3A_663 = tpu.vector_load %arg14[%get3A_661, %get3A_662] {strides = array<i32>} : memref<64x128xf32, #tpu.memory_space<vmem>>, vector<16xf32>,
          %mul3A_664 = arith.mulf %get3A_170, %get3A_663 : vector<16xf32>
          %add3A_665 = arith.addf %mul3A_655, %mul3A_664 : vector<16xf32>
          %get3A_666 = arith.index_cast %add3A_647 : i32 to index
          %get3A_667 = arith.constant 64 : index
          %get3A_668 = tpu.vector_load %arg14[%get3A_666, %get3A_667] {strides = array<i32>} : memref<64x128xf32, #tpu.memory_space<vmem>>, vector<16xf32>,
          %mul3A_669 = arith.mulf %get3A_173, %get3A_668 : vector<16xf32>
          %add3A_670 = arith.addf %add3A_660, %mul3A_669 : vector<16xf32>
          %get3A_671 = arith.index_cast %add3A_647 : i32 to index
          %get3A_672 = arith.constant 80 : index
          %get3A_673 = tpu.vector_load %arg14[%get3A_671, %get3A_672] {strides = array<i32>} : memref<64x128xf32, #tpu.memory_space<vmem>>, vector<16xf32>,
          %mul3A_674 = arith.mulf %get3A_176, %get3A_673 : vector<16xf32>
          %add3A_675 = arith.addf %add3A_665, %mul3A_674 : vector<16xf32>
          %get3A_676 = arith.index_cast %add3A_647 : i32 to index
          %get3A_677 = arith.constant 96 : index
          %get3A_678 = tpu.vector_load %arg14[%get3A_676, %get3A_677] {strides = array<i32>} : memref<64x128xf32, #tpu.memory_space<vmem>>, vector<16xf32>,
          %mul3A_679 = arith.mulf %get3A_179, %get3A_678 : vector<16xf32>
          %add3A_680 = arith.addf %add3A_670, %mul3A_679 : vector<16xf32>
          %get3A_681 = arith.index_cast %add3A_647 : i32 to index
          %get3A_682 = arith.constant 112 : index
          %get3A_683 = tpu.vector_load %arg14[%get3A_681, %get3A_682] {strides = array<i32>} : memref<64x128xf32, #tpu.memory_space<vmem>>, vector<16xf32>,
          %mul3A_684 = arith.mulf %get3A_182, %get3A_683 : vector<16xf32>
          %add3A_685 = arith.addf %add3A_675, %mul3A_684 : vector<16xf32>
          %add3A_686 = arith.addf %add3A_680, %add3A_685 : vector<16xf32>
          %add3A_687 = arith.constant 3 : i32
          %add3A_688 = arith.addi %add3A_563, %add3A_687 : i32
          %get3A_689 = arith.index_cast %add3A_688 : i32 to index
          %get3A_690 = arith.constant 0 : index
          %get3A_691 = tpu.vector_load %arg14[%get3A_689, %get3A_690] {strides = array<i32>} : memref<64x128xf32, #tpu.memory_space<vmem>>, vector<16xf32>,
          %mul3A_692 = arith.mulf %get3A_161, %get3A_691 : vector<16xf32>
          %get3A_693 = arith.index_cast %add3A_688 : i32 to index
          %get3A_694 = arith.constant 16 : index
          %get3A_695 = tpu.vector_load %arg14[%get3A_693, %get3A_694] {strides = array<i32>} : memref<64x128xf32, #tpu.memory_space<vmem>>, vector<16xf32>,
          %mul3A_696 = arith.mulf %get3A_164, %get3A_695 : vector<16xf32>
          %get3A_697 = arith.index_cast %add3A_688 : i32 to index
          %get3A_698 = arith.constant 32 : index
          %get3A_699 = tpu.vector_load %arg14[%get3A_697, %get3A_698] {strides = array<i32>} : memref<64x128xf32, #tpu.memory_space<vmem>>, vector<16xf32>,
          %mul3A_700 = arith.mulf %get3A_167, %get3A_699 : vector<16xf32>
          %add3A_701 = arith.addf %mul3A_692, %mul3A_700 : vector<16xf32>
          %get3A_702 = arith.index_cast %add3A_688 : i32 to index
          %get3A_703 = arith.constant 48 : index
          %get3A_704 = tpu.vector_load %arg14[%get3A_702, %get3A_703] {strides = array<i32>} : memref<64x128xf32, #tpu.memory_space<vmem>>, vector<16xf32>,
          %mul3A_705 = arith.mulf %get3A_170, %get3A_704 : vector<16xf32>
          %add3A_706 = arith.addf %mul3A_696, %mul3A_705 : vector<16xf32>
          %get3A_707 = arith.index_cast %add3A_688 : i32 to index
          %get3A_708 = arith.constant 64 : index
          %get3A_709 = tpu.vector_load %arg14[%get3A_707, %get3A_708] {strides = array<i32>} : memref<64x128xf32, #tpu.memory_space<vmem>>, vector<16xf32>,
          %mul3A_710 = arith.mulf %get3A_173, %get3A_709 : vector<16xf32>
          %add3A_711 = arith.addf %add3A_701, %mul3A_710 : vector<16xf32>
          %get3A_712 = arith.index_cast %add3A_688 : i32 to index
          %get3A_713 = arith.constant 80 : index
          %get3A_714 = tpu.vector_load %arg14[%get3A_712, %get3A_713] {strides = array<i32>} : memref<64x128xf32, #tpu.memory_space<vmem>>, vector<16xf32>,
          %mul3A_715 = arith.mulf %get3A_176, %get3A_714 : vector<16xf32>
          %add3A_716 = arith.addf %add3A_706, %mul3A_715 : vector<16xf32>
          %get3A_717 = arith.index_cast %add3A_688 : i32 to index
          %get3A_718 = arith.constant 96 : index
          %get3A_719 = tpu.vector_load %arg14[%get3A_717, %get3A_718] {strides = array<i32>} : memref<64x128xf32, #tpu.memory_space<vmem>>, vector<16xf32>,
          %mul3A_720 = arith.mulf %get3A_179, %get3A_719 : vector<16xf32>
          %add3A_721 = arith.addf %add3A_711, %mul3A_720 : vector<16xf32>
          %get3A_722 = arith.index_cast %add3A_688 : i32 to index
          %get3A_723 = arith.constant 112 : index
          %get3A_724 = tpu.vector_load %arg14[%get3A_722, %get3A_723] {strides = array<i32>} : memref<64x128xf32, #tpu.memory_space<vmem>>, vector<16xf32>,
          %mul3A_725 = arith.mulf %get3A_182, %get3A_724 : vector<16xf32>
          %add3A_726 = arith.addf %add3A_716, %mul3A_725 : vector<16xf32>
          %add3A_727 = arith.addf %add3A_721, %add3A_726 : vector<16xf32>
          %add3A_728 = arith.constant 4 : i32
          %add3A_729 = arith.addi %add3A_563, %add3A_728 : i32
          %get3A_730 = arith.index_cast %add3A_729 : i32 to index
          %get3A_731 = arith.constant 0 : index
          %get3A_732 = tpu.vector_load %arg14[%get3A_730, %get3A_731] {strides = array<i32>} : memref<64x128xf32, #tpu.memory_space<vmem>>, vector<16xf32>,
          %mul3A_733 = arith.mulf %get3A_161, %get3A_732 : vector<16xf32>
          %get3A_734 = arith.index_cast %add3A_729 : i32 to index
          %get3A_735 = arith.constant 16 : index
          %get3A_736 = tpu.vector_load %arg14[%get3A_734, %get3A_735] {strides = array<i32>} : memref<64x128xf32, #tpu.memory_space<vmem>>, vector<16xf32>,
          %mul3A_737 = arith.mulf %get3A_164, %get3A_736 : vector<16xf32>
          %get3A_738 = arith.index_cast %add3A_729 : i32 to index
          %get3A_739 = arith.constant 32 : index
          %get3A_740 = tpu.vector_load %arg14[%get3A_738, %get3A_739] {strides = array<i32>} : memref<64x128xf32, #tpu.memory_space<vmem>>, vector<16xf32>,
          %mul3A_741 = arith.mulf %get3A_167, %get3A_740 : vector<16xf32>
          %add3A_742 = arith.addf %mul3A_733, %mul3A_741 : vector<16xf32>
          %get3A_743 = arith.index_cast %add3A_729 : i32 to index
          %get3A_744 = arith.constant 48 : index
          %get3A_745 = tpu.vector_load %arg14[%get3A_743, %get3A_744] {strides = array<i32>} : memref<64x128xf32, #tpu.memory_space<vmem>>, vector<16xf32>,
          %mul3A_746 = arith.mulf %get3A_170, %get3A_745 : vector<16xf32>
          %add3A_747 = arith.addf %mul3A_737, %mul3A_746 : vector<16xf32>
          %get3A_748 = arith.index_cast %add3A_729 : i32 to index
          %get3A_749 = arith.constant 64 : index
          %get3A_750 = tpu.vector_load %arg14[%get3A_748, %get3A_749] {strides = array<i32>} : memref<64x128xf32, #tpu.memory_space<vmem>>, vector<16xf32>,
          %mul3A_751 = arith.mulf %get3A_173, %get3A_750 : vector<16xf32>
          %add3A_752 = arith.addf %add3A_742, %mul3A_751 : vector<16xf32>
          %get3A_753 = arith.index_cast %add3A_729 : i32 to index
          %get3A_754 = arith.constant 80 : index
          %get3A_755 = tpu.vector_load %arg14[%get3A_753, %get3A_754] {strides = array<i32>} : memref<64x128xf32, #tpu.memory_space<vmem>>, vector<16xf32>,
          %mul3A_756 = arith.mulf %get3A_176, %get3A_755 : vector<16xf32>
          %add3A_757 = arith.addf %add3A_747, %mul3A_756 : vector<16xf32>
          %get3A_758 = arith.index_cast %add3A_729 : i32 to index
          %get3A_759 = arith.constant 96 : index
          %get3A_760 = tpu.vector_load %arg14[%get3A_758, %get3A_759] {strides = array<i32>} : memref<64x128xf32, #tpu.memory_space<vmem>>, vector<16xf32>,
          %mul3A_761 = arith.mulf %get3A_179, %get3A_760 : vector<16xf32>
          %add3A_762 = arith.addf %add3A_752, %mul3A_761 : vector<16xf32>
          %get3A_763 = arith.index_cast %add3A_729 : i32 to index
          %get3A_764 = arith.constant 112 : index
          %get3A_765 = tpu.vector_load %arg14[%get3A_763, %get3A_764] {strides = array<i32>} : memref<64x128xf32, #tpu.memory_space<vmem>>, vector<16xf32>,
          %mul3A_766 = arith.mulf %get3A_182, %get3A_765 : vector<16xf32>
          %add3A_767 = arith.addf %add3A_757, %mul3A_766 : vector<16xf32>
          %add3A_768 = arith.addf %add3A_762, %add3A_767 : vector<16xf32>
          %add3A_769 = arith.constant 5 : i32
          %add3A_770 = arith.addi %add3A_563, %add3A_769 : i32
          %get3A_771 = arith.index_cast %add3A_770 : i32 to index
          %get3A_772 = arith.constant 0 : index
          %get3A_773 = tpu.vector_load %arg14[%get3A_771, %get3A_772] {strides = array<i32>} : memref<64x128xf32, #tpu.memory_space<vmem>>, vector<16xf32>,
          %mul3A_774 = arith.mulf %get3A_161, %get3A_773 : vector<16xf32>
          %get3A_775 = arith.index_cast %add3A_770 : i32 to index
          %get3A_776 = arith.constant 16 : index
          %get3A_777 = tpu.vector_load %arg14[%get3A_775, %get3A_776] {strides = array<i32>} : memref<64x128xf32, #tpu.memory_space<vmem>>, vector<16xf32>,
          %mul3A_778 = arith.mulf %get3A_164, %get3A_777 : vector<16xf32>
          %get3A_779 = arith.index_cast %add3A_770 : i32 to index
          %get3A_780 = arith.constant 32 : index
          %get3A_781 = tpu.vector_load %arg14[%get3A_779, %get3A_780] {strides = array<i32>} : memref<64x128xf32, #tpu.memory_space<vmem>>, vector<16xf32>,
          %mul3A_782 = arith.mulf %get3A_167, %get3A_781 : vector<16xf32>
          %add3A_783 = arith.addf %mul3A_774, %mul3A_782 : vector<16xf32>
          %get3A_784 = arith.index_cast %add3A_770 : i32 to index
          %get3A_785 = arith.constant 48 : index
          %get3A_786 = tpu.vector_load %arg14[%get3A_784, %get3A_785] {strides = array<i32>} : memref<64x128xf32, #tpu.memory_space<vmem>>, vector<16xf32>,
          %mul3A_787 = arith.mulf %get3A_170, %get3A_786 : vector<16xf32>
          %add3A_788 = arith.addf %mul3A_778, %mul3A_787 : vector<16xf32>
          %get3A_789 = arith.index_cast %add3A_770 : i32 to index
          %get3A_790 = arith.constant 64 : index
          %get3A_791 = tpu.vector_load %arg14[%get3A_789, %get3A_790] {strides = array<i32>} : memref<64x128xf32, #tpu.memory_space<vmem>>, vector<16xf32>,
          %mul3A_792 = arith.mulf %get3A_173, %get3A_791 : vector<16xf32>
          %add3A_793 = arith.addf %add3A_783, %mul3A_792 : vector<16xf32>
          %get3A_794 = arith.index_cast %add3A_770 : i32 to index
          %get3A_795 = arith.constant 80 : index
          %get3A_796 = tpu.vector_load %arg14[%get3A_794, %get3A_795] {strides = array<i32>} : memref<64x128xf32, #tpu.memory_space<vmem>>, vector<16xf32>,
          %mul3A_797 = arith.mulf %get3A_176, %get3A_796 : vector<16xf32>
          %add3A_798 = arith.addf %add3A_788, %mul3A_797 : vector<16xf32>
          %get3A_799 = arith.index_cast %add3A_770 : i32 to index
          %get3A_800 = arith.constant 96 : index
          %get3A_801 = tpu.vector_load %arg14[%get3A_799, %get3A_800] {strides = array<i32>} : memref<64x128xf32, #tpu.memory_space<vmem>>, vector<16xf32>,
          %mul3A_802 = arith.mulf %get3A_179, %get3A_801 : vector<16xf32>
          %add3A_803 = arith.addf %add3A_793, %mul3A_802 : vector<16xf32>
          %get3A_804 = arith.index_cast %add3A_770 : i32 to index
          %get3A_805 = arith.constant 112 : index
          %get3A_806 = tpu.vector_load %arg14[%get3A_804, %get3A_805] {strides = array<i32>} : memref<64x128xf32, #tpu.memory_space<vmem>>, vector<16xf32>,
          %mul3A_807 = arith.mulf %get3A_182, %get3A_806 : vector<16xf32>
          %add3A_808 = arith.addf %add3A_798, %mul3A_807 : vector<16xf32>
          %add3A_809 = arith.addf %add3A_803, %add3A_808 : vector<16xf32>
          %add3A_810 = arith.constant 6 : i32
          %add3A_811 = arith.addi %add3A_563, %add3A_810 : i32
          %get3A_812 = arith.index_cast %add3A_811 : i32 to index
          %get3A_813 = arith.constant 0 : index
          %get3A_814 = tpu.vector_load %arg14[%get3A_812, %get3A_813] {strides = array<i32>} : memref<64x128xf32, #tpu.memory_space<vmem>>, vector<16xf32>,
          %mul3A_815 = arith.mulf %get3A_161, %get3A_814 : vector<16xf32>
          %get3A_816 = arith.index_cast %add3A_811 : i32 to index
          %get3A_817 = arith.constant 16 : index
          %get3A_818 = tpu.vector_load %arg14[%get3A_816, %get3A_817] {strides = array<i32>} : memref<64x128xf32, #tpu.memory_space<vmem>>, vector<16xf32>,
          %mul3A_819 = arith.mulf %get3A_164, %get3A_818 : vector<16xf32>
          %get3A_820 = arith.index_cast %add3A_811 : i32 to index
          %get3A_821 = arith.constant 32 : index
          %get3A_822 = tpu.vector_load %arg14[%get3A_820, %get3A_821] {strides = array<i32>} : memref<64x128xf32, #tpu.memory_space<vmem>>, vector<16xf32>,
          %mul3A_823 = arith.mulf %get3A_167, %get3A_822 : vector<16xf32>
          %add3A_824 = arith.addf %mul3A_815, %mul3A_823 : vector<16xf32>
          %get3A_825 = arith.index_cast %add3A_811 : i32 to index
          %get3A_826 = arith.constant 48 : index
          %get3A_827 = tpu.vector_load %arg14[%get3A_825, %get3A_826] {strides = array<i32>} : memref<64x128xf32, #tpu.memory_space<vmem>>, vector<16xf32>,
          %mul3A_828 = arith.mulf %get3A_170, %get3A_827 : vector<16xf32>
          %add3A_829 = arith.addf %mul3A_819, %mul3A_828 : vector<16xf32>
          %get3A_830 = arith.index_cast %add3A_811 : i32 to index
          %get3A_831 = arith.constant 64 : index
          %get3A_832 = tpu.vector_load %arg14[%get3A_830, %get3A_831] {strides = array<i32>} : memref<64x128xf32, #tpu.memory_space<vmem>>, vector<16xf32>,
          %mul3A_833 = arith.mulf %get3A_173, %get3A_832 : vector<16xf32>
          %add3A_834 = arith.addf %add3A_824, %mul3A_833 : vector<16xf32>
          %get3A_835 = arith.index_cast %add3A_811 : i32 to index
          %get3A_836 = arith.constant 80 : index
          %get3A_837 = tpu.vector_load %arg14[%get3A_835, %get3A_836] {strides = array<i32>} : memref<64x128xf32, #tpu.memory_space<vmem>>, vector<16xf32>,
          %mul3A_838 = arith.mulf %get3A_176, %get3A_837 : vector<16xf32>
          %add3A_839 = arith.addf %add3A_829, %mul3A_838 : vector<16xf32>
          %get3A_840 = arith.index_cast %add3A_811 : i32 to index
          %get3A_841 = arith.constant 96 : index
          %get3A_842 = tpu.vector_load %arg14[%get3A_840, %get3A_841] {strides = array<i32>} : memref<64x128xf32, #tpu.memory_space<vmem>>, vector<16xf32>,
          %mul3A_843 = arith.mulf %get3A_179, %get3A_842 : vector<16xf32>
          %add3A_844 = arith.addf %add3A_834, %mul3A_843 : vector<16xf32>
          %get3A_845 = arith.index_cast %add3A_811 : i32 to index
          %get3A_846 = arith.constant 112 : index
          %get3A_847 = tpu.vector_load %arg14[%get3A_845, %get3A_846] {strides = array<i32>} : memref<64x128xf32, #tpu.memory_space<vmem>>, vector<16xf32>,
          %mul3A_848 = arith.mulf %get3A_182, %get3A_847 : vector<16xf32>
          %add3A_849 = arith.addf %add3A_839, %mul3A_848 : vector<16xf32>
          %add3A_850 = arith.addf %add3A_844, %add3A_849 : vector<16xf32>
          %add3A_851 = arith.constant 7 : i32
          %add3A_852 = arith.addi %add3A_563, %add3A_851 : i32
          %get3A_853 = arith.index_cast %add3A_852 : i32 to index
          %get3A_854 = arith.constant 0 : index
          %get3A_855 = tpu.vector_load %arg14[%get3A_853, %get3A_854] {strides = array<i32>} : memref<64x128xf32, #tpu.memory_space<vmem>>, vector<16xf32>,
          %mul3A_856 = arith.mulf %get3A_161, %get3A_855 : vector<16xf32>
          %get3A_857 = arith.index_cast %add3A_852 : i32 to index
          %get3A_858 = arith.constant 16 : index
          %get3A_859 = tpu.vector_load %arg14[%get3A_857, %get3A_858] {strides = array<i32>} : memref<64x128xf32, #tpu.memory_space<vmem>>, vector<16xf32>,
          %mul3A_860 = arith.mulf %get3A_164, %get3A_859 : vector<16xf32>
          %get3A_861 = arith.index_cast %add3A_852 : i32 to index
          %get3A_862 = arith.constant 32 : index
          %get3A_863 = tpu.vector_load %arg14[%get3A_861, %get3A_862] {strides = array<i32>} : memref<64x128xf32, #tpu.memory_space<vmem>>, vector<16xf32>,
          %mul3A_864 = arith.mulf %get3A_167, %get3A_863 : vector<16xf32>
          %add3A_865 = arith.addf %mul3A_856, %mul3A_864 : vector<16xf32>
          %get3A_866 = arith.index_cast %add3A_852 : i32 to index
          %get3A_867 = arith.constant 48 : index
          %get3A_868 = tpu.vector_load %arg14[%get3A_866, %get3A_867] {strides = array<i32>} : memref<64x128xf32, #tpu.memory_space<vmem>>, vector<16xf32>,
          %mul3A_869 = arith.mulf %get3A_170, %get3A_868 : vector<16xf32>
          %add3A_870 = arith.addf %mul3A_860, %mul3A_869 : vector<16xf32>
          %get3A_871 = arith.index_cast %add3A_852 : i32 to index
          %get3A_872 = arith.constant 64 : index
          %get3A_873 = tpu.vector_load %arg14[%get3A_871, %get3A_872] {strides = array<i32>} : memref<64x128xf32, #tpu.memory_space<vmem>>, vector<16xf32>,
          %mul3A_874 = arith.mulf %get3A_173, %get3A_873 : vector<16xf32>
          %add3A_875 = arith.addf %add3A_865, %mul3A_874 : vector<16xf32>
          %get3A_876 = arith.index_cast %add3A_852 : i32 to index
          %get3A_877 = arith.constant 80 : index
          %get3A_878 = tpu.vector_load %arg14[%get3A_876, %get3A_877] {strides = array<i32>} : memref<64x128xf32, #tpu.memory_space<vmem>>, vector<16xf32>,
          %mul3A_879 = arith.mulf %get3A_176, %get3A_878 : vector<16xf32>
          %add3A_880 = arith.addf %add3A_870, %mul3A_879 : vector<16xf32>
          %get3A_881 = arith.index_cast %add3A_852 : i32 to index
          %get3A_882 = arith.constant 96 : index
          %get3A_883 = tpu.vector_load %arg14[%get3A_881, %get3A_882] {strides = array<i32>} : memref<64x128xf32, #tpu.memory_space<vmem>>, vector<16xf32>,
          %mul3A_884 = arith.mulf %get3A_179, %get3A_883 : vector<16xf32>
          %add3A_885 = arith.addf %add3A_875, %mul3A_884 : vector<16xf32>
          %get3A_886 = arith.index_cast %add3A_852 : i32 to index
          %get3A_887 = arith.constant 112 : index
          %get3A_888 = tpu.vector_load %arg14[%get3A_886, %get3A_887] {strides = array<i32>} : memref<64x128xf32, #tpu.memory_space<vmem>>, vector<16xf32>,
          %mul3A_889 = arith.mulf %get3A_182, %get3A_888 : vector<16xf32>
          %add3A_890 = arith.addf %add3A_880, %mul3A_889 : vector<16xf32>
          %add3A_891 = arith.addf %add3A_885, %add3A_890 : vector<16xf32>
          %add3A_892 = arith.constant 8 : i32
          %add3A_893 = arith.addi %add3A_563, %add3A_892 : i32
          %get3A_894 = arith.index_cast %add3A_893 : i32 to index
          %get3A_895 = arith.constant 0 : index
          %get3A_896 = tpu.vector_load %arg14[%get3A_894, %get3A_895] {strides = array<i32>} : memref<64x128xf32, #tpu.memory_space<vmem>>, vector<16xf32>,
          %mul3A_897 = arith.mulf %get3A_161, %get3A_896 : vector<16xf32>
          %get3A_898 = arith.index_cast %add3A_893 : i32 to index
          %get3A_899 = arith.constant 16 : index
          %get3A_900 = tpu.vector_load %arg14[%get3A_898, %get3A_899] {strides = array<i32>} : memref<64x128xf32, #tpu.memory_space<vmem>>, vector<16xf32>,
          %mul3A_901 = arith.mulf %get3A_164, %get3A_900 : vector<16xf32>
          %get3A_902 = arith.index_cast %add3A_893 : i32 to index
          %get3A_903 = arith.constant 32 : index
          %get3A_904 = tpu.vector_load %arg14[%get3A_902, %get3A_903] {strides = array<i32>} : memref<64x128xf32, #tpu.memory_space<vmem>>, vector<16xf32>,
          %mul3A_905 = arith.mulf %get3A_167, %get3A_904 : vector<16xf32>
          %add3A_906 = arith.addf %mul3A_897, %mul3A_905 : vector<16xf32>
          %get3A_907 = arith.index_cast %add3A_893 : i32 to index
          %get3A_908 = arith.constant 48 : index
          %get3A_909 = tpu.vector_load %arg14[%get3A_907, %get3A_908] {strides = array<i32>} : memref<64x128xf32, #tpu.memory_space<vmem>>, vector<16xf32>,
          %mul3A_910 = arith.mulf %get3A_170, %get3A_909 : vector<16xf32>
          %add3A_911 = arith.addf %mul3A_901, %mul3A_910 : vector<16xf32>
          %get3A_912 = arith.index_cast %add3A_893 : i32 to index
          %get3A_913 = arith.constant 64 : index
          %get3A_914 = tpu.vector_load %arg14[%get3A_912, %get3A_913] {strides = array<i32>} : memref<64x128xf32, #tpu.memory_space<vmem>>, vector<16xf32>,
          %mul3A_915 = arith.mulf %get3A_173, %get3A_914 : vector<16xf32>
          %add3A_916 = arith.addf %add3A_906, %mul3A_915 : vector<16xf32>
          %get3A_917 = arith.index_cast %add3A_893 : i32 to index
          %get3A_918 = arith.constant 80 : index
          %get3A_919 = tpu.vector_load %arg14[%get3A_917, %get3A_918] {strides = array<i32>} : memref<64x128xf32, #tpu.memory_space<vmem>>, vector<16xf32>,
          %mul3A_920 = arith.mulf %get3A_176, %get3A_919 : vector<16xf32>
          %add3A_921 = arith.addf %add3A_911, %mul3A_920 : vector<16xf32>
          %get3A_922 = arith.index_cast %add3A_893 : i32 to index
          %get3A_923 = arith.constant 96 : index
          %get3A_924 = tpu.vector_load %arg14[%get3A_922, %get3A_923] {strides = array<i32>} : memref<64x128xf32, #tpu.memory_space<vmem>>, vector<16xf32>,
          %mul3A_925 = arith.mulf %get3A_179, %get3A_924 : vector<16xf32>
          %add3A_926 = arith.addf %add3A_916, %mul3A_925 : vector<16xf32>
          %get3A_927 = arith.index_cast %add3A_893 : i32 to index
          %get3A_928 = arith.constant 112 : index
          %get3A_929 = tpu.vector_load %arg14[%get3A_927, %get3A_928] {strides = array<i32>} : memref<64x128xf32, #tpu.memory_space<vmem>>, vector<16xf32>,
          %mul3A_930 = arith.mulf %get3A_182, %get3A_929 : vector<16xf32>
          %add3A_931 = arith.addf %add3A_921, %mul3A_930 : vector<16xf32>
          %add3A_932 = arith.addf %add3A_926, %add3A_931 : vector<16xf32>
          %add3A_933 = arith.constant 9 : i32
          %add3A_934 = arith.addi %add3A_563, %add3A_933 : i32
          %get3A_935 = arith.index_cast %add3A_934 : i32 to index
          %get3A_936 = arith.constant 0 : index
          %get3A_937 = tpu.vector_load %arg14[%get3A_935, %get3A_936] {strides = array<i32>} : memref<64x128xf32, #tpu.memory_space<vmem>>, vector<16xf32>,
          %mul3A_938 = arith.mulf %get3A_161, %get3A_937 : vector<16xf32>
          %get3A_939 = arith.index_cast %add3A_934 : i32 to index
          %get3A_940 = arith.constant 16 : index
          %get3A_941 = tpu.vector_load %arg14[%get3A_939, %get3A_940] {strides = array<i32>} : memref<64x128xf32, #tpu.memory_space<vmem>>, vector<16xf32>,
          %mul3A_942 = arith.mulf %get3A_164, %get3A_941 : vector<16xf32>
          %get3A_943 = arith.index_cast %add3A_934 : i32 to index
          %get3A_944 = arith.constant 32 : index
          %get3A_945 = tpu.vector_load %arg14[%get3A_943, %get3A_944] {strides = array<i32>} : memref<64x128xf32, #tpu.memory_space<vmem>>, vector<16xf32>,
          %mul3A_946 = arith.mulf %get3A_167, %get3A_945 : vector<16xf32>
          %add3A_947 = arith.addf %mul3A_938, %mul3A_946 : vector<16xf32>
          %get3A_948 = arith.index_cast %add3A_934 : i32 to index
          %get3A_949 = arith.constant 48 : index
          %get3A_950 = tpu.vector_load %arg14[%get3A_948, %get3A_949] {strides = array<i32>} : memref<64x128xf32, #tpu.memory_space<vmem>>, vector<16xf32>,
          %mul3A_951 = arith.mulf %get3A_170, %get3A_950 : vector<16xf32>
          %add3A_952 = arith.addf %mul3A_942, %mul3A_951 : vector<16xf32>
          %get3A_953 = arith.index_cast %add3A_934 : i32 to index
          %get3A_954 = arith.constant 64 : index
          %get3A_955 = tpu.vector_load %arg14[%get3A_953, %get3A_954] {strides = array<i32>} : memref<64x128xf32, #tpu.memory_space<vmem>>, vector<16xf32>,
          %mul3A_956 = arith.mulf %get3A_173, %get3A_955 : vector<16xf32>
          %add3A_957 = arith.addf %add3A_947, %mul3A_956 : vector<16xf32>
          %get3A_958 = arith.index_cast %add3A_934 : i32 to index
          %get3A_959 = arith.constant 80 : index
          %get3A_960 = tpu.vector_load %arg14[%get3A_958, %get3A_959] {strides = array<i32>} : memref<64x128xf32, #tpu.memory_space<vmem>>, vector<16xf32>,
          %mul3A_961 = arith.mulf %get3A_176, %get3A_960 : vector<16xf32>
          %add3A_962 = arith.addf %add3A_952, %mul3A_961 : vector<16xf32>
          %get3A_963 = arith.index_cast %add3A_934 : i32 to index
          %get3A_964 = arith.constant 96 : index
          %get3A_965 = tpu.vector_load %arg14[%get3A_963, %get3A_964] {strides = array<i32>} : memref<64x128xf32, #tpu.memory_space<vmem>>, vector<16xf32>,
          %mul3A_966 = arith.mulf %get3A_179, %get3A_965 : vector<16xf32>
          %add3A_967 = arith.addf %add3A_957, %mul3A_966 : vector<16xf32>
          %get3A_968 = arith.index_cast %add3A_934 : i32 to index
          %get3A_969 = arith.constant 112 : index
          %get3A_970 = tpu.vector_load %arg14[%get3A_968, %get3A_969] {strides = array<i32>} : memref<64x128xf32, #tpu.memory_space<vmem>>, vector<16xf32>,
          %mul3A_971 = arith.mulf %get3A_182, %get3A_970 : vector<16xf32>
          %add3A_972 = arith.addf %add3A_962, %mul3A_971 : vector<16xf32>
          %add3A_973 = arith.addf %add3A_967, %add3A_972 : vector<16xf32>
          %add3A_974 = arith.constant 10 : i32
          %add3A_975 = arith.addi %add3A_563, %add3A_974 : i32
          %get3A_976 = arith.index_cast %add3A_975 : i32 to index
          %get3A_977 = arith.constant 0 : index
          %get3A_978 = tpu.vector_load %arg14[%get3A_976, %get3A_977] {strides = array<i32>} : memref<64x128xf32, #tpu.memory_space<vmem>>, vector<16xf32>,
          %mul3A_979 = arith.mulf %get3A_161, %get3A_978 : vector<16xf32>
          %get3A_980 = arith.index_cast %add3A_975 : i32 to index
          %get3A_981 = arith.constant 16 : index
          %get3A_982 = tpu.vector_load %arg14[%get3A_980, %get3A_981] {strides = array<i32>} : memref<64x128xf32, #tpu.memory_space<vmem>>, vector<16xf32>,
          %mul3A_983 = arith.mulf %get3A_164, %get3A_982 : vector<16xf32>
          %get3A_984 = arith.index_cast %add3A_975 : i32 to index
          %get3A_985 = arith.constant 32 : index
          %get3A_986 = tpu.vector_load %arg14[%get3A_984, %get3A_985] {strides = array<i32>} : memref<64x128xf32, #tpu.memory_space<vmem>>, vector<16xf32>,
          %mul3A_987 = arith.mulf %get3A_167, %get3A_986 : vector<16xf32>
          %add3A_988 = arith.addf %mul3A_979, %mul3A_987 : vector<16xf32>
          %get3A_989 = arith.index_cast %add3A_975 : i32 to index
          %get3A_990 = arith.constant 48 : index
          %get3A_991 = tpu.vector_load %arg14[%get3A_989, %get3A_990] {strides = array<i32>} : memref<64x128xf32, #tpu.memory_space<vmem>>, vector<16xf32>,
          %mul3A_992 = arith.mulf %get3A_170, %get3A_991 : vector<16xf32>
          %add3A_993 = arith.addf %mul3A_983, %mul3A_992 : vector<16xf32>
          %get3A_994 = arith.index_cast %add3A_975 : i32 to index
          %get3A_995 = arith.constant 64 : index
          %get3A_996 = tpu.vector_load %arg14[%get3A_994, %get3A_995] {strides = array<i32>} : memref<64x128xf32, #tpu.memory_space<vmem>>, vector<16xf32>,
          %mul3A_997 = arith.mulf %get3A_173, %get3A_996 : vector<16xf32>
          %add3A_998 = arith.addf %add3A_988, %mul3A_997 : vector<16xf32>
          %get3A_999 = arith.index_cast %add3A_975 : i32 to index
          %get3A_1000 = arith.constant 80 : index
          %get3A_1001 = tpu.vector_load %arg14[%get3A_999, %get3A_1000] {strides = array<i32>} : memref<64x128xf32, #tpu.memory_space<vmem>>, vector<16xf32>,
          %mul3A_1002 = arith.mulf %get3A_176, %get3A_1001 : vector<16xf32>
          %add3A_1003 = arith.addf %add3A_993, %mul3A_1002 : vector<16xf32>
          %get3A_1004 = arith.index_cast %add3A_975 : i32 to index
          %get3A_1005 = arith.constant 96 : index
          %get3A_1006 = tpu.vector_load %arg14[%get3A_1004, %get3A_1005] {strides = array<i32>} : memref<64x128xf32, #tpu.memory_space<vmem>>, vector<16xf32>,
          %mul3A_1007 = arith.mulf %get3A_179, %get3A_1006 : vector<16xf32>
          %add3A_1008 = arith.addf %add3A_998, %mul3A_1007 : vector<16xf32>
          %get3A_1009 = arith.index_cast %add3A_975 : i32 to index
          %get3A_1010 = arith.constant 112 : index
          %get3A_1011 = tpu.vector_load %arg14[%get3A_1009, %get3A_1010] {strides = array<i32>} : memref<64x128xf32, #tpu.memory_space<vmem>>, vector<16xf32>,
          %mul3A_1012 = arith.mulf %get3A_182, %get3A_1011 : vector<16xf32>
          %add3A_1013 = arith.addf %add3A_1003, %mul3A_1012 : vector<16xf32>
          %add3A_1014 = arith.addf %add3A_1008, %add3A_1013 : vector<16xf32>
          %add3A_1015 = arith.constant 11 : i32
          %add3A_1016 = arith.addi %add3A_563, %add3A_1015 : i32
          %get3A_1017 = arith.index_cast %add3A_1016 : i32 to index
          %get3A_1018 = arith.constant 0 : index
          %get3A_1019 = tpu.vector_load %arg14[%get3A_1017, %get3A_1018] {strides = array<i32>} : memref<64x128xf32, #tpu.memory_space<vmem>>, vector<16xf32>,
          %mul3A_1020 = arith.mulf %get3A_161, %get3A_1019 : vector<16xf32>
          %get3A_1021 = arith.index_cast %add3A_1016 : i32 to index
          %get3A_1022 = arith.constant 16 : index
          %get3A_1023 = tpu.vector_load %arg14[%get3A_1021, %get3A_1022] {strides = array<i32>} : memref<64x128xf32, #tpu.memory_space<vmem>>, vector<16xf32>,
          %mul3A_1024 = arith.mulf %get3A_164, %get3A_1023 : vector<16xf32>
          %get3A_1025 = arith.index_cast %add3A_1016 : i32 to index
          %get3A_1026 = arith.constant 32 : index
          %get3A_1027 = tpu.vector_load %arg14[%get3A_1025, %get3A_1026] {strides = array<i32>} : memref<64x128xf32, #tpu.memory_space<vmem>>, vector<16xf32>,
          %mul3A_1028 = arith.mulf %get3A_167, %get3A_1027 : vector<16xf32>
          %add3A_1029 = arith.addf %mul3A_1020, %mul3A_1028 : vector<16xf32>
          %get3A_1030 = arith.index_cast %add3A_1016 : i32 to index
          %get3A_1031 = arith.constant 48 : index
          %get3A_1032 = tpu.vector_load %arg14[%get3A_1030, %get3A_1031] {strides = array<i32>} : memref<64x128xf32, #tpu.memory_space<vmem>>, vector<16xf32>,
          %mul3A_1033 = arith.mulf %get3A_170, %get3A_1032 : vector<16xf32>
          %add3A_1034 = arith.addf %mul3A_1024, %mul3A_1033 : vector<16xf32>
          %get3A_1035 = arith.index_cast %add3A_1016 : i32 to index
          %get3A_1036 = arith.constant 64 : index
          %get3A_1037 = tpu.vector_load %arg14[%get3A_1035, %get3A_1036] {strides = array<i32>} : memref<64x128xf32, #tpu.memory_space<vmem>>, vector<16xf32>,
          %mul3A_1038 = arith.mulf %get3A_173, %get3A_1037 : vector<16xf32>
          %add3A_1039 = arith.addf %add3A_1029, %mul3A_1038 : vector<16xf32>
          %get3A_1040 = arith.index_cast %add3A_1016 : i32 to index
          %get3A_1041 = arith.constant 80 : index
          %get3A_1042 = tpu.vector_load %arg14[%get3A_1040, %get3A_1041] {strides = array<i32>} : memref<64x128xf32, #tpu.memory_space<vmem>>, vector<16xf32>,
          %mul3A_1043 = arith.mulf %get3A_176, %get3A_1042 : vector<16xf32>
          %add3A_1044 = arith.addf %add3A_1034, %mul3A_1043 : vector<16xf32>
          %get3A_1045 = arith.index_cast %add3A_1016 : i32 to index
          %get3A_1046 = arith.constant 96 : index
          %get3A_1047 = tpu.vector_load %arg14[%get3A_1045, %get3A_1046] {strides = array<i32>} : memref<64x128xf32, #tpu.memory_space<vmem>>, vector<16xf32>,
          %mul3A_1048 = arith.mulf %get3A_179, %get3A_1047 : vector<16xf32>
          %add3A_1049 = arith.addf %add3A_1039, %mul3A_1048 : vector<16xf32>
          %get3A_1050 = arith.index_cast %add3A_1016 : i32 to index
          %get3A_1051 = arith.constant 112 : index
          %get3A_1052 = tpu.vector_load %arg14[%get3A_1050, %get3A_1051] {strides = array<i32>} : memref<64x128xf32, #tpu.memory_space<vmem>>, vector<16xf32>,
          %mul3A_1053 = arith.mulf %get3A_182, %get3A_1052 : vector<16xf32>
          %add3A_1054 = arith.addf %add3A_1044, %mul3A_1053 : vector<16xf32>
          %add3A_1055 = arith.addf %add3A_1049, %add3A_1054 : vector<16xf32>
          %add3A_1056 = arith.constant 12 : i32
          %add3A_1057 = arith.addi %add3A_563, %add3A_1056 : i32
          %get3A_1058 = arith.index_cast %add3A_1057 : i32 to index
          %get3A_1059 = arith.constant 0 : index
          %get3A_1060 = tpu.vector_load %arg14[%get3A_1058, %get3A_1059] {strides = array<i32>} : memref<64x128xf32, #tpu.memory_space<vmem>>, vector<16xf32>,
          %mul3A_1061 = arith.mulf %get3A_161, %get3A_1060 : vector<16xf32>
          %get3A_1062 = arith.index_cast %add3A_1057 : i32 to index
          %get3A_1063 = arith.constant 16 : index
          %get3A_1064 = tpu.vector_load %arg14[%get3A_1062, %get3A_1063] {strides = array<i32>} : memref<64x128xf32, #tpu.memory_space<vmem>>, vector<16xf32>,
          %mul3A_1065 = arith.mulf %get3A_164, %get3A_1064 : vector<16xf32>
          %get3A_1066 = arith.index_cast %add3A_1057 : i32 to index
          %get3A_1067 = arith.constant 32 : index
          %get3A_1068 = tpu.vector_load %arg14[%get3A_1066, %get3A_1067] {strides = array<i32>} : memref<64x128xf32, #tpu.memory_space<vmem>>, vector<16xf32>,
          %mul3A_1069 = arith.mulf %get3A_167, %get3A_1068 : vector<16xf32>
          %add3A_1070 = arith.addf %mul3A_1061, %mul3A_1069 : vector<16xf32>
          %get3A_1071 = arith.index_cast %add3A_1057 : i32 to index
          %get3A_1072 = arith.constant 48 : index
          %get3A_1073 = tpu.vector_load %arg14[%get3A_1071, %get3A_1072] {strides = array<i32>} : memref<64x128xf32, #tpu.memory_space<vmem>>, vector<16xf32>,
          %mul3A_1074 = arith.mulf %get3A_170, %get3A_1073 : vector<16xf32>
          %add3A_1075 = arith.addf %mul3A_1065, %mul3A_1074 : vector<16xf32>
          %get3A_1076 = arith.index_cast %add3A_1057 : i32 to index
          %get3A_1077 = arith.constant 64 : index
          %get3A_1078 = tpu.vector_load %arg14[%get3A_1076, %get3A_1077] {strides = array<i32>} : memref<64x128xf32, #tpu.memory_space<vmem>>, vector<16xf32>,
          %mul3A_1079 = arith.mulf %get3A_173, %get3A_1078 : vector<16xf32>
          %add3A_1080 = arith.addf %add3A_1070, %mul3A_1079 : vector<16xf32>
          %get3A_1081 = arith.index_cast %add3A_1057 : i32 to index
          %get3A_1082 = arith.constant 80 : index
          %get3A_1083 = tpu.vector_load %arg14[%get3A_1081, %get3A_1082] {strides = array<i32>} : memref<64x128xf32, #tpu.memory_space<vmem>>, vector<16xf32>,
          %mul3A_1084 = arith.mulf %get3A_176, %get3A_1083 : vector<16xf32>
          %add3A_1085 = arith.addf %add3A_1075, %mul3A_1084 : vector<16xf32>
          %get3A_1086 = arith.index_cast %add3A_1057 : i32 to index
          %get3A_1087 = arith.constant 96 : index
          %get3A_1088 = tpu.vector_load %arg14[%get3A_1086, %get3A_1087] {strides = array<i32>} : memref<64x128xf32, #tpu.memory_space<vmem>>, vector<16xf32>,
          %mul3A_1089 = arith.mulf %get3A_179, %get3A_1088 : vector<16xf32>
          %add3A_1090 = arith.addf %add3A_1080, %mul3A_1089 : vector<16xf32>
          %get3A_1091 = arith.index_cast %add3A_1057 : i32 to index
          %get3A_1092 = arith.constant 112 : index
          %get3A_1093 = tpu.vector_load %arg14[%get3A_1091, %get3A_1092] {strides = array<i32>} : memref<64x128xf32, #tpu.memory_space<vmem>>, vector<16xf32>,
          %mul3A_1094 = arith.mulf %get3A_182, %get3A_1093 : vector<16xf32>
          %add3A_1095 = arith.addf %add3A_1085, %mul3A_1094 : vector<16xf32>
          %add3A_1096 = arith.addf %add3A_1090, %add3A_1095 : vector<16xf32>
          %add3A_1097 = arith.constant 13 : i32
          %add3A_1098 = arith.addi %add3A_563, %add3A_1097 : i32
          %get3A_1099 = arith.index_cast %add3A_1098 : i32 to index
          %get3A_1100 = arith.constant 0 : index
          %get3A_1101 = tpu.vector_load %arg14[%get3A_1099, %get3A_1100] {strides = array<i32>} : memref<64x128xf32, #tpu.memory_space<vmem>>, vector<16xf32>,
          %mul3A_1102 = arith.mulf %get3A_161, %get3A_1101 : vector<16xf32>
          %get3A_1103 = arith.index_cast %add3A_1098 : i32 to index
          %get3A_1104 = arith.constant 16 : index
          %get3A_1105 = tpu.vector_load %arg14[%get3A_1103, %get3A_1104] {strides = array<i32>} : memref<64x128xf32, #tpu.memory_space<vmem>>, vector<16xf32>,
          %mul3A_1106 = arith.mulf %get3A_164, %get3A_1105 : vector<16xf32>
          %get3A_1107 = arith.index_cast %add3A_1098 : i32 to index
          %get3A_1108 = arith.constant 32 : index
          %get3A_1109 = tpu.vector_load %arg14[%get3A_1107, %get3A_1108] {strides = array<i32>} : memref<64x128xf32, #tpu.memory_space<vmem>>, vector<16xf32>,
          %mul3A_1110 = arith.mulf %get3A_167, %get3A_1109 : vector<16xf32>
          %add3A_1111 = arith.addf %mul3A_1102, %mul3A_1110 : vector<16xf32>
          %get3A_1112 = arith.index_cast %add3A_1098 : i32 to index
          %get3A_1113 = arith.constant 48 : index
          %get3A_1114 = tpu.vector_load %arg14[%get3A_1112, %get3A_1113] {strides = array<i32>} : memref<64x128xf32, #tpu.memory_space<vmem>>, vector<16xf32>,
          %mul3A_1115 = arith.mulf %get3A_170, %get3A_1114 : vector<16xf32>
          %add3A_1116 = arith.addf %mul3A_1106, %mul3A_1115 : vector<16xf32>
          %get3A_1117 = arith.index_cast %add3A_1098 : i32 to index
          %get3A_1118 = arith.constant 64 : index
          %get3A_1119 = tpu.vector_load %arg14[%get3A_1117, %get3A_1118] {strides = array<i32>} : memref<64x128xf32, #tpu.memory_space<vmem>>, vector<16xf32>,
          %mul3A_1120 = arith.mulf %get3A_173, %get3A_1119 : vector<16xf32>
          %add3A_1121 = arith.addf %add3A_1111, %mul3A_1120 : vector<16xf32>
          %get3A_1122 = arith.index_cast %add3A_1098 : i32 to index
          %get3A_1123 = arith.constant 80 : index
          %get3A_1124 = tpu.vector_load %arg14[%get3A_1122, %get3A_1123] {strides = array<i32>} : memref<64x128xf32, #tpu.memory_space<vmem>>, vector<16xf32>,
          %mul3A_1125 = arith.mulf %get3A_176, %get3A_1124 : vector<16xf32>
          %add3A_1126 = arith.addf %add3A_1116, %mul3A_1125 : vector<16xf32>
          %get3A_1127 = arith.index_cast %add3A_1098 : i32 to index
          %get3A_1128 = arith.constant 96 : index
          %get3A_1129 = tpu.vector_load %arg14[%get3A_1127, %get3A_1128] {strides = array<i32>} : memref<64x128xf32, #tpu.memory_space<vmem>>, vector<16xf32>,
          %mul3A_1130 = arith.mulf %get3A_179, %get3A_1129 : vector<16xf32>
          %add3A_1131 = arith.addf %add3A_1121, %mul3A_1130 : vector<16xf32>
          %get3A_1132 = arith.index_cast %add3A_1098 : i32 to index
          %get3A_1133 = arith.constant 112 : index
          %get3A_1134 = tpu.vector_load %arg14[%get3A_1132, %get3A_1133] {strides = array<i32>} : memref<64x128xf32, #tpu.memory_space<vmem>>, vector<16xf32>,
          %mul3A_1135 = arith.mulf %get3A_182, %get3A_1134 : vector<16xf32>
          %add3A_1136 = arith.addf %add3A_1126, %mul3A_1135 : vector<16xf32>
          %add3A_1137 = arith.addf %add3A_1131, %add3A_1136 : vector<16xf32>
          %add3A_1138 = arith.constant 14 : i32
          %add3A_1139 = arith.addi %add3A_563, %add3A_1138 : i32
          %get3A_1140 = arith.index_cast %add3A_1139 : i32 to index
          %get3A_1141 = arith.constant 0 : index
          %get3A_1142 = tpu.vector_load %arg14[%get3A_1140, %get3A_1141] {strides = array<i32>} : memref<64x128xf32, #tpu.memory_space<vmem>>, vector<16xf32>,
          %mul3A_1143 = arith.mulf %get3A_161, %get3A_1142 : vector<16xf32>
          %get3A_1144 = arith.index_cast %add3A_1139 : i32 to index
          %get3A_1145 = arith.constant 16 : index
          %get3A_1146 = tpu.vector_load %arg14[%get3A_1144, %get3A_1145] {strides = array<i32>} : memref<64x128xf32, #tpu.memory_space<vmem>>, vector<16xf32>,
          %mul3A_1147 = arith.mulf %get3A_164, %get3A_1146 : vector<16xf32>
          %get3A_1148 = arith.index_cast %add3A_1139 : i32 to index
          %get3A_1149 = arith.constant 32 : index
          %get3A_1150 = tpu.vector_load %arg14[%get3A_1148, %get3A_1149] {strides = array<i32>} : memref<64x128xf32, #tpu.memory_space<vmem>>, vector<16xf32>,
          %mul3A_1151 = arith.mulf %get3A_167, %get3A_1150 : vector<16xf32>
          %add3A_1152 = arith.addf %mul3A_1143, %mul3A_1151 : vector<16xf32>
          %get3A_1153 = arith.index_cast %add3A_1139 : i32 to index
          %get3A_1154 = arith.constant 48 : index
          %get3A_1155 = tpu.vector_load %arg14[%get3A_1153, %get3A_1154] {strides = array<i32>} : memref<64x128xf32, #tpu.memory_space<vmem>>, vector<16xf32>,
          %mul3A_1156 = arith.mulf %get3A_170, %get3A_1155 : vector<16xf32>
          %add3A_1157 = arith.addf %mul3A_1147, %mul3A_1156 : vector<16xf32>
          %get3A_1158 = arith.index_cast %add3A_1139 : i32 to index
          %get3A_1159 = arith.constant 64 : index
          %get3A_1160 = tpu.vector_load %arg14[%get3A_1158, %get3A_1159] {strides = array<i32>} : memref<64x128xf32, #tpu.memory_space<vmem>>, vector<16xf32>,
          %mul3A_1161 = arith.mulf %get3A_173, %get3A_1160 : vector<16xf32>
          %add3A_1162 = arith.addf %add3A_1152, %mul3A_1161 : vector<16xf32>
          %get3A_1163 = arith.index_cast %add3A_1139 : i32 to index
          %get3A_1164 = arith.constant 80 : index
          %get3A_1165 = tpu.vector_load %arg14[%get3A_1163, %get3A_1164] {strides = array<i32>} : memref<64x128xf32, #tpu.memory_space<vmem>>, vector<16xf32>,
          %mul3A_1166 = arith.mulf %get3A_176, %get3A_1165 : vector<16xf32>
          %add3A_1167 = arith.addf %add3A_1157, %mul3A_1166 : vector<16xf32>
          %get3A_1168 = arith.index_cast %add3A_1139 : i32 to index
          %get3A_1169 = arith.constant 96 : index
          %get3A_1170 = tpu.vector_load %arg14[%get3A_1168, %get3A_1169] {strides = array<i32>} : memref<64x128xf32, #tpu.memory_space<vmem>>, vector<16xf32>,
          %mul3A_1171 = arith.mulf %get3A_179, %get3A_1170 : vector<16xf32>
          %add3A_1172 = arith.addf %add3A_1162, %mul3A_1171 : vector<16xf32>
          %get3A_1173 = arith.index_cast %add3A_1139 : i32 to index
          %get3A_1174 = arith.constant 112 : index
          %get3A_1175 = tpu.vector_load %arg14[%get3A_1173, %get3A_1174] {strides = array<i32>} : memref<64x128xf32, #tpu.memory_space<vmem>>, vector<16xf32>,
          %mul3A_1176 = arith.mulf %get3A_182, %get3A_1175 : vector<16xf32>
          %add3A_1177 = arith.addf %add3A_1167, %mul3A_1176 : vector<16xf32>
          %add3A_1178 = arith.addf %add3A_1172, %add3A_1177 : vector<16xf32>
          %add3A_1179 = arith.constant 15 : i32
          %add3A_1180 = arith.addi %add3A_563, %add3A_1179 : i32
          %get3A_1181 = arith.index_cast %add3A_1180 : i32 to index
          %get3A_1182 = arith.constant 0 : index
          %get3A_1183 = tpu.vector_load %arg14[%get3A_1181, %get3A_1182] {strides = array<i32>} : memref<64x128xf32, #tpu.memory_space<vmem>>, vector<16xf32>,
          %mul3A_1184 = arith.mulf %get3A_161, %get3A_1183 : vector<16xf32>
          %get3A_1185 = arith.index_cast %add3A_1180 : i32 to index
          %get3A_1186 = arith.constant 16 : index
          %get3A_1187 = tpu.vector_load %arg14[%get3A_1185, %get3A_1186] {strides = array<i32>} : memref<64x128xf32, #tpu.memory_space<vmem>>, vector<16xf32>,
          %mul3A_1188 = arith.mulf %get3A_164, %get3A_1187 : vector<16xf32>
          %get3A_1189 = arith.index_cast %add3A_1180 : i32 to index
          %get3A_1190 = arith.constant 32 : index
          %get3A_1191 = tpu.vector_load %arg14[%get3A_1189, %get3A_1190] {strides = array<i32>} : memref<64x128xf32, #tpu.memory_space<vmem>>, vector<16xf32>,
          %mul3A_1192 = arith.mulf %get3A_167, %get3A_1191 : vector<16xf32>
          %add3A_1193 = arith.addf %mul3A_1184, %mul3A_1192 : vector<16xf32>
          %get3A_1194 = arith.index_cast %add3A_1180 : i32 to index
          %get3A_1195 = arith.constant 48 : index
          %get3A_1196 = tpu.vector_load %arg14[%get3A_1194, %get3A_1195] {strides = array<i32>} : memref<64x128xf32, #tpu.memory_space<vmem>>, vector<16xf32>,
          %mul3A_1197 = arith.mulf %get3A_170, %get3A_1196 : vector<16xf32>
          %add3A_1198 = arith.addf %mul3A_1188, %mul3A_1197 : vector<16xf32>
          %get3A_1199 = arith.index_cast %add3A_1180 : i32 to index
          %get3A_1200 = arith.constant 64 : index
          %get3A_1201 = tpu.vector_load %arg14[%get3A_1199, %get3A_1200] {strides = array<i32>} : memref<64x128xf32, #tpu.memory_space<vmem>>, vector<16xf32>,
          %mul3A_1202 = arith.mulf %get3A_173, %get3A_1201 : vector<16xf32>
          %add3A_1203 = arith.addf %add3A_1193, %mul3A_1202 : vector<16xf32>
          %get3A_1204 = arith.index_cast %add3A_1180 : i32 to index
          %get3A_1205 = arith.constant 80 : index
          %get3A_1206 = tpu.vector_load %arg14[%get3A_1204, %get3A_1205] {strides = array<i32>} : memref<64x128xf32, #tpu.memory_space<vmem>>, vector<16xf32>,
          %mul3A_1207 = arith.mulf %get3A_176, %get3A_1206 : vector<16xf32>
          %add3A_1208 = arith.addf %add3A_1198, %mul3A_1207 : vector<16xf32>
          %get3A_1209 = arith.index_cast %add3A_1180 : i32 to index
          %get3A_1210 = arith.constant 96 : index
          %get3A_1211 = tpu.vector_load %arg14[%get3A_1209, %get3A_1210] {strides = array<i32>} : memref<64x128xf32, #tpu.memory_space<vmem>>, vector<16xf32>,
          %mul3A_1212 = arith.mulf %get3A_179, %get3A_1211 : vector<16xf32>
          %add3A_1213 = arith.addf %add3A_1203, %mul3A_1212 : vector<16xf32>
          %get3A_1214 = arith.index_cast %add3A_1180 : i32 to index
          %get3A_1215 = arith.constant 112 : index
          %get3A_1216 = tpu.vector_load %arg14[%get3A_1214, %get3A_1215] {strides = array<i32>} : memref<64x128xf32, #tpu.memory_space<vmem>>, vector<16xf32>,
          %mul3A_1217 = arith.mulf %get3A_182, %get3A_1216 : vector<16xf32>
          %add3A_1218 = arith.addf %add3A_1208, %mul3A_1217 : vector<16xf32>
          %add3A_1219 = arith.addf %add3A_1213, %add3A_1218 : vector<16xf32>
          %add3A_1220 = arith.constant 0 : i32
          %add3A_1221 = vector.broadcast %add3A_1220 : i32 to vector<16xi32>
          %add3A_1222 = arith.addi %scan3A_559, %add3A_1221 : vector<16xi32>
          %broadcast_in_dim3A_1223 = arith.constant true
          %broadcast_in_dim3A_1224 = vector.broadcast %broadcast_in_dim3A_1223 : i1 to vector<16xi1>
          %masked_cumsum3A_1225 = tpu.scan <sum>, %add3A_604 masked %broadcast_in_dim3A_1224 : vector<16xf32>, vector<16xi1> -> vector<16xf32>
          tpu.vector_store_idx %arg18[%add3A_1222], %masked_cumsum3A_1225 masked %eq3A_4 : memref<64xf32, #tpu.memory_space<vmem>>[vector<16xi32>], vector<16xf32>, vector<16xi1>
          %add3A_1226 = arith.constant 1 : i32
          %add3A_1227 = vector.broadcast %add3A_1226 : i32 to vector<16xi32>
          %add3A_1228 = arith.addi %scan3A_559, %add3A_1227 : vector<16xi32>
          %broadcast_in_dim3A_1229 = arith.constant true
          %broadcast_in_dim3A_1230 = vector.broadcast %broadcast_in_dim3A_1229 : i1 to vector<16xi1>
          %masked_cumsum3A_1231 = tpu.scan <sum>, %add3A_645 masked %broadcast_in_dim3A_1230 : vector<16xf32>, vector<16xi1> -> vector<16xf32>
          tpu.vector_store_idx %arg18[%add3A_1228], %masked_cumsum3A_1231 masked %eq3A_4 : memref<64xf32, #tpu.memory_space<vmem>>[vector<16xi32>], vector<16xf32>, vector<16xi1>
          %add3A_1232 = arith.constant 2 : i32
          %add3A_1233 = vector.broadcast %add3A_1232 : i32 to vector<16xi32>
          %add3A_1234 = arith.addi %scan3A_559, %add3A_1233 : vector<16xi32>
          %broadcast_in_dim3A_1235 = arith.constant true
          %broadcast_in_dim3A_1236 = vector.broadcast %broadcast_in_dim3A_1235 : i1 to vector<16xi1>
          %masked_cumsum3A_1237 = tpu.scan <sum>, %add3A_686 masked %broadcast_in_dim3A_1236 : vector<16xf32>, vector<16xi1> -> vector<16xf32>
          tpu.vector_store_idx %arg18[%add3A_1234], %masked_cumsum3A_1237 masked %eq3A_4 : memref<64xf32, #tpu.memory_space<vmem>>[vector<16xi32>], vector<16xf32>, vector<16xi1>
          %add3A_1238 = arith.constant 3 : i32
          %add3A_1239 = vector.broadcast %add3A_1238 : i32 to vector<16xi32>
          %add3A_1240 = arith.addi %scan3A_559, %add3A_1239 : vector<16xi32>
          %broadcast_in_dim3A_1241 = arith.constant true
          %broadcast_in_dim3A_1242 = vector.broadcast %broadcast_in_dim3A_1241 : i1 to vector<16xi1>
          %masked_cumsum3A_1243 = tpu.scan <sum>, %add3A_727 masked %broadcast_in_dim3A_1242 : vector<16xf32>, vector<16xi1> -> vector<16xf32>
          tpu.vector_store_idx %arg18[%add3A_1240], %masked_cumsum3A_1243 masked %eq3A_4 : memref<64xf32, #tpu.memory_space<vmem>>[vector<16xi32>], vector<16xf32>, vector<16xi1>
          %add3A_1244 = arith.constant 4 : i32
          %add3A_1245 = vector.broadcast %add3A_1244 : i32 to vector<16xi32>
          %add3A_1246 = arith.addi %scan3A_559, %add3A_1245 : vector<16xi32>
          %broadcast_in_dim3A_1247 = arith.constant true
          %broadcast_in_dim3A_1248 = vector.broadcast %broadcast_in_dim3A_1247 : i1 to vector<16xi1>
          %masked_cumsum3A_1249 = tpu.scan <sum>, %add3A_768 masked %broadcast_in_dim3A_1248 : vector<16xf32>, vector<16xi1> -> vector<16xf32>
          tpu.vector_store_idx %arg18[%add3A_1246], %masked_cumsum3A_1249 masked %eq3A_4 : memref<64xf32, #tpu.memory_space<vmem>>[vector<16xi32>], vector<16xf32>, vector<16xi1>
          %add3A_1250 = arith.constant 5 : i32
          %add3A_1251 = vector.broadcast %add3A_1250 : i32 to vector<16xi32>
          %add3A_1252 = arith.addi %scan3A_559, %add3A_1251 : vector<16xi32>
          %broadcast_in_dim3A_1253 = arith.constant true
          %broadcast_in_dim3A_1254 = vector.broadcast %broadcast_in_dim3A_1253 : i1 to vector<16xi1>
          %masked_cumsum3A_1255 = tpu.scan <sum>, %add3A_809 masked %broadcast_in_dim3A_1254 : vector<16xf32>, vector<16xi1> -> vector<16xf32>
          tpu.vector_store_idx %arg18[%add3A_1252], %masked_cumsum3A_1255 masked %eq3A_4 : memref<64xf32, #tpu.memory_space<vmem>>[vector<16xi32>], vector<16xf32>, vector<16xi1>
          %add3A_1256 = arith.constant 6 : i32
          %add3A_1257 = vector.broadcast %add3A_1256 : i32 to vector<16xi32>
          %add3A_1258 = arith.addi %scan3A_559, %add3A_1257 : vector<16xi32>
          %broadcast_in_dim3A_1259 = arith.constant true
          %broadcast_in_dim3A_1260 = vector.broadcast %broadcast_in_dim3A_1259 : i1 to vector<16xi1>
          %masked_cumsum3A_1261 = tpu.scan <sum>, %add3A_850 masked %broadcast_in_dim3A_1260 : vector<16xf32>, vector<16xi1> -> vector<16xf32>
          tpu.vector_store_idx %arg18[%add3A_1258], %masked_cumsum3A_1261 masked %eq3A_4 : memref<64xf32, #tpu.memory_space<vmem>>[vector<16xi32>], vector<16xf32>, vector<16xi1>
          %add3A_1262 = arith.constant 7 : i32
          %add3A_1263 = vector.broadcast %add3A_1262 : i32 to vector<16xi32>
          %add3A_1264 = arith.addi %scan3A_559, %add3A_1263 : vector<16xi32>
          %broadcast_in_dim3A_1265 = arith.constant true
          %broadcast_in_dim3A_1266 = vector.broadcast %broadcast_in_dim3A_1265 : i1 to vector<16xi1>
          %masked_cumsum3A_1267 = tpu.scan <sum>, %add3A_891 masked %broadcast_in_dim3A_1266 : vector<16xf32>, vector<16xi1> -> vector<16xf32>
          tpu.vector_store_idx %arg18[%add3A_1264], %masked_cumsum3A_1267 masked %eq3A_4 : memref<64xf32, #tpu.memory_space<vmem>>[vector<16xi32>], vector<16xf32>, vector<16xi1>
          %add3A_1268 = arith.constant 8 : i32
          %add3A_1269 = vector.broadcast %add3A_1268 : i32 to vector<16xi32>
          %add3A_1270 = arith.addi %scan3A_559, %add3A_1269 : vector<16xi32>
          %broadcast_in_dim3A_1271 = arith.constant true
          %broadcast_in_dim3A_1272 = vector.broadcast %broadcast_in_dim3A_1271 : i1 to vector<16xi1>
          %masked_cumsum3A_1273 = tpu.scan <sum>, %add3A_932 masked %broadcast_in_dim3A_1272 : vector<16xf32>, vector<16xi1> -> vector<16xf32>
          tpu.vector_store_idx %arg18[%add3A_1270], %masked_cumsum3A_1273 masked %eq3A_4 : memref<64xf32, #tpu.memory_space<vmem>>[vector<16xi32>], vector<16xf32>, vector<16xi1>
          %add3A_1274 = arith.constant 9 : i32
          %add3A_1275 = vector.broadcast %add3A_1274 : i32 to vector<16xi32>
          %add3A_1276 = arith.addi %scan3A_559, %add3A_1275 : vector<16xi32>
          %broadcast_in_dim3A_1277 = arith.constant true
          %broadcast_in_dim3A_1278 = vector.broadcast %broadcast_in_dim3A_1277 : i1 to vector<16xi1>
          %masked_cumsum3A_1279 = tpu.scan <sum>, %add3A_973 masked %broadcast_in_dim3A_1278 : vector<16xf32>, vector<16xi1> -> vector<16xf32>
          tpu.vector_store_idx %arg18[%add3A_1276], %masked_cumsum3A_1279 masked %eq3A_4 : memref<64xf32, #tpu.memory_space<vmem>>[vector<16xi32>], vector<16xf32>, vector<16xi1>
          %add3A_1280 = arith.constant 10 : i32
          %add3A_1281 = vector.broadcast %add3A_1280 : i32 to vector<16xi32>
          %add3A_1282 = arith.addi %scan3A_559, %add3A_1281 : vector<16xi32>
          %broadcast_in_dim3A_1283 = arith.constant true
          %broadcast_in_dim3A_1284 = vector.broadcast %broadcast_in_dim3A_1283 : i1 to vector<16xi1>
          %masked_cumsum3A_1285 = tpu.scan <sum>, %add3A_1014 masked %broadcast_in_dim3A_1284 : vector<16xf32>, vector<16xi1> -> vector<16xf32>
          tpu.vector_store_idx %arg18[%add3A_1282], %masked_cumsum3A_1285 masked %eq3A_4 : memref<64xf32, #tpu.memory_space<vmem>>[vector<16xi32>], vector<16xf32>, vector<16xi1>
          %add3A_1286 = arith.constant 11 : i32
          %add3A_1287 = vector.broadcast %add3A_1286 : i32 to vector<16xi32>
          %add3A_1288 = arith.addi %scan3A_559, %add3A_1287 : vector<16xi32>
          %broadcast_in_dim3A_1289 = arith.constant true
          %broadcast_in_dim3A_1290 = vector.broadcast %broadcast_in_dim3A_1289 : i1 to vector<16xi1>
          %masked_cumsum3A_1291 = tpu.scan <sum>, %add3A_1055 masked %broadcast_in_dim3A_1290 : vector<16xf32>, vector<16xi1> -> vector<16xf32>
          tpu.vector_store_idx %arg18[%add3A_1288], %masked_cumsum3A_1291 masked %eq3A_4 : memref<64xf32, #tpu.memory_space<vmem>>[vector<16xi32>], vector<16xf32>, vector<16xi1>
          %add3A_1292 = arith.constant 12 : i32
          %add3A_1293 = vector.broadcast %add3A_1292 : i32 to vector<16xi32>
          %add3A_1294 = arith.addi %scan3A_559, %add3A_1293 : vector<16xi32>
          %broadcast_in_dim3A_1295 = arith.constant true
          %broadcast_in_dim3A_1296 = vector.broadcast %broadcast_in_dim3A_1295 : i1 to vector<16xi1>
          %masked_cumsum3A_1297 = tpu.scan <sum>, %add3A_1096 masked %broadcast_in_dim3A_1296 : vector<16xf32>, vector<16xi1> -> vector<16xf32>
          tpu.vector_store_idx %arg18[%add3A_1294], %masked_cumsum3A_1297 masked %eq3A_4 : memref<64xf32, #tpu.memory_space<vmem>>[vector<16xi32>], vector<16xf32>, vector<16xi1>
          %add3A_1298 = arith.constant 13 : i32
          %add3A_1299 = vector.broadcast %add3A_1298 : i32 to vector<16xi32>
          %add3A_1300 = arith.addi %scan3A_559, %add3A_1299 : vector<16xi32>
          %broadcast_in_dim3A_1301 = arith.constant true
          %broadcast_in_dim3A_1302 = vector.broadcast %broadcast_in_dim3A_1301 : i1 to vector<16xi1>
          %masked_cumsum3A_1303 = tpu.scan <sum>, %add3A_1137 masked %broadcast_in_dim3A_1302 : vector<16xf32>, vector<16xi1> -> vector<16xf32>
          tpu.vector_store_idx %arg18[%add3A_1300], %masked_cumsum3A_1303 masked %eq3A_4 : memref<64xf32, #tpu.memory_space<vmem>>[vector<16xi32>], vector<16xf32>, vector<16xi1>
          %add3A_1304 = arith.constant 14 : i32
          %add3A_1305 = vector.broadcast %add3A_1304 : i32 to vector<16xi32>
          %add3A_1306 = arith.addi %scan3A_559, %add3A_1305 : vector<16xi32>
          %broadcast_in_dim3A_1307 = arith.constant true
          %broadcast_in_dim3A_1308 = vector.broadcast %broadcast_in_dim3A_1307 : i1 to vector<16xi1>
          %masked_cumsum3A_1309 = tpu.scan <sum>, %add3A_1178 masked %broadcast_in_dim3A_1308 : vector<16xf32>, vector<16xi1> -> vector<16xf32>
          tpu.vector_store_idx %arg18[%add3A_1306], %masked_cumsum3A_1309 masked %eq3A_4 : memref<64xf32, #tpu.memory_space<vmem>>[vector<16xi32>], vector<16xf32>, vector<16xi1>
          %add3A_1310 = arith.constant 15 : i32
          %add3A_1311 = vector.broadcast %add3A_1310 : i32 to vector<16xi32>
          %add3A_1312 = arith.addi %scan3A_559, %add3A_1311 : vector<16xi32>
          %broadcast_in_dim3A_1313 = arith.constant true
          %broadcast_in_dim3A_1314 = vector.broadcast %broadcast_in_dim3A_1313 : i1 to vector<16xi1>
          %masked_cumsum3A_1315 = tpu.scan <sum>, %add3A_1219 masked %broadcast_in_dim3A_1314 : vector<16xf32>, vector<16xi1> -> vector<16xf32>
          tpu.vector_store_idx %arg18[%add3A_1312], %masked_cumsum3A_1315 masked %eq3A_4 : memref<64xf32, #tpu.memory_space<vmem>>[vector<16xi32>], vector<16xf32>, vector<16xi1>
          %add3A_1316 = arith.constant 16 : i32
          %add3A_1317 = vector.broadcast %add3A_1316 : i32 to vector<16xi32>
          %add3A_1318 = arith.addi %scan3A_559, %add3A_1317 : vector<16xi32>
          scf.yield %add3A_1318 : vector<16xi32>
        }
        %scan3A_231 = arith.constant 4 : i32
        %mul3A_232 = arith.constant 1 : i32
        %mul3A_233 = arith.muli %add3A_151, %mul3A_232 : i32
        %add3A_234 = arith.addi %add3A_15, %mul3A_233 : i32
        %mul3A_235 = arith.constant 64 : i32
        %mul3A_236 = arith.muli %add3A_234, %mul3A_235 : i32
        %dma_start3A_237 = tpu.memref_slice %arg8[%mul3A_236] : memref<1048576xf32, #tpu.memory_space<hbm>> -> memref<64xf32, #tpu.memory_space<hbm>>
        %dma_start3A_238 = tpu.memref_slice %arg8[%mul3A_236] : memref<1048576xf32, #tpu.memory_space<hbm>> -> memref<64xf32, #tpu.memory_space<hbm>>
        tpu.enqueue_dma source(%arg18 : memref<64xf32, #tpu.memory_space<vmem>>) target(%dma_start3A_238 : memref<64xf32, #tpu.memory_space<hbm>>) target_semaphore(%arg29 : memref<!tpu.dma_semaphore, #tpu.memory_space<semaphore_mem>>)
        %add3A_239 = arith.constant 4 : i32
        %add3A_240 = arith.addi %add3A_151, %add3A_239 : i32
        %lt3A = arith.constant 256 : i32
        %lt3A_241 = arith.cmpi slt, %add3A_240, %lt3A : i32
        %convert_element_type3A_242 = arith.extui %lt3A_241 : i1 to i32
        %cond3A_243 = arith.constant 0 : i32
        %cond3A_244 = arith.cmpi ne, %convert_element_type3A_242, %cond3A_243 : i32
        scf.if %cond3A_244 {
          %add3A_558 = arith.constant 4 : i32
          %add3A_559 = arith.addi %add3A_151, %add3A_558 : i32
          %dma_start3A_560 = arith.constant 0 : i32
          %dma_start3A_561 = tpu.memref_slice %arg11[%add3A_559, %dma_start3A_560] : memref<256x64xi32, #tpu.memory_space<vmem>> -> memref<1x64xi32, #tpu.memory_space<vmem>>
          %dma_start3A_562 = tpu.memref_squeeze %dma_start3A_561 : memref<1x64xi32, #tpu.memory_space<vmem>> -> memref<64xi32, #tpu.memory_space<vmem>>
          %dma_start3A_563 = arith.constant 0 : i32
          %dma_start3A_564 = arith.constant 0 : i32
          %dma_start3A_565 = tpu.memref_slice %arg6[%dma_start3A_563, %dma_start3A_564] : memref<100000x128xf32, #tpu.memory_space<hbm>> -> memref<100000x128xf32, #tpu.memory_space<hbm>>
          tpu.enqueue_indirect_dma source(%dma_start3A_565 : memref<100000x128xf32, #tpu.memory_space<hbm>>) target(%arg14 : memref<64x128xf32, #tpu.memory_space<vmem>>) offsets(%dma_start3A_562 : memref<64xi32, #tpu.memory_space<vmem>>) semaphore(%arg25 : memref<!tpu.dma_semaphore, #tpu.memory_space<semaphore_mem>>)
        } else {
        }
        %mul3A_245 = arith.constant 4 : i32
        %mul3A_246 = arith.muli %scan3A_146, %mul3A_245 : i32
        %add3A_247 = arith.constant 1 : i32
        %add3A_248 = arith.addi %mul3A_246, %add3A_247 : i32
        %dma_wait3A_249 = arith.constant 0 : i32
        %dma_wait3A_250 = tpu.memref_slice %arg11[%add3A_248, %dma_wait3A_249] : memref<256x64xi32, #tpu.memory_space<vmem>> -> memref<1x64xi32, #tpu.memory_space<vmem>>
        %dma_wait3A_251 = tpu.memref_squeeze %dma_wait3A_250 : memref<1x64xi32, #tpu.memory_space<vmem>> -> memref<64xi32, #tpu.memory_space<vmem>>
        %dma_wait3A_252 = arith.constant 0 : i32
        %dma_wait3A_253 = arith.constant 0 : i32
        %dma_wait3A_254 = tpu.memref_slice %arg6[%dma_wait3A_252, %dma_wait3A_253] : memref<100000x128xf32, #tpu.memory_space<hbm>> -> memref<100000x128xf32, #tpu.memory_space<hbm>>
        tpu.wait_indirect_dma semaphore(%arg26 : memref<!tpu.dma_semaphore, #tpu.memory_space<semaphore_mem>>) src(%dma_wait3A_254 : memref<100000x128xf32, #tpu.memory_space<hbm>>) dst(%arg15 : memref<64x128xf32, #tpu.memory_space<vmem>>)
        %gt3A_255 = arith.constant 0 : i32
        %gt3A_256 = arith.cmpi sgt, %scan3A_146, %gt3A_255 : i32
        %convert_element_type3A_257 = arith.extui %gt3A_256 : i1 to i32
        %cond3A_258 = arith.constant 0 : i32
        %cond3A_259 = arith.cmpi ne, %convert_element_type3A_257, %cond3A_258 : i32
        scf.if %cond3A_259 {
          %dma_wait3A_558 = arith.constant 0 : i32
          %dma_wait3A_559 = tpu.memref_slice %arg8[%dma_wait3A_558] : memref<1048576xf32, #tpu.memory_space<hbm>> -> memref<64xf32, #tpu.memory_space<hbm>>
          %dma_wait3A_560 = arith.constant 0 : i32
          %dma_wait3A_561 = tpu.memref_slice %arg8[%dma_wait3A_560] : memref<1048576xf32, #tpu.memory_space<hbm>> -> memref<64xf32, #tpu.memory_space<hbm>>
          tpu.wait_dma2 semaphore(%arg30 : memref<!tpu.dma_semaphore, #tpu.memory_space<semaphore_mem>>) src(%arg19 : memref<64xf32, #tpu.memory_space<vmem>>) dst(%dma_wait3A_561 : memref<64xf32, #tpu.memory_space<hbm>>)
        } else {
        }
        %get3A_260 = arith.index_cast %add3A_248 : i32 to index
        %get3A_261 = arith.constant 0 : index
        %get3A_262 = tpu.vector_load %arg12[%get3A_260, %get3A_261] {strides = array<i32>} : memref<256x128xf32, #tpu.memory_space<vmem>>, vector<16xf32>,
        %get3A_263 = arith.index_cast %add3A_248 : i32 to index
        %get3A_264 = arith.constant 16 : index
        %get3A_265 = tpu.vector_load %arg12[%get3A_263, %get3A_264] {strides = array<i32>} : memref<256x128xf32, #tpu.memory_space<vmem>>, vector<16xf32>,
        %get3A_266 = arith.index_cast %add3A_248 : i32 to index
        %get3A_267 = arith.constant 32 : index
        %get3A_268 = tpu.vector_load %arg12[%get3A_266, %get3A_267] {strides = array<i32>} : memref<256x128xf32, #tpu.memory_space<vmem>>, vector<16xf32>,
        %get3A_269 = arith.index_cast %add3A_248 : i32 to index
        %get3A_270 = arith.constant 48 : index
        %get3A_271 = tpu.vector_load %arg12[%get3A_269, %get3A_270] {strides = array<i32>} : memref<256x128xf32, #tpu.memory_space<vmem>>, vector<16xf32>,
        %get3A_272 = arith.index_cast %add3A_248 : i32 to index
        %get3A_273 = arith.constant 64 : index
        %get3A_274 = tpu.vector_load %arg12[%get3A_272, %get3A_273] {strides = array<i32>} : memref<256x128xf32, #tpu.memory_space<vmem>>, vector<16xf32>,
        %get3A_275 = arith.index_cast %add3A_248 : i32 to index
        %get3A_276 = arith.constant 80 : index
        %get3A_277 = tpu.vector_load %arg12[%get3A_275, %get3A_276] {strides = array<i32>} : memref<256x128xf32, #tpu.memory_space<vmem>>, vector<16xf32>,
        %get3A_278 = arith.index_cast %add3A_248 : i32 to index
        %get3A_279 = arith.constant 96 : index
        %get3A_280 = tpu.vector_load %arg12[%get3A_278, %get3A_279] {strides = array<i32>} : memref<256x128xf32, #tpu.memory_space<vmem>>, vector<16xf32>,
        %get3A_281 = arith.index_cast %add3A_248 : i32 to index
        %get3A_282 = arith.constant 112 : index
        %get3A_283 = tpu.vector_load %arg12[%get3A_281, %get3A_282] {strides = array<i32>} : memref<256x128xf32, #tpu.memory_space<vmem>>, vector<16xf32>,
        %get3A_284 = arith.index_cast %add3A_248 : i32 to index
        %get3A_285 = arith.constant 0 : index
        %get3A_286 = tpu.vector_load %arg13[%get3A_284, %get3A_285] {strides = array<i32>} : memref<256x128xf32, #tpu.memory_space<vmem>>, vector<16xf32>,
        %mul3A_287 = arith.mulf %get3A_262, %get3A_286 : vector<16xf32>
        %get3A_288 = arith.index_cast %add3A_248 : i32 to index
        %get3A_289 = arith.constant 16 : index
        %get3A_290 = tpu.vector_load %arg13[%get3A_288, %get3A_289] {strides = array<i32>} : memref<256x128xf32, #tpu.memory_space<vmem>>, vector<16xf32>,
        %mul3A_291 = arith.mulf %get3A_265, %get3A_290 : vector<16xf32>
        %get3A_292 = arith.index_cast %add3A_248 : i32 to index
        %get3A_293 = arith.constant 32 : index
        %get3A_294 = tpu.vector_load %arg13[%get3A_292, %get3A_293] {strides = array<i32>} : memref<256x128xf32, #tpu.memory_space<vmem>>, vector<16xf32>,
        %mul3A_295 = arith.mulf %get3A_268, %get3A_294 : vector<16xf32>
        %add3A_296 = arith.addf %mul3A_287, %mul3A_295 : vector<16xf32>
        %get3A_297 = arith.index_cast %add3A_248 : i32 to index
        %get3A_298 = arith.constant 48 : index
        %get3A_299 = tpu.vector_load %arg13[%get3A_297, %get3A_298] {strides = array<i32>} : memref<256x128xf32, #tpu.memory_space<vmem>>, vector<16xf32>,
        %mul3A_300 = arith.mulf %get3A_271, %get3A_299 : vector<16xf32>
        %add3A_301 = arith.addf %mul3A_291, %mul3A_300 : vector<16xf32>
        %get3A_302 = arith.index_cast %add3A_248 : i32 to index
        %get3A_303 = arith.constant 64 : index
        %get3A_304 = tpu.vector_load %arg13[%get3A_302, %get3A_303] {strides = array<i32>} : memref<256x128xf32, #tpu.memory_space<vmem>>, vector<16xf32>,
        %mul3A_305 = arith.mulf %get3A_274, %get3A_304 : vector<16xf32>
        %add3A_306 = arith.addf %add3A_296, %mul3A_305 : vector<16xf32>
        %get3A_307 = arith.index_cast %add3A_248 : i32 to index
        %get3A_308 = arith.constant 80 : index
        %get3A_309 = tpu.vector_load %arg13[%get3A_307, %get3A_308] {strides = array<i32>} : memref<256x128xf32, #tpu.memory_space<vmem>>, vector<16xf32>,
        %mul3A_310 = arith.mulf %get3A_277, %get3A_309 : vector<16xf32>
        %add3A_311 = arith.addf %add3A_301, %mul3A_310 : vector<16xf32>
        %get3A_312 = arith.index_cast %add3A_248 : i32 to index
        %get3A_313 = arith.constant 96 : index
        %get3A_314 = tpu.vector_load %arg13[%get3A_312, %get3A_313] {strides = array<i32>} : memref<256x128xf32, #tpu.memory_space<vmem>>, vector<16xf32>,
        %mul3A_315 = arith.mulf %get3A_280, %get3A_314 : vector<16xf32>
        %add3A_316 = arith.addf %add3A_306, %mul3A_315 : vector<16xf32>
        %get3A_317 = arith.index_cast %add3A_248 : i32 to index
        %get3A_318 = arith.constant 112 : index
        %get3A_319 = tpu.vector_load %arg13[%get3A_317, %get3A_318] {strides = array<i32>} : memref<256x128xf32, #tpu.memory_space<vmem>>, vector<16xf32>,
        %mul3A_320 = arith.mulf %get3A_283, %get3A_319 : vector<16xf32>
        %add3A_321 = arith.addf %add3A_311, %mul3A_320 : vector<16xf32>
        %broadcast_in_dim3A_322 = vector.broadcast %add3A_248 : i32 to vector<16xi32>
        %add3A_323 = arith.addf %add3A_316, %add3A_321 : vector<16xf32>
        %broadcast_in_dim3A_324 = arith.constant true
        %broadcast_in_dim3A_325 = vector.broadcast %broadcast_in_dim3A_324 : i1 to vector<16xi1>
        %masked_cumsum3A_326 = tpu.scan <sum>, %add3A_323 masked %broadcast_in_dim3A_325 : vector<16xf32>, vector<16xi1> -> vector<16xf32>
        tpu.vector_store_idx %arg22[%broadcast_in_dim3A_322], %masked_cumsum3A_326 masked %eq3A_4 : memref<256xf32, #tpu.memory_space<vmem>>[vector<16xi32>], vector<16xf32>, vector<16xi1>
        %broadcast_in_dim3A_327 = arith.constant 0 : i32
        %broadcast_in_dim3A_328 = vector.broadcast %broadcast_in_dim3A_327 : i32 to vector<16xi32>
        %scan3A_329 = arith.constant 0 : i32
        %scan3A_330 = arith.constant 4 : i32
        %scan3A_331 = arith.addi %scan3A_329, %scan3A_330 : i32
        %scan3A_332 = arith.constant 1 : i32
        %scan3A_333 = scf.for %scan3A_558 = %scan3A_329 to %scan3A_331 step %scan3A_332 iter_args(%scan3A_559 = %broadcast_in_dim3A_328) -> (vector<16xi32>)  : i32 {
          %mul3A_560 = arith.constant 16 : i32
          %mul3A_561 = arith.muli %scan3A_558, %mul3A_560 : i32
          %add3A_562 = arith.constant 0 : i32
          %add3A_563 = arith.addi %mul3A_561, %add3A_562 : i32
          %add3A_564 = arith.constant 0 : i32
          %add3A_565 = arith.addi %add3A_563, %add3A_564 : i32
          %get3A_566 = arith.index_cast %add3A_565 : i32 to index
          %get3A_567 = arith.constant 0 : index
          %get3A_568 = tpu.vector_load %arg15[%get3A_566, %get3A_567] {strides = array<i32>} : memref<64x128xf32, #tpu.memory_space<vmem>>, vector<16xf32>,
          %mul3A_569 = arith.mulf %get3A_262, %get3A_568 : vector<16xf32>
          %get3A_570 = arith.index_cast %add3A_565 : i32 to index
          %get3A_571 = arith.constant 16 : index
          %get3A_572 = tpu.vector_load %arg15[%get3A_570, %get3A_571] {strides = array<i32>} : memref<64x128xf32, #tpu.memory_space<vmem>>, vector<16xf32>,
          %mul3A_573 = arith.mulf %get3A_265, %get3A_572 : vector<16xf32>
          %get3A_574 = arith.index_cast %add3A_565 : i32 to index
          %get3A_575 = arith.constant 32 : index
          %get3A_576 = tpu.vector_load %arg15[%get3A_574, %get3A_575] {strides = array<i32>} : memref<64x128xf32, #tpu.memory_space<vmem>>, vector<16xf32>,
          %mul3A_577 = arith.mulf %get3A_268, %get3A_576 : vector<16xf32>
          %add3A_578 = arith.addf %mul3A_569, %mul3A_577 : vector<16xf32>
          %get3A_579 = arith.index_cast %add3A_565 : i32 to index
          %get3A_580 = arith.constant 48 : index
          %get3A_581 = tpu.vector_load %arg15[%get3A_579, %get3A_580] {strides = array<i32>} : memref<64x128xf32, #tpu.memory_space<vmem>>, vector<16xf32>,
          %mul3A_582 = arith.mulf %get3A_271, %get3A_581 : vector<16xf32>
          %add3A_583 = arith.addf %mul3A_573, %mul3A_582 : vector<16xf32>
          %get3A_584 = arith.index_cast %add3A_565 : i32 to index
          %get3A_585 = arith.constant 64 : index
          %get3A_586 = tpu.vector_load %arg15[%get3A_584, %get3A_585] {strides = array<i32>} : memref<64x128xf32, #tpu.memory_space<vmem>>, vector<16xf32>,
          %mul3A_587 = arith.mulf %get3A_274, %get3A_586 : vector<16xf32>
          %add3A_588 = arith.addf %add3A_578, %mul3A_587 : vector<16xf32>
          %get3A_589 = arith.index_cast %add3A_565 : i32 to index
          %get3A_590 = arith.constant 80 : index
          %get3A_591 = tpu.vector_load %arg15[%get3A_589, %get3A_590] {strides = array<i32>} : memref<64x128xf32, #tpu.memory_space<vmem>>, vector<16xf32>,
          %mul3A_592 = arith.mulf %get3A_277, %get3A_591 : vector<16xf32>
          %add3A_593 = arith.addf %add3A_583, %mul3A_592 : vector<16xf32>
          %get3A_594 = arith.index_cast %add3A_565 : i32 to index
          %get3A_595 = arith.constant 96 : index
          %get3A_596 = tpu.vector_load %arg15[%get3A_594, %get3A_595] {strides = array<i32>} : memref<64x128xf32, #tpu.memory_space<vmem>>, vector<16xf32>,
          %mul3A_597 = arith.mulf %get3A_280, %get3A_596 : vector<16xf32>
          %add3A_598 = arith.addf %add3A_588, %mul3A_597 : vector<16xf32>
          %get3A_599 = arith.index_cast %add3A_565 : i32 to index
          %get3A_600 = arith.constant 112 : index
          %get3A_601 = tpu.vector_load %arg15[%get3A_599, %get3A_600] {strides = array<i32>} : memref<64x128xf32, #tpu.memory_space<vmem>>, vector<16xf32>,
          %mul3A_602 = arith.mulf %get3A_283, %get3A_601 : vector<16xf32>
          %add3A_603 = arith.addf %add3A_593, %mul3A_602 : vector<16xf32>
          %add3A_604 = arith.addf %add3A_598, %add3A_603 : vector<16xf32>
          %add3A_605 = arith.constant 1 : i32
          %add3A_606 = arith.addi %add3A_563, %add3A_605 : i32
          %get3A_607 = arith.index_cast %add3A_606 : i32 to index
          %get3A_608 = arith.constant 0 : index
          %get3A_609 = tpu.vector_load %arg15[%get3A_607, %get3A_608] {strides = array<i32>} : memref<64x128xf32, #tpu.memory_space<vmem>>, vector<16xf32>,
          %mul3A_610 = arith.mulf %get3A_262, %get3A_609 : vector<16xf32>
          %get3A_611 = arith.index_cast %add3A_606 : i32 to index
          %get3A_612 = arith.constant 16 : index
          %get3A_613 = tpu.vector_load %arg15[%get3A_611, %get3A_612] {strides = array<i32>} : memref<64x128xf32, #tpu.memory_space<vmem>>, vector<16xf32>,
          %mul3A_614 = arith.mulf %get3A_265, %get3A_613 : vector<16xf32>
          %get3A_615 = arith.index_cast %add3A_606 : i32 to index
          %get3A_616 = arith.constant 32 : index
          %get3A_617 = tpu.vector_load %arg15[%get3A_615, %get3A_616] {strides = array<i32>} : memref<64x128xf32, #tpu.memory_space<vmem>>, vector<16xf32>,
          %mul3A_618 = arith.mulf %get3A_268, %get3A_617 : vector<16xf32>
          %add3A_619 = arith.addf %mul3A_610, %mul3A_618 : vector<16xf32>
          %get3A_620 = arith.index_cast %add3A_606 : i32 to index
          %get3A_621 = arith.constant 48 : index
          %get3A_622 = tpu.vector_load %arg15[%get3A_620, %get3A_621] {strides = array<i32>} : memref<64x128xf32, #tpu.memory_space<vmem>>, vector<16xf32>,
          %mul3A_623 = arith.mulf %get3A_271, %get3A_622 : vector<16xf32>
          %add3A_624 = arith.addf %mul3A_614, %mul3A_623 : vector<16xf32>
          %get3A_625 = arith.index_cast %add3A_606 : i32 to index
          %get3A_626 = arith.constant 64 : index
          %get3A_627 = tpu.vector_load %arg15[%get3A_625, %get3A_626] {strides = array<i32>} : memref<64x128xf32, #tpu.memory_space<vmem>>, vector<16xf32>,
          %mul3A_628 = arith.mulf %get3A_274, %get3A_627 : vector<16xf32>
          %add3A_629 = arith.addf %add3A_619, %mul3A_628 : vector<16xf32>
          %get3A_630 = arith.index_cast %add3A_606 : i32 to index
          %get3A_631 = arith.constant 80 : index
          %get3A_632 = tpu.vector_load %arg15[%get3A_630, %get3A_631] {strides = array<i32>} : memref<64x128xf32, #tpu.memory_space<vmem>>, vector<16xf32>,
          %mul3A_633 = arith.mulf %get3A_277, %get3A_632 : vector<16xf32>
          %add3A_634 = arith.addf %add3A_624, %mul3A_633 : vector<16xf32>
          %get3A_635 = arith.index_cast %add3A_606 : i32 to index
          %get3A_636 = arith.constant 96 : index
          %get3A_637 = tpu.vector_load %arg15[%get3A_635, %get3A_636] {strides = array<i32>} : memref<64x128xf32, #tpu.memory_space<vmem>>, vector<16xf32>,
          %mul3A_638 = arith.mulf %get3A_280, %get3A_637 : vector<16xf32>
          %add3A_639 = arith.addf %add3A_629, %mul3A_638 : vector<16xf32>
          %get3A_640 = arith.index_cast %add3A_606 : i32 to index
          %get3A_641 = arith.constant 112 : index
          %get3A_642 = tpu.vector_load %arg15[%get3A_640, %get3A_641] {strides = array<i32>} : memref<64x128xf32, #tpu.memory_space<vmem>>, vector<16xf32>,
          %mul3A_643 = arith.mulf %get3A_283, %get3A_642 : vector<16xf32>
          %add3A_644 = arith.addf %add3A_634, %mul3A_643 : vector<16xf32>
          %add3A_645 = arith.addf %add3A_639, %add3A_644 : vector<16xf32>
          %add3A_646 = arith.constant 2 : i32
          %add3A_647 = arith.addi %add3A_563, %add3A_646 : i32
          %get3A_648 = arith.index_cast %add3A_647 : i32 to index
          %get3A_649 = arith.constant 0 : index
          %get3A_650 = tpu.vector_load %arg15[%get3A_648, %get3A_649] {strides = array<i32>} : memref<64x128xf32, #tpu.memory_space<vmem>>, vector<16xf32>,
          %mul3A_651 = arith.mulf %get3A_262, %get3A_650 : vector<16xf32>
          %get3A_652 = arith.index_cast %add3A_647 : i32 to index
          %get3A_653 = arith.constant 16 : index
          %get3A_654 = tpu.vector_load %arg15[%get3A_652, %get3A_653] {strides = array<i32>} : memref<64x128xf32, #tpu.memory_space<vmem>>, vector<16xf32>,
          %mul3A_655 = arith.mulf %get3A_265, %get3A_654 : vector<16xf32>
          %get3A_656 = arith.index_cast %add3A_647 : i32 to index
          %get3A_657 = arith.constant 32 : index
          %get3A_658 = tpu.vector_load %arg15[%get3A_656, %get3A_657] {strides = array<i32>} : memref<64x128xf32, #tpu.memory_space<vmem>>, vector<16xf32>,
          %mul3A_659 = arith.mulf %get3A_268, %get3A_658 : vector<16xf32>
          %add3A_660 = arith.addf %mul3A_651, %mul3A_659 : vector<16xf32>
          %get3A_661 = arith.index_cast %add3A_647 : i32 to index
          %get3A_662 = arith.constant 48 : index
          %get3A_663 = tpu.vector_load %arg15[%get3A_661, %get3A_662] {strides = array<i32>} : memref<64x128xf32, #tpu.memory_space<vmem>>, vector<16xf32>,
          %mul3A_664 = arith.mulf %get3A_271, %get3A_663 : vector<16xf32>
          %add3A_665 = arith.addf %mul3A_655, %mul3A_664 : vector<16xf32>
          %get3A_666 = arith.index_cast %add3A_647 : i32 to index
          %get3A_667 = arith.constant 64 : index
          %get3A_668 = tpu.vector_load %arg15[%get3A_666, %get3A_667] {strides = array<i32>} : memref<64x128xf32, #tpu.memory_space<vmem>>, vector<16xf32>,
          %mul3A_669 = arith.mulf %get3A_274, %get3A_668 : vector<16xf32>
          %add3A_670 = arith.addf %add3A_660, %mul3A_669 : vector<16xf32>
          %get3A_671 = arith.index_cast %add3A_647 : i32 to index
          %get3A_672 = arith.constant 80 : index
          %get3A_673 = tpu.vector_load %arg15[%get3A_671, %get3A_672] {strides = array<i32>} : memref<64x128xf32, #tpu.memory_space<vmem>>, vector<16xf32>,
          %mul3A_674 = arith.mulf %get3A_277, %get3A_673 : vector<16xf32>
          %add3A_675 = arith.addf %add3A_665, %mul3A_674 : vector<16xf32>
          %get3A_676 = arith.index_cast %add3A_647 : i32 to index
          %get3A_677 = arith.constant 96 : index
          %get3A_678 = tpu.vector_load %arg15[%get3A_676, %get3A_677] {strides = array<i32>} : memref<64x128xf32, #tpu.memory_space<vmem>>, vector<16xf32>,
          %mul3A_679 = arith.mulf %get3A_280, %get3A_678 : vector<16xf32>
          %add3A_680 = arith.addf %add3A_670, %mul3A_679 : vector<16xf32>
          %get3A_681 = arith.index_cast %add3A_647 : i32 to index
          %get3A_682 = arith.constant 112 : index
          %get3A_683 = tpu.vector_load %arg15[%get3A_681, %get3A_682] {strides = array<i32>} : memref<64x128xf32, #tpu.memory_space<vmem>>, vector<16xf32>,
          %mul3A_684 = arith.mulf %get3A_283, %get3A_683 : vector<16xf32>
          %add3A_685 = arith.addf %add3A_675, %mul3A_684 : vector<16xf32>
          %add3A_686 = arith.addf %add3A_680, %add3A_685 : vector<16xf32>
          %add3A_687 = arith.constant 3 : i32
          %add3A_688 = arith.addi %add3A_563, %add3A_687 : i32
          %get3A_689 = arith.index_cast %add3A_688 : i32 to index
          %get3A_690 = arith.constant 0 : index
          %get3A_691 = tpu.vector_load %arg15[%get3A_689, %get3A_690] {strides = array<i32>} : memref<64x128xf32, #tpu.memory_space<vmem>>, vector<16xf32>,
          %mul3A_692 = arith.mulf %get3A_262, %get3A_691 : vector<16xf32>
          %get3A_693 = arith.index_cast %add3A_688 : i32 to index
          %get3A_694 = arith.constant 16 : index
          %get3A_695 = tpu.vector_load %arg15[%get3A_693, %get3A_694] {strides = array<i32>} : memref<64x128xf32, #tpu.memory_space<vmem>>, vector<16xf32>,
          %mul3A_696 = arith.mulf %get3A_265, %get3A_695 : vector<16xf32>
          %get3A_697 = arith.index_cast %add3A_688 : i32 to index
          %get3A_698 = arith.constant 32 : index
          %get3A_699 = tpu.vector_load %arg15[%get3A_697, %get3A_698] {strides = array<i32>} : memref<64x128xf32, #tpu.memory_space<vmem>>, vector<16xf32>,
          %mul3A_700 = arith.mulf %get3A_268, %get3A_699 : vector<16xf32>
          %add3A_701 = arith.addf %mul3A_692, %mul3A_700 : vector<16xf32>
          %get3A_702 = arith.index_cast %add3A_688 : i32 to index
          %get3A_703 = arith.constant 48 : index
          %get3A_704 = tpu.vector_load %arg15[%get3A_702, %get3A_703] {strides = array<i32>} : memref<64x128xf32, #tpu.memory_space<vmem>>, vector<16xf32>,
          %mul3A_705 = arith.mulf %get3A_271, %get3A_704 : vector<16xf32>
          %add3A_706 = arith.addf %mul3A_696, %mul3A_705 : vector<16xf32>
          %get3A_707 = arith.index_cast %add3A_688 : i32 to index
          %get3A_708 = arith.constant 64 : index
          %get3A_709 = tpu.vector_load %arg15[%get3A_707, %get3A_708] {strides = array<i32>} : memref<64x128xf32, #tpu.memory_space<vmem>>, vector<16xf32>,
          %mul3A_710 = arith.mulf %get3A_274, %get3A_709 : vector<16xf32>
          %add3A_711 = arith.addf %add3A_701, %mul3A_710 : vector<16xf32>
          %get3A_712 = arith.index_cast %add3A_688 : i32 to index
          %get3A_713 = arith.constant 80 : index
          %get3A_714 = tpu.vector_load %arg15[%get3A_712, %get3A_713] {strides = array<i32>} : memref<64x128xf32, #tpu.memory_space<vmem>>, vector<16xf32>,
          %mul3A_715 = arith.mulf %get3A_277, %get3A_714 : vector<16xf32>
          %add3A_716 = arith.addf %add3A_706, %mul3A_715 : vector<16xf32>
          %get3A_717 = arith.index_cast %add3A_688 : i32 to index
          %get3A_718 = arith.constant 96 : index
          %get3A_719 = tpu.vector_load %arg15[%get3A_717, %get3A_718] {strides = array<i32>} : memref<64x128xf32, #tpu.memory_space<vmem>>, vector<16xf32>,
          %mul3A_720 = arith.mulf %get3A_280, %get3A_719 : vector<16xf32>
          %add3A_721 = arith.addf %add3A_711, %mul3A_720 : vector<16xf32>
          %get3A_722 = arith.index_cast %add3A_688 : i32 to index
          %get3A_723 = arith.constant 112 : index
          %get3A_724 = tpu.vector_load %arg15[%get3A_722, %get3A_723] {strides = array<i32>} : memref<64x128xf32, #tpu.memory_space<vmem>>, vector<16xf32>,
          %mul3A_725 = arith.mulf %get3A_283, %get3A_724 : vector<16xf32>
          %add3A_726 = arith.addf %add3A_716, %mul3A_725 : vector<16xf32>
          %add3A_727 = arith.addf %add3A_721, %add3A_726 : vector<16xf32>
          %add3A_728 = arith.constant 4 : i32
          %add3A_729 = arith.addi %add3A_563, %add3A_728 : i32
          %get3A_730 = arith.index_cast %add3A_729 : i32 to index
          %get3A_731 = arith.constant 0 : index
          %get3A_732 = tpu.vector_load %arg15[%get3A_730, %get3A_731] {strides = array<i32>} : memref<64x128xf32, #tpu.memory_space<vmem>>, vector<16xf32>,
          %mul3A_733 = arith.mulf %get3A_262, %get3A_732 : vector<16xf32>
          %get3A_734 = arith.index_cast %add3A_729 : i32 to index
          %get3A_735 = arith.constant 16 : index
          %get3A_736 = tpu.vector_load %arg15[%get3A_734, %get3A_735] {strides = array<i32>} : memref<64x128xf32, #tpu.memory_space<vmem>>, vector<16xf32>,
          %mul3A_737 = arith.mulf %get3A_265, %get3A_736 : vector<16xf32>
          %get3A_738 = arith.index_cast %add3A_729 : i32 to index
          %get3A_739 = arith.constant 32 : index
          %get3A_740 = tpu.vector_load %arg15[%get3A_738, %get3A_739] {strides = array<i32>} : memref<64x128xf32, #tpu.memory_space<vmem>>, vector<16xf32>,
          %mul3A_741 = arith.mulf %get3A_268, %get3A_740 : vector<16xf32>
          %add3A_742 = arith.addf %mul3A_733, %mul3A_741 : vector<16xf32>
          %get3A_743 = arith.index_cast %add3A_729 : i32 to index
          %get3A_744 = arith.constant 48 : index
          %get3A_745 = tpu.vector_load %arg15[%get3A_743, %get3A_744] {strides = array<i32>} : memref<64x128xf32, #tpu.memory_space<vmem>>, vector<16xf32>,
          %mul3A_746 = arith.mulf %get3A_271, %get3A_745 : vector<16xf32>
          %add3A_747 = arith.addf %mul3A_737, %mul3A_746 : vector<16xf32>
          %get3A_748 = arith.index_cast %add3A_729 : i32 to index
          %get3A_749 = arith.constant 64 : index
          %get3A_750 = tpu.vector_load %arg15[%get3A_748, %get3A_749] {strides = array<i32>} : memref<64x128xf32, #tpu.memory_space<vmem>>, vector<16xf32>,
          %mul3A_751 = arith.mulf %get3A_274, %get3A_750 : vector<16xf32>
          %add3A_752 = arith.addf %add3A_742, %mul3A_751 : vector<16xf32>
          %get3A_753 = arith.index_cast %add3A_729 : i32 to index
          %get3A_754 = arith.constant 80 : index
          %get3A_755 = tpu.vector_load %arg15[%get3A_753, %get3A_754] {strides = array<i32>} : memref<64x128xf32, #tpu.memory_space<vmem>>, vector<16xf32>,
          %mul3A_756 = arith.mulf %get3A_277, %get3A_755 : vector<16xf32>
          %add3A_757 = arith.addf %add3A_747, %mul3A_756 : vector<16xf32>
          %get3A_758 = arith.index_cast %add3A_729 : i32 to index
          %get3A_759 = arith.constant 96 : index
          %get3A_760 = tpu.vector_load %arg15[%get3A_758, %get3A_759] {strides = array<i32>} : memref<64x128xf32, #tpu.memory_space<vmem>>, vector<16xf32>,
          %mul3A_761 = arith.mulf %get3A_280, %get3A_760 : vector<16xf32>
          %add3A_762 = arith.addf %add3A_752, %mul3A_761 : vector<16xf32>
          %get3A_763 = arith.index_cast %add3A_729 : i32 to index
          %get3A_764 = arith.constant 112 : index
          %get3A_765 = tpu.vector_load %arg15[%get3A_763, %get3A_764] {strides = array<i32>} : memref<64x128xf32, #tpu.memory_space<vmem>>, vector<16xf32>,
          %mul3A_766 = arith.mulf %get3A_283, %get3A_765 : vector<16xf32>
          %add3A_767 = arith.addf %add3A_757, %mul3A_766 : vector<16xf32>
          %add3A_768 = arith.addf %add3A_762, %add3A_767 : vector<16xf32>
          %add3A_769 = arith.constant 5 : i32
          %add3A_770 = arith.addi %add3A_563, %add3A_769 : i32
          %get3A_771 = arith.index_cast %add3A_770 : i32 to index
          %get3A_772 = arith.constant 0 : index
          %get3A_773 = tpu.vector_load %arg15[%get3A_771, %get3A_772] {strides = array<i32>} : memref<64x128xf32, #tpu.memory_space<vmem>>, vector<16xf32>,
          %mul3A_774 = arith.mulf %get3A_262, %get3A_773 : vector<16xf32>
          %get3A_775 = arith.index_cast %add3A_770 : i32 to index
          %get3A_776 = arith.constant 16 : index
          %get3A_777 = tpu.vector_load %arg15[%get3A_775, %get3A_776] {strides = array<i32>} : memref<64x128xf32, #tpu.memory_space<vmem>>, vector<16xf32>,
          %mul3A_778 = arith.mulf %get3A_265, %get3A_777 : vector<16xf32>
          %get3A_779 = arith.index_cast %add3A_770 : i32 to index
          %get3A_780 = arith.constant 32 : index
          %get3A_781 = tpu.vector_load %arg15[%get3A_779, %get3A_780] {strides = array<i32>} : memref<64x128xf32, #tpu.memory_space<vmem>>, vector<16xf32>,
          %mul3A_782 = arith.mulf %get3A_268, %get3A_781 : vector<16xf32>
          %add3A_783 = arith.addf %mul3A_774, %mul3A_782 : vector<16xf32>
          %get3A_784 = arith.index_cast %add3A_770 : i32 to index
          %get3A_785 = arith.constant 48 : index
          %get3A_786 = tpu.vector_load %arg15[%get3A_784, %get3A_785] {strides = array<i32>} : memref<64x128xf32, #tpu.memory_space<vmem>>, vector<16xf32>,
          %mul3A_787 = arith.mulf %get3A_271, %get3A_786 : vector<16xf32>
          %add3A_788 = arith.addf %mul3A_778, %mul3A_787 : vector<16xf32>
          %get3A_789 = arith.index_cast %add3A_770 : i32 to index
          %get3A_790 = arith.constant 64 : index
          %get3A_791 = tpu.vector_load %arg15[%get3A_789, %get3A_790] {strides = array<i32>} : memref<64x128xf32, #tpu.memory_space<vmem>>, vector<16xf32>,
          %mul3A_792 = arith.mulf %get3A_274, %get3A_791 : vector<16xf32>
          %add3A_793 = arith.addf %add3A_783, %mul3A_792 : vector<16xf32>
          %get3A_794 = arith.index_cast %add3A_770 : i32 to index
          %get3A_795 = arith.constant 80 : index
          %get3A_796 = tpu.vector_load %arg15[%get3A_794, %get3A_795] {strides = array<i32>} : memref<64x128xf32, #tpu.memory_space<vmem>>, vector<16xf32>,
          %mul3A_797 = arith.mulf %get3A_277, %get3A_796 : vector<16xf32>
          %add3A_798 = arith.addf %add3A_788, %mul3A_797 : vector<16xf32>
          %get3A_799 = arith.index_cast %add3A_770 : i32 to index
          %get3A_800 = arith.constant 96 : index
          %get3A_801 = tpu.vector_load %arg15[%get3A_799, %get3A_800] {strides = array<i32>} : memref<64x128xf32, #tpu.memory_space<vmem>>, vector<16xf32>,
          %mul3A_802 = arith.mulf %get3A_280, %get3A_801 : vector<16xf32>
          %add3A_803 = arith.addf %add3A_793, %mul3A_802 : vector<16xf32>
          %get3A_804 = arith.index_cast %add3A_770 : i32 to index
          %get3A_805 = arith.constant 112 : index
          %get3A_806 = tpu.vector_load %arg15[%get3A_804, %get3A_805] {strides = array<i32>} : memref<64x128xf32, #tpu.memory_space<vmem>>, vector<16xf32>,
          %mul3A_807 = arith.mulf %get3A_283, %get3A_806 : vector<16xf32>
          %add3A_808 = arith.addf %add3A_798, %mul3A_807 : vector<16xf32>
          %add3A_809 = arith.addf %add3A_803, %add3A_808 : vector<16xf32>
          %add3A_810 = arith.constant 6 : i32
          %add3A_811 = arith.addi %add3A_563, %add3A_810 : i32
          %get3A_812 = arith.index_cast %add3A_811 : i32 to index
          %get3A_813 = arith.constant 0 : index
          %get3A_814 = tpu.vector_load %arg15[%get3A_812, %get3A_813] {strides = array<i32>} : memref<64x128xf32, #tpu.memory_space<vmem>>, vector<16xf32>,
          %mul3A_815 = arith.mulf %get3A_262, %get3A_814 : vector<16xf32>
          %get3A_816 = arith.index_cast %add3A_811 : i32 to index
          %get3A_817 = arith.constant 16 : index
          %get3A_818 = tpu.vector_load %arg15[%get3A_816, %get3A_817] {strides = array<i32>} : memref<64x128xf32, #tpu.memory_space<vmem>>, vector<16xf32>,
          %mul3A_819 = arith.mulf %get3A_265, %get3A_818 : vector<16xf32>
          %get3A_820 = arith.index_cast %add3A_811 : i32 to index
          %get3A_821 = arith.constant 32 : index
          %get3A_822 = tpu.vector_load %arg15[%get3A_820, %get3A_821] {strides = array<i32>} : memref<64x128xf32, #tpu.memory_space<vmem>>, vector<16xf32>,
          %mul3A_823 = arith.mulf %get3A_268, %get3A_822 : vector<16xf32>
          %add3A_824 = arith.addf %mul3A_815, %mul3A_823 : vector<16xf32>
          %get3A_825 = arith.index_cast %add3A_811 : i32 to index
          %get3A_826 = arith.constant 48 : index
          %get3A_827 = tpu.vector_load %arg15[%get3A_825, %get3A_826] {strides = array<i32>} : memref<64x128xf32, #tpu.memory_space<vmem>>, vector<16xf32>,
          %mul3A_828 = arith.mulf %get3A_271, %get3A_827 : vector<16xf32>
          %add3A_829 = arith.addf %mul3A_819, %mul3A_828 : vector<16xf32>
          %get3A_830 = arith.index_cast %add3A_811 : i32 to index
          %get3A_831 = arith.constant 64 : index
          %get3A_832 = tpu.vector_load %arg15[%get3A_830, %get3A_831] {strides = array<i32>} : memref<64x128xf32, #tpu.memory_space<vmem>>, vector<16xf32>,
          %mul3A_833 = arith.mulf %get3A_274, %get3A_832 : vector<16xf32>
          %add3A_834 = arith.addf %add3A_824, %mul3A_833 : vector<16xf32>
          %get3A_835 = arith.index_cast %add3A_811 : i32 to index
          %get3A_836 = arith.constant 80 : index
          %get3A_837 = tpu.vector_load %arg15[%get3A_835, %get3A_836] {strides = array<i32>} : memref<64x128xf32, #tpu.memory_space<vmem>>, vector<16xf32>,
          %mul3A_838 = arith.mulf %get3A_277, %get3A_837 : vector<16xf32>
          %add3A_839 = arith.addf %add3A_829, %mul3A_838 : vector<16xf32>
          %get3A_840 = arith.index_cast %add3A_811 : i32 to index
          %get3A_841 = arith.constant 96 : index
          %get3A_842 = tpu.vector_load %arg15[%get3A_840, %get3A_841] {strides = array<i32>} : memref<64x128xf32, #tpu.memory_space<vmem>>, vector<16xf32>,
          %mul3A_843 = arith.mulf %get3A_280, %get3A_842 : vector<16xf32>
          %add3A_844 = arith.addf %add3A_834, %mul3A_843 : vector<16xf32>
          %get3A_845 = arith.index_cast %add3A_811 : i32 to index
          %get3A_846 = arith.constant 112 : index
          %get3A_847 = tpu.vector_load %arg15[%get3A_845, %get3A_846] {strides = array<i32>} : memref<64x128xf32, #tpu.memory_space<vmem>>, vector<16xf32>,
          %mul3A_848 = arith.mulf %get3A_283, %get3A_847 : vector<16xf32>
          %add3A_849 = arith.addf %add3A_839, %mul3A_848 : vector<16xf32>
          %add3A_850 = arith.addf %add3A_844, %add3A_849 : vector<16xf32>
          %add3A_851 = arith.constant 7 : i32
          %add3A_852 = arith.addi %add3A_563, %add3A_851 : i32
          %get3A_853 = arith.index_cast %add3A_852 : i32 to index
          %get3A_854 = arith.constant 0 : index
          %get3A_855 = tpu.vector_load %arg15[%get3A_853, %get3A_854] {strides = array<i32>} : memref<64x128xf32, #tpu.memory_space<vmem>>, vector<16xf32>,
          %mul3A_856 = arith.mulf %get3A_262, %get3A_855 : vector<16xf32>
          %get3A_857 = arith.index_cast %add3A_852 : i32 to index
          %get3A_858 = arith.constant 16 : index
          %get3A_859 = tpu.vector_load %arg15[%get3A_857, %get3A_858] {strides = array<i32>} : memref<64x128xf32, #tpu.memory_space<vmem>>, vector<16xf32>,
          %mul3A_860 = arith.mulf %get3A_265, %get3A_859 : vector<16xf32>
          %get3A_861 = arith.index_cast %add3A_852 : i32 to index
          %get3A_862 = arith.constant 32 : index
          %get3A_863 = tpu.vector_load %arg15[%get3A_861, %get3A_862] {strides = array<i32>} : memref<64x128xf32, #tpu.memory_space<vmem>>, vector<16xf32>,
          %mul3A_864 = arith.mulf %get3A_268, %get3A_863 : vector<16xf32>
          %add3A_865 = arith.addf %mul3A_856, %mul3A_864 : vector<16xf32>
          %get3A_866 = arith.index_cast %add3A_852 : i32 to index
          %get3A_867 = arith.constant 48 : index
          %get3A_868 = tpu.vector_load %arg15[%get3A_866, %get3A_867] {strides = array<i32>} : memref<64x128xf32, #tpu.memory_space<vmem>>, vector<16xf32>,
          %mul3A_869 = arith.mulf %get3A_271, %get3A_868 : vector<16xf32>
          %add3A_870 = arith.addf %mul3A_860, %mul3A_869 : vector<16xf32>
          %get3A_871 = arith.index_cast %add3A_852 : i32 to index
          %get3A_872 = arith.constant 64 : index
          %get3A_873 = tpu.vector_load %arg15[%get3A_871, %get3A_872] {strides = array<i32>} : memref<64x128xf32, #tpu.memory_space<vmem>>, vector<16xf32>,
          %mul3A_874 = arith.mulf %get3A_274, %get3A_873 : vector<16xf32>
          %add3A_875 = arith.addf %add3A_865, %mul3A_874 : vector<16xf32>
          %get3A_876 = arith.index_cast %add3A_852 : i32 to index
          %get3A_877 = arith.constant 80 : index
          %get3A_878 = tpu.vector_load %arg15[%get3A_876, %get3A_877] {strides = array<i32>} : memref<64x128xf32, #tpu.memory_space<vmem>>, vector<16xf32>,
          %mul3A_879 = arith.mulf %get3A_277, %get3A_878 : vector<16xf32>
          %add3A_880 = arith.addf %add3A_870, %mul3A_879 : vector<16xf32>
          %get3A_881 = arith.index_cast %add3A_852 : i32 to index
          %get3A_882 = arith.constant 96 : index
          %get3A_883 = tpu.vector_load %arg15[%get3A_881, %get3A_882] {strides = array<i32>} : memref<64x128xf32, #tpu.memory_space<vmem>>, vector<16xf32>,
          %mul3A_884 = arith.mulf %get3A_280, %get3A_883 : vector<16xf32>
          %add3A_885 = arith.addf %add3A_875, %mul3A_884 : vector<16xf32>
          %get3A_886 = arith.index_cast %add3A_852 : i32 to index
          %get3A_887 = arith.constant 112 : index
          %get3A_888 = tpu.vector_load %arg15[%get3A_886, %get3A_887] {strides = array<i32>} : memref<64x128xf32, #tpu.memory_space<vmem>>, vector<16xf32>,
          %mul3A_889 = arith.mulf %get3A_283, %get3A_888 : vector<16xf32>
          %add3A_890 = arith.addf %add3A_880, %mul3A_889 : vector<16xf32>
          %add3A_891 = arith.addf %add3A_885, %add3A_890 : vector<16xf32>
          %add3A_892 = arith.constant 8 : i32
          %add3A_893 = arith.addi %add3A_563, %add3A_892 : i32
          %get3A_894 = arith.index_cast %add3A_893 : i32 to index
          %get3A_895 = arith.constant 0 : index
          %get3A_896 = tpu.vector_load %arg15[%get3A_894, %get3A_895] {strides = array<i32>} : memref<64x128xf32, #tpu.memory_space<vmem>>, vector<16xf32>,
          %mul3A_897 = arith.mulf %get3A_262, %get3A_896 : vector<16xf32>
          %get3A_898 = arith.index_cast %add3A_893 : i32 to index
          %get3A_899 = arith.constant 16 : index
          %get3A_900 = tpu.vector_load %arg15[%get3A_898, %get3A_899] {strides = array<i32>} : memref<64x128xf32, #tpu.memory_space<vmem>>, vector<16xf32>,
          %mul3A_901 = arith.mulf %get3A_265, %get3A_900 : vector<16xf32>
          %get3A_902 = arith.index_cast %add3A_893 : i32 to index
          %get3A_903 = arith.constant 32 : index
          %get3A_904 = tpu.vector_load %arg15[%get3A_902, %get3A_903] {strides = array<i32>} : memref<64x128xf32, #tpu.memory_space<vmem>>, vector<16xf32>,
          %mul3A_905 = arith.mulf %get3A_268, %get3A_904 : vector<16xf32>
          %add3A_906 = arith.addf %mul3A_897, %mul3A_905 : vector<16xf32>
          %get3A_907 = arith.index_cast %add3A_893 : i32 to index
          %get3A_908 = arith.constant 48 : index
          %get3A_909 = tpu.vector_load %arg15[%get3A_907, %get3A_908] {strides = array<i32>} : memref<64x128xf32, #tpu.memory_space<vmem>>, vector<16xf32>,
          %mul3A_910 = arith.mulf %get3A_271, %get3A_909 : vector<16xf32>
          %add3A_911 = arith.addf %mul3A_901, %mul3A_910 : vector<16xf32>
          %get3A_912 = arith.index_cast %add3A_893 : i32 to index
          %get3A_913 = arith.constant 64 : index
          %get3A_914 = tpu.vector_load %arg15[%get3A_912, %get3A_913] {strides = array<i32>} : memref<64x128xf32, #tpu.memory_space<vmem>>, vector<16xf32>,
          %mul3A_915 = arith.mulf %get3A_274, %get3A_914 : vector<16xf32>
          %add3A_916 = arith.addf %add3A_906, %mul3A_915 : vector<16xf32>
          %get3A_917 = arith.index_cast %add3A_893 : i32 to index
          %get3A_918 = arith.constant 80 : index
          %get3A_919 = tpu.vector_load %arg15[%get3A_917, %get3A_918] {strides = array<i32>} : memref<64x128xf32, #tpu.memory_space<vmem>>, vector<16xf32>,
          %mul3A_920 = arith.mulf %get3A_277, %get3A_919 : vector<16xf32>
          %add3A_921 = arith.addf %add3A_911, %mul3A_920 : vector<16xf32>
          %get3A_922 = arith.index_cast %add3A_893 : i32 to index
          %get3A_923 = arith.constant 96 : index
          %get3A_924 = tpu.vector_load %arg15[%get3A_922, %get3A_923] {strides = array<i32>} : memref<64x128xf32, #tpu.memory_space<vmem>>, vector<16xf32>,
          %mul3A_925 = arith.mulf %get3A_280, %get3A_924 : vector<16xf32>
          %add3A_926 = arith.addf %add3A_916, %mul3A_925 : vector<16xf32>
          %get3A_927 = arith.index_cast %add3A_893 : i32 to index
          %get3A_928 = arith.constant 112 : index
          %get3A_929 = tpu.vector_load %arg15[%get3A_927, %get3A_928] {strides = array<i32>} : memref<64x128xf32, #tpu.memory_space<vmem>>, vector<16xf32>,
          %mul3A_930 = arith.mulf %get3A_283, %get3A_929 : vector<16xf32>
          %add3A_931 = arith.addf %add3A_921, %mul3A_930 : vector<16xf32>
          %add3A_932 = arith.addf %add3A_926, %add3A_931 : vector<16xf32>
          %add3A_933 = arith.constant 9 : i32
          %add3A_934 = arith.addi %add3A_563, %add3A_933 : i32
          %get3A_935 = arith.index_cast %add3A_934 : i32 to index
          %get3A_936 = arith.constant 0 : index
          %get3A_937 = tpu.vector_load %arg15[%get3A_935, %get3A_936] {strides = array<i32>} : memref<64x128xf32, #tpu.memory_space<vmem>>, vector<16xf32>,
          %mul3A_938 = arith.mulf %get3A_262, %get3A_937 : vector<16xf32>
          %get3A_939 = arith.index_cast %add3A_934 : i32 to index
          %get3A_940 = arith.constant 16 : index
          %get3A_941 = tpu.vector_load %arg15[%get3A_939, %get3A_940] {strides = array<i32>} : memref<64x128xf32, #tpu.memory_space<vmem>>, vector<16xf32>,
          %mul3A_942 = arith.mulf %get3A_265, %get3A_941 : vector<16xf32>
          %get3A_943 = arith.index_cast %add3A_934 : i32 to index
          %get3A_944 = arith.constant 32 : index
          %get3A_945 = tpu.vector_load %arg15[%get3A_943, %get3A_944] {strides = array<i32>} : memref<64x128xf32, #tpu.memory_space<vmem>>, vector<16xf32>,
          %mul3A_946 = arith.mulf %get3A_268, %get3A_945 : vector<16xf32>
          %add3A_947 = arith.addf %mul3A_938, %mul3A_946 : vector<16xf32>
          %get3A_948 = arith.index_cast %add3A_934 : i32 to index
          %get3A_949 = arith.constant 48 : index
          %get3A_950 = tpu.vector_load %arg15[%get3A_948, %get3A_949] {strides = array<i32>} : memref<64x128xf32, #tpu.memory_space<vmem>>, vector<16xf32>,
          %mul3A_951 = arith.mulf %get3A_271, %get3A_950 : vector<16xf32>
          %add3A_952 = arith.addf %mul3A_942, %mul3A_951 : vector<16xf32>
          %get3A_953 = arith.index_cast %add3A_934 : i32 to index
          %get3A_954 = arith.constant 64 : index
          %get3A_955 = tpu.vector_load %arg15[%get3A_953, %get3A_954] {strides = array<i32>} : memref<64x128xf32, #tpu.memory_space<vmem>>, vector<16xf32>,
          %mul3A_956 = arith.mulf %get3A_274, %get3A_955 : vector<16xf32>
          %add3A_957 = arith.addf %add3A_947, %mul3A_956 : vector<16xf32>
          %get3A_958 = arith.index_cast %add3A_934 : i32 to index
          %get3A_959 = arith.constant 80 : index
          %get3A_960 = tpu.vector_load %arg15[%get3A_958, %get3A_959] {strides = array<i32>} : memref<64x128xf32, #tpu.memory_space<vmem>>, vector<16xf32>,
          %mul3A_961 = arith.mulf %get3A_277, %get3A_960 : vector<16xf32>
          %add3A_962 = arith.addf %add3A_952, %mul3A_961 : vector<16xf32>
          %get3A_963 = arith.index_cast %add3A_934 : i32 to index
          %get3A_964 = arith.constant 96 : index
          %get3A_965 = tpu.vector_load %arg15[%get3A_963, %get3A_964] {strides = array<i32>} : memref<64x128xf32, #tpu.memory_space<vmem>>, vector<16xf32>,
          %mul3A_966 = arith.mulf %get3A_280, %get3A_965 : vector<16xf32>
          %add3A_967 = arith.addf %add3A_957, %mul3A_966 : vector<16xf32>
          %get3A_968 = arith.index_cast %add3A_934 : i32 to index
          %get3A_969 = arith.constant 112 : index
          %get3A_970 = tpu.vector_load %arg15[%get3A_968, %get3A_969] {strides = array<i32>} : memref<64x128xf32, #tpu.memory_space<vmem>>, vector<16xf32>,
          %mul3A_971 = arith.mulf %get3A_283, %get3A_970 : vector<16xf32>
          %add3A_972 = arith.addf %add3A_962, %mul3A_971 : vector<16xf32>
          %add3A_973 = arith.addf %add3A_967, %add3A_972 : vector<16xf32>
          %add3A_974 = arith.constant 10 : i32
          %add3A_975 = arith.addi %add3A_563, %add3A_974 : i32
          %get3A_976 = arith.index_cast %add3A_975 : i32 to index
          %get3A_977 = arith.constant 0 : index
          %get3A_978 = tpu.vector_load %arg15[%get3A_976, %get3A_977] {strides = array<i32>} : memref<64x128xf32, #tpu.memory_space<vmem>>, vector<16xf32>,
          %mul3A_979 = arith.mulf %get3A_262, %get3A_978 : vector<16xf32>
          %get3A_980 = arith.index_cast %add3A_975 : i32 to index
          %get3A_981 = arith.constant 16 : index
          %get3A_982 = tpu.vector_load %arg15[%get3A_980, %get3A_981] {strides = array<i32>} : memref<64x128xf32, #tpu.memory_space<vmem>>, vector<16xf32>,
          %mul3A_983 = arith.mulf %get3A_265, %get3A_982 : vector<16xf32>
          %get3A_984 = arith.index_cast %add3A_975 : i32 to index
          %get3A_985 = arith.constant 32 : index
          %get3A_986 = tpu.vector_load %arg15[%get3A_984, %get3A_985] {strides = array<i32>} : memref<64x128xf32, #tpu.memory_space<vmem>>, vector<16xf32>,
          %mul3A_987 = arith.mulf %get3A_268, %get3A_986 : vector<16xf32>
          %add3A_988 = arith.addf %mul3A_979, %mul3A_987 : vector<16xf32>
          %get3A_989 = arith.index_cast %add3A_975 : i32 to index
          %get3A_990 = arith.constant 48 : index
          %get3A_991 = tpu.vector_load %arg15[%get3A_989, %get3A_990] {strides = array<i32>} : memref<64x128xf32, #tpu.memory_space<vmem>>, vector<16xf32>,
          %mul3A_992 = arith.mulf %get3A_271, %get3A_991 : vector<16xf32>
          %add3A_993 = arith.addf %mul3A_983, %mul3A_992 : vector<16xf32>
          %get3A_994 = arith.index_cast %add3A_975 : i32 to index
          %get3A_995 = arith.constant 64 : index
          %get3A_996 = tpu.vector_load %arg15[%get3A_994, %get3A_995] {strides = array<i32>} : memref<64x128xf32, #tpu.memory_space<vmem>>, vector<16xf32>,
          %mul3A_997 = arith.mulf %get3A_274, %get3A_996 : vector<16xf32>
          %add3A_998 = arith.addf %add3A_988, %mul3A_997 : vector<16xf32>
          %get3A_999 = arith.index_cast %add3A_975 : i32 to index
          %get3A_1000 = arith.constant 80 : index
          %get3A_1001 = tpu.vector_load %arg15[%get3A_999, %get3A_1000] {strides = array<i32>} : memref<64x128xf32, #tpu.memory_space<vmem>>, vector<16xf32>,
          %mul3A_1002 = arith.mulf %get3A_277, %get3A_1001 : vector<16xf32>
          %add3A_1003 = arith.addf %add3A_993, %mul3A_1002 : vector<16xf32>
          %get3A_1004 = arith.index_cast %add3A_975 : i32 to index
          %get3A_1005 = arith.constant 96 : index
          %get3A_1006 = tpu.vector_load %arg15[%get3A_1004, %get3A_1005] {strides = array<i32>} : memref<64x128xf32, #tpu.memory_space<vmem>>, vector<16xf32>,
          %mul3A_1007 = arith.mulf %get3A_280, %get3A_1006 : vector<16xf32>
          %add3A_1008 = arith.addf %add3A_998, %mul3A_1007 : vector<16xf32>
          %get3A_1009 = arith.index_cast %add3A_975 : i32 to index
          %get3A_1010 = arith.constant 112 : index
          %get3A_1011 = tpu.vector_load %arg15[%get3A_1009, %get3A_1010] {strides = array<i32>} : memref<64x128xf32, #tpu.memory_space<vmem>>, vector<16xf32>,
          %mul3A_1012 = arith.mulf %get3A_283, %get3A_1011 : vector<16xf32>
          %add3A_1013 = arith.addf %add3A_1003, %mul3A_1012 : vector<16xf32>
          %add3A_1014 = arith.addf %add3A_1008, %add3A_1013 : vector<16xf32>
          %add3A_1015 = arith.constant 11 : i32
          %add3A_1016 = arith.addi %add3A_563, %add3A_1015 : i32
          %get3A_1017 = arith.index_cast %add3A_1016 : i32 to index
          %get3A_1018 = arith.constant 0 : index
          %get3A_1019 = tpu.vector_load %arg15[%get3A_1017, %get3A_1018] {strides = array<i32>} : memref<64x128xf32, #tpu.memory_space<vmem>>, vector<16xf32>,
          %mul3A_1020 = arith.mulf %get3A_262, %get3A_1019 : vector<16xf32>
          %get3A_1021 = arith.index_cast %add3A_1016 : i32 to index
          %get3A_1022 = arith.constant 16 : index
          %get3A_1023 = tpu.vector_load %arg15[%get3A_1021, %get3A_1022] {strides = array<i32>} : memref<64x128xf32, #tpu.memory_space<vmem>>, vector<16xf32>,
          %mul3A_1024 = arith.mulf %get3A_265, %get3A_1023 : vector<16xf32>
          %get3A_1025 = arith.index_cast %add3A_1016 : i32 to index
          %get3A_1026 = arith.constant 32 : index
          %get3A_1027 = tpu.vector_load %arg15[%get3A_1025, %get3A_1026] {strides = array<i32>} : memref<64x128xf32, #tpu.memory_space<vmem>>, vector<16xf32>,
          %mul3A_1028 = arith.mulf %get3A_268, %get3A_1027 : vector<16xf32>
          %add3A_1029 = arith.addf %mul3A_1020, %mul3A_1028 : vector<16xf32>
          %get3A_1030 = arith.index_cast %add3A_1016 : i32 to index
          %get3A_1031 = arith.constant 48 : index
          %get3A_1032 = tpu.vector_load %arg15[%get3A_1030, %get3A_1031] {strides = array<i32>} : memref<64x128xf32, #tpu.memory_space<vmem>>, vector<16xf32>,
          %mul3A_1033 = arith.mulf %get3A_271, %get3A_1032 : vector<16xf32>
          %add3A_1034 = arith.addf %mul3A_1024, %mul3A_1033 : vector<16xf32>
          %get3A_1035 = arith.index_cast %add3A_1016 : i32 to index
          %get3A_1036 = arith.constant 64 : index
          %get3A_1037 = tpu.vector_load %arg15[%get3A_1035, %get3A_1036] {strides = array<i32>} : memref<64x128xf32, #tpu.memory_space<vmem>>, vector<16xf32>,
          %mul3A_1038 = arith.mulf %get3A_274, %get3A_1037 : vector<16xf32>
          %add3A_1039 = arith.addf %add3A_1029, %mul3A_1038 : vector<16xf32>
          %get3A_1040 = arith.index_cast %add3A_1016 : i32 to index
          %get3A_1041 = arith.constant 80 : index
          %get3A_1042 = tpu.vector_load %arg15[%get3A_1040, %get3A_1041] {strides = array<i32>} : memref<64x128xf32, #tpu.memory_space<vmem>>, vector<16xf32>,
          %mul3A_1043 = arith.mulf %get3A_277, %get3A_1042 : vector<16xf32>
          %add3A_1044 = arith.addf %add3A_1034, %mul3A_1043 : vector<16xf32>
          %get3A_1045 = arith.index_cast %add3A_1016 : i32 to index
          %get3A_1046 = arith.constant 96 : index
          %get3A_1047 = tpu.vector_load %arg15[%get3A_1045, %get3A_1046] {strides = array<i32>} : memref<64x128xf32, #tpu.memory_space<vmem>>, vector<16xf32>,
          %mul3A_1048 = arith.mulf %get3A_280, %get3A_1047 : vector<16xf32>
          %add3A_1049 = arith.addf %add3A_1039, %mul3A_1048 : vector<16xf32>
          %get3A_1050 = arith.index_cast %add3A_1016 : i32 to index
          %get3A_1051 = arith.constant 112 : index
          %get3A_1052 = tpu.vector_load %arg15[%get3A_1050, %get3A_1051] {strides = array<i32>} : memref<64x128xf32, #tpu.memory_space<vmem>>, vector<16xf32>,
          %mul3A_1053 = arith.mulf %get3A_283, %get3A_1052 : vector<16xf32>
          %add3A_1054 = arith.addf %add3A_1044, %mul3A_1053 : vector<16xf32>
          %add3A_1055 = arith.addf %add3A_1049, %add3A_1054 : vector<16xf32>
          %add3A_1056 = arith.constant 12 : i32
          %add3A_1057 = arith.addi %add3A_563, %add3A_1056 : i32
          %get3A_1058 = arith.index_cast %add3A_1057 : i32 to index
          %get3A_1059 = arith.constant 0 : index
          %get3A_1060 = tpu.vector_load %arg15[%get3A_1058, %get3A_1059] {strides = array<i32>} : memref<64x128xf32, #tpu.memory_space<vmem>>, vector<16xf32>,
          %mul3A_1061 = arith.mulf %get3A_262, %get3A_1060 : vector<16xf32>
          %get3A_1062 = arith.index_cast %add3A_1057 : i32 to index
          %get3A_1063 = arith.constant 16 : index
          %get3A_1064 = tpu.vector_load %arg15[%get3A_1062, %get3A_1063] {strides = array<i32>} : memref<64x128xf32, #tpu.memory_space<vmem>>, vector<16xf32>,
          %mul3A_1065 = arith.mulf %get3A_265, %get3A_1064 : vector<16xf32>
          %get3A_1066 = arith.index_cast %add3A_1057 : i32 to index
          %get3A_1067 = arith.constant 32 : index
          %get3A_1068 = tpu.vector_load %arg15[%get3A_1066, %get3A_1067] {strides = array<i32>} : memref<64x128xf32, #tpu.memory_space<vmem>>, vector<16xf32>,
          %mul3A_1069 = arith.mulf %get3A_268, %get3A_1068 : vector<16xf32>
          %add3A_1070 = arith.addf %mul3A_1061, %mul3A_1069 : vector<16xf32>
          %get3A_1071 = arith.index_cast %add3A_1057 : i32 to index
          %get3A_1072 = arith.constant 48 : index
          %get3A_1073 = tpu.vector_load %arg15[%get3A_1071, %get3A_1072] {strides = array<i32>} : memref<64x128xf32, #tpu.memory_space<vmem>>, vector<16xf32>,
          %mul3A_1074 = arith.mulf %get3A_271, %get3A_1073 : vector<16xf32>
          %add3A_1075 = arith.addf %mul3A_1065, %mul3A_1074 : vector<16xf32>
          %get3A_1076 = arith.index_cast %add3A_1057 : i32 to index
          %get3A_1077 = arith.constant 64 : index
          %get3A_1078 = tpu.vector_load %arg15[%get3A_1076, %get3A_1077] {strides = array<i32>} : memref<64x128xf32, #tpu.memory_space<vmem>>, vector<16xf32>,
          %mul3A_1079 = arith.mulf %get3A_274, %get3A_1078 : vector<16xf32>
          %add3A_1080 = arith.addf %add3A_1070, %mul3A_1079 : vector<16xf32>
          %get3A_1081 = arith.index_cast %add3A_1057 : i32 to index
          %get3A_1082 = arith.constant 80 : index
          %get3A_1083 = tpu.vector_load %arg15[%get3A_1081, %get3A_1082] {strides = array<i32>} : memref<64x128xf32, #tpu.memory_space<vmem>>, vector<16xf32>,
          %mul3A_1084 = arith.mulf %get3A_277, %get3A_1083 : vector<16xf32>
          %add3A_1085 = arith.addf %add3A_1075, %mul3A_1084 : vector<16xf32>
          %get3A_1086 = arith.index_cast %add3A_1057 : i32 to index
          %get3A_1087 = arith.constant 96 : index
          %get3A_1088 = tpu.vector_load %arg15[%get3A_1086, %get3A_1087] {strides = array<i32>} : memref<64x128xf32, #tpu.memory_space<vmem>>, vector<16xf32>,
          %mul3A_1089 = arith.mulf %get3A_280, %get3A_1088 : vector<16xf32>
          %add3A_1090 = arith.addf %add3A_1080, %mul3A_1089 : vector<16xf32>
          %get3A_1091 = arith.index_cast %add3A_1057 : i32 to index
          %get3A_1092 = arith.constant 112 : index
          %get3A_1093 = tpu.vector_load %arg15[%get3A_1091, %get3A_1092] {strides = array<i32>} : memref<64x128xf32, #tpu.memory_space<vmem>>, vector<16xf32>,
          %mul3A_1094 = arith.mulf %get3A_283, %get3A_1093 : vector<16xf32>
          %add3A_1095 = arith.addf %add3A_1085, %mul3A_1094 : vector<16xf32>
          %add3A_1096 = arith.addf %add3A_1090, %add3A_1095 : vector<16xf32>
          %add3A_1097 = arith.constant 13 : i32
          %add3A_1098 = arith.addi %add3A_563, %add3A_1097 : i32
          %get3A_1099 = arith.index_cast %add3A_1098 : i32 to index
          %get3A_1100 = arith.constant 0 : index
          %get3A_1101 = tpu.vector_load %arg15[%get3A_1099, %get3A_1100] {strides = array<i32>} : memref<64x128xf32, #tpu.memory_space<vmem>>, vector<16xf32>,
          %mul3A_1102 = arith.mulf %get3A_262, %get3A_1101 : vector<16xf32>
          %get3A_1103 = arith.index_cast %add3A_1098 : i32 to index
          %get3A_1104 = arith.constant 16 : index
          %get3A_1105 = tpu.vector_load %arg15[%get3A_1103, %get3A_1104] {strides = array<i32>} : memref<64x128xf32, #tpu.memory_space<vmem>>, vector<16xf32>,
          %mul3A_1106 = arith.mulf %get3A_265, %get3A_1105 : vector<16xf32>
          %get3A_1107 = arith.index_cast %add3A_1098 : i32 to index
          %get3A_1108 = arith.constant 32 : index
          %get3A_1109 = tpu.vector_load %arg15[%get3A_1107, %get3A_1108] {strides = array<i32>} : memref<64x128xf32, #tpu.memory_space<vmem>>, vector<16xf32>,
          %mul3A_1110 = arith.mulf %get3A_268, %get3A_1109 : vector<16xf32>
          %add3A_1111 = arith.addf %mul3A_1102, %mul3A_1110 : vector<16xf32>
          %get3A_1112 = arith.index_cast %add3A_1098 : i32 to index
          %get3A_1113 = arith.constant 48 : index
          %get3A_1114 = tpu.vector_load %arg15[%get3A_1112, %get3A_1113] {strides = array<i32>} : memref<64x128xf32, #tpu.memory_space<vmem>>, vector<16xf32>,
          %mul3A_1115 = arith.mulf %get3A_271, %get3A_1114 : vector<16xf32>
          %add3A_1116 = arith.addf %mul3A_1106, %mul3A_1115 : vector<16xf32>
          %get3A_1117 = arith.index_cast %add3A_1098 : i32 to index
          %get3A_1118 = arith.constant 64 : index
          %get3A_1119 = tpu.vector_load %arg15[%get3A_1117, %get3A_1118] {strides = array<i32>} : memref<64x128xf32, #tpu.memory_space<vmem>>, vector<16xf32>,
          %mul3A_1120 = arith.mulf %get3A_274, %get3A_1119 : vector<16xf32>
          %add3A_1121 = arith.addf %add3A_1111, %mul3A_1120 : vector<16xf32>
          %get3A_1122 = arith.index_cast %add3A_1098 : i32 to index
          %get3A_1123 = arith.constant 80 : index
          %get3A_1124 = tpu.vector_load %arg15[%get3A_1122, %get3A_1123] {strides = array<i32>} : memref<64x128xf32, #tpu.memory_space<vmem>>, vector<16xf32>,
          %mul3A_1125 = arith.mulf %get3A_277, %get3A_1124 : vector<16xf32>
          %add3A_1126 = arith.addf %add3A_1116, %mul3A_1125 : vector<16xf32>
          %get3A_1127 = arith.index_cast %add3A_1098 : i32 to index
          %get3A_1128 = arith.constant 96 : index
          %get3A_1129 = tpu.vector_load %arg15[%get3A_1127, %get3A_1128] {strides = array<i32>} : memref<64x128xf32, #tpu.memory_space<vmem>>, vector<16xf32>,
          %mul3A_1130 = arith.mulf %get3A_280, %get3A_1129 : vector<16xf32>
          %add3A_1131 = arith.addf %add3A_1121, %mul3A_1130 : vector<16xf32>
          %get3A_1132 = arith.index_cast %add3A_1098 : i32 to index
          %get3A_1133 = arith.constant 112 : index
          %get3A_1134 = tpu.vector_load %arg15[%get3A_1132, %get3A_1133] {strides = array<i32>} : memref<64x128xf32, #tpu.memory_space<vmem>>, vector<16xf32>,
          %mul3A_1135 = arith.mulf %get3A_283, %get3A_1134 : vector<16xf32>
          %add3A_1136 = arith.addf %add3A_1126, %mul3A_1135 : vector<16xf32>
          %add3A_1137 = arith.addf %add3A_1131, %add3A_1136 : vector<16xf32>
          %add3A_1138 = arith.constant 14 : i32
          %add3A_1139 = arith.addi %add3A_563, %add3A_1138 : i32
          %get3A_1140 = arith.index_cast %add3A_1139 : i32 to index
          %get3A_1141 = arith.constant 0 : index
          %get3A_1142 = tpu.vector_load %arg15[%get3A_1140, %get3A_1141] {strides = array<i32>} : memref<64x128xf32, #tpu.memory_space<vmem>>, vector<16xf32>,
          %mul3A_1143 = arith.mulf %get3A_262, %get3A_1142 : vector<16xf32>
          %get3A_1144 = arith.index_cast %add3A_1139 : i32 to index
          %get3A_1145 = arith.constant 16 : index
          %get3A_1146 = tpu.vector_load %arg15[%get3A_1144, %get3A_1145] {strides = array<i32>} : memref<64x128xf32, #tpu.memory_space<vmem>>, vector<16xf32>,
          %mul3A_1147 = arith.mulf %get3A_265, %get3A_1146 : vector<16xf32>
          %get3A_1148 = arith.index_cast %add3A_1139 : i32 to index
          %get3A_1149 = arith.constant 32 : index
          %get3A_1150 = tpu.vector_load %arg15[%get3A_1148, %get3A_1149] {strides = array<i32>} : memref<64x128xf32, #tpu.memory_space<vmem>>, vector<16xf32>,
          %mul3A_1151 = arith.mulf %get3A_268, %get3A_1150 : vector<16xf32>
          %add3A_1152 = arith.addf %mul3A_1143, %mul3A_1151 : vector<16xf32>
          %get3A_1153 = arith.index_cast %add3A_1139 : i32 to index
          %get3A_1154 = arith.constant 48 : index
          %get3A_1155 = tpu.vector_load %arg15[%get3A_1153, %get3A_1154] {strides = array<i32>} : memref<64x128xf32, #tpu.memory_space<vmem>>, vector<16xf32>,
          %mul3A_1156 = arith.mulf %get3A_271, %get3A_1155 : vector<16xf32>
          %add3A_1157 = arith.addf %mul3A_1147, %mul3A_1156 : vector<16xf32>
          %get3A_1158 = arith.index_cast %add3A_1139 : i32 to index
          %get3A_1159 = arith.constant 64 : index
          %get3A_1160 = tpu.vector_load %arg15[%get3A_1158, %get3A_1159] {strides = array<i32>} : memref<64x128xf32, #tpu.memory_space<vmem>>, vector<16xf32>,
          %mul3A_1161 = arith.mulf %get3A_274, %get3A_1160 : vector<16xf32>
          %add3A_1162 = arith.addf %add3A_1152, %mul3A_1161 : vector<16xf32>
          %get3A_1163 = arith.index_cast %add3A_1139 : i32 to index
          %get3A_1164 = arith.constant 80 : index
          %get3A_1165 = tpu.vector_load %arg15[%get3A_1163, %get3A_1164] {strides = array<i32>} : memref<64x128xf32, #tpu.memory_space<vmem>>, vector<16xf32>,
          %mul3A_1166 = arith.mulf %get3A_277, %get3A_1165 : vector<16xf32>
          %add3A_1167 = arith.addf %add3A_1157, %mul3A_1166 : vector<16xf32>
          %get3A_1168 = arith.index_cast %add3A_1139 : i32 to index
          %get3A_1169 = arith.constant 96 : index
          %get3A_1170 = tpu.vector_load %arg15[%get3A_1168, %get3A_1169] {strides = array<i32>} : memref<64x128xf32, #tpu.memory_space<vmem>>, vector<16xf32>,
          %mul3A_1171 = arith.mulf %get3A_280, %get3A_1170 : vector<16xf32>
          %add3A_1172 = arith.addf %add3A_1162, %mul3A_1171 : vector<16xf32>
          %get3A_1173 = arith.index_cast %add3A_1139 : i32 to index
          %get3A_1174 = arith.constant 112 : index
          %get3A_1175 = tpu.vector_load %arg15[%get3A_1173, %get3A_1174] {strides = array<i32>} : memref<64x128xf32, #tpu.memory_space<vmem>>, vector<16xf32>,
          %mul3A_1176 = arith.mulf %get3A_283, %get3A_1175 : vector<16xf32>
          %add3A_1177 = arith.addf %add3A_1167, %mul3A_1176 : vector<16xf32>
          %add3A_1178 = arith.addf %add3A_1172, %add3A_1177 : vector<16xf32>
          %add3A_1179 = arith.constant 15 : i32
          %add3A_1180 = arith.addi %add3A_563, %add3A_1179 : i32
          %get3A_1181 = arith.index_cast %add3A_1180 : i32 to index
          %get3A_1182 = arith.constant 0 : index
          %get3A_1183 = tpu.vector_load %arg15[%get3A_1181, %get3A_1182] {strides = array<i32>} : memref<64x128xf32, #tpu.memory_space<vmem>>, vector<16xf32>,
          %mul3A_1184 = arith.mulf %get3A_262, %get3A_1183 : vector<16xf32>
          %get3A_1185 = arith.index_cast %add3A_1180 : i32 to index
          %get3A_1186 = arith.constant 16 : index
          %get3A_1187 = tpu.vector_load %arg15[%get3A_1185, %get3A_1186] {strides = array<i32>} : memref<64x128xf32, #tpu.memory_space<vmem>>, vector<16xf32>,
          %mul3A_1188 = arith.mulf %get3A_265, %get3A_1187 : vector<16xf32>
          %get3A_1189 = arith.index_cast %add3A_1180 : i32 to index
          %get3A_1190 = arith.constant 32 : index
          %get3A_1191 = tpu.vector_load %arg15[%get3A_1189, %get3A_1190] {strides = array<i32>} : memref<64x128xf32, #tpu.memory_space<vmem>>, vector<16xf32>,
          %mul3A_1192 = arith.mulf %get3A_268, %get3A_1191 : vector<16xf32>
          %add3A_1193 = arith.addf %mul3A_1184, %mul3A_1192 : vector<16xf32>
          %get3A_1194 = arith.index_cast %add3A_1180 : i32 to index
          %get3A_1195 = arith.constant 48 : index
          %get3A_1196 = tpu.vector_load %arg15[%get3A_1194, %get3A_1195] {strides = array<i32>} : memref<64x128xf32, #tpu.memory_space<vmem>>, vector<16xf32>,
          %mul3A_1197 = arith.mulf %get3A_271, %get3A_1196 : vector<16xf32>
          %add3A_1198 = arith.addf %mul3A_1188, %mul3A_1197 : vector<16xf32>
          %get3A_1199 = arith.index_cast %add3A_1180 : i32 to index
          %get3A_1200 = arith.constant 64 : index
          %get3A_1201 = tpu.vector_load %arg15[%get3A_1199, %get3A_1200] {strides = array<i32>} : memref<64x128xf32, #tpu.memory_space<vmem>>, vector<16xf32>,
          %mul3A_1202 = arith.mulf %get3A_274, %get3A_1201 : vector<16xf32>
          %add3A_1203 = arith.addf %add3A_1193, %mul3A_1202 : vector<16xf32>
          %get3A_1204 = arith.index_cast %add3A_1180 : i32 to index
          %get3A_1205 = arith.constant 80 : index
          %get3A_1206 = tpu.vector_load %arg15[%get3A_1204, %get3A_1205] {strides = array<i32>} : memref<64x128xf32, #tpu.memory_space<vmem>>, vector<16xf32>,
          %mul3A_1207 = arith.mulf %get3A_277, %get3A_1206 : vector<16xf32>
          %add3A_1208 = arith.addf %add3A_1198, %mul3A_1207 : vector<16xf32>
          %get3A_1209 = arith.index_cast %add3A_1180 : i32 to index
          %get3A_1210 = arith.constant 96 : index
          %get3A_1211 = tpu.vector_load %arg15[%get3A_1209, %get3A_1210] {strides = array<i32>} : memref<64x128xf32, #tpu.memory_space<vmem>>, vector<16xf32>,
          %mul3A_1212 = arith.mulf %get3A_280, %get3A_1211 : vector<16xf32>
          %add3A_1213 = arith.addf %add3A_1203, %mul3A_1212 : vector<16xf32>
          %get3A_1214 = arith.index_cast %add3A_1180 : i32 to index
          %get3A_1215 = arith.constant 112 : index
          %get3A_1216 = tpu.vector_load %arg15[%get3A_1214, %get3A_1215] {strides = array<i32>} : memref<64x128xf32, #tpu.memory_space<vmem>>, vector<16xf32>,
          %mul3A_1217 = arith.mulf %get3A_283, %get3A_1216 : vector<16xf32>
          %add3A_1218 = arith.addf %add3A_1208, %mul3A_1217 : vector<16xf32>
          %add3A_1219 = arith.addf %add3A_1213, %add3A_1218 : vector<16xf32>
          %add3A_1220 = arith.constant 0 : i32
          %add3A_1221 = vector.broadcast %add3A_1220 : i32 to vector<16xi32>
          %add3A_1222 = arith.addi %scan3A_559, %add3A_1221 : vector<16xi32>
          %broadcast_in_dim3A_1223 = arith.constant true
          %broadcast_in_dim3A_1224 = vector.broadcast %broadcast_in_dim3A_1223 : i1 to vector<16xi1>
          %masked_cumsum3A_1225 = tpu.scan <sum>, %add3A_604 masked %broadcast_in_dim3A_1224 : vector<16xf32>, vector<16xi1> -> vector<16xf32>
          tpu.vector_store_idx %arg19[%add3A_1222], %masked_cumsum3A_1225 masked %eq3A_4 : memref<64xf32, #tpu.memory_space<vmem>>[vector<16xi32>], vector<16xf32>, vector<16xi1>
          %add3A_1226 = arith.constant 1 : i32
          %add3A_1227 = vector.broadcast %add3A_1226 : i32 to vector<16xi32>
          %add3A_1228 = arith.addi %scan3A_559, %add3A_1227 : vector<16xi32>
          %broadcast_in_dim3A_1229 = arith.constant true
          %broadcast_in_dim3A_1230 = vector.broadcast %broadcast_in_dim3A_1229 : i1 to vector<16xi1>
          %masked_cumsum3A_1231 = tpu.scan <sum>, %add3A_645 masked %broadcast_in_dim3A_1230 : vector<16xf32>, vector<16xi1> -> vector<16xf32>
          tpu.vector_store_idx %arg19[%add3A_1228], %masked_cumsum3A_1231 masked %eq3A_4 : memref<64xf32, #tpu.memory_space<vmem>>[vector<16xi32>], vector<16xf32>, vector<16xi1>
          %add3A_1232 = arith.constant 2 : i32
          %add3A_1233 = vector.broadcast %add3A_1232 : i32 to vector<16xi32>
          %add3A_1234 = arith.addi %scan3A_559, %add3A_1233 : vector<16xi32>
          %broadcast_in_dim3A_1235 = arith.constant true
          %broadcast_in_dim3A_1236 = vector.broadcast %broadcast_in_dim3A_1235 : i1 to vector<16xi1>
          %masked_cumsum3A_1237 = tpu.scan <sum>, %add3A_686 masked %broadcast_in_dim3A_1236 : vector<16xf32>, vector<16xi1> -> vector<16xf32>
          tpu.vector_store_idx %arg19[%add3A_1234], %masked_cumsum3A_1237 masked %eq3A_4 : memref<64xf32, #tpu.memory_space<vmem>>[vector<16xi32>], vector<16xf32>, vector<16xi1>
          %add3A_1238 = arith.constant 3 : i32
          %add3A_1239 = vector.broadcast %add3A_1238 : i32 to vector<16xi32>
          %add3A_1240 = arith.addi %scan3A_559, %add3A_1239 : vector<16xi32>
          %broadcast_in_dim3A_1241 = arith.constant true
          %broadcast_in_dim3A_1242 = vector.broadcast %broadcast_in_dim3A_1241 : i1 to vector<16xi1>
          %masked_cumsum3A_1243 = tpu.scan <sum>, %add3A_727 masked %broadcast_in_dim3A_1242 : vector<16xf32>, vector<16xi1> -> vector<16xf32>
          tpu.vector_store_idx %arg19[%add3A_1240], %masked_cumsum3A_1243 masked %eq3A_4 : memref<64xf32, #tpu.memory_space<vmem>>[vector<16xi32>], vector<16xf32>, vector<16xi1>
          %add3A_1244 = arith.constant 4 : i32
          %add3A_1245 = vector.broadcast %add3A_1244 : i32 to vector<16xi32>
          %add3A_1246 = arith.addi %scan3A_559, %add3A_1245 : vector<16xi32>
          %broadcast_in_dim3A_1247 = arith.constant true
          %broadcast_in_dim3A_1248 = vector.broadcast %broadcast_in_dim3A_1247 : i1 to vector<16xi1>
          %masked_cumsum3A_1249 = tpu.scan <sum>, %add3A_768 masked %broadcast_in_dim3A_1248 : vector<16xf32>, vector<16xi1> -> vector<16xf32>
          tpu.vector_store_idx %arg19[%add3A_1246], %masked_cumsum3A_1249 masked %eq3A_4 : memref<64xf32, #tpu.memory_space<vmem>>[vector<16xi32>], vector<16xf32>, vector<16xi1>
          %add3A_1250 = arith.constant 5 : i32
          %add3A_1251 = vector.broadcast %add3A_1250 : i32 to vector<16xi32>
          %add3A_1252 = arith.addi %scan3A_559, %add3A_1251 : vector<16xi32>
          %broadcast_in_dim3A_1253 = arith.constant true
          %broadcast_in_dim3A_1254 = vector.broadcast %broadcast_in_dim3A_1253 : i1 to vector<16xi1>
          %masked_cumsum3A_1255 = tpu.scan <sum>, %add3A_809 masked %broadcast_in_dim3A_1254 : vector<16xf32>, vector<16xi1> -> vector<16xf32>
          tpu.vector_store_idx %arg19[%add3A_1252], %masked_cumsum3A_1255 masked %eq3A_4 : memref<64xf32, #tpu.memory_space<vmem>>[vector<16xi32>], vector<16xf32>, vector<16xi1>
          %add3A_1256 = arith.constant 6 : i32
          %add3A_1257 = vector.broadcast %add3A_1256 : i32 to vector<16xi32>
          %add3A_1258 = arith.addi %scan3A_559, %add3A_1257 : vector<16xi32>
          %broadcast_in_dim3A_1259 = arith.constant true
          %broadcast_in_dim3A_1260 = vector.broadcast %broadcast_in_dim3A_1259 : i1 to vector<16xi1>
          %masked_cumsum3A_1261 = tpu.scan <sum>, %add3A_850 masked %broadcast_in_dim3A_1260 : vector<16xf32>, vector<16xi1> -> vector<16xf32>
          tpu.vector_store_idx %arg19[%add3A_1258], %masked_cumsum3A_1261 masked %eq3A_4 : memref<64xf32, #tpu.memory_space<vmem>>[vector<16xi32>], vector<16xf32>, vector<16xi1>
          %add3A_1262 = arith.constant 7 : i32
          %add3A_1263 = vector.broadcast %add3A_1262 : i32 to vector<16xi32>
          %add3A_1264 = arith.addi %scan3A_559, %add3A_1263 : vector<16xi32>
          %broadcast_in_dim3A_1265 = arith.constant true
          %broadcast_in_dim3A_1266 = vector.broadcast %broadcast_in_dim3A_1265 : i1 to vector<16xi1>
          %masked_cumsum3A_1267 = tpu.scan <sum>, %add3A_891 masked %broadcast_in_dim3A_1266 : vector<16xf32>, vector<16xi1> -> vector<16xf32>
          tpu.vector_store_idx %arg19[%add3A_1264], %masked_cumsum3A_1267 masked %eq3A_4 : memref<64xf32, #tpu.memory_space<vmem>>[vector<16xi32>], vector<16xf32>, vector<16xi1>
          %add3A_1268 = arith.constant 8 : i32
          %add3A_1269 = vector.broadcast %add3A_1268 : i32 to vector<16xi32>
          %add3A_1270 = arith.addi %scan3A_559, %add3A_1269 : vector<16xi32>
          %broadcast_in_dim3A_1271 = arith.constant true
          %broadcast_in_dim3A_1272 = vector.broadcast %broadcast_in_dim3A_1271 : i1 to vector<16xi1>
          %masked_cumsum3A_1273 = tpu.scan <sum>, %add3A_932 masked %broadcast_in_dim3A_1272 : vector<16xf32>, vector<16xi1> -> vector<16xf32>
          tpu.vector_store_idx %arg19[%add3A_1270], %masked_cumsum3A_1273 masked %eq3A_4 : memref<64xf32, #tpu.memory_space<vmem>>[vector<16xi32>], vector<16xf32>, vector<16xi1>
          %add3A_1274 = arith.constant 9 : i32
          %add3A_1275 = vector.broadcast %add3A_1274 : i32 to vector<16xi32>
          %add3A_1276 = arith.addi %scan3A_559, %add3A_1275 : vector<16xi32>
          %broadcast_in_dim3A_1277 = arith.constant true
          %broadcast_in_dim3A_1278 = vector.broadcast %broadcast_in_dim3A_1277 : i1 to vector<16xi1>
          %masked_cumsum3A_1279 = tpu.scan <sum>, %add3A_973 masked %broadcast_in_dim3A_1278 : vector<16xf32>, vector<16xi1> -> vector<16xf32>
          tpu.vector_store_idx %arg19[%add3A_1276], %masked_cumsum3A_1279 masked %eq3A_4 : memref<64xf32, #tpu.memory_space<vmem>>[vector<16xi32>], vector<16xf32>, vector<16xi1>
          %add3A_1280 = arith.constant 10 : i32
          %add3A_1281 = vector.broadcast %add3A_1280 : i32 to vector<16xi32>
          %add3A_1282 = arith.addi %scan3A_559, %add3A_1281 : vector<16xi32>
          %broadcast_in_dim3A_1283 = arith.constant true
          %broadcast_in_dim3A_1284 = vector.broadcast %broadcast_in_dim3A_1283 : i1 to vector<16xi1>
          %masked_cumsum3A_1285 = tpu.scan <sum>, %add3A_1014 masked %broadcast_in_dim3A_1284 : vector<16xf32>, vector<16xi1> -> vector<16xf32>
          tpu.vector_store_idx %arg19[%add3A_1282], %masked_cumsum3A_1285 masked %eq3A_4 : memref<64xf32, #tpu.memory_space<vmem>>[vector<16xi32>], vector<16xf32>, vector<16xi1>
          %add3A_1286 = arith.constant 11 : i32
          %add3A_1287 = vector.broadcast %add3A_1286 : i32 to vector<16xi32>
          %add3A_1288 = arith.addi %scan3A_559, %add3A_1287 : vector<16xi32>
          %broadcast_in_dim3A_1289 = arith.constant true
          %broadcast_in_dim3A_1290 = vector.broadcast %broadcast_in_dim3A_1289 : i1 to vector<16xi1>
          %masked_cumsum3A_1291 = tpu.scan <sum>, %add3A_1055 masked %broadcast_in_dim3A_1290 : vector<16xf32>, vector<16xi1> -> vector<16xf32>
          tpu.vector_store_idx %arg19[%add3A_1288], %masked_cumsum3A_1291 masked %eq3A_4 : memref<64xf32, #tpu.memory_space<vmem>>[vector<16xi32>], vector<16xf32>, vector<16xi1>
          %add3A_1292 = arith.constant 12 : i32
          %add3A_1293 = vector.broadcast %add3A_1292 : i32 to vector<16xi32>
          %add3A_1294 = arith.addi %scan3A_559, %add3A_1293 : vector<16xi32>
          %broadcast_in_dim3A_1295 = arith.constant true
          %broadcast_in_dim3A_1296 = vector.broadcast %broadcast_in_dim3A_1295 : i1 to vector<16xi1>
          %masked_cumsum3A_1297 = tpu.scan <sum>, %add3A_1096 masked %broadcast_in_dim3A_1296 : vector<16xf32>, vector<16xi1> -> vector<16xf32>
          tpu.vector_store_idx %arg19[%add3A_1294], %masked_cumsum3A_1297 masked %eq3A_4 : memref<64xf32, #tpu.memory_space<vmem>>[vector<16xi32>], vector<16xf32>, vector<16xi1>
          %add3A_1298 = arith.constant 13 : i32
          %add3A_1299 = vector.broadcast %add3A_1298 : i32 to vector<16xi32>
          %add3A_1300 = arith.addi %scan3A_559, %add3A_1299 : vector<16xi32>
          %broadcast_in_dim3A_1301 = arith.constant true
          %broadcast_in_dim3A_1302 = vector.broadcast %broadcast_in_dim3A_1301 : i1 to vector<16xi1>
          %masked_cumsum3A_1303 = tpu.scan <sum>, %add3A_1137 masked %broadcast_in_dim3A_1302 : vector<16xf32>, vector<16xi1> -> vector<16xf32>
          tpu.vector_store_idx %arg19[%add3A_1300], %masked_cumsum3A_1303 masked %eq3A_4 : memref<64xf32, #tpu.memory_space<vmem>>[vector<16xi32>], vector<16xf32>, vector<16xi1>
          %add3A_1304 = arith.constant 14 : i32
          %add3A_1305 = vector.broadcast %add3A_1304 : i32 to vector<16xi32>
          %add3A_1306 = arith.addi %scan3A_559, %add3A_1305 : vector<16xi32>
          %broadcast_in_dim3A_1307 = arith.constant true
          %broadcast_in_dim3A_1308 = vector.broadcast %broadcast_in_dim3A_1307 : i1 to vector<16xi1>
          %masked_cumsum3A_1309 = tpu.scan <sum>, %add3A_1178 masked %broadcast_in_dim3A_1308 : vector<16xf32>, vector<16xi1> -> vector<16xf32>
          tpu.vector_store_idx %arg19[%add3A_1306], %masked_cumsum3A_1309 masked %eq3A_4 : memref<64xf32, #tpu.memory_space<vmem>>[vector<16xi32>], vector<16xf32>, vector<16xi1>
          %add3A_1310 = arith.constant 15 : i32
          %add3A_1311 = vector.broadcast %add3A_1310 : i32 to vector<16xi32>
          %add3A_1312 = arith.addi %scan3A_559, %add3A_1311 : vector<16xi32>
          %broadcast_in_dim3A_1313 = arith.constant true
          %broadcast_in_dim3A_1314 = vector.broadcast %broadcast_in_dim3A_1313 : i1 to vector<16xi1>
          %masked_cumsum3A_1315 = tpu.scan <sum>, %add3A_1219 masked %broadcast_in_dim3A_1314 : vector<16xf32>, vector<16xi1> -> vector<16xf32>
          tpu.vector_store_idx %arg19[%add3A_1312], %masked_cumsum3A_1315 masked %eq3A_4 : memref<64xf32, #tpu.memory_space<vmem>>[vector<16xi32>], vector<16xf32>, vector<16xi1>
          %add3A_1316 = arith.constant 16 : i32
          %add3A_1317 = vector.broadcast %add3A_1316 : i32 to vector<16xi32>
          %add3A_1318 = arith.addi %scan3A_559, %add3A_1317 : vector<16xi32>
          scf.yield %add3A_1318 : vector<16xi32>
        }
        %scan3A_334 = arith.constant 4 : i32
        %mul3A_335 = arith.constant 1 : i32
        %mul3A_336 = arith.muli %add3A_248, %mul3A_335 : i32
        %add3A_337 = arith.addi %add3A_15, %mul3A_336 : i32
        %mul3A_338 = arith.constant 64 : i32
        %mul3A_339 = arith.muli %add3A_337, %mul3A_338 : i32
        %dma_start3A_340 = tpu.memref_slice %arg8[%mul3A_339] : memref<1048576xf32, #tpu.memory_space<hbm>> -> memref<64xf32, #tpu.memory_space<hbm>>
        %dma_start3A_341 = tpu.memref_slice %arg8[%mul3A_339] : memref<1048576xf32, #tpu.memory_space<hbm>> -> memref<64xf32, #tpu.memory_space<hbm>>
        tpu.enqueue_dma source(%arg19 : memref<64xf32, #tpu.memory_space<vmem>>) target(%dma_start3A_341 : memref<64xf32, #tpu.memory_space<hbm>>) target_semaphore(%arg30 : memref<!tpu.dma_semaphore, #tpu.memory_space<semaphore_mem>>)
        %add3A_342 = arith.constant 4 : i32
        %add3A_343 = arith.addi %add3A_248, %add3A_342 : i32
        %lt3A_344 = arith.constant 256 : i32
        %lt3A_345 = arith.cmpi slt, %add3A_343, %lt3A_344 : i32
        %convert_element_type3A_346 = arith.extui %lt3A_345 : i1 to i32
        %cond3A_347 = arith.constant 0 : i32
        %cond3A_348 = arith.cmpi ne, %convert_element_type3A_346, %cond3A_347 : i32
        scf.if %cond3A_348 {
          %add3A_558 = arith.constant 4 : i32
          %add3A_559 = arith.addi %add3A_248, %add3A_558 : i32
          %dma_start3A_560 = arith.constant 0 : i32
          %dma_start3A_561 = tpu.memref_slice %arg11[%add3A_559, %dma_start3A_560] : memref<256x64xi32, #tpu.memory_space<vmem>> -> memref<1x64xi32, #tpu.memory_space<vmem>>
          %dma_start3A_562 = tpu.memref_squeeze %dma_start3A_561 : memref<1x64xi32, #tpu.memory_space<vmem>> -> memref<64xi32, #tpu.memory_space<vmem>>
          %dma_start3A_563 = arith.constant 0 : i32
          %dma_start3A_564 = arith.constant 0 : i32
          %dma_start3A_565 = tpu.memref_slice %arg6[%dma_start3A_563, %dma_start3A_564] : memref<100000x128xf32, #tpu.memory_space<hbm>> -> memref<100000x128xf32, #tpu.memory_space<hbm>>
          tpu.enqueue_indirect_dma source(%dma_start3A_565 : memref<100000x128xf32, #tpu.memory_space<hbm>>) target(%arg15 : memref<64x128xf32, #tpu.memory_space<vmem>>) offsets(%dma_start3A_562 : memref<64xi32, #tpu.memory_space<vmem>>) semaphore(%arg26 : memref<!tpu.dma_semaphore, #tpu.memory_space<semaphore_mem>>)
        } else {
        }
        %mul3A_349 = arith.constant 4 : i32
        %mul3A_350 = arith.muli %scan3A_146, %mul3A_349 : i32
        %add3A_351 = arith.constant 2 : i32
        %add3A_352 = arith.addi %mul3A_350, %add3A_351 : i32
        %dma_wait3A_353 = arith.constant 0 : i32
        %dma_wait3A_354 = tpu.memref_slice %arg11[%add3A_352, %dma_wait3A_353] : memref<256x64xi32, #tpu.memory_space<vmem>> -> memref<1x64xi32, #tpu.memory_space<vmem>>
        %dma_wait3A_355 = tpu.memref_squeeze %dma_wait3A_354 : memref<1x64xi32, #tpu.memory_space<vmem>> -> memref<64xi32, #tpu.memory_space<vmem>>
        %dma_wait3A_356 = arith.constant 0 : i32
        %dma_wait3A_357 = arith.constant 0 : i32
        %dma_wait3A_358 = tpu.memref_slice %arg6[%dma_wait3A_356, %dma_wait3A_357] : memref<100000x128xf32, #tpu.memory_space<hbm>> -> memref<100000x128xf32, #tpu.memory_space<hbm>>
        tpu.wait_indirect_dma semaphore(%arg27 : memref<!tpu.dma_semaphore, #tpu.memory_space<semaphore_mem>>) src(%dma_wait3A_358 : memref<100000x128xf32, #tpu.memory_space<hbm>>) dst(%arg16 : memref<64x128xf32, #tpu.memory_space<vmem>>)
        %gt3A_359 = arith.constant 0 : i32
        %gt3A_360 = arith.cmpi sgt, %scan3A_146, %gt3A_359 : i32
        %convert_element_type3A_361 = arith.extui %gt3A_360 : i1 to i32
        %cond3A_362 = arith.constant 0 : i32
        %cond3A_363 = arith.cmpi ne, %convert_element_type3A_361, %cond3A_362 : i32
        scf.if %cond3A_363 {
          %dma_wait3A_558 = arith.constant 0 : i32
          %dma_wait3A_559 = tpu.memref_slice %arg8[%dma_wait3A_558] : memref<1048576xf32, #tpu.memory_space<hbm>> -> memref<64xf32, #tpu.memory_space<hbm>>
          %dma_wait3A_560 = arith.constant 0 : i32
          %dma_wait3A_561 = tpu.memref_slice %arg8[%dma_wait3A_560] : memref<1048576xf32, #tpu.memory_space<hbm>> -> memref<64xf32, #tpu.memory_space<hbm>>
          tpu.wait_dma2 semaphore(%arg31 : memref<!tpu.dma_semaphore, #tpu.memory_space<semaphore_mem>>) src(%arg20 : memref<64xf32, #tpu.memory_space<vmem>>) dst(%dma_wait3A_561 : memref<64xf32, #tpu.memory_space<hbm>>)
        } else {
        }
        %get3A_364 = arith.index_cast %add3A_352 : i32 to index
        %get3A_365 = arith.constant 0 : index
        %get3A_366 = tpu.vector_load %arg12[%get3A_364, %get3A_365] {strides = array<i32>} : memref<256x128xf32, #tpu.memory_space<vmem>>, vector<16xf32>,
        %get3A_367 = arith.index_cast %add3A_352 : i32 to index
        %get3A_368 = arith.constant 16 : index
        %get3A_369 = tpu.vector_load %arg12[%get3A_367, %get3A_368] {strides = array<i32>} : memref<256x128xf32, #tpu.memory_space<vmem>>, vector<16xf32>,
        %get3A_370 = arith.index_cast %add3A_352 : i32 to index
        %get3A_371 = arith.constant 32 : index
        %get3A_372 = tpu.vector_load %arg12[%get3A_370, %get3A_371] {strides = array<i32>} : memref<256x128xf32, #tpu.memory_space<vmem>>, vector<16xf32>,
        %get3A_373 = arith.index_cast %add3A_352 : i32 to index
        %get3A_374 = arith.constant 48 : index
        %get3A_375 = tpu.vector_load %arg12[%get3A_373, %get3A_374] {strides = array<i32>} : memref<256x128xf32, #tpu.memory_space<vmem>>, vector<16xf32>,
        %get3A_376 = arith.index_cast %add3A_352 : i32 to index
        %get3A_377 = arith.constant 64 : index
        %get3A_378 = tpu.vector_load %arg12[%get3A_376, %get3A_377] {strides = array<i32>} : memref<256x128xf32, #tpu.memory_space<vmem>>, vector<16xf32>,
        %get3A_379 = arith.index_cast %add3A_352 : i32 to index
        %get3A_380 = arith.constant 80 : index
        %get3A_381 = tpu.vector_load %arg12[%get3A_379, %get3A_380] {strides = array<i32>} : memref<256x128xf32, #tpu.memory_space<vmem>>, vector<16xf32>,
        %get3A_382 = arith.index_cast %add3A_352 : i32 to index
        %get3A_383 = arith.constant 96 : index
        %get3A_384 = tpu.vector_load %arg12[%get3A_382, %get3A_383] {strides = array<i32>} : memref<256x128xf32, #tpu.memory_space<vmem>>, vector<16xf32>,
        %get3A_385 = arith.index_cast %add3A_352 : i32 to index
        %get3A_386 = arith.constant 112 : index
        %get3A_387 = tpu.vector_load %arg12[%get3A_385, %get3A_386] {strides = array<i32>} : memref<256x128xf32, #tpu.memory_space<vmem>>, vector<16xf32>,
        %get3A_388 = arith.index_cast %add3A_352 : i32 to index
        %get3A_389 = arith.constant 0 : index
        %get3A_390 = tpu.vector_load %arg13[%get3A_388, %get3A_389] {strides = array<i32>} : memref<256x128xf32, #tpu.memory_space<vmem>>, vector<16xf32>,
        %mul3A_391 = arith.mulf %get3A_366, %get3A_390 : vector<16xf32>
        %get3A_392 = arith.index_cast %add3A_352 : i32 to index
        %get3A_393 = arith.constant 16 : index
        %get3A_394 = tpu.vector_load %arg13[%get3A_392, %get3A_393] {strides = array<i32>} : memref<256x128xf32, #tpu.memory_space<vmem>>, vector<16xf32>,
        %mul3A_395 = arith.mulf %get3A_369, %get3A_394 : vector<16xf32>
        %get3A_396 = arith.index_cast %add3A_352 : i32 to index
        %get3A_397 = arith.constant 32 : index
        %get3A_398 = tpu.vector_load %arg13[%get3A_396, %get3A_397] {strides = array<i32>} : memref<256x128xf32, #tpu.memory_space<vmem>>, vector<16xf32>,
        %mul3A_399 = arith.mulf %get3A_372, %get3A_398 : vector<16xf32>
        %add3A_400 = arith.addf %mul3A_391, %mul3A_399 : vector<16xf32>
        %get3A_401 = arith.index_cast %add3A_352 : i32 to index
        %get3A_402 = arith.constant 48 : index
        %get3A_403 = tpu.vector_load %arg13[%get3A_401, %get3A_402] {strides = array<i32>} : memref<256x128xf32, #tpu.memory_space<vmem>>, vector<16xf32>,
        %mul3A_404 = arith.mulf %get3A_375, %get3A_403 : vector<16xf32>
        %add3A_405 = arith.addf %mul3A_395, %mul3A_404 : vector<16xf32>
        %get3A_406 = arith.index_cast %add3A_352 : i32 to index
        %get3A_407 = arith.constant 64 : index
        %get3A_408 = tpu.vector_load %arg13[%get3A_406, %get3A_407] {strides = array<i32>} : memref<256x128xf32, #tpu.memory_space<vmem>>, vector<16xf32>,
        %mul3A_409 = arith.mulf %get3A_378, %get3A_408 : vector<16xf32>
        %add3A_410 = arith.addf %add3A_400, %mul3A_409 : vector<16xf32>
        %get3A_411 = arith.index_cast %add3A_352 : i32 to index
        %get3A_412 = arith.constant 80 : index
        %get3A_413 = tpu.vector_load %arg13[%get3A_411, %get3A_412] {strides = array<i32>} : memref<256x128xf32, #tpu.memory_space<vmem>>, vector<16xf32>,
        %mul3A_414 = arith.mulf %get3A_381, %get3A_413 : vector<16xf32>
        %add3A_415 = arith.addf %add3A_405, %mul3A_414 : vector<16xf32>
        %get3A_416 = arith.index_cast %add3A_352 : i32 to index
        %get3A_417 = arith.constant 96 : index
        %get3A_418 = tpu.vector_load %arg13[%get3A_416, %get3A_417] {strides = array<i32>} : memref<256x128xf32, #tpu.memory_space<vmem>>, vector<16xf32>,
        %mul3A_419 = arith.mulf %get3A_384, %get3A_418 : vector<16xf32>
        %add3A_420 = arith.addf %add3A_410, %mul3A_419 : vector<16xf32>
        %get3A_421 = arith.index_cast %add3A_352 : i32 to index
        %get3A_422 = arith.constant 112 : index
        %get3A_423 = tpu.vector_load %arg13[%get3A_421, %get3A_422] {strides = array<i32>} : memref<256x128xf32, #tpu.memory_space<vmem>>, vector<16xf32>,
        %mul3A_424 = arith.mulf %get3A_387, %get3A_423 : vector<16xf32>
        %add3A_425 = arith.addf %add3A_415, %mul3A_424 : vector<16xf32>
        %broadcast_in_dim3A_426 = vector.broadcast %add3A_352 : i32 to vector<16xi32>
        %add3A_427 = arith.addf %add3A_420, %add3A_425 : vector<16xf32>
        %broadcast_in_dim3A_428 = arith.constant true
        %broadcast_in_dim3A_429 = vector.broadcast %broadcast_in_dim3A_428 : i1 to vector<16xi1>
        %masked_cumsum3A_430 = tpu.scan <sum>, %add3A_427 masked %broadcast_in_dim3A_429 : vector<16xf32>, vector<16xi1> -> vector<16xf32>
        tpu.vector_store_idx %arg22[%broadcast_in_dim3A_426], %masked_cumsum3A_430 masked %eq3A_4 : memref<256xf32, #tpu.memory_space<vmem>>[vector<16xi32>], vector<16xf32>, vector<16xi1>
        %broadcast_in_dim3A_431 = arith.constant 0 : i32
        %broadcast_in_dim3A_432 = vector.broadcast %broadcast_in_dim3A_431 : i32 to vector<16xi32>
        %scan3A_433 = arith.constant 0 : i32
        %scan3A_434 = arith.constant 4 : i32
        %scan3A_435 = arith.addi %scan3A_433, %scan3A_434 : i32
        %scan3A_436 = arith.constant 1 : i32
        %scan3A_437 = scf.for %scan3A_558 = %scan3A_433 to %scan3A_435 step %scan3A_436 iter_args(%scan3A_559 = %broadcast_in_dim3A_432) -> (vector<16xi32>)  : i32 {
          %mul3A_560 = arith.constant 16 : i32
          %mul3A_561 = arith.muli %scan3A_558, %mul3A_560 : i32
          %add3A_562 = arith.constant 0 : i32
          %add3A_563 = arith.addi %mul3A_561, %add3A_562 : i32
          %add3A_564 = arith.constant 0 : i32
          %add3A_565 = arith.addi %add3A_563, %add3A_564 : i32
          %get3A_566 = arith.index_cast %add3A_565 : i32 to index
          %get3A_567 = arith.constant 0 : index
          %get3A_568 = tpu.vector_load %arg16[%get3A_566, %get3A_567] {strides = array<i32>} : memref<64x128xf32, #tpu.memory_space<vmem>>, vector<16xf32>,
          %mul3A_569 = arith.mulf %get3A_366, %get3A_568 : vector<16xf32>
          %get3A_570 = arith.index_cast %add3A_565 : i32 to index
          %get3A_571 = arith.constant 16 : index
          %get3A_572 = tpu.vector_load %arg16[%get3A_570, %get3A_571] {strides = array<i32>} : memref<64x128xf32, #tpu.memory_space<vmem>>, vector<16xf32>,
          %mul3A_573 = arith.mulf %get3A_369, %get3A_572 : vector<16xf32>
          %get3A_574 = arith.index_cast %add3A_565 : i32 to index
          %get3A_575 = arith.constant 32 : index
          %get3A_576 = tpu.vector_load %arg16[%get3A_574, %get3A_575] {strides = array<i32>} : memref<64x128xf32, #tpu.memory_space<vmem>>, vector<16xf32>,
          %mul3A_577 = arith.mulf %get3A_372, %get3A_576 : vector<16xf32>
          %add3A_578 = arith.addf %mul3A_569, %mul3A_577 : vector<16xf32>
          %get3A_579 = arith.index_cast %add3A_565 : i32 to index
          %get3A_580 = arith.constant 48 : index
          %get3A_581 = tpu.vector_load %arg16[%get3A_579, %get3A_580] {strides = array<i32>} : memref<64x128xf32, #tpu.memory_space<vmem>>, vector<16xf32>,
          %mul3A_582 = arith.mulf %get3A_375, %get3A_581 : vector<16xf32>
          %add3A_583 = arith.addf %mul3A_573, %mul3A_582 : vector<16xf32>
          %get3A_584 = arith.index_cast %add3A_565 : i32 to index
          %get3A_585 = arith.constant 64 : index
          %get3A_586 = tpu.vector_load %arg16[%get3A_584, %get3A_585] {strides = array<i32>} : memref<64x128xf32, #tpu.memory_space<vmem>>, vector<16xf32>,
          %mul3A_587 = arith.mulf %get3A_378, %get3A_586 : vector<16xf32>
          %add3A_588 = arith.addf %add3A_578, %mul3A_587 : vector<16xf32>
          %get3A_589 = arith.index_cast %add3A_565 : i32 to index
          %get3A_590 = arith.constant 80 : index
          %get3A_591 = tpu.vector_load %arg16[%get3A_589, %get3A_590] {strides = array<i32>} : memref<64x128xf32, #tpu.memory_space<vmem>>, vector<16xf32>,
          %mul3A_592 = arith.mulf %get3A_381, %get3A_591 : vector<16xf32>
          %add3A_593 = arith.addf %add3A_583, %mul3A_592 : vector<16xf32>
          %get3A_594 = arith.index_cast %add3A_565 : i32 to index
          %get3A_595 = arith.constant 96 : index
          %get3A_596 = tpu.vector_load %arg16[%get3A_594, %get3A_595] {strides = array<i32>} : memref<64x128xf32, #tpu.memory_space<vmem>>, vector<16xf32>,
          %mul3A_597 = arith.mulf %get3A_384, %get3A_596 : vector<16xf32>
          %add3A_598 = arith.addf %add3A_588, %mul3A_597 : vector<16xf32>
          %get3A_599 = arith.index_cast %add3A_565 : i32 to index
          %get3A_600 = arith.constant 112 : index
          %get3A_601 = tpu.vector_load %arg16[%get3A_599, %get3A_600] {strides = array<i32>} : memref<64x128xf32, #tpu.memory_space<vmem>>, vector<16xf32>,
          %mul3A_602 = arith.mulf %get3A_387, %get3A_601 : vector<16xf32>
          %add3A_603 = arith.addf %add3A_593, %mul3A_602 : vector<16xf32>
          %add3A_604 = arith.addf %add3A_598, %add3A_603 : vector<16xf32>
          %add3A_605 = arith.constant 1 : i32
          %add3A_606 = arith.addi %add3A_563, %add3A_605 : i32
          %get3A_607 = arith.index_cast %add3A_606 : i32 to index
          %get3A_608 = arith.constant 0 : index
          %get3A_609 = tpu.vector_load %arg16[%get3A_607, %get3A_608] {strides = array<i32>} : memref<64x128xf32, #tpu.memory_space<vmem>>, vector<16xf32>,
          %mul3A_610 = arith.mulf %get3A_366, %get3A_609 : vector<16xf32>
          %get3A_611 = arith.index_cast %add3A_606 : i32 to index
          %get3A_612 = arith.constant 16 : index
          %get3A_613 = tpu.vector_load %arg16[%get3A_611, %get3A_612] {strides = array<i32>} : memref<64x128xf32, #tpu.memory_space<vmem>>, vector<16xf32>,
          %mul3A_614 = arith.mulf %get3A_369, %get3A_613 : vector<16xf32>
          %get3A_615 = arith.index_cast %add3A_606 : i32 to index
          %get3A_616 = arith.constant 32 : index
          %get3A_617 = tpu.vector_load %arg16[%get3A_615, %get3A_616] {strides = array<i32>} : memref<64x128xf32, #tpu.memory_space<vmem>>, vector<16xf32>,
          %mul3A_618 = arith.mulf %get3A_372, %get3A_617 : vector<16xf32>
          %add3A_619 = arith.addf %mul3A_610, %mul3A_618 : vector<16xf32>
          %get3A_620 = arith.index_cast %add3A_606 : i32 to index
          %get3A_621 = arith.constant 48 : index
          %get3A_622 = tpu.vector_load %arg16[%get3A_620, %get3A_621] {strides = array<i32>} : memref<64x128xf32, #tpu.memory_space<vmem>>, vector<16xf32>,
          %mul3A_623 = arith.mulf %get3A_375, %get3A_622 : vector<16xf32>
          %add3A_624 = arith.addf %mul3A_614, %mul3A_623 : vector<16xf32>
          %get3A_625 = arith.index_cast %add3A_606 : i32 to index
          %get3A_626 = arith.constant 64 : index
          %get3A_627 = tpu.vector_load %arg16[%get3A_625, %get3A_626] {strides = array<i32>} : memref<64x128xf32, #tpu.memory_space<vmem>>, vector<16xf32>,
          %mul3A_628 = arith.mulf %get3A_378, %get3A_627 : vector<16xf32>
          %add3A_629 = arith.addf %add3A_619, %mul3A_628 : vector<16xf32>
          %get3A_630 = arith.index_cast %add3A_606 : i32 to index
          %get3A_631 = arith.constant 80 : index
          %get3A_632 = tpu.vector_load %arg16[%get3A_630, %get3A_631] {strides = array<i32>} : memref<64x128xf32, #tpu.memory_space<vmem>>, vector<16xf32>,
          %mul3A_633 = arith.mulf %get3A_381, %get3A_632 : vector<16xf32>
          %add3A_634 = arith.addf %add3A_624, %mul3A_633 : vector<16xf32>
          %get3A_635 = arith.index_cast %add3A_606 : i32 to index
          %get3A_636 = arith.constant 96 : index
          %get3A_637 = tpu.vector_load %arg16[%get3A_635, %get3A_636] {strides = array<i32>} : memref<64x128xf32, #tpu.memory_space<vmem>>, vector<16xf32>,
          %mul3A_638 = arith.mulf %get3A_384, %get3A_637 : vector<16xf32>
          %add3A_639 = arith.addf %add3A_629, %mul3A_638 : vector<16xf32>
          %get3A_640 = arith.index_cast %add3A_606 : i32 to index
          %get3A_641 = arith.constant 112 : index
          %get3A_642 = tpu.vector_load %arg16[%get3A_640, %get3A_641] {strides = array<i32>} : memref<64x128xf32, #tpu.memory_space<vmem>>, vector<16xf32>,
          %mul3A_643 = arith.mulf %get3A_387, %get3A_642 : vector<16xf32>
          %add3A_644 = arith.addf %add3A_634, %mul3A_643 : vector<16xf32>
          %add3A_645 = arith.addf %add3A_639, %add3A_644 : vector<16xf32>
          %add3A_646 = arith.constant 2 : i32
          %add3A_647 = arith.addi %add3A_563, %add3A_646 : i32
          %get3A_648 = arith.index_cast %add3A_647 : i32 to index
          %get3A_649 = arith.constant 0 : index
          %get3A_650 = tpu.vector_load %arg16[%get3A_648, %get3A_649] {strides = array<i32>} : memref<64x128xf32, #tpu.memory_space<vmem>>, vector<16xf32>,
          %mul3A_651 = arith.mulf %get3A_366, %get3A_650 : vector<16xf32>
          %get3A_652 = arith.index_cast %add3A_647 : i32 to index
          %get3A_653 = arith.constant 16 : index
          %get3A_654 = tpu.vector_load %arg16[%get3A_652, %get3A_653] {strides = array<i32>} : memref<64x128xf32, #tpu.memory_space<vmem>>, vector<16xf32>,
          %mul3A_655 = arith.mulf %get3A_369, %get3A_654 : vector<16xf32>
          %get3A_656 = arith.index_cast %add3A_647 : i32 to index
          %get3A_657 = arith.constant 32 : index
          %get3A_658 = tpu.vector_load %arg16[%get3A_656, %get3A_657] {strides = array<i32>} : memref<64x128xf32, #tpu.memory_space<vmem>>, vector<16xf32>,
          %mul3A_659 = arith.mulf %get3A_372, %get3A_658 : vector<16xf32>
          %add3A_660 = arith.addf %mul3A_651, %mul3A_659 : vector<16xf32>
          %get3A_661 = arith.index_cast %add3A_647 : i32 to index
          %get3A_662 = arith.constant 48 : index
          %get3A_663 = tpu.vector_load %arg16[%get3A_661, %get3A_662] {strides = array<i32>} : memref<64x128xf32, #tpu.memory_space<vmem>>, vector<16xf32>,
          %mul3A_664 = arith.mulf %get3A_375, %get3A_663 : vector<16xf32>
          %add3A_665 = arith.addf %mul3A_655, %mul3A_664 : vector<16xf32>
          %get3A_666 = arith.index_cast %add3A_647 : i32 to index
          %get3A_667 = arith.constant 64 : index
          %get3A_668 = tpu.vector_load %arg16[%get3A_666, %get3A_667] {strides = array<i32>} : memref<64x128xf32, #tpu.memory_space<vmem>>, vector<16xf32>,
          %mul3A_669 = arith.mulf %get3A_378, %get3A_668 : vector<16xf32>
          %add3A_670 = arith.addf %add3A_660, %mul3A_669 : vector<16xf32>
          %get3A_671 = arith.index_cast %add3A_647 : i32 to index
          %get3A_672 = arith.constant 80 : index
          %get3A_673 = tpu.vector_load %arg16[%get3A_671, %get3A_672] {strides = array<i32>} : memref<64x128xf32, #tpu.memory_space<vmem>>, vector<16xf32>,
          %mul3A_674 = arith.mulf %get3A_381, %get3A_673 : vector<16xf32>
          %add3A_675 = arith.addf %add3A_665, %mul3A_674 : vector<16xf32>
          %get3A_676 = arith.index_cast %add3A_647 : i32 to index
          %get3A_677 = arith.constant 96 : index
          %get3A_678 = tpu.vector_load %arg16[%get3A_676, %get3A_677] {strides = array<i32>} : memref<64x128xf32, #tpu.memory_space<vmem>>, vector<16xf32>,
          %mul3A_679 = arith.mulf %get3A_384, %get3A_678 : vector<16xf32>
          %add3A_680 = arith.addf %add3A_670, %mul3A_679 : vector<16xf32>
          %get3A_681 = arith.index_cast %add3A_647 : i32 to index
          %get3A_682 = arith.constant 112 : index
          %get3A_683 = tpu.vector_load %arg16[%get3A_681, %get3A_682] {strides = array<i32>} : memref<64x128xf32, #tpu.memory_space<vmem>>, vector<16xf32>,
          %mul3A_684 = arith.mulf %get3A_387, %get3A_683 : vector<16xf32>
          %add3A_685 = arith.addf %add3A_675, %mul3A_684 : vector<16xf32>
          %add3A_686 = arith.addf %add3A_680, %add3A_685 : vector<16xf32>
          %add3A_687 = arith.constant 3 : i32
          %add3A_688 = arith.addi %add3A_563, %add3A_687 : i32
          %get3A_689 = arith.index_cast %add3A_688 : i32 to index
          %get3A_690 = arith.constant 0 : index
          %get3A_691 = tpu.vector_load %arg16[%get3A_689, %get3A_690] {strides = array<i32>} : memref<64x128xf32, #tpu.memory_space<vmem>>, vector<16xf32>,
          %mul3A_692 = arith.mulf %get3A_366, %get3A_691 : vector<16xf32>
          %get3A_693 = arith.index_cast %add3A_688 : i32 to index
          %get3A_694 = arith.constant 16 : index
          %get3A_695 = tpu.vector_load %arg16[%get3A_693, %get3A_694] {strides = array<i32>} : memref<64x128xf32, #tpu.memory_space<vmem>>, vector<16xf32>,
          %mul3A_696 = arith.mulf %get3A_369, %get3A_695 : vector<16xf32>
          %get3A_697 = arith.index_cast %add3A_688 : i32 to index
          %get3A_698 = arith.constant 32 : index
          %get3A_699 = tpu.vector_load %arg16[%get3A_697, %get3A_698] {strides = array<i32>} : memref<64x128xf32, #tpu.memory_space<vmem>>, vector<16xf32>,
          %mul3A_700 = arith.mulf %get3A_372, %get3A_699 : vector<16xf32>
          %add3A_701 = arith.addf %mul3A_692, %mul3A_700 : vector<16xf32>
          %get3A_702 = arith.index_cast %add3A_688 : i32 to index
          %get3A_703 = arith.constant 48 : index
          %get3A_704 = tpu.vector_load %arg16[%get3A_702, %get3A_703] {strides = array<i32>} : memref<64x128xf32, #tpu.memory_space<vmem>>, vector<16xf32>,
          %mul3A_705 = arith.mulf %get3A_375, %get3A_704 : vector<16xf32>
          %add3A_706 = arith.addf %mul3A_696, %mul3A_705 : vector<16xf32>
          %get3A_707 = arith.index_cast %add3A_688 : i32 to index
          %get3A_708 = arith.constant 64 : index
          %get3A_709 = tpu.vector_load %arg16[%get3A_707, %get3A_708] {strides = array<i32>} : memref<64x128xf32, #tpu.memory_space<vmem>>, vector<16xf32>,
          %mul3A_710 = arith.mulf %get3A_378, %get3A_709 : vector<16xf32>
          %add3A_711 = arith.addf %add3A_701, %mul3A_710 : vector<16xf32>
          %get3A_712 = arith.index_cast %add3A_688 : i32 to index
          %get3A_713 = arith.constant 80 : index
          %get3A_714 = tpu.vector_load %arg16[%get3A_712, %get3A_713] {strides = array<i32>} : memref<64x128xf32, #tpu.memory_space<vmem>>, vector<16xf32>,
          %mul3A_715 = arith.mulf %get3A_381, %get3A_714 : vector<16xf32>
          %add3A_716 = arith.addf %add3A_706, %mul3A_715 : vector<16xf32>
          %get3A_717 = arith.index_cast %add3A_688 : i32 to index
          %get3A_718 = arith.constant 96 : index
          %get3A_719 = tpu.vector_load %arg16[%get3A_717, %get3A_718] {strides = array<i32>} : memref<64x128xf32, #tpu.memory_space<vmem>>, vector<16xf32>,
          %mul3A_720 = arith.mulf %get3A_384, %get3A_719 : vector<16xf32>
          %add3A_721 = arith.addf %add3A_711, %mul3A_720 : vector<16xf32>
          %get3A_722 = arith.index_cast %add3A_688 : i32 to index
          %get3A_723 = arith.constant 112 : index
          %get3A_724 = tpu.vector_load %arg16[%get3A_722, %get3A_723] {strides = array<i32>} : memref<64x128xf32, #tpu.memory_space<vmem>>, vector<16xf32>,
          %mul3A_725 = arith.mulf %get3A_387, %get3A_724 : vector<16xf32>
          %add3A_726 = arith.addf %add3A_716, %mul3A_725 : vector<16xf32>
          %add3A_727 = arith.addf %add3A_721, %add3A_726 : vector<16xf32>
          %add3A_728 = arith.constant 4 : i32
          %add3A_729 = arith.addi %add3A_563, %add3A_728 : i32
          %get3A_730 = arith.index_cast %add3A_729 : i32 to index
          %get3A_731 = arith.constant 0 : index
          %get3A_732 = tpu.vector_load %arg16[%get3A_730, %get3A_731] {strides = array<i32>} : memref<64x128xf32, #tpu.memory_space<vmem>>, vector<16xf32>,
          %mul3A_733 = arith.mulf %get3A_366, %get3A_732 : vector<16xf32>
          %get3A_734 = arith.index_cast %add3A_729 : i32 to index
          %get3A_735 = arith.constant 16 : index
          %get3A_736 = tpu.vector_load %arg16[%get3A_734, %get3A_735] {strides = array<i32>} : memref<64x128xf32, #tpu.memory_space<vmem>>, vector<16xf32>,
          %mul3A_737 = arith.mulf %get3A_369, %get3A_736 : vector<16xf32>
          %get3A_738 = arith.index_cast %add3A_729 : i32 to index
          %get3A_739 = arith.constant 32 : index
          %get3A_740 = tpu.vector_load %arg16[%get3A_738, %get3A_739] {strides = array<i32>} : memref<64x128xf32, #tpu.memory_space<vmem>>, vector<16xf32>,
          %mul3A_741 = arith.mulf %get3A_372, %get3A_740 : vector<16xf32>
          %add3A_742 = arith.addf %mul3A_733, %mul3A_741 : vector<16xf32>
          %get3A_743 = arith.index_cast %add3A_729 : i32 to index
          %get3A_744 = arith.constant 48 : index
          %get3A_745 = tpu.vector_load %arg16[%get3A_743, %get3A_744] {strides = array<i32>} : memref<64x128xf32, #tpu.memory_space<vmem>>, vector<16xf32>,
          %mul3A_746 = arith.mulf %get3A_375, %get3A_745 : vector<16xf32>
          %add3A_747 = arith.addf %mul3A_737, %mul3A_746 : vector<16xf32>
          %get3A_748 = arith.index_cast %add3A_729 : i32 to index
          %get3A_749 = arith.constant 64 : index
          %get3A_750 = tpu.vector_load %arg16[%get3A_748, %get3A_749] {strides = array<i32>} : memref<64x128xf32, #tpu.memory_space<vmem>>, vector<16xf32>,
          %mul3A_751 = arith.mulf %get3A_378, %get3A_750 : vector<16xf32>
          %add3A_752 = arith.addf %add3A_742, %mul3A_751 : vector<16xf32>
          %get3A_753 = arith.index_cast %add3A_729 : i32 to index
          %get3A_754 = arith.constant 80 : index
          %get3A_755 = tpu.vector_load %arg16[%get3A_753, %get3A_754] {strides = array<i32>} : memref<64x128xf32, #tpu.memory_space<vmem>>, vector<16xf32>,
          %mul3A_756 = arith.mulf %get3A_381, %get3A_755 : vector<16xf32>
          %add3A_757 = arith.addf %add3A_747, %mul3A_756 : vector<16xf32>
          %get3A_758 = arith.index_cast %add3A_729 : i32 to index
          %get3A_759 = arith.constant 96 : index
          %get3A_760 = tpu.vector_load %arg16[%get3A_758, %get3A_759] {strides = array<i32>} : memref<64x128xf32, #tpu.memory_space<vmem>>, vector<16xf32>,
          %mul3A_761 = arith.mulf %get3A_384, %get3A_760 : vector<16xf32>
          %add3A_762 = arith.addf %add3A_752, %mul3A_761 : vector<16xf32>
          %get3A_763 = arith.index_cast %add3A_729 : i32 to index
          %get3A_764 = arith.constant 112 : index
          %get3A_765 = tpu.vector_load %arg16[%get3A_763, %get3A_764] {strides = array<i32>} : memref<64x128xf32, #tpu.memory_space<vmem>>, vector<16xf32>,
          %mul3A_766 = arith.mulf %get3A_387, %get3A_765 : vector<16xf32>
          %add3A_767 = arith.addf %add3A_757, %mul3A_766 : vector<16xf32>
          %add3A_768 = arith.addf %add3A_762, %add3A_767 : vector<16xf32>
          %add3A_769 = arith.constant 5 : i32
          %add3A_770 = arith.addi %add3A_563, %add3A_769 : i32
          %get3A_771 = arith.index_cast %add3A_770 : i32 to index
          %get3A_772 = arith.constant 0 : index
          %get3A_773 = tpu.vector_load %arg16[%get3A_771, %get3A_772] {strides = array<i32>} : memref<64x128xf32, #tpu.memory_space<vmem>>, vector<16xf32>,
          %mul3A_774 = arith.mulf %get3A_366, %get3A_773 : vector<16xf32>
          %get3A_775 = arith.index_cast %add3A_770 : i32 to index
          %get3A_776 = arith.constant 16 : index
          %get3A_777 = tpu.vector_load %arg16[%get3A_775, %get3A_776] {strides = array<i32>} : memref<64x128xf32, #tpu.memory_space<vmem>>, vector<16xf32>,
          %mul3A_778 = arith.mulf %get3A_369, %get3A_777 : vector<16xf32>
          %get3A_779 = arith.index_cast %add3A_770 : i32 to index
          %get3A_780 = arith.constant 32 : index
          %get3A_781 = tpu.vector_load %arg16[%get3A_779, %get3A_780] {strides = array<i32>} : memref<64x128xf32, #tpu.memory_space<vmem>>, vector<16xf32>,
          %mul3A_782 = arith.mulf %get3A_372, %get3A_781 : vector<16xf32>
          %add3A_783 = arith.addf %mul3A_774, %mul3A_782 : vector<16xf32>
          %get3A_784 = arith.index_cast %add3A_770 : i32 to index
          %get3A_785 = arith.constant 48 : index
          %get3A_786 = tpu.vector_load %arg16[%get3A_784, %get3A_785] {strides = array<i32>} : memref<64x128xf32, #tpu.memory_space<vmem>>, vector<16xf32>,
          %mul3A_787 = arith.mulf %get3A_375, %get3A_786 : vector<16xf32>
          %add3A_788 = arith.addf %mul3A_778, %mul3A_787 : vector<16xf32>
          %get3A_789 = arith.index_cast %add3A_770 : i32 to index
          %get3A_790 = arith.constant 64 : index
          %get3A_791 = tpu.vector_load %arg16[%get3A_789, %get3A_790] {strides = array<i32>} : memref<64x128xf32, #tpu.memory_space<vmem>>, vector<16xf32>,
          %mul3A_792 = arith.mulf %get3A_378, %get3A_791 : vector<16xf32>
          %add3A_793 = arith.addf %add3A_783, %mul3A_792 : vector<16xf32>
          %get3A_794 = arith.index_cast %add3A_770 : i32 to index
          %get3A_795 = arith.constant 80 : index
          %get3A_796 = tpu.vector_load %arg16[%get3A_794, %get3A_795] {strides = array<i32>} : memref<64x128xf32, #tpu.memory_space<vmem>>, vector<16xf32>,
          %mul3A_797 = arith.mulf %get3A_381, %get3A_796 : vector<16xf32>
          %add3A_798 = arith.addf %add3A_788, %mul3A_797 : vector<16xf32>
          %get3A_799 = arith.index_cast %add3A_770 : i32 to index
          %get3A_800 = arith.constant 96 : index
          %get3A_801 = tpu.vector_load %arg16[%get3A_799, %get3A_800] {strides = array<i32>} : memref<64x128xf32, #tpu.memory_space<vmem>>, vector<16xf32>,
          %mul3A_802 = arith.mulf %get3A_384, %get3A_801 : vector<16xf32>
          %add3A_803 = arith.addf %add3A_793, %mul3A_802 : vector<16xf32>
          %get3A_804 = arith.index_cast %add3A_770 : i32 to index
          %get3A_805 = arith.constant 112 : index
          %get3A_806 = tpu.vector_load %arg16[%get3A_804, %get3A_805] {strides = array<i32>} : memref<64x128xf32, #tpu.memory_space<vmem>>, vector<16xf32>,
          %mul3A_807 = arith.mulf %get3A_387, %get3A_806 : vector<16xf32>
          %add3A_808 = arith.addf %add3A_798, %mul3A_807 : vector<16xf32>
          %add3A_809 = arith.addf %add3A_803, %add3A_808 : vector<16xf32>
          %add3A_810 = arith.constant 6 : i32
          %add3A_811 = arith.addi %add3A_563, %add3A_810 : i32
          %get3A_812 = arith.index_cast %add3A_811 : i32 to index
          %get3A_813 = arith.constant 0 : index
          %get3A_814 = tpu.vector_load %arg16[%get3A_812, %get3A_813] {strides = array<i32>} : memref<64x128xf32, #tpu.memory_space<vmem>>, vector<16xf32>,
          %mul3A_815 = arith.mulf %get3A_366, %get3A_814 : vector<16xf32>
          %get3A_816 = arith.index_cast %add3A_811 : i32 to index
          %get3A_817 = arith.constant 16 : index
          %get3A_818 = tpu.vector_load %arg16[%get3A_816, %get3A_817] {strides = array<i32>} : memref<64x128xf32, #tpu.memory_space<vmem>>, vector<16xf32>,
          %mul3A_819 = arith.mulf %get3A_369, %get3A_818 : vector<16xf32>
          %get3A_820 = arith.index_cast %add3A_811 : i32 to index
          %get3A_821 = arith.constant 32 : index
          %get3A_822 = tpu.vector_load %arg16[%get3A_820, %get3A_821] {strides = array<i32>} : memref<64x128xf32, #tpu.memory_space<vmem>>, vector<16xf32>,
          %mul3A_823 = arith.mulf %get3A_372, %get3A_822 : vector<16xf32>
          %add3A_824 = arith.addf %mul3A_815, %mul3A_823 : vector<16xf32>
          %get3A_825 = arith.index_cast %add3A_811 : i32 to index
          %get3A_826 = arith.constant 48 : index
          %get3A_827 = tpu.vector_load %arg16[%get3A_825, %get3A_826] {strides = array<i32>} : memref<64x128xf32, #tpu.memory_space<vmem>>, vector<16xf32>,
          %mul3A_828 = arith.mulf %get3A_375, %get3A_827 : vector<16xf32>
          %add3A_829 = arith.addf %mul3A_819, %mul3A_828 : vector<16xf32>
          %get3A_830 = arith.index_cast %add3A_811 : i32 to index
          %get3A_831 = arith.constant 64 : index
          %get3A_832 = tpu.vector_load %arg16[%get3A_830, %get3A_831] {strides = array<i32>} : memref<64x128xf32, #tpu.memory_space<vmem>>, vector<16xf32>,
          %mul3A_833 = arith.mulf %get3A_378, %get3A_832 : vector<16xf32>
          %add3A_834 = arith.addf %add3A_824, %mul3A_833 : vector<16xf32>
          %get3A_835 = arith.index_cast %add3A_811 : i32 to index
          %get3A_836 = arith.constant 80 : index
          %get3A_837 = tpu.vector_load %arg16[%get3A_835, %get3A_836] {strides = array<i32>} : memref<64x128xf32, #tpu.memory_space<vmem>>, vector<16xf32>,
          %mul3A_838 = arith.mulf %get3A_381, %get3A_837 : vector<16xf32>
          %add3A_839 = arith.addf %add3A_829, %mul3A_838 : vector<16xf32>
          %get3A_840 = arith.index_cast %add3A_811 : i32 to index
          %get3A_841 = arith.constant 96 : index
          %get3A_842 = tpu.vector_load %arg16[%get3A_840, %get3A_841] {strides = array<i32>} : memref<64x128xf32, #tpu.memory_space<vmem>>, vector<16xf32>,
          %mul3A_843 = arith.mulf %get3A_384, %get3A_842 : vector<16xf32>
          %add3A_844 = arith.addf %add3A_834, %mul3A_843 : vector<16xf32>
          %get3A_845 = arith.index_cast %add3A_811 : i32 to index
          %get3A_846 = arith.constant 112 : index
          %get3A_847 = tpu.vector_load %arg16[%get3A_845, %get3A_846] {strides = array<i32>} : memref<64x128xf32, #tpu.memory_space<vmem>>, vector<16xf32>,
          %mul3A_848 = arith.mulf %get3A_387, %get3A_847 : vector<16xf32>
          %add3A_849 = arith.addf %add3A_839, %mul3A_848 : vector<16xf32>
          %add3A_850 = arith.addf %add3A_844, %add3A_849 : vector<16xf32>
          %add3A_851 = arith.constant 7 : i32
          %add3A_852 = arith.addi %add3A_563, %add3A_851 : i32
          %get3A_853 = arith.index_cast %add3A_852 : i32 to index
          %get3A_854 = arith.constant 0 : index
          %get3A_855 = tpu.vector_load %arg16[%get3A_853, %get3A_854] {strides = array<i32>} : memref<64x128xf32, #tpu.memory_space<vmem>>, vector<16xf32>,
          %mul3A_856 = arith.mulf %get3A_366, %get3A_855 : vector<16xf32>
          %get3A_857 = arith.index_cast %add3A_852 : i32 to index
          %get3A_858 = arith.constant 16 : index
          %get3A_859 = tpu.vector_load %arg16[%get3A_857, %get3A_858] {strides = array<i32>} : memref<64x128xf32, #tpu.memory_space<vmem>>, vector<16xf32>,
          %mul3A_860 = arith.mulf %get3A_369, %get3A_859 : vector<16xf32>
          %get3A_861 = arith.index_cast %add3A_852 : i32 to index
          %get3A_862 = arith.constant 32 : index
          %get3A_863 = tpu.vector_load %arg16[%get3A_861, %get3A_862] {strides = array<i32>} : memref<64x128xf32, #tpu.memory_space<vmem>>, vector<16xf32>,
          %mul3A_864 = arith.mulf %get3A_372, %get3A_863 : vector<16xf32>
          %add3A_865 = arith.addf %mul3A_856, %mul3A_864 : vector<16xf32>
          %get3A_866 = arith.index_cast %add3A_852 : i32 to index
          %get3A_867 = arith.constant 48 : index
          %get3A_868 = tpu.vector_load %arg16[%get3A_866, %get3A_867] {strides = array<i32>} : memref<64x128xf32, #tpu.memory_space<vmem>>, vector<16xf32>,
          %mul3A_869 = arith.mulf %get3A_375, %get3A_868 : vector<16xf32>
          %add3A_870 = arith.addf %mul3A_860, %mul3A_869 : vector<16xf32>
          %get3A_871 = arith.index_cast %add3A_852 : i32 to index
          %get3A_872 = arith.constant 64 : index
          %get3A_873 = tpu.vector_load %arg16[%get3A_871, %get3A_872] {strides = array<i32>} : memref<64x128xf32, #tpu.memory_space<vmem>>, vector<16xf32>,
          %mul3A_874 = arith.mulf %get3A_378, %get3A_873 : vector<16xf32>
          %add3A_875 = arith.addf %add3A_865, %mul3A_874 : vector<16xf32>
          %get3A_876 = arith.index_cast %add3A_852 : i32 to index
          %get3A_877 = arith.constant 80 : index
          %get3A_878 = tpu.vector_load %arg16[%get3A_876, %get3A_877] {strides = array<i32>} : memref<64x128xf32, #tpu.memory_space<vmem>>, vector<16xf32>,
          %mul3A_879 = arith.mulf %get3A_381, %get3A_878 : vector<16xf32>
          %add3A_880 = arith.addf %add3A_870, %mul3A_879 : vector<16xf32>
          %get3A_881 = arith.index_cast %add3A_852 : i32 to index
          %get3A_882 = arith.constant 96 : index
          %get3A_883 = tpu.vector_load %arg16[%get3A_881, %get3A_882] {strides = array<i32>} : memref<64x128xf32, #tpu.memory_space<vmem>>, vector<16xf32>,
          %mul3A_884 = arith.mulf %get3A_384, %get3A_883 : vector<16xf32>
          %add3A_885 = arith.addf %add3A_875, %mul3A_884 : vector<16xf32>
          %get3A_886 = arith.index_cast %add3A_852 : i32 to index
          %get3A_887 = arith.constant 112 : index
          %get3A_888 = tpu.vector_load %arg16[%get3A_886, %get3A_887] {strides = array<i32>} : memref<64x128xf32, #tpu.memory_space<vmem>>, vector<16xf32>,
          %mul3A_889 = arith.mulf %get3A_387, %get3A_888 : vector<16xf32>
          %add3A_890 = arith.addf %add3A_880, %mul3A_889 : vector<16xf32>
          %add3A_891 = arith.addf %add3A_885, %add3A_890 : vector<16xf32>
          %add3A_892 = arith.constant 8 : i32
          %add3A_893 = arith.addi %add3A_563, %add3A_892 : i32
          %get3A_894 = arith.index_cast %add3A_893 : i32 to index
          %get3A_895 = arith.constant 0 : index
          %get3A_896 = tpu.vector_load %arg16[%get3A_894, %get3A_895] {strides = array<i32>} : memref<64x128xf32, #tpu.memory_space<vmem>>, vector<16xf32>,
          %mul3A_897 = arith.mulf %get3A_366, %get3A_896 : vector<16xf32>
          %get3A_898 = arith.index_cast %add3A_893 : i32 to index
          %get3A_899 = arith.constant 16 : index
          %get3A_900 = tpu.vector_load %arg16[%get3A_898, %get3A_899] {strides = array<i32>} : memref<64x128xf32, #tpu.memory_space<vmem>>, vector<16xf32>,
          %mul3A_901 = arith.mulf %get3A_369, %get3A_900 : vector<16xf32>
          %get3A_902 = arith.index_cast %add3A_893 : i32 to index
          %get3A_903 = arith.constant 32 : index
          %get3A_904 = tpu.vector_load %arg16[%get3A_902, %get3A_903] {strides = array<i32>} : memref<64x128xf32, #tpu.memory_space<vmem>>, vector<16xf32>,
          %mul3A_905 = arith.mulf %get3A_372, %get3A_904 : vector<16xf32>
          %add3A_906 = arith.addf %mul3A_897, %mul3A_905 : vector<16xf32>
          %get3A_907 = arith.index_cast %add3A_893 : i32 to index
          %get3A_908 = arith.constant 48 : index
          %get3A_909 = tpu.vector_load %arg16[%get3A_907, %get3A_908] {strides = array<i32>} : memref<64x128xf32, #tpu.memory_space<vmem>>, vector<16xf32>,
          %mul3A_910 = arith.mulf %get3A_375, %get3A_909 : vector<16xf32>
          %add3A_911 = arith.addf %mul3A_901, %mul3A_910 : vector<16xf32>
          %get3A_912 = arith.index_cast %add3A_893 : i32 to index
          %get3A_913 = arith.constant 64 : index
          %get3A_914 = tpu.vector_load %arg16[%get3A_912, %get3A_913] {strides = array<i32>} : memref<64x128xf32, #tpu.memory_space<vmem>>, vector<16xf32>,
          %mul3A_915 = arith.mulf %get3A_378, %get3A_914 : vector<16xf32>
          %add3A_916 = arith.addf %add3A_906, %mul3A_915 : vector<16xf32>
          %get3A_917 = arith.index_cast %add3A_893 : i32 to index
          %get3A_918 = arith.constant 80 : index
          %get3A_919 = tpu.vector_load %arg16[%get3A_917, %get3A_918] {strides = array<i32>} : memref<64x128xf32, #tpu.memory_space<vmem>>, vector<16xf32>,
          %mul3A_920 = arith.mulf %get3A_381, %get3A_919 : vector<16xf32>
          %add3A_921 = arith.addf %add3A_911, %mul3A_920 : vector<16xf32>
          %get3A_922 = arith.index_cast %add3A_893 : i32 to index
          %get3A_923 = arith.constant 96 : index
          %get3A_924 = tpu.vector_load %arg16[%get3A_922, %get3A_923] {strides = array<i32>} : memref<64x128xf32, #tpu.memory_space<vmem>>, vector<16xf32>,
          %mul3A_925 = arith.mulf %get3A_384, %get3A_924 : vector<16xf32>
          %add3A_926 = arith.addf %add3A_916, %mul3A_925 : vector<16xf32>
          %get3A_927 = arith.index_cast %add3A_893 : i32 to index
          %get3A_928 = arith.constant 112 : index
          %get3A_929 = tpu.vector_load %arg16[%get3A_927, %get3A_928] {strides = array<i32>} : memref<64x128xf32, #tpu.memory_space<vmem>>, vector<16xf32>,
          %mul3A_930 = arith.mulf %get3A_387, %get3A_929 : vector<16xf32>
          %add3A_931 = arith.addf %add3A_921, %mul3A_930 : vector<16xf32>
          %add3A_932 = arith.addf %add3A_926, %add3A_931 : vector<16xf32>
          %add3A_933 = arith.constant 9 : i32
          %add3A_934 = arith.addi %add3A_563, %add3A_933 : i32
          %get3A_935 = arith.index_cast %add3A_934 : i32 to index
          %get3A_936 = arith.constant 0 : index
          %get3A_937 = tpu.vector_load %arg16[%get3A_935, %get3A_936] {strides = array<i32>} : memref<64x128xf32, #tpu.memory_space<vmem>>, vector<16xf32>,
          %mul3A_938 = arith.mulf %get3A_366, %get3A_937 : vector<16xf32>
          %get3A_939 = arith.index_cast %add3A_934 : i32 to index
          %get3A_940 = arith.constant 16 : index
          %get3A_941 = tpu.vector_load %arg16[%get3A_939, %get3A_940] {strides = array<i32>} : memref<64x128xf32, #tpu.memory_space<vmem>>, vector<16xf32>,
          %mul3A_942 = arith.mulf %get3A_369, %get3A_941 : vector<16xf32>
          %get3A_943 = arith.index_cast %add3A_934 : i32 to index
          %get3A_944 = arith.constant 32 : index
          %get3A_945 = tpu.vector_load %arg16[%get3A_943, %get3A_944] {strides = array<i32>} : memref<64x128xf32, #tpu.memory_space<vmem>>, vector<16xf32>,
          %mul3A_946 = arith.mulf %get3A_372, %get3A_945 : vector<16xf32>
          %add3A_947 = arith.addf %mul3A_938, %mul3A_946 : vector<16xf32>
          %get3A_948 = arith.index_cast %add3A_934 : i32 to index
          %get3A_949 = arith.constant 48 : index
          %get3A_950 = tpu.vector_load %arg16[%get3A_948, %get3A_949] {strides = array<i32>} : memref<64x128xf32, #tpu.memory_space<vmem>>, vector<16xf32>,
          %mul3A_951 = arith.mulf %get3A_375, %get3A_950 : vector<16xf32>
          %add3A_952 = arith.addf %mul3A_942, %mul3A_951 : vector<16xf32>
          %get3A_953 = arith.index_cast %add3A_934 : i32 to index
          %get3A_954 = arith.constant 64 : index
          %get3A_955 = tpu.vector_load %arg16[%get3A_953, %get3A_954] {strides = array<i32>} : memref<64x128xf32, #tpu.memory_space<vmem>>, vector<16xf32>,
          %mul3A_956 = arith.mulf %get3A_378, %get3A_955 : vector<16xf32>
          %add3A_957 = arith.addf %add3A_947, %mul3A_956 : vector<16xf32>
          %get3A_958 = arith.index_cast %add3A_934 : i32 to index
          %get3A_959 = arith.constant 80 : index
          %get3A_960 = tpu.vector_load %arg16[%get3A_958, %get3A_959] {strides = array<i32>} : memref<64x128xf32, #tpu.memory_space<vmem>>, vector<16xf32>,
          %mul3A_961 = arith.mulf %get3A_381, %get3A_960 : vector<16xf32>
          %add3A_962 = arith.addf %add3A_952, %mul3A_961 : vector<16xf32>
          %get3A_963 = arith.index_cast %add3A_934 : i32 to index
          %get3A_964 = arith.constant 96 : index
          %get3A_965 = tpu.vector_load %arg16[%get3A_963, %get3A_964] {strides = array<i32>} : memref<64x128xf32, #tpu.memory_space<vmem>>, vector<16xf32>,
          %mul3A_966 = arith.mulf %get3A_384, %get3A_965 : vector<16xf32>
          %add3A_967 = arith.addf %add3A_957, %mul3A_966 : vector<16xf32>
          %get3A_968 = arith.index_cast %add3A_934 : i32 to index
          %get3A_969 = arith.constant 112 : index
          %get3A_970 = tpu.vector_load %arg16[%get3A_968, %get3A_969] {strides = array<i32>} : memref<64x128xf32, #tpu.memory_space<vmem>>, vector<16xf32>,
          %mul3A_971 = arith.mulf %get3A_387, %get3A_970 : vector<16xf32>
          %add3A_972 = arith.addf %add3A_962, %mul3A_971 : vector<16xf32>
          %add3A_973 = arith.addf %add3A_967, %add3A_972 : vector<16xf32>
          %add3A_974 = arith.constant 10 : i32
          %add3A_975 = arith.addi %add3A_563, %add3A_974 : i32
          %get3A_976 = arith.index_cast %add3A_975 : i32 to index
          %get3A_977 = arith.constant 0 : index
          %get3A_978 = tpu.vector_load %arg16[%get3A_976, %get3A_977] {strides = array<i32>} : memref<64x128xf32, #tpu.memory_space<vmem>>, vector<16xf32>,
          %mul3A_979 = arith.mulf %get3A_366, %get3A_978 : vector<16xf32>
          %get3A_980 = arith.index_cast %add3A_975 : i32 to index
          %get3A_981 = arith.constant 16 : index
          %get3A_982 = tpu.vector_load %arg16[%get3A_980, %get3A_981] {strides = array<i32>} : memref<64x128xf32, #tpu.memory_space<vmem>>, vector<16xf32>,
          %mul3A_983 = arith.mulf %get3A_369, %get3A_982 : vector<16xf32>
          %get3A_984 = arith.index_cast %add3A_975 : i32 to index
          %get3A_985 = arith.constant 32 : index
          %get3A_986 = tpu.vector_load %arg16[%get3A_984, %get3A_985] {strides = array<i32>} : memref<64x128xf32, #tpu.memory_space<vmem>>, vector<16xf32>,
          %mul3A_987 = arith.mulf %get3A_372, %get3A_986 : vector<16xf32>
          %add3A_988 = arith.addf %mul3A_979, %mul3A_987 : vector<16xf32>
          %get3A_989 = arith.index_cast %add3A_975 : i32 to index
          %get3A_990 = arith.constant 48 : index
          %get3A_991 = tpu.vector_load %arg16[%get3A_989, %get3A_990] {strides = array<i32>} : memref<64x128xf32, #tpu.memory_space<vmem>>, vector<16xf32>,
          %mul3A_992 = arith.mulf %get3A_375, %get3A_991 : vector<16xf32>
          %add3A_993 = arith.addf %mul3A_983, %mul3A_992 : vector<16xf32>
          %get3A_994 = arith.index_cast %add3A_975 : i32 to index
          %get3A_995 = arith.constant 64 : index
          %get3A_996 = tpu.vector_load %arg16[%get3A_994, %get3A_995] {strides = array<i32>} : memref<64x128xf32, #tpu.memory_space<vmem>>, vector<16xf32>,
          %mul3A_997 = arith.mulf %get3A_378, %get3A_996 : vector<16xf32>
          %add3A_998 = arith.addf %add3A_988, %mul3A_997 : vector<16xf32>
          %get3A_999 = arith.index_cast %add3A_975 : i32 to index
          %get3A_1000 = arith.constant 80 : index
          %get3A_1001 = tpu.vector_load %arg16[%get3A_999, %get3A_1000] {strides = array<i32>} : memref<64x128xf32, #tpu.memory_space<vmem>>, vector<16xf32>,
          %mul3A_1002 = arith.mulf %get3A_381, %get3A_1001 : vector<16xf32>
          %add3A_1003 = arith.addf %add3A_993, %mul3A_1002 : vector<16xf32>
          %get3A_1004 = arith.index_cast %add3A_975 : i32 to index
          %get3A_1005 = arith.constant 96 : index
          %get3A_1006 = tpu.vector_load %arg16[%get3A_1004, %get3A_1005] {strides = array<i32>} : memref<64x128xf32, #tpu.memory_space<vmem>>, vector<16xf32>,
          %mul3A_1007 = arith.mulf %get3A_384, %get3A_1006 : vector<16xf32>
          %add3A_1008 = arith.addf %add3A_998, %mul3A_1007 : vector<16xf32>
          %get3A_1009 = arith.index_cast %add3A_975 : i32 to index
          %get3A_1010 = arith.constant 112 : index
          %get3A_1011 = tpu.vector_load %arg16[%get3A_1009, %get3A_1010] {strides = array<i32>} : memref<64x128xf32, #tpu.memory_space<vmem>>, vector<16xf32>,
          %mul3A_1012 = arith.mulf %get3A_387, %get3A_1011 : vector<16xf32>
          %add3A_1013 = arith.addf %add3A_1003, %mul3A_1012 : vector<16xf32>
          %add3A_1014 = arith.addf %add3A_1008, %add3A_1013 : vector<16xf32>
          %add3A_1015 = arith.constant 11 : i32
          %add3A_1016 = arith.addi %add3A_563, %add3A_1015 : i32
          %get3A_1017 = arith.index_cast %add3A_1016 : i32 to index
          %get3A_1018 = arith.constant 0 : index
          %get3A_1019 = tpu.vector_load %arg16[%get3A_1017, %get3A_1018] {strides = array<i32>} : memref<64x128xf32, #tpu.memory_space<vmem>>, vector<16xf32>,
          %mul3A_1020 = arith.mulf %get3A_366, %get3A_1019 : vector<16xf32>
          %get3A_1021 = arith.index_cast %add3A_1016 : i32 to index
          %get3A_1022 = arith.constant 16 : index
          %get3A_1023 = tpu.vector_load %arg16[%get3A_1021, %get3A_1022] {strides = array<i32>} : memref<64x128xf32, #tpu.memory_space<vmem>>, vector<16xf32>,
          %mul3A_1024 = arith.mulf %get3A_369, %get3A_1023 : vector<16xf32>
          %get3A_1025 = arith.index_cast %add3A_1016 : i32 to index
          %get3A_1026 = arith.constant 32 : index
          %get3A_1027 = tpu.vector_load %arg16[%get3A_1025, %get3A_1026] {strides = array<i32>} : memref<64x128xf32, #tpu.memory_space<vmem>>, vector<16xf32>,
          %mul3A_1028 = arith.mulf %get3A_372, %get3A_1027 : vector<16xf32>
          %add3A_1029 = arith.addf %mul3A_1020, %mul3A_1028 : vector<16xf32>
          %get3A_1030 = arith.index_cast %add3A_1016 : i32 to index
          %get3A_1031 = arith.constant 48 : index
          %get3A_1032 = tpu.vector_load %arg16[%get3A_1030, %get3A_1031] {strides = array<i32>} : memref<64x128xf32, #tpu.memory_space<vmem>>, vector<16xf32>,
          %mul3A_1033 = arith.mulf %get3A_375, %get3A_1032 : vector<16xf32>
          %add3A_1034 = arith.addf %mul3A_1024, %mul3A_1033 : vector<16xf32>
          %get3A_1035 = arith.index_cast %add3A_1016 : i32 to index
          %get3A_1036 = arith.constant 64 : index
          %get3A_1037 = tpu.vector_load %arg16[%get3A_1035, %get3A_1036] {strides = array<i32>} : memref<64x128xf32, #tpu.memory_space<vmem>>, vector<16xf32>,
          %mul3A_1038 = arith.mulf %get3A_378, %get3A_1037 : vector<16xf32>
          %add3A_1039 = arith.addf %add3A_1029, %mul3A_1038 : vector<16xf32>
          %get3A_1040 = arith.index_cast %add3A_1016 : i32 to index
          %get3A_1041 = arith.constant 80 : index
          %get3A_1042 = tpu.vector_load %arg16[%get3A_1040, %get3A_1041] {strides = array<i32>} : memref<64x128xf32, #tpu.memory_space<vmem>>, vector<16xf32>,
          %mul3A_1043 = arith.mulf %get3A_381, %get3A_1042 : vector<16xf32>
          %add3A_1044 = arith.addf %add3A_1034, %mul3A_1043 : vector<16xf32>
          %get3A_1045 = arith.index_cast %add3A_1016 : i32 to index
          %get3A_1046 = arith.constant 96 : index
          %get3A_1047 = tpu.vector_load %arg16[%get3A_1045, %get3A_1046] {strides = array<i32>} : memref<64x128xf32, #tpu.memory_space<vmem>>, vector<16xf32>,
          %mul3A_1048 = arith.mulf %get3A_384, %get3A_1047 : vector<16xf32>
          %add3A_1049 = arith.addf %add3A_1039, %mul3A_1048 : vector<16xf32>
          %get3A_1050 = arith.index_cast %add3A_1016 : i32 to index
          %get3A_1051 = arith.constant 112 : index
          %get3A_1052 = tpu.vector_load %arg16[%get3A_1050, %get3A_1051] {strides = array<i32>} : memref<64x128xf32, #tpu.memory_space<vmem>>, vector<16xf32>,
          %mul3A_1053 = arith.mulf %get3A_387, %get3A_1052 : vector<16xf32>
          %add3A_1054 = arith.addf %add3A_1044, %mul3A_1053 : vector<16xf32>
          %add3A_1055 = arith.addf %add3A_1049, %add3A_1054 : vector<16xf32>
          %add3A_1056 = arith.constant 12 : i32
          %add3A_1057 = arith.addi %add3A_563, %add3A_1056 : i32
          %get3A_1058 = arith.index_cast %add3A_1057 : i32 to index
          %get3A_1059 = arith.constant 0 : index
          %get3A_1060 = tpu.vector_load %arg16[%get3A_1058, %get3A_1059] {strides = array<i32>} : memref<64x128xf32, #tpu.memory_space<vmem>>, vector<16xf32>,
          %mul3A_1061 = arith.mulf %get3A_366, %get3A_1060 : vector<16xf32>
          %get3A_1062 = arith.index_cast %add3A_1057 : i32 to index
          %get3A_1063 = arith.constant 16 : index
          %get3A_1064 = tpu.vector_load %arg16[%get3A_1062, %get3A_1063] {strides = array<i32>} : memref<64x128xf32, #tpu.memory_space<vmem>>, vector<16xf32>,
          %mul3A_1065 = arith.mulf %get3A_369, %get3A_1064 : vector<16xf32>
          %get3A_1066 = arith.index_cast %add3A_1057 : i32 to index
          %get3A_1067 = arith.constant 32 : index
          %get3A_1068 = tpu.vector_load %arg16[%get3A_1066, %get3A_1067] {strides = array<i32>} : memref<64x128xf32, #tpu.memory_space<vmem>>, vector<16xf32>,
          %mul3A_1069 = arith.mulf %get3A_372, %get3A_1068 : vector<16xf32>
          %add3A_1070 = arith.addf %mul3A_1061, %mul3A_1069 : vector<16xf32>
          %get3A_1071 = arith.index_cast %add3A_1057 : i32 to index
          %get3A_1072 = arith.constant 48 : index
          %get3A_1073 = tpu.vector_load %arg16[%get3A_1071, %get3A_1072] {strides = array<i32>} : memref<64x128xf32, #tpu.memory_space<vmem>>, vector<16xf32>,
          %mul3A_1074 = arith.mulf %get3A_375, %get3A_1073 : vector<16xf32>
          %add3A_1075 = arith.addf %mul3A_1065, %mul3A_1074 : vector<16xf32>
          %get3A_1076 = arith.index_cast %add3A_1057 : i32 to index
          %get3A_1077 = arith.constant 64 : index
          %get3A_1078 = tpu.vector_load %arg16[%get3A_1076, %get3A_1077] {strides = array<i32>} : memref<64x128xf32, #tpu.memory_space<vmem>>, vector<16xf32>,
          %mul3A_1079 = arith.mulf %get3A_378, %get3A_1078 : vector<16xf32>
          %add3A_1080 = arith.addf %add3A_1070, %mul3A_1079 : vector<16xf32>
          %get3A_1081 = arith.index_cast %add3A_1057 : i32 to index
          %get3A_1082 = arith.constant 80 : index
          %get3A_1083 = tpu.vector_load %arg16[%get3A_1081, %get3A_1082] {strides = array<i32>} : memref<64x128xf32, #tpu.memory_space<vmem>>, vector<16xf32>,
          %mul3A_1084 = arith.mulf %get3A_381, %get3A_1083 : vector<16xf32>
          %add3A_1085 = arith.addf %add3A_1075, %mul3A_1084 : vector<16xf32>
          %get3A_1086 = arith.index_cast %add3A_1057 : i32 to index
          %get3A_1087 = arith.constant 96 : index
          %get3A_1088 = tpu.vector_load %arg16[%get3A_1086, %get3A_1087] {strides = array<i32>} : memref<64x128xf32, #tpu.memory_space<vmem>>, vector<16xf32>,
          %mul3A_1089 = arith.mulf %get3A_384, %get3A_1088 : vector<16xf32>
          %add3A_1090 = arith.addf %add3A_1080, %mul3A_1089 : vector<16xf32>
          %get3A_1091 = arith.index_cast %add3A_1057 : i32 to index
          %get3A_1092 = arith.constant 112 : index
          %get3A_1093 = tpu.vector_load %arg16[%get3A_1091, %get3A_1092] {strides = array<i32>} : memref<64x128xf32, #tpu.memory_space<vmem>>, vector<16xf32>,
          %mul3A_1094 = arith.mulf %get3A_387, %get3A_1093 : vector<16xf32>
          %add3A_1095 = arith.addf %add3A_1085, %mul3A_1094 : vector<16xf32>
          %add3A_1096 = arith.addf %add3A_1090, %add3A_1095 : vector<16xf32>
          %add3A_1097 = arith.constant 13 : i32
          %add3A_1098 = arith.addi %add3A_563, %add3A_1097 : i32
          %get3A_1099 = arith.index_cast %add3A_1098 : i32 to index
          %get3A_1100 = arith.constant 0 : index
          %get3A_1101 = tpu.vector_load %arg16[%get3A_1099, %get3A_1100] {strides = array<i32>} : memref<64x128xf32, #tpu.memory_space<vmem>>, vector<16xf32>,
          %mul3A_1102 = arith.mulf %get3A_366, %get3A_1101 : vector<16xf32>
          %get3A_1103 = arith.index_cast %add3A_1098 : i32 to index
          %get3A_1104 = arith.constant 16 : index
          %get3A_1105 = tpu.vector_load %arg16[%get3A_1103, %get3A_1104] {strides = array<i32>} : memref<64x128xf32, #tpu.memory_space<vmem>>, vector<16xf32>,
          %mul3A_1106 = arith.mulf %get3A_369, %get3A_1105 : vector<16xf32>
          %get3A_1107 = arith.index_cast %add3A_1098 : i32 to index
          %get3A_1108 = arith.constant 32 : index
          %get3A_1109 = tpu.vector_load %arg16[%get3A_1107, %get3A_1108] {strides = array<i32>} : memref<64x128xf32, #tpu.memory_space<vmem>>, vector<16xf32>,
          %mul3A_1110 = arith.mulf %get3A_372, %get3A_1109 : vector<16xf32>
          %add3A_1111 = arith.addf %mul3A_1102, %mul3A_1110 : vector<16xf32>
          %get3A_1112 = arith.index_cast %add3A_1098 : i32 to index
          %get3A_1113 = arith.constant 48 : index
          %get3A_1114 = tpu.vector_load %arg16[%get3A_1112, %get3A_1113] {strides = array<i32>} : memref<64x128xf32, #tpu.memory_space<vmem>>, vector<16xf32>,
          %mul3A_1115 = arith.mulf %get3A_375, %get3A_1114 : vector<16xf32>
          %add3A_1116 = arith.addf %mul3A_1106, %mul3A_1115 : vector<16xf32>
          %get3A_1117 = arith.index_cast %add3A_1098 : i32 to index
          %get3A_1118 = arith.constant 64 : index
          %get3A_1119 = tpu.vector_load %arg16[%get3A_1117, %get3A_1118] {strides = array<i32>} : memref<64x128xf32, #tpu.memory_space<vmem>>, vector<16xf32>,
          %mul3A_1120 = arith.mulf %get3A_378, %get3A_1119 : vector<16xf32>
          %add3A_1121 = arith.addf %add3A_1111, %mul3A_1120 : vector<16xf32>
          %get3A_1122 = arith.index_cast %add3A_1098 : i32 to index
          %get3A_1123 = arith.constant 80 : index
          %get3A_1124 = tpu.vector_load %arg16[%get3A_1122, %get3A_1123] {strides = array<i32>} : memref<64x128xf32, #tpu.memory_space<vmem>>, vector<16xf32>,
          %mul3A_1125 = arith.mulf %get3A_381, %get3A_1124 : vector<16xf32>
          %add3A_1126 = arith.addf %add3A_1116, %mul3A_1125 : vector<16xf32>
          %get3A_1127 = arith.index_cast %add3A_1098 : i32 to index
          %get3A_1128 = arith.constant 96 : index
          %get3A_1129 = tpu.vector_load %arg16[%get3A_1127, %get3A_1128] {strides = array<i32>} : memref<64x128xf32, #tpu.memory_space<vmem>>, vector<16xf32>,
          %mul3A_1130 = arith.mulf %get3A_384, %get3A_1129 : vector<16xf32>
          %add3A_1131 = arith.addf %add3A_1121, %mul3A_1130 : vector<16xf32>
          %get3A_1132 = arith.index_cast %add3A_1098 : i32 to index
          %get3A_1133 = arith.constant 112 : index
          %get3A_1134 = tpu.vector_load %arg16[%get3A_1132, %get3A_1133] {strides = array<i32>} : memref<64x128xf32, #tpu.memory_space<vmem>>, vector<16xf32>,
          %mul3A_1135 = arith.mulf %get3A_387, %get3A_1134 : vector<16xf32>
          %add3A_1136 = arith.addf %add3A_1126, %mul3A_1135 : vector<16xf32>
          %add3A_1137 = arith.addf %add3A_1131, %add3A_1136 : vector<16xf32>
          %add3A_1138 = arith.constant 14 : i32
          %add3A_1139 = arith.addi %add3A_563, %add3A_1138 : i32
          %get3A_1140 = arith.index_cast %add3A_1139 : i32 to index
          %get3A_1141 = arith.constant 0 : index
          %get3A_1142 = tpu.vector_load %arg16[%get3A_1140, %get3A_1141] {strides = array<i32>} : memref<64x128xf32, #tpu.memory_space<vmem>>, vector<16xf32>,
          %mul3A_1143 = arith.mulf %get3A_366, %get3A_1142 : vector<16xf32>
          %get3A_1144 = arith.index_cast %add3A_1139 : i32 to index
          %get3A_1145 = arith.constant 16 : index
          %get3A_1146 = tpu.vector_load %arg16[%get3A_1144, %get3A_1145] {strides = array<i32>} : memref<64x128xf32, #tpu.memory_space<vmem>>, vector<16xf32>,
          %mul3A_1147 = arith.mulf %get3A_369, %get3A_1146 : vector<16xf32>
          %get3A_1148 = arith.index_cast %add3A_1139 : i32 to index
          %get3A_1149 = arith.constant 32 : index
          %get3A_1150 = tpu.vector_load %arg16[%get3A_1148, %get3A_1149] {strides = array<i32>} : memref<64x128xf32, #tpu.memory_space<vmem>>, vector<16xf32>,
          %mul3A_1151 = arith.mulf %get3A_372, %get3A_1150 : vector<16xf32>
          %add3A_1152 = arith.addf %mul3A_1143, %mul3A_1151 : vector<16xf32>
          %get3A_1153 = arith.index_cast %add3A_1139 : i32 to index
          %get3A_1154 = arith.constant 48 : index
          %get3A_1155 = tpu.vector_load %arg16[%get3A_1153, %get3A_1154] {strides = array<i32>} : memref<64x128xf32, #tpu.memory_space<vmem>>, vector<16xf32>,
          %mul3A_1156 = arith.mulf %get3A_375, %get3A_1155 : vector<16xf32>
          %add3A_1157 = arith.addf %mul3A_1147, %mul3A_1156 : vector<16xf32>
          %get3A_1158 = arith.index_cast %add3A_1139 : i32 to index
          %get3A_1159 = arith.constant 64 : index
          %get3A_1160 = tpu.vector_load %arg16[%get3A_1158, %get3A_1159] {strides = array<i32>} : memref<64x128xf32, #tpu.memory_space<vmem>>, vector<16xf32>,
          %mul3A_1161 = arith.mulf %get3A_378, %get3A_1160 : vector<16xf32>
          %add3A_1162 = arith.addf %add3A_1152, %mul3A_1161 : vector<16xf32>
          %get3A_1163 = arith.index_cast %add3A_1139 : i32 to index
          %get3A_1164 = arith.constant 80 : index
          %get3A_1165 = tpu.vector_load %arg16[%get3A_1163, %get3A_1164] {strides = array<i32>} : memref<64x128xf32, #tpu.memory_space<vmem>>, vector<16xf32>,
          %mul3A_1166 = arith.mulf %get3A_381, %get3A_1165 : vector<16xf32>
          %add3A_1167 = arith.addf %add3A_1157, %mul3A_1166 : vector<16xf32>
          %get3A_1168 = arith.index_cast %add3A_1139 : i32 to index
          %get3A_1169 = arith.constant 96 : index
          %get3A_1170 = tpu.vector_load %arg16[%get3A_1168, %get3A_1169] {strides = array<i32>} : memref<64x128xf32, #tpu.memory_space<vmem>>, vector<16xf32>,
          %mul3A_1171 = arith.mulf %get3A_384, %get3A_1170 : vector<16xf32>
          %add3A_1172 = arith.addf %add3A_1162, %mul3A_1171 : vector<16xf32>
          %get3A_1173 = arith.index_cast %add3A_1139 : i32 to index
          %get3A_1174 = arith.constant 112 : index
          %get3A_1175 = tpu.vector_load %arg16[%get3A_1173, %get3A_1174] {strides = array<i32>} : memref<64x128xf32, #tpu.memory_space<vmem>>, vector<16xf32>,
          %mul3A_1176 = arith.mulf %get3A_387, %get3A_1175 : vector<16xf32>
          %add3A_1177 = arith.addf %add3A_1167, %mul3A_1176 : vector<16xf32>
          %add3A_1178 = arith.addf %add3A_1172, %add3A_1177 : vector<16xf32>
          %add3A_1179 = arith.constant 15 : i32
          %add3A_1180 = arith.addi %add3A_563, %add3A_1179 : i32
          %get3A_1181 = arith.index_cast %add3A_1180 : i32 to index
          %get3A_1182 = arith.constant 0 : index
          %get3A_1183 = tpu.vector_load %arg16[%get3A_1181, %get3A_1182] {strides = array<i32>} : memref<64x128xf32, #tpu.memory_space<vmem>>, vector<16xf32>,
          %mul3A_1184 = arith.mulf %get3A_366, %get3A_1183 : vector<16xf32>
          %get3A_1185 = arith.index_cast %add3A_1180 : i32 to index
          %get3A_1186 = arith.constant 16 : index
          %get3A_1187 = tpu.vector_load %arg16[%get3A_1185, %get3A_1186] {strides = array<i32>} : memref<64x128xf32, #tpu.memory_space<vmem>>, vector<16xf32>,
          %mul3A_1188 = arith.mulf %get3A_369, %get3A_1187 : vector<16xf32>
          %get3A_1189 = arith.index_cast %add3A_1180 : i32 to index
          %get3A_1190 = arith.constant 32 : index
          %get3A_1191 = tpu.vector_load %arg16[%get3A_1189, %get3A_1190] {strides = array<i32>} : memref<64x128xf32, #tpu.memory_space<vmem>>, vector<16xf32>,
          %mul3A_1192 = arith.mulf %get3A_372, %get3A_1191 : vector<16xf32>
          %add3A_1193 = arith.addf %mul3A_1184, %mul3A_1192 : vector<16xf32>
          %get3A_1194 = arith.index_cast %add3A_1180 : i32 to index
          %get3A_1195 = arith.constant 48 : index
          %get3A_1196 = tpu.vector_load %arg16[%get3A_1194, %get3A_1195] {strides = array<i32>} : memref<64x128xf32, #tpu.memory_space<vmem>>, vector<16xf32>,
          %mul3A_1197 = arith.mulf %get3A_375, %get3A_1196 : vector<16xf32>
          %add3A_1198 = arith.addf %mul3A_1188, %mul3A_1197 : vector<16xf32>
          %get3A_1199 = arith.index_cast %add3A_1180 : i32 to index
          %get3A_1200 = arith.constant 64 : index
          %get3A_1201 = tpu.vector_load %arg16[%get3A_1199, %get3A_1200] {strides = array<i32>} : memref<64x128xf32, #tpu.memory_space<vmem>>, vector<16xf32>,
          %mul3A_1202 = arith.mulf %get3A_378, %get3A_1201 : vector<16xf32>
          %add3A_1203 = arith.addf %add3A_1193, %mul3A_1202 : vector<16xf32>
          %get3A_1204 = arith.index_cast %add3A_1180 : i32 to index
          %get3A_1205 = arith.constant 80 : index
          %get3A_1206 = tpu.vector_load %arg16[%get3A_1204, %get3A_1205] {strides = array<i32>} : memref<64x128xf32, #tpu.memory_space<vmem>>, vector<16xf32>,
          %mul3A_1207 = arith.mulf %get3A_381, %get3A_1206 : vector<16xf32>
          %add3A_1208 = arith.addf %add3A_1198, %mul3A_1207 : vector<16xf32>
          %get3A_1209 = arith.index_cast %add3A_1180 : i32 to index
          %get3A_1210 = arith.constant 96 : index
          %get3A_1211 = tpu.vector_load %arg16[%get3A_1209, %get3A_1210] {strides = array<i32>} : memref<64x128xf32, #tpu.memory_space<vmem>>, vector<16xf32>,
          %mul3A_1212 = arith.mulf %get3A_384, %get3A_1211 : vector<16xf32>
          %add3A_1213 = arith.addf %add3A_1203, %mul3A_1212 : vector<16xf32>
          %get3A_1214 = arith.index_cast %add3A_1180 : i32 to index
          %get3A_1215 = arith.constant 112 : index
          %get3A_1216 = tpu.vector_load %arg16[%get3A_1214, %get3A_1215] {strides = array<i32>} : memref<64x128xf32, #tpu.memory_space<vmem>>, vector<16xf32>,
          %mul3A_1217 = arith.mulf %get3A_387, %get3A_1216 : vector<16xf32>
          %add3A_1218 = arith.addf %add3A_1208, %mul3A_1217 : vector<16xf32>
          %add3A_1219 = arith.addf %add3A_1213, %add3A_1218 : vector<16xf32>
          %add3A_1220 = arith.constant 0 : i32
          %add3A_1221 = vector.broadcast %add3A_1220 : i32 to vector<16xi32>
          %add3A_1222 = arith.addi %scan3A_559, %add3A_1221 : vector<16xi32>
          %broadcast_in_dim3A_1223 = arith.constant true
          %broadcast_in_dim3A_1224 = vector.broadcast %broadcast_in_dim3A_1223 : i1 to vector<16xi1>
          %masked_cumsum3A_1225 = tpu.scan <sum>, %add3A_604 masked %broadcast_in_dim3A_1224 : vector<16xf32>, vector<16xi1> -> vector<16xf32>
          tpu.vector_store_idx %arg20[%add3A_1222], %masked_cumsum3A_1225 masked %eq3A_4 : memref<64xf32, #tpu.memory_space<vmem>>[vector<16xi32>], vector<16xf32>, vector<16xi1>
          %add3A_1226 = arith.constant 1 : i32
          %add3A_1227 = vector.broadcast %add3A_1226 : i32 to vector<16xi32>
          %add3A_1228 = arith.addi %scan3A_559, %add3A_1227 : vector<16xi32>
          %broadcast_in_dim3A_1229 = arith.constant true
          %broadcast_in_dim3A_1230 = vector.broadcast %broadcast_in_dim3A_1229 : i1 to vector<16xi1>
          %masked_cumsum3A_1231 = tpu.scan <sum>, %add3A_645 masked %broadcast_in_dim3A_1230 : vector<16xf32>, vector<16xi1> -> vector<16xf32>
          tpu.vector_store_idx %arg20[%add3A_1228], %masked_cumsum3A_1231 masked %eq3A_4 : memref<64xf32, #tpu.memory_space<vmem>>[vector<16xi32>], vector<16xf32>, vector<16xi1>
          %add3A_1232 = arith.constant 2 : i32
          %add3A_1233 = vector.broadcast %add3A_1232 : i32 to vector<16xi32>
          %add3A_1234 = arith.addi %scan3A_559, %add3A_1233 : vector<16xi32>
          %broadcast_in_dim3A_1235 = arith.constant true
          %broadcast_in_dim3A_1236 = vector.broadcast %broadcast_in_dim3A_1235 : i1 to vector<16xi1>
          %masked_cumsum3A_1237 = tpu.scan <sum>, %add3A_686 masked %broadcast_in_dim3A_1236 : vector<16xf32>, vector<16xi1> -> vector<16xf32>
          tpu.vector_store_idx %arg20[%add3A_1234], %masked_cumsum3A_1237 masked %eq3A_4 : memref<64xf32, #tpu.memory_space<vmem>>[vector<16xi32>], vector<16xf32>, vector<16xi1>
          %add3A_1238 = arith.constant 3 : i32
          %add3A_1239 = vector.broadcast %add3A_1238 : i32 to vector<16xi32>
          %add3A_1240 = arith.addi %scan3A_559, %add3A_1239 : vector<16xi32>
          %broadcast_in_dim3A_1241 = arith.constant true
          %broadcast_in_dim3A_1242 = vector.broadcast %broadcast_in_dim3A_1241 : i1 to vector<16xi1>
          %masked_cumsum3A_1243 = tpu.scan <sum>, %add3A_727 masked %broadcast_in_dim3A_1242 : vector<16xf32>, vector<16xi1> -> vector<16xf32>
          tpu.vector_store_idx %arg20[%add3A_1240], %masked_cumsum3A_1243 masked %eq3A_4 : memref<64xf32, #tpu.memory_space<vmem>>[vector<16xi32>], vector<16xf32>, vector<16xi1>
          %add3A_1244 = arith.constant 4 : i32
          %add3A_1245 = vector.broadcast %add3A_1244 : i32 to vector<16xi32>
          %add3A_1246 = arith.addi %scan3A_559, %add3A_1245 : vector<16xi32>
          %broadcast_in_dim3A_1247 = arith.constant true
          %broadcast_in_dim3A_1248 = vector.broadcast %broadcast_in_dim3A_1247 : i1 to vector<16xi1>
          %masked_cumsum3A_1249 = tpu.scan <sum>, %add3A_768 masked %broadcast_in_dim3A_1248 : vector<16xf32>, vector<16xi1> -> vector<16xf32>
          tpu.vector_store_idx %arg20[%add3A_1246], %masked_cumsum3A_1249 masked %eq3A_4 : memref<64xf32, #tpu.memory_space<vmem>>[vector<16xi32>], vector<16xf32>, vector<16xi1>
          %add3A_1250 = arith.constant 5 : i32
          %add3A_1251 = vector.broadcast %add3A_1250 : i32 to vector<16xi32>
          %add3A_1252 = arith.addi %scan3A_559, %add3A_1251 : vector<16xi32>
          %broadcast_in_dim3A_1253 = arith.constant true
          %broadcast_in_dim3A_1254 = vector.broadcast %broadcast_in_dim3A_1253 : i1 to vector<16xi1>
          %masked_cumsum3A_1255 = tpu.scan <sum>, %add3A_809 masked %broadcast_in_dim3A_1254 : vector<16xf32>, vector<16xi1> -> vector<16xf32>
          tpu.vector_store_idx %arg20[%add3A_1252], %masked_cumsum3A_1255 masked %eq3A_4 : memref<64xf32, #tpu.memory_space<vmem>>[vector<16xi32>], vector<16xf32>, vector<16xi1>
          %add3A_1256 = arith.constant 6 : i32
          %add3A_1257 = vector.broadcast %add3A_1256 : i32 to vector<16xi32>
          %add3A_1258 = arith.addi %scan3A_559, %add3A_1257 : vector<16xi32>
          %broadcast_in_dim3A_1259 = arith.constant true
          %broadcast_in_dim3A_1260 = vector.broadcast %broadcast_in_dim3A_1259 : i1 to vector<16xi1>
          %masked_cumsum3A_1261 = tpu.scan <sum>, %add3A_850 masked %broadcast_in_dim3A_1260 : vector<16xf32>, vector<16xi1> -> vector<16xf32>
          tpu.vector_store_idx %arg20[%add3A_1258], %masked_cumsum3A_1261 masked %eq3A_4 : memref<64xf32, #tpu.memory_space<vmem>>[vector<16xi32>], vector<16xf32>, vector<16xi1>
          %add3A_1262 = arith.constant 7 : i32
          %add3A_1263 = vector.broadcast %add3A_1262 : i32 to vector<16xi32>
          %add3A_1264 = arith.addi %scan3A_559, %add3A_1263 : vector<16xi32>
          %broadcast_in_dim3A_1265 = arith.constant true
          %broadcast_in_dim3A_1266 = vector.broadcast %broadcast_in_dim3A_1265 : i1 to vector<16xi1>
          %masked_cumsum3A_1267 = tpu.scan <sum>, %add3A_891 masked %broadcast_in_dim3A_1266 : vector<16xf32>, vector<16xi1> -> vector<16xf32>
          tpu.vector_store_idx %arg20[%add3A_1264], %masked_cumsum3A_1267 masked %eq3A_4 : memref<64xf32, #tpu.memory_space<vmem>>[vector<16xi32>], vector<16xf32>, vector<16xi1>
          %add3A_1268 = arith.constant 8 : i32
          %add3A_1269 = vector.broadcast %add3A_1268 : i32 to vector<16xi32>
          %add3A_1270 = arith.addi %scan3A_559, %add3A_1269 : vector<16xi32>
          %broadcast_in_dim3A_1271 = arith.constant true
          %broadcast_in_dim3A_1272 = vector.broadcast %broadcast_in_dim3A_1271 : i1 to vector<16xi1>
          %masked_cumsum3A_1273 = tpu.scan <sum>, %add3A_932 masked %broadcast_in_dim3A_1272 : vector<16xf32>, vector<16xi1> -> vector<16xf32>
          tpu.vector_store_idx %arg20[%add3A_1270], %masked_cumsum3A_1273 masked %eq3A_4 : memref<64xf32, #tpu.memory_space<vmem>>[vector<16xi32>], vector<16xf32>, vector<16xi1>
          %add3A_1274 = arith.constant 9 : i32
          %add3A_1275 = vector.broadcast %add3A_1274 : i32 to vector<16xi32>
          %add3A_1276 = arith.addi %scan3A_559, %add3A_1275 : vector<16xi32>
          %broadcast_in_dim3A_1277 = arith.constant true
          %broadcast_in_dim3A_1278 = vector.broadcast %broadcast_in_dim3A_1277 : i1 to vector<16xi1>
          %masked_cumsum3A_1279 = tpu.scan <sum>, %add3A_973 masked %broadcast_in_dim3A_1278 : vector<16xf32>, vector<16xi1> -> vector<16xf32>
          tpu.vector_store_idx %arg20[%add3A_1276], %masked_cumsum3A_1279 masked %eq3A_4 : memref<64xf32, #tpu.memory_space<vmem>>[vector<16xi32>], vector<16xf32>, vector<16xi1>
          %add3A_1280 = arith.constant 10 : i32
          %add3A_1281 = vector.broadcast %add3A_1280 : i32 to vector<16xi32>
          %add3A_1282 = arith.addi %scan3A_559, %add3A_1281 : vector<16xi32>
          %broadcast_in_dim3A_1283 = arith.constant true
          %broadcast_in_dim3A_1284 = vector.broadcast %broadcast_in_dim3A_1283 : i1 to vector<16xi1>
          %masked_cumsum3A_1285 = tpu.scan <sum>, %add3A_1014 masked %broadcast_in_dim3A_1284 : vector<16xf32>, vector<16xi1> -> vector<16xf32>
          tpu.vector_store_idx %arg20[%add3A_1282], %masked_cumsum3A_1285 masked %eq3A_4 : memref<64xf32, #tpu.memory_space<vmem>>[vector<16xi32>], vector<16xf32>, vector<16xi1>
          %add3A_1286 = arith.constant 11 : i32
          %add3A_1287 = vector.broadcast %add3A_1286 : i32 to vector<16xi32>
          %add3A_1288 = arith.addi %scan3A_559, %add3A_1287 : vector<16xi32>
          %broadcast_in_dim3A_1289 = arith.constant true
          %broadcast_in_dim3A_1290 = vector.broadcast %broadcast_in_dim3A_1289 : i1 to vector<16xi1>
          %masked_cumsum3A_1291 = tpu.scan <sum>, %add3A_1055 masked %broadcast_in_dim3A_1290 : vector<16xf32>, vector<16xi1> -> vector<16xf32>
          tpu.vector_store_idx %arg20[%add3A_1288], %masked_cumsum3A_1291 masked %eq3A_4 : memref<64xf32, #tpu.memory_space<vmem>>[vector<16xi32>], vector<16xf32>, vector<16xi1>
          %add3A_1292 = arith.constant 12 : i32
          %add3A_1293 = vector.broadcast %add3A_1292 : i32 to vector<16xi32>
          %add3A_1294 = arith.addi %scan3A_559, %add3A_1293 : vector<16xi32>
          %broadcast_in_dim3A_1295 = arith.constant true
          %broadcast_in_dim3A_1296 = vector.broadcast %broadcast_in_dim3A_1295 : i1 to vector<16xi1>
          %masked_cumsum3A_1297 = tpu.scan <sum>, %add3A_1096 masked %broadcast_in_dim3A_1296 : vector<16xf32>, vector<16xi1> -> vector<16xf32>
          tpu.vector_store_idx %arg20[%add3A_1294], %masked_cumsum3A_1297 masked %eq3A_4 : memref<64xf32, #tpu.memory_space<vmem>>[vector<16xi32>], vector<16xf32>, vector<16xi1>
          %add3A_1298 = arith.constant 13 : i32
          %add3A_1299 = vector.broadcast %add3A_1298 : i32 to vector<16xi32>
          %add3A_1300 = arith.addi %scan3A_559, %add3A_1299 : vector<16xi32>
          %broadcast_in_dim3A_1301 = arith.constant true
          %broadcast_in_dim3A_1302 = vector.broadcast %broadcast_in_dim3A_1301 : i1 to vector<16xi1>
          %masked_cumsum3A_1303 = tpu.scan <sum>, %add3A_1137 masked %broadcast_in_dim3A_1302 : vector<16xf32>, vector<16xi1> -> vector<16xf32>
          tpu.vector_store_idx %arg20[%add3A_1300], %masked_cumsum3A_1303 masked %eq3A_4 : memref<64xf32, #tpu.memory_space<vmem>>[vector<16xi32>], vector<16xf32>, vector<16xi1>
          %add3A_1304 = arith.constant 14 : i32
          %add3A_1305 = vector.broadcast %add3A_1304 : i32 to vector<16xi32>
          %add3A_1306 = arith.addi %scan3A_559, %add3A_1305 : vector<16xi32>
          %broadcast_in_dim3A_1307 = arith.constant true
          %broadcast_in_dim3A_1308 = vector.broadcast %broadcast_in_dim3A_1307 : i1 to vector<16xi1>
          %masked_cumsum3A_1309 = tpu.scan <sum>, %add3A_1178 masked %broadcast_in_dim3A_1308 : vector<16xf32>, vector<16xi1> -> vector<16xf32>
          tpu.vector_store_idx %arg20[%add3A_1306], %masked_cumsum3A_1309 masked %eq3A_4 : memref<64xf32, #tpu.memory_space<vmem>>[vector<16xi32>], vector<16xf32>, vector<16xi1>
          %add3A_1310 = arith.constant 15 : i32
          %add3A_1311 = vector.broadcast %add3A_1310 : i32 to vector<16xi32>
          %add3A_1312 = arith.addi %scan3A_559, %add3A_1311 : vector<16xi32>
          %broadcast_in_dim3A_1313 = arith.constant true
          %broadcast_in_dim3A_1314 = vector.broadcast %broadcast_in_dim3A_1313 : i1 to vector<16xi1>
          %masked_cumsum3A_1315 = tpu.scan <sum>, %add3A_1219 masked %broadcast_in_dim3A_1314 : vector<16xf32>, vector<16xi1> -> vector<16xf32>
          tpu.vector_store_idx %arg20[%add3A_1312], %masked_cumsum3A_1315 masked %eq3A_4 : memref<64xf32, #tpu.memory_space<vmem>>[vector<16xi32>], vector<16xf32>, vector<16xi1>
          %add3A_1316 = arith.constant 16 : i32
          %add3A_1317 = vector.broadcast %add3A_1316 : i32 to vector<16xi32>
          %add3A_1318 = arith.addi %scan3A_559, %add3A_1317 : vector<16xi32>
          scf.yield %add3A_1318 : vector<16xi32>
        }
        %scan3A_438 = arith.constant 4 : i32
        %mul3A_439 = arith.constant 1 : i32
        %mul3A_440 = arith.muli %add3A_352, %mul3A_439 : i32
        %add3A_441 = arith.addi %add3A_15, %mul3A_440 : i32
        %mul3A_442 = arith.constant 64 : i32
        %mul3A_443 = arith.muli %add3A_441, %mul3A_442 : i32
        %dma_start3A_444 = tpu.memref_slice %arg8[%mul3A_443] : memref<1048576xf32, #tpu.memory_space<hbm>> -> memref<64xf32, #tpu.memory_space<hbm>>
        %dma_start3A_445 = tpu.memref_slice %arg8[%mul3A_443] : memref<1048576xf32, #tpu.memory_space<hbm>> -> memref<64xf32, #tpu.memory_space<hbm>>
        tpu.enqueue_dma source(%arg20 : memref<64xf32, #tpu.memory_space<vmem>>) target(%dma_start3A_445 : memref<64xf32, #tpu.memory_space<hbm>>) target_semaphore(%arg31 : memref<!tpu.dma_semaphore, #tpu.memory_space<semaphore_mem>>)
        %add3A_446 = arith.constant 4 : i32
        %add3A_447 = arith.addi %add3A_352, %add3A_446 : i32
        %lt3A_448 = arith.constant 256 : i32
        %lt3A_449 = arith.cmpi slt, %add3A_447, %lt3A_448 : i32
        %convert_element_type3A_450 = arith.extui %lt3A_449 : i1 to i32
        %cond3A_451 = arith.constant 0 : i32
        %cond3A_452 = arith.cmpi ne, %convert_element_type3A_450, %cond3A_451 : i32
        scf.if %cond3A_452 {
          %add3A_558 = arith.constant 4 : i32
          %add3A_559 = arith.addi %add3A_352, %add3A_558 : i32
          %dma_start3A_560 = arith.constant 0 : i32
          %dma_start3A_561 = tpu.memref_slice %arg11[%add3A_559, %dma_start3A_560] : memref<256x64xi32, #tpu.memory_space<vmem>> -> memref<1x64xi32, #tpu.memory_space<vmem>>
          %dma_start3A_562 = tpu.memref_squeeze %dma_start3A_561 : memref<1x64xi32, #tpu.memory_space<vmem>> -> memref<64xi32, #tpu.memory_space<vmem>>
          %dma_start3A_563 = arith.constant 0 : i32
          %dma_start3A_564 = arith.constant 0 : i32
          %dma_start3A_565 = tpu.memref_slice %arg6[%dma_start3A_563, %dma_start3A_564] : memref<100000x128xf32, #tpu.memory_space<hbm>> -> memref<100000x128xf32, #tpu.memory_space<hbm>>
          tpu.enqueue_indirect_dma source(%dma_start3A_565 : memref<100000x128xf32, #tpu.memory_space<hbm>>) target(%arg16 : memref<64x128xf32, #tpu.memory_space<vmem>>) offsets(%dma_start3A_562 : memref<64xi32, #tpu.memory_space<vmem>>) semaphore(%arg27 : memref<!tpu.dma_semaphore, #tpu.memory_space<semaphore_mem>>)
        } else {
        }
        %mul3A_453 = arith.constant 4 : i32
        %mul3A_454 = arith.muli %scan3A_146, %mul3A_453 : i32
        %add3A_455 = arith.constant 3 : i32
        %add3A_456 = arith.addi %mul3A_454, %add3A_455 : i32
        %dma_wait3A_457 = arith.constant 0 : i32
        %dma_wait3A_458 = tpu.memref_slice %arg11[%add3A_456, %dma_wait3A_457] : memref<256x64xi32, #tpu.memory_space<vmem>> -> memref<1x64xi32, #tpu.memory_space<vmem>>
        %dma_wait3A_459 = tpu.memref_squeeze %dma_wait3A_458 : memref<1x64xi32, #tpu.memory_space<vmem>> -> memref<64xi32, #tpu.memory_space<vmem>>
        %dma_wait3A_460 = arith.constant 0 : i32
        %dma_wait3A_461 = arith.constant 0 : i32
        %dma_wait3A_462 = tpu.memref_slice %arg6[%dma_wait3A_460, %dma_wait3A_461] : memref<100000x128xf32, #tpu.memory_space<hbm>> -> memref<100000x128xf32, #tpu.memory_space<hbm>>
        tpu.wait_indirect_dma semaphore(%arg28 : memref<!tpu.dma_semaphore, #tpu.memory_space<semaphore_mem>>) src(%dma_wait3A_462 : memref<100000x128xf32, #tpu.memory_space<hbm>>) dst(%arg17 : memref<64x128xf32, #tpu.memory_space<vmem>>)
        %gt3A_463 = arith.constant 0 : i32
        %gt3A_464 = arith.cmpi sgt, %scan3A_146, %gt3A_463 : i32
        %convert_element_type3A_465 = arith.extui %gt3A_464 : i1 to i32
        %cond3A_466 = arith.constant 0 : i32
        %cond3A_467 = arith.cmpi ne, %convert_element_type3A_465, %cond3A_466 : i32
        scf.if %cond3A_467 {
          %dma_wait3A_558 = arith.constant 0 : i32
          %dma_wait3A_559 = tpu.memref_slice %arg8[%dma_wait3A_558] : memref<1048576xf32, #tpu.memory_space<hbm>> -> memref<64xf32, #tpu.memory_space<hbm>>
          %dma_wait3A_560 = arith.constant 0 : i32
          %dma_wait3A_561 = tpu.memref_slice %arg8[%dma_wait3A_560] : memref<1048576xf32, #tpu.memory_space<hbm>> -> memref<64xf32, #tpu.memory_space<hbm>>
          tpu.wait_dma2 semaphore(%arg32 : memref<!tpu.dma_semaphore, #tpu.memory_space<semaphore_mem>>) src(%arg21 : memref<64xf32, #tpu.memory_space<vmem>>) dst(%dma_wait3A_561 : memref<64xf32, #tpu.memory_space<hbm>>)
        } else {
        }
        %get3A_468 = arith.index_cast %add3A_456 : i32 to index
        %get3A_469 = arith.constant 0 : index
        %get3A_470 = tpu.vector_load %arg12[%get3A_468, %get3A_469] {strides = array<i32>} : memref<256x128xf32, #tpu.memory_space<vmem>>, vector<16xf32>,
        %get3A_471 = arith.index_cast %add3A_456 : i32 to index
        %get3A_472 = arith.constant 16 : index
        %get3A_473 = tpu.vector_load %arg12[%get3A_471, %get3A_472] {strides = array<i32>} : memref<256x128xf32, #tpu.memory_space<vmem>>, vector<16xf32>,
        %get3A_474 = arith.index_cast %add3A_456 : i32 to index
        %get3A_475 = arith.constant 32 : index
        %get3A_476 = tpu.vector_load %arg12[%get3A_474, %get3A_475] {strides = array<i32>} : memref<256x128xf32, #tpu.memory_space<vmem>>, vector<16xf32>,
        %get3A_477 = arith.index_cast %add3A_456 : i32 to index
        %get3A_478 = arith.constant 48 : index
        %get3A_479 = tpu.vector_load %arg12[%get3A_477, %get3A_478] {strides = array<i32>} : memref<256x128xf32, #tpu.memory_space<vmem>>, vector<16xf32>,
        %get3A_480 = arith.index_cast %add3A_456 : i32 to index
        %get3A_481 = arith.constant 64 : index
        %get3A_482 = tpu.vector_load %arg12[%get3A_480, %get3A_481] {strides = array<i32>} : memref<256x128xf32, #tpu.memory_space<vmem>>, vector<16xf32>,
        %get3A_483 = arith.index_cast %add3A_456 : i32 to index
        %get3A_484 = arith.constant 80 : index
        %get3A_485 = tpu.vector_load %arg12[%get3A_483, %get3A_484] {strides = array<i32>} : memref<256x128xf32, #tpu.memory_space<vmem>>, vector<16xf32>,
        %get3A_486 = arith.index_cast %add3A_456 : i32 to index
        %get3A_487 = arith.constant 96 : index
        %get3A_488 = tpu.vector_load %arg12[%get3A_486, %get3A_487] {strides = array<i32>} : memref<256x128xf32, #tpu.memory_space<vmem>>, vector<16xf32>,
        %get3A_489 = arith.index_cast %add3A_456 : i32 to index
        %get3A_490 = arith.constant 112 : index
        %get3A_491 = tpu.vector_load %arg12[%get3A_489, %get3A_490] {strides = array<i32>} : memref<256x128xf32, #tpu.memory_space<vmem>>, vector<16xf32>,
        %get3A_492 = arith.index_cast %add3A_456 : i32 to index
        %get3A_493 = arith.constant 0 : index
        %get3A_494 = tpu.vector_load %arg13[%get3A_492, %get3A_493] {strides = array<i32>} : memref<256x128xf32, #tpu.memory_space<vmem>>, vector<16xf32>,
        %mul3A_495 = arith.mulf %get3A_470, %get3A_494 : vector<16xf32>
        %get3A_496 = arith.index_cast %add3A_456 : i32 to index
        %get3A_497 = arith.constant 16 : index
        %get3A_498 = tpu.vector_load %arg13[%get3A_496, %get3A_497] {strides = array<i32>} : memref<256x128xf32, #tpu.memory_space<vmem>>, vector<16xf32>,
        %mul3A_499 = arith.mulf %get3A_473, %get3A_498 : vector<16xf32>
        %get3A_500 = arith.index_cast %add3A_456 : i32 to index
        %get3A_501 = arith.constant 32 : index
        %get3A_502 = tpu.vector_load %arg13[%get3A_500, %get3A_501] {strides = array<i32>} : memref<256x128xf32, #tpu.memory_space<vmem>>, vector<16xf32>,
        %mul3A_503 = arith.mulf %get3A_476, %get3A_502 : vector<16xf32>
        %add3A_504 = arith.addf %mul3A_495, %mul3A_503 : vector<16xf32>
        %get3A_505 = arith.index_cast %add3A_456 : i32 to index
        %get3A_506 = arith.constant 48 : index
        %get3A_507 = tpu.vector_load %arg13[%get3A_505, %get3A_506] {strides = array<i32>} : memref<256x128xf32, #tpu.memory_space<vmem>>, vector<16xf32>,
        %mul3A_508 = arith.mulf %get3A_479, %get3A_507 : vector<16xf32>
        %add3A_509 = arith.addf %mul3A_499, %mul3A_508 : vector<16xf32>
        %get3A_510 = arith.index_cast %add3A_456 : i32 to index
        %get3A_511 = arith.constant 64 : index
        %get3A_512 = tpu.vector_load %arg13[%get3A_510, %get3A_511] {strides = array<i32>} : memref<256x128xf32, #tpu.memory_space<vmem>>, vector<16xf32>,
        %mul3A_513 = arith.mulf %get3A_482, %get3A_512 : vector<16xf32>
        %add3A_514 = arith.addf %add3A_504, %mul3A_513 : vector<16xf32>
        %get3A_515 = arith.index_cast %add3A_456 : i32 to index
        %get3A_516 = arith.constant 80 : index
        %get3A_517 = tpu.vector_load %arg13[%get3A_515, %get3A_516] {strides = array<i32>} : memref<256x128xf32, #tpu.memory_space<vmem>>, vector<16xf32>,
        %mul3A_518 = arith.mulf %get3A_485, %get3A_517 : vector<16xf32>
        %add3A_519 = arith.addf %add3A_509, %mul3A_518 : vector<16xf32>
        %get3A_520 = arith.index_cast %add3A_456 : i32 to index
        %get3A_521 = arith.constant 96 : index
        %get3A_522 = tpu.vector_load %arg13[%get3A_520, %get3A_521] {strides = array<i32>} : memref<256x128xf32, #tpu.memory_space<vmem>>, vector<16xf32>,
        %mul3A_523 = arith.mulf %get3A_488, %get3A_522 : vector<16xf32>
        %add3A_524 = arith.addf %add3A_514, %mul3A_523 : vector<16xf32>
        %get3A_525 = arith.index_cast %add3A_456 : i32 to index
        %get3A_526 = arith.constant 112 : index
        %get3A_527 = tpu.vector_load %arg13[%get3A_525, %get3A_526] {strides = array<i32>} : memref<256x128xf32, #tpu.memory_space<vmem>>, vector<16xf32>,
        %mul3A_528 = arith.mulf %get3A_491, %get3A_527 : vector<16xf32>
        %add3A_529 = arith.addf %add3A_519, %mul3A_528 : vector<16xf32>
        %broadcast_in_dim3A_530 = vector.broadcast %add3A_456 : i32 to vector<16xi32>
        %add3A_531 = arith.addf %add3A_524, %add3A_529 : vector<16xf32>
        %broadcast_in_dim3A_532 = arith.constant true
        %broadcast_in_dim3A_533 = vector.broadcast %broadcast_in_dim3A_532 : i1 to vector<16xi1>
        %masked_cumsum3A_534 = tpu.scan <sum>, %add3A_531 masked %broadcast_in_dim3A_533 : vector<16xf32>, vector<16xi1> -> vector<16xf32>
        tpu.vector_store_idx %arg22[%broadcast_in_dim3A_530], %masked_cumsum3A_534 masked %eq3A_4 : memref<256xf32, #tpu.memory_space<vmem>>[vector<16xi32>], vector<16xf32>, vector<16xi1>
        %broadcast_in_dim3A_535 = arith.constant 0 : i32
        %broadcast_in_dim3A_536 = vector.broadcast %broadcast_in_dim3A_535 : i32 to vector<16xi32>
        %scan3A_537 = arith.constant 0 : i32
        %scan3A_538 = arith.constant 4 : i32
        %scan3A_539 = arith.addi %scan3A_537, %scan3A_538 : i32
        %scan3A_540 = arith.constant 1 : i32
        %scan3A_541 = scf.for %scan3A_558 = %scan3A_537 to %scan3A_539 step %scan3A_540 iter_args(%scan3A_559 = %broadcast_in_dim3A_536) -> (vector<16xi32>)  : i32 {
          %mul3A_560 = arith.constant 16 : i32
          %mul3A_561 = arith.muli %scan3A_558, %mul3A_560 : i32
          %add3A_562 = arith.constant 0 : i32
          %add3A_563 = arith.addi %mul3A_561, %add3A_562 : i32
          %add3A_564 = arith.constant 0 : i32
          %add3A_565 = arith.addi %add3A_563, %add3A_564 : i32
          %get3A_566 = arith.index_cast %add3A_565 : i32 to index
          %get3A_567 = arith.constant 0 : index
          %get3A_568 = tpu.vector_load %arg17[%get3A_566, %get3A_567] {strides = array<i32>} : memref<64x128xf32, #tpu.memory_space<vmem>>, vector<16xf32>,
          %mul3A_569 = arith.mulf %get3A_470, %get3A_568 : vector<16xf32>
          %get3A_570 = arith.index_cast %add3A_565 : i32 to index
          %get3A_571 = arith.constant 16 : index
          %get3A_572 = tpu.vector_load %arg17[%get3A_570, %get3A_571] {strides = array<i32>} : memref<64x128xf32, #tpu.memory_space<vmem>>, vector<16xf32>,
          %mul3A_573 = arith.mulf %get3A_473, %get3A_572 : vector<16xf32>
          %get3A_574 = arith.index_cast %add3A_565 : i32 to index
          %get3A_575 = arith.constant 32 : index
          %get3A_576 = tpu.vector_load %arg17[%get3A_574, %get3A_575] {strides = array<i32>} : memref<64x128xf32, #tpu.memory_space<vmem>>, vector<16xf32>,
          %mul3A_577 = arith.mulf %get3A_476, %get3A_576 : vector<16xf32>
          %add3A_578 = arith.addf %mul3A_569, %mul3A_577 : vector<16xf32>
          %get3A_579 = arith.index_cast %add3A_565 : i32 to index
          %get3A_580 = arith.constant 48 : index
          %get3A_581 = tpu.vector_load %arg17[%get3A_579, %get3A_580] {strides = array<i32>} : memref<64x128xf32, #tpu.memory_space<vmem>>, vector<16xf32>,
          %mul3A_582 = arith.mulf %get3A_479, %get3A_581 : vector<16xf32>
          %add3A_583 = arith.addf %mul3A_573, %mul3A_582 : vector<16xf32>
          %get3A_584 = arith.index_cast %add3A_565 : i32 to index
          %get3A_585 = arith.constant 64 : index
          %get3A_586 = tpu.vector_load %arg17[%get3A_584, %get3A_585] {strides = array<i32>} : memref<64x128xf32, #tpu.memory_space<vmem>>, vector<16xf32>,
          %mul3A_587 = arith.mulf %get3A_482, %get3A_586 : vector<16xf32>
          %add3A_588 = arith.addf %add3A_578, %mul3A_587 : vector<16xf32>
          %get3A_589 = arith.index_cast %add3A_565 : i32 to index
          %get3A_590 = arith.constant 80 : index
          %get3A_591 = tpu.vector_load %arg17[%get3A_589, %get3A_590] {strides = array<i32>} : memref<64x128xf32, #tpu.memory_space<vmem>>, vector<16xf32>,
          %mul3A_592 = arith.mulf %get3A_485, %get3A_591 : vector<16xf32>
          %add3A_593 = arith.addf %add3A_583, %mul3A_592 : vector<16xf32>
          %get3A_594 = arith.index_cast %add3A_565 : i32 to index
          %get3A_595 = arith.constant 96 : index
          %get3A_596 = tpu.vector_load %arg17[%get3A_594, %get3A_595] {strides = array<i32>} : memref<64x128xf32, #tpu.memory_space<vmem>>, vector<16xf32>,
          %mul3A_597 = arith.mulf %get3A_488, %get3A_596 : vector<16xf32>
          %add3A_598 = arith.addf %add3A_588, %mul3A_597 : vector<16xf32>
          %get3A_599 = arith.index_cast %add3A_565 : i32 to index
          %get3A_600 = arith.constant 112 : index
          %get3A_601 = tpu.vector_load %arg17[%get3A_599, %get3A_600] {strides = array<i32>} : memref<64x128xf32, #tpu.memory_space<vmem>>, vector<16xf32>,
          %mul3A_602 = arith.mulf %get3A_491, %get3A_601 : vector<16xf32>
          %add3A_603 = arith.addf %add3A_593, %mul3A_602 : vector<16xf32>
          %add3A_604 = arith.addf %add3A_598, %add3A_603 : vector<16xf32>
          %add3A_605 = arith.constant 1 : i32
          %add3A_606 = arith.addi %add3A_563, %add3A_605 : i32
          %get3A_607 = arith.index_cast %add3A_606 : i32 to index
          %get3A_608 = arith.constant 0 : index
          %get3A_609 = tpu.vector_load %arg17[%get3A_607, %get3A_608] {strides = array<i32>} : memref<64x128xf32, #tpu.memory_space<vmem>>, vector<16xf32>,
          %mul3A_610 = arith.mulf %get3A_470, %get3A_609 : vector<16xf32>
          %get3A_611 = arith.index_cast %add3A_606 : i32 to index
          %get3A_612 = arith.constant 16 : index
          %get3A_613 = tpu.vector_load %arg17[%get3A_611, %get3A_612] {strides = array<i32>} : memref<64x128xf32, #tpu.memory_space<vmem>>, vector<16xf32>,
          %mul3A_614 = arith.mulf %get3A_473, %get3A_613 : vector<16xf32>
          %get3A_615 = arith.index_cast %add3A_606 : i32 to index
          %get3A_616 = arith.constant 32 : index
          %get3A_617 = tpu.vector_load %arg17[%get3A_615, %get3A_616] {strides = array<i32>} : memref<64x128xf32, #tpu.memory_space<vmem>>, vector<16xf32>,
          %mul3A_618 = arith.mulf %get3A_476, %get3A_617 : vector<16xf32>
          %add3A_619 = arith.addf %mul3A_610, %mul3A_618 : vector<16xf32>
          %get3A_620 = arith.index_cast %add3A_606 : i32 to index
          %get3A_621 = arith.constant 48 : index
          %get3A_622 = tpu.vector_load %arg17[%get3A_620, %get3A_621] {strides = array<i32>} : memref<64x128xf32, #tpu.memory_space<vmem>>, vector<16xf32>,
          %mul3A_623 = arith.mulf %get3A_479, %get3A_622 : vector<16xf32>
          %add3A_624 = arith.addf %mul3A_614, %mul3A_623 : vector<16xf32>
          %get3A_625 = arith.index_cast %add3A_606 : i32 to index
          %get3A_626 = arith.constant 64 : index
          %get3A_627 = tpu.vector_load %arg17[%get3A_625, %get3A_626] {strides = array<i32>} : memref<64x128xf32, #tpu.memory_space<vmem>>, vector<16xf32>,
          %mul3A_628 = arith.mulf %get3A_482, %get3A_627 : vector<16xf32>
          %add3A_629 = arith.addf %add3A_619, %mul3A_628 : vector<16xf32>
          %get3A_630 = arith.index_cast %add3A_606 : i32 to index
          %get3A_631 = arith.constant 80 : index
          %get3A_632 = tpu.vector_load %arg17[%get3A_630, %get3A_631] {strides = array<i32>} : memref<64x128xf32, #tpu.memory_space<vmem>>, vector<16xf32>,
          %mul3A_633 = arith.mulf %get3A_485, %get3A_632 : vector<16xf32>
          %add3A_634 = arith.addf %add3A_624, %mul3A_633 : vector<16xf32>
          %get3A_635 = arith.index_cast %add3A_606 : i32 to index
          %get3A_636 = arith.constant 96 : index
          %get3A_637 = tpu.vector_load %arg17[%get3A_635, %get3A_636] {strides = array<i32>} : memref<64x128xf32, #tpu.memory_space<vmem>>, vector<16xf32>,
          %mul3A_638 = arith.mulf %get3A_488, %get3A_637 : vector<16xf32>
          %add3A_639 = arith.addf %add3A_629, %mul3A_638 : vector<16xf32>
          %get3A_640 = arith.index_cast %add3A_606 : i32 to index
          %get3A_641 = arith.constant 112 : index
          %get3A_642 = tpu.vector_load %arg17[%get3A_640, %get3A_641] {strides = array<i32>} : memref<64x128xf32, #tpu.memory_space<vmem>>, vector<16xf32>,
          %mul3A_643 = arith.mulf %get3A_491, %get3A_642 : vector<16xf32>
          %add3A_644 = arith.addf %add3A_634, %mul3A_643 : vector<16xf32>
          %add3A_645 = arith.addf %add3A_639, %add3A_644 : vector<16xf32>
          %add3A_646 = arith.constant 2 : i32
          %add3A_647 = arith.addi %add3A_563, %add3A_646 : i32
          %get3A_648 = arith.index_cast %add3A_647 : i32 to index
          %get3A_649 = arith.constant 0 : index
          %get3A_650 = tpu.vector_load %arg17[%get3A_648, %get3A_649] {strides = array<i32>} : memref<64x128xf32, #tpu.memory_space<vmem>>, vector<16xf32>,
          %mul3A_651 = arith.mulf %get3A_470, %get3A_650 : vector<16xf32>
          %get3A_652 = arith.index_cast %add3A_647 : i32 to index
          %get3A_653 = arith.constant 16 : index
          %get3A_654 = tpu.vector_load %arg17[%get3A_652, %get3A_653] {strides = array<i32>} : memref<64x128xf32, #tpu.memory_space<vmem>>, vector<16xf32>,
          %mul3A_655 = arith.mulf %get3A_473, %get3A_654 : vector<16xf32>
          %get3A_656 = arith.index_cast %add3A_647 : i32 to index
          %get3A_657 = arith.constant 32 : index
          %get3A_658 = tpu.vector_load %arg17[%get3A_656, %get3A_657] {strides = array<i32>} : memref<64x128xf32, #tpu.memory_space<vmem>>, vector<16xf32>,
          %mul3A_659 = arith.mulf %get3A_476, %get3A_658 : vector<16xf32>
          %add3A_660 = arith.addf %mul3A_651, %mul3A_659 : vector<16xf32>
          %get3A_661 = arith.index_cast %add3A_647 : i32 to index
          %get3A_662 = arith.constant 48 : index
          %get3A_663 = tpu.vector_load %arg17[%get3A_661, %get3A_662] {strides = array<i32>} : memref<64x128xf32, #tpu.memory_space<vmem>>, vector<16xf32>,
          %mul3A_664 = arith.mulf %get3A_479, %get3A_663 : vector<16xf32>
          %add3A_665 = arith.addf %mul3A_655, %mul3A_664 : vector<16xf32>
          %get3A_666 = arith.index_cast %add3A_647 : i32 to index
          %get3A_667 = arith.constant 64 : index
          %get3A_668 = tpu.vector_load %arg17[%get3A_666, %get3A_667] {strides = array<i32>} : memref<64x128xf32, #tpu.memory_space<vmem>>, vector<16xf32>,
          %mul3A_669 = arith.mulf %get3A_482, %get3A_668 : vector<16xf32>
          %add3A_670 = arith.addf %add3A_660, %mul3A_669 : vector<16xf32>
          %get3A_671 = arith.index_cast %add3A_647 : i32 to index
          %get3A_672 = arith.constant 80 : index
          %get3A_673 = tpu.vector_load %arg17[%get3A_671, %get3A_672] {strides = array<i32>} : memref<64x128xf32, #tpu.memory_space<vmem>>, vector<16xf32>,
          %mul3A_674 = arith.mulf %get3A_485, %get3A_673 : vector<16xf32>
          %add3A_675 = arith.addf %add3A_665, %mul3A_674 : vector<16xf32>
          %get3A_676 = arith.index_cast %add3A_647 : i32 to index
          %get3A_677 = arith.constant 96 : index
          %get3A_678 = tpu.vector_load %arg17[%get3A_676, %get3A_677] {strides = array<i32>} : memref<64x128xf32, #tpu.memory_space<vmem>>, vector<16xf32>,
          %mul3A_679 = arith.mulf %get3A_488, %get3A_678 : vector<16xf32>
          %add3A_680 = arith.addf %add3A_670, %mul3A_679 : vector<16xf32>
          %get3A_681 = arith.index_cast %add3A_647 : i32 to index
          %get3A_682 = arith.constant 112 : index
          %get3A_683 = tpu.vector_load %arg17[%get3A_681, %get3A_682] {strides = array<i32>} : memref<64x128xf32, #tpu.memory_space<vmem>>, vector<16xf32>,
          %mul3A_684 = arith.mulf %get3A_491, %get3A_683 : vector<16xf32>
          %add3A_685 = arith.addf %add3A_675, %mul3A_684 : vector<16xf32>
          %add3A_686 = arith.addf %add3A_680, %add3A_685 : vector<16xf32>
          %add3A_687 = arith.constant 3 : i32
          %add3A_688 = arith.addi %add3A_563, %add3A_687 : i32
          %get3A_689 = arith.index_cast %add3A_688 : i32 to index
          %get3A_690 = arith.constant 0 : index
          %get3A_691 = tpu.vector_load %arg17[%get3A_689, %get3A_690] {strides = array<i32>} : memref<64x128xf32, #tpu.memory_space<vmem>>, vector<16xf32>,
          %mul3A_692 = arith.mulf %get3A_470, %get3A_691 : vector<16xf32>
          %get3A_693 = arith.index_cast %add3A_688 : i32 to index
          %get3A_694 = arith.constant 16 : index
          %get3A_695 = tpu.vector_load %arg17[%get3A_693, %get3A_694] {strides = array<i32>} : memref<64x128xf32, #tpu.memory_space<vmem>>, vector<16xf32>,
          %mul3A_696 = arith.mulf %get3A_473, %get3A_695 : vector<16xf32>
          %get3A_697 = arith.index_cast %add3A_688 : i32 to index
          %get3A_698 = arith.constant 32 : index
          %get3A_699 = tpu.vector_load %arg17[%get3A_697, %get3A_698] {strides = array<i32>} : memref<64x128xf32, #tpu.memory_space<vmem>>, vector<16xf32>,
          %mul3A_700 = arith.mulf %get3A_476, %get3A_699 : vector<16xf32>
          %add3A_701 = arith.addf %mul3A_692, %mul3A_700 : vector<16xf32>
          %get3A_702 = arith.index_cast %add3A_688 : i32 to index
          %get3A_703 = arith.constant 48 : index
          %get3A_704 = tpu.vector_load %arg17[%get3A_702, %get3A_703] {strides = array<i32>} : memref<64x128xf32, #tpu.memory_space<vmem>>, vector<16xf32>,
          %mul3A_705 = arith.mulf %get3A_479, %get3A_704 : vector<16xf32>
          %add3A_706 = arith.addf %mul3A_696, %mul3A_705 : vector<16xf32>
          %get3A_707 = arith.index_cast %add3A_688 : i32 to index
          %get3A_708 = arith.constant 64 : index
          %get3A_709 = tpu.vector_load %arg17[%get3A_707, %get3A_708] {strides = array<i32>} : memref<64x128xf32, #tpu.memory_space<vmem>>, vector<16xf32>,
          %mul3A_710 = arith.mulf %get3A_482, %get3A_709 : vector<16xf32>
          %add3A_711 = arith.addf %add3A_701, %mul3A_710 : vector<16xf32>
          %get3A_712 = arith.index_cast %add3A_688 : i32 to index
          %get3A_713 = arith.constant 80 : index
          %get3A_714 = tpu.vector_load %arg17[%get3A_712, %get3A_713] {strides = array<i32>} : memref<64x128xf32, #tpu.memory_space<vmem>>, vector<16xf32>,
          %mul3A_715 = arith.mulf %get3A_485, %get3A_714 : vector<16xf32>
          %add3A_716 = arith.addf %add3A_706, %mul3A_715 : vector<16xf32>
          %get3A_717 = arith.index_cast %add3A_688 : i32 to index
          %get3A_718 = arith.constant 96 : index
          %get3A_719 = tpu.vector_load %arg17[%get3A_717, %get3A_718] {strides = array<i32>} : memref<64x128xf32, #tpu.memory_space<vmem>>, vector<16xf32>,
          %mul3A_720 = arith.mulf %get3A_488, %get3A_719 : vector<16xf32>
          %add3A_721 = arith.addf %add3A_711, %mul3A_720 : vector<16xf32>
          %get3A_722 = arith.index_cast %add3A_688 : i32 to index
          %get3A_723 = arith.constant 112 : index
          %get3A_724 = tpu.vector_load %arg17[%get3A_722, %get3A_723] {strides = array<i32>} : memref<64x128xf32, #tpu.memory_space<vmem>>, vector<16xf32>,
          %mul3A_725 = arith.mulf %get3A_491, %get3A_724 : vector<16xf32>
          %add3A_726 = arith.addf %add3A_716, %mul3A_725 : vector<16xf32>
          %add3A_727 = arith.addf %add3A_721, %add3A_726 : vector<16xf32>
          %add3A_728 = arith.constant 4 : i32
          %add3A_729 = arith.addi %add3A_563, %add3A_728 : i32
          %get3A_730 = arith.index_cast %add3A_729 : i32 to index
          %get3A_731 = arith.constant 0 : index
          %get3A_732 = tpu.vector_load %arg17[%get3A_730, %get3A_731] {strides = array<i32>} : memref<64x128xf32, #tpu.memory_space<vmem>>, vector<16xf32>,
          %mul3A_733 = arith.mulf %get3A_470, %get3A_732 : vector<16xf32>
          %get3A_734 = arith.index_cast %add3A_729 : i32 to index
          %get3A_735 = arith.constant 16 : index
          %get3A_736 = tpu.vector_load %arg17[%get3A_734, %get3A_735] {strides = array<i32>} : memref<64x128xf32, #tpu.memory_space<vmem>>, vector<16xf32>,
          %mul3A_737 = arith.mulf %get3A_473, %get3A_736 : vector<16xf32>
          %get3A_738 = arith.index_cast %add3A_729 : i32 to index
          %get3A_739 = arith.constant 32 : index
          %get3A_740 = tpu.vector_load %arg17[%get3A_738, %get3A_739] {strides = array<i32>} : memref<64x128xf32, #tpu.memory_space<vmem>>, vector<16xf32>,
          %mul3A_741 = arith.mulf %get3A_476, %get3A_740 : vector<16xf32>
          %add3A_742 = arith.addf %mul3A_733, %mul3A_741 : vector<16xf32>
          %get3A_743 = arith.index_cast %add3A_729 : i32 to index
          %get3A_744 = arith.constant 48 : index
          %get3A_745 = tpu.vector_load %arg17[%get3A_743, %get3A_744] {strides = array<i32>} : memref<64x128xf32, #tpu.memory_space<vmem>>, vector<16xf32>,
          %mul3A_746 = arith.mulf %get3A_479, %get3A_745 : vector<16xf32>
          %add3A_747 = arith.addf %mul3A_737, %mul3A_746 : vector<16xf32>
          %get3A_748 = arith.index_cast %add3A_729 : i32 to index
          %get3A_749 = arith.constant 64 : index
          %get3A_750 = tpu.vector_load %arg17[%get3A_748, %get3A_749] {strides = array<i32>} : memref<64x128xf32, #tpu.memory_space<vmem>>, vector<16xf32>,
          %mul3A_751 = arith.mulf %get3A_482, %get3A_750 : vector<16xf32>
          %add3A_752 = arith.addf %add3A_742, %mul3A_751 : vector<16xf32>
          %get3A_753 = arith.index_cast %add3A_729 : i32 to index
          %get3A_754 = arith.constant 80 : index
          %get3A_755 = tpu.vector_load %arg17[%get3A_753, %get3A_754] {strides = array<i32>} : memref<64x128xf32, #tpu.memory_space<vmem>>, vector<16xf32>,
          %mul3A_756 = arith.mulf %get3A_485, %get3A_755 : vector<16xf32>
          %add3A_757 = arith.addf %add3A_747, %mul3A_756 : vector<16xf32>
          %get3A_758 = arith.index_cast %add3A_729 : i32 to index
          %get3A_759 = arith.constant 96 : index
          %get3A_760 = tpu.vector_load %arg17[%get3A_758, %get3A_759] {strides = array<i32>} : memref<64x128xf32, #tpu.memory_space<vmem>>, vector<16xf32>,
          %mul3A_761 = arith.mulf %get3A_488, %get3A_760 : vector<16xf32>
          %add3A_762 = arith.addf %add3A_752, %mul3A_761 : vector<16xf32>
          %get3A_763 = arith.index_cast %add3A_729 : i32 to index
          %get3A_764 = arith.constant 112 : index
          %get3A_765 = tpu.vector_load %arg17[%get3A_763, %get3A_764] {strides = array<i32>} : memref<64x128xf32, #tpu.memory_space<vmem>>, vector<16xf32>,
          %mul3A_766 = arith.mulf %get3A_491, %get3A_765 : vector<16xf32>
          %add3A_767 = arith.addf %add3A_757, %mul3A_766 : vector<16xf32>
          %add3A_768 = arith.addf %add3A_762, %add3A_767 : vector<16xf32>
          %add3A_769 = arith.constant 5 : i32
          %add3A_770 = arith.addi %add3A_563, %add3A_769 : i32
          %get3A_771 = arith.index_cast %add3A_770 : i32 to index
          %get3A_772 = arith.constant 0 : index
          %get3A_773 = tpu.vector_load %arg17[%get3A_771, %get3A_772] {strides = array<i32>} : memref<64x128xf32, #tpu.memory_space<vmem>>, vector<16xf32>,
          %mul3A_774 = arith.mulf %get3A_470, %get3A_773 : vector<16xf32>
          %get3A_775 = arith.index_cast %add3A_770 : i32 to index
          %get3A_776 = arith.constant 16 : index
          %get3A_777 = tpu.vector_load %arg17[%get3A_775, %get3A_776] {strides = array<i32>} : memref<64x128xf32, #tpu.memory_space<vmem>>, vector<16xf32>,
          %mul3A_778 = arith.mulf %get3A_473, %get3A_777 : vector<16xf32>
          %get3A_779 = arith.index_cast %add3A_770 : i32 to index
          %get3A_780 = arith.constant 32 : index
          %get3A_781 = tpu.vector_load %arg17[%get3A_779, %get3A_780] {strides = array<i32>} : memref<64x128xf32, #tpu.memory_space<vmem>>, vector<16xf32>,
          %mul3A_782 = arith.mulf %get3A_476, %get3A_781 : vector<16xf32>
          %add3A_783 = arith.addf %mul3A_774, %mul3A_782 : vector<16xf32>
          %get3A_784 = arith.index_cast %add3A_770 : i32 to index
          %get3A_785 = arith.constant 48 : index
          %get3A_786 = tpu.vector_load %arg17[%get3A_784, %get3A_785] {strides = array<i32>} : memref<64x128xf32, #tpu.memory_space<vmem>>, vector<16xf32>,
          %mul3A_787 = arith.mulf %get3A_479, %get3A_786 : vector<16xf32>
          %add3A_788 = arith.addf %mul3A_778, %mul3A_787 : vector<16xf32>
          %get3A_789 = arith.index_cast %add3A_770 : i32 to index
          %get3A_790 = arith.constant 64 : index
          %get3A_791 = tpu.vector_load %arg17[%get3A_789, %get3A_790] {strides = array<i32>} : memref<64x128xf32, #tpu.memory_space<vmem>>, vector<16xf32>,
          %mul3A_792 = arith.mulf %get3A_482, %get3A_791 : vector<16xf32>
          %add3A_793 = arith.addf %add3A_783, %mul3A_792 : vector<16xf32>
          %get3A_794 = arith.index_cast %add3A_770 : i32 to index
          %get3A_795 = arith.constant 80 : index
          %get3A_796 = tpu.vector_load %arg17[%get3A_794, %get3A_795] {strides = array<i32>} : memref<64x128xf32, #tpu.memory_space<vmem>>, vector<16xf32>,
          %mul3A_797 = arith.mulf %get3A_485, %get3A_796 : vector<16xf32>
          %add3A_798 = arith.addf %add3A_788, %mul3A_797 : vector<16xf32>
          %get3A_799 = arith.index_cast %add3A_770 : i32 to index
          %get3A_800 = arith.constant 96 : index
          %get3A_801 = tpu.vector_load %arg17[%get3A_799, %get3A_800] {strides = array<i32>} : memref<64x128xf32, #tpu.memory_space<vmem>>, vector<16xf32>,
          %mul3A_802 = arith.mulf %get3A_488, %get3A_801 : vector<16xf32>
          %add3A_803 = arith.addf %add3A_793, %mul3A_802 : vector<16xf32>
          %get3A_804 = arith.index_cast %add3A_770 : i32 to index
          %get3A_805 = arith.constant 112 : index
          %get3A_806 = tpu.vector_load %arg17[%get3A_804, %get3A_805] {strides = array<i32>} : memref<64x128xf32, #tpu.memory_space<vmem>>, vector<16xf32>,
          %mul3A_807 = arith.mulf %get3A_491, %get3A_806 : vector<16xf32>
          %add3A_808 = arith.addf %add3A_798, %mul3A_807 : vector<16xf32>
          %add3A_809 = arith.addf %add3A_803, %add3A_808 : vector<16xf32>
          %add3A_810 = arith.constant 6 : i32
          %add3A_811 = arith.addi %add3A_563, %add3A_810 : i32
          %get3A_812 = arith.index_cast %add3A_811 : i32 to index
          %get3A_813 = arith.constant 0 : index
          %get3A_814 = tpu.vector_load %arg17[%get3A_812, %get3A_813] {strides = array<i32>} : memref<64x128xf32, #tpu.memory_space<vmem>>, vector<16xf32>,
          %mul3A_815 = arith.mulf %get3A_470, %get3A_814 : vector<16xf32>
          %get3A_816 = arith.index_cast %add3A_811 : i32 to index
          %get3A_817 = arith.constant 16 : index
          %get3A_818 = tpu.vector_load %arg17[%get3A_816, %get3A_817] {strides = array<i32>} : memref<64x128xf32, #tpu.memory_space<vmem>>, vector<16xf32>,
          %mul3A_819 = arith.mulf %get3A_473, %get3A_818 : vector<16xf32>
          %get3A_820 = arith.index_cast %add3A_811 : i32 to index
          %get3A_821 = arith.constant 32 : index
          %get3A_822 = tpu.vector_load %arg17[%get3A_820, %get3A_821] {strides = array<i32>} : memref<64x128xf32, #tpu.memory_space<vmem>>, vector<16xf32>,
          %mul3A_823 = arith.mulf %get3A_476, %get3A_822 : vector<16xf32>
          %add3A_824 = arith.addf %mul3A_815, %mul3A_823 : vector<16xf32>
          %get3A_825 = arith.index_cast %add3A_811 : i32 to index
          %get3A_826 = arith.constant 48 : index
          %get3A_827 = tpu.vector_load %arg17[%get3A_825, %get3A_826] {strides = array<i32>} : memref<64x128xf32, #tpu.memory_space<vmem>>, vector<16xf32>,
          %mul3A_828 = arith.mulf %get3A_479, %get3A_827 : vector<16xf32>
          %add3A_829 = arith.addf %mul3A_819, %mul3A_828 : vector<16xf32>
          %get3A_830 = arith.index_cast %add3A_811 : i32 to index
          %get3A_831 = arith.constant 64 : index
          %get3A_832 = tpu.vector_load %arg17[%get3A_830, %get3A_831] {strides = array<i32>} : memref<64x128xf32, #tpu.memory_space<vmem>>, vector<16xf32>,
          %mul3A_833 = arith.mulf %get3A_482, %get3A_832 : vector<16xf32>
          %add3A_834 = arith.addf %add3A_824, %mul3A_833 : vector<16xf32>
          %get3A_835 = arith.index_cast %add3A_811 : i32 to index
          %get3A_836 = arith.constant 80 : index
          %get3A_837 = tpu.vector_load %arg17[%get3A_835, %get3A_836] {strides = array<i32>} : memref<64x128xf32, #tpu.memory_space<vmem>>, vector<16xf32>,
          %mul3A_838 = arith.mulf %get3A_485, %get3A_837 : vector<16xf32>
          %add3A_839 = arith.addf %add3A_829, %mul3A_838 : vector<16xf32>
          %get3A_840 = arith.index_cast %add3A_811 : i32 to index
          %get3A_841 = arith.constant 96 : index
          %get3A_842 = tpu.vector_load %arg17[%get3A_840, %get3A_841] {strides = array<i32>} : memref<64x128xf32, #tpu.memory_space<vmem>>, vector<16xf32>,
          %mul3A_843 = arith.mulf %get3A_488, %get3A_842 : vector<16xf32>
          %add3A_844 = arith.addf %add3A_834, %mul3A_843 : vector<16xf32>
          %get3A_845 = arith.index_cast %add3A_811 : i32 to index
          %get3A_846 = arith.constant 112 : index
          %get3A_847 = tpu.vector_load %arg17[%get3A_845, %get3A_846] {strides = array<i32>} : memref<64x128xf32, #tpu.memory_space<vmem>>, vector<16xf32>,
          %mul3A_848 = arith.mulf %get3A_491, %get3A_847 : vector<16xf32>
          %add3A_849 = arith.addf %add3A_839, %mul3A_848 : vector<16xf32>
          %add3A_850 = arith.addf %add3A_844, %add3A_849 : vector<16xf32>
          %add3A_851 = arith.constant 7 : i32
          %add3A_852 = arith.addi %add3A_563, %add3A_851 : i32
          %get3A_853 = arith.index_cast %add3A_852 : i32 to index
          %get3A_854 = arith.constant 0 : index
          %get3A_855 = tpu.vector_load %arg17[%get3A_853, %get3A_854] {strides = array<i32>} : memref<64x128xf32, #tpu.memory_space<vmem>>, vector<16xf32>,
          %mul3A_856 = arith.mulf %get3A_470, %get3A_855 : vector<16xf32>
          %get3A_857 = arith.index_cast %add3A_852 : i32 to index
          %get3A_858 = arith.constant 16 : index
          %get3A_859 = tpu.vector_load %arg17[%get3A_857, %get3A_858] {strides = array<i32>} : memref<64x128xf32, #tpu.memory_space<vmem>>, vector<16xf32>,
          %mul3A_860 = arith.mulf %get3A_473, %get3A_859 : vector<16xf32>
          %get3A_861 = arith.index_cast %add3A_852 : i32 to index
          %get3A_862 = arith.constant 32 : index
          %get3A_863 = tpu.vector_load %arg17[%get3A_861, %get3A_862] {strides = array<i32>} : memref<64x128xf32, #tpu.memory_space<vmem>>, vector<16xf32>,
          %mul3A_864 = arith.mulf %get3A_476, %get3A_863 : vector<16xf32>
          %add3A_865 = arith.addf %mul3A_856, %mul3A_864 : vector<16xf32>
          %get3A_866 = arith.index_cast %add3A_852 : i32 to index
          %get3A_867 = arith.constant 48 : index
          %get3A_868 = tpu.vector_load %arg17[%get3A_866, %get3A_867] {strides = array<i32>} : memref<64x128xf32, #tpu.memory_space<vmem>>, vector<16xf32>,
          %mul3A_869 = arith.mulf %get3A_479, %get3A_868 : vector<16xf32>
          %add3A_870 = arith.addf %mul3A_860, %mul3A_869 : vector<16xf32>
          %get3A_871 = arith.index_cast %add3A_852 : i32 to index
          %get3A_872 = arith.constant 64 : index
          %get3A_873 = tpu.vector_load %arg17[%get3A_871, %get3A_872] {strides = array<i32>} : memref<64x128xf32, #tpu.memory_space<vmem>>, vector<16xf32>,
          %mul3A_874 = arith.mulf %get3A_482, %get3A_873 : vector<16xf32>
          %add3A_875 = arith.addf %add3A_865, %mul3A_874 : vector<16xf32>
          %get3A_876 = arith.index_cast %add3A_852 : i32 to index
          %get3A_877 = arith.constant 80 : index
          %get3A_878 = tpu.vector_load %arg17[%get3A_876, %get3A_877] {strides = array<i32>} : memref<64x128xf32, #tpu.memory_space<vmem>>, vector<16xf32>,
          %mul3A_879 = arith.mulf %get3A_485, %get3A_878 : vector<16xf32>
          %add3A_880 = arith.addf %add3A_870, %mul3A_879 : vector<16xf32>
          %get3A_881 = arith.index_cast %add3A_852 : i32 to index
          %get3A_882 = arith.constant 96 : index
          %get3A_883 = tpu.vector_load %arg17[%get3A_881, %get3A_882] {strides = array<i32>} : memref<64x128xf32, #tpu.memory_space<vmem>>, vector<16xf32>,
          %mul3A_884 = arith.mulf %get3A_488, %get3A_883 : vector<16xf32>
          %add3A_885 = arith.addf %add3A_875, %mul3A_884 : vector<16xf32>
          %get3A_886 = arith.index_cast %add3A_852 : i32 to index
          %get3A_887 = arith.constant 112 : index
          %get3A_888 = tpu.vector_load %arg17[%get3A_886, %get3A_887] {strides = array<i32>} : memref<64x128xf32, #tpu.memory_space<vmem>>, vector<16xf32>,
          %mul3A_889 = arith.mulf %get3A_491, %get3A_888 : vector<16xf32>
          %add3A_890 = arith.addf %add3A_880, %mul3A_889 : vector<16xf32>
          %add3A_891 = arith.addf %add3A_885, %add3A_890 : vector<16xf32>
          %add3A_892 = arith.constant 8 : i32
          %add3A_893 = arith.addi %add3A_563, %add3A_892 : i32
          %get3A_894 = arith.index_cast %add3A_893 : i32 to index
          %get3A_895 = arith.constant 0 : index
          %get3A_896 = tpu.vector_load %arg17[%get3A_894, %get3A_895] {strides = array<i32>} : memref<64x128xf32, #tpu.memory_space<vmem>>, vector<16xf32>,
          %mul3A_897 = arith.mulf %get3A_470, %get3A_896 : vector<16xf32>
          %get3A_898 = arith.index_cast %add3A_893 : i32 to index
          %get3A_899 = arith.constant 16 : index
          %get3A_900 = tpu.vector_load %arg17[%get3A_898, %get3A_899] {strides = array<i32>} : memref<64x128xf32, #tpu.memory_space<vmem>>, vector<16xf32>,
          %mul3A_901 = arith.mulf %get3A_473, %get3A_900 : vector<16xf32>
          %get3A_902 = arith.index_cast %add3A_893 : i32 to index
          %get3A_903 = arith.constant 32 : index
          %get3A_904 = tpu.vector_load %arg17[%get3A_902, %get3A_903] {strides = array<i32>} : memref<64x128xf32, #tpu.memory_space<vmem>>, vector<16xf32>,
          %mul3A_905 = arith.mulf %get3A_476, %get3A_904 : vector<16xf32>
          %add3A_906 = arith.addf %mul3A_897, %mul3A_905 : vector<16xf32>
          %get3A_907 = arith.index_cast %add3A_893 : i32 to index
          %get3A_908 = arith.constant 48 : index
          %get3A_909 = tpu.vector_load %arg17[%get3A_907, %get3A_908] {strides = array<i32>} : memref<64x128xf32, #tpu.memory_space<vmem>>, vector<16xf32>,
          %mul3A_910 = arith.mulf %get3A_479, %get3A_909 : vector<16xf32>
          %add3A_911 = arith.addf %mul3A_901, %mul3A_910 : vector<16xf32>
          %get3A_912 = arith.index_cast %add3A_893 : i32 to index
          %get3A_913 = arith.constant 64 : index
          %get3A_914 = tpu.vector_load %arg17[%get3A_912, %get3A_913] {strides = array<i32>} : memref<64x128xf32, #tpu.memory_space<vmem>>, vector<16xf32>,
          %mul3A_915 = arith.mulf %get3A_482, %get3A_914 : vector<16xf32>
          %add3A_916 = arith.addf %add3A_906, %mul3A_915 : vector<16xf32>
          %get3A_917 = arith.index_cast %add3A_893 : i32 to index
          %get3A_918 = arith.constant 80 : index
          %get3A_919 = tpu.vector_load %arg17[%get3A_917, %get3A_918] {strides = array<i32>} : memref<64x128xf32, #tpu.memory_space<vmem>>, vector<16xf32>,
          %mul3A_920 = arith.mulf %get3A_485, %get3A_919 : vector<16xf32>
          %add3A_921 = arith.addf %add3A_911, %mul3A_920 : vector<16xf32>
          %get3A_922 = arith.index_cast %add3A_893 : i32 to index
          %get3A_923 = arith.constant 96 : index
          %get3A_924 = tpu.vector_load %arg17[%get3A_922, %get3A_923] {strides = array<i32>} : memref<64x128xf32, #tpu.memory_space<vmem>>, vector<16xf32>,
          %mul3A_925 = arith.mulf %get3A_488, %get3A_924 : vector<16xf32>
          %add3A_926 = arith.addf %add3A_916, %mul3A_925 : vector<16xf32>
          %get3A_927 = arith.index_cast %add3A_893 : i32 to index
          %get3A_928 = arith.constant 112 : index
          %get3A_929 = tpu.vector_load %arg17[%get3A_927, %get3A_928] {strides = array<i32>} : memref<64x128xf32, #tpu.memory_space<vmem>>, vector<16xf32>,
          %mul3A_930 = arith.mulf %get3A_491, %get3A_929 : vector<16xf32>
          %add3A_931 = arith.addf %add3A_921, %mul3A_930 : vector<16xf32>
          %add3A_932 = arith.addf %add3A_926, %add3A_931 : vector<16xf32>
          %add3A_933 = arith.constant 9 : i32
          %add3A_934 = arith.addi %add3A_563, %add3A_933 : i32
          %get3A_935 = arith.index_cast %add3A_934 : i32 to index
          %get3A_936 = arith.constant 0 : index
          %get3A_937 = tpu.vector_load %arg17[%get3A_935, %get3A_936] {strides = array<i32>} : memref<64x128xf32, #tpu.memory_space<vmem>>, vector<16xf32>,
          %mul3A_938 = arith.mulf %get3A_470, %get3A_937 : vector<16xf32>
          %get3A_939 = arith.index_cast %add3A_934 : i32 to index
          %get3A_940 = arith.constant 16 : index
          %get3A_941 = tpu.vector_load %arg17[%get3A_939, %get3A_940] {strides = array<i32>} : memref<64x128xf32, #tpu.memory_space<vmem>>, vector<16xf32>,
          %mul3A_942 = arith.mulf %get3A_473, %get3A_941 : vector<16xf32>
          %get3A_943 = arith.index_cast %add3A_934 : i32 to index
          %get3A_944 = arith.constant 32 : index
          %get3A_945 = tpu.vector_load %arg17[%get3A_943, %get3A_944] {strides = array<i32>} : memref<64x128xf32, #tpu.memory_space<vmem>>, vector<16xf32>,
          %mul3A_946 = arith.mulf %get3A_476, %get3A_945 : vector<16xf32>
          %add3A_947 = arith.addf %mul3A_938, %mul3A_946 : vector<16xf32>
          %get3A_948 = arith.index_cast %add3A_934 : i32 to index
          %get3A_949 = arith.constant 48 : index
          %get3A_950 = tpu.vector_load %arg17[%get3A_948, %get3A_949] {strides = array<i32>} : memref<64x128xf32, #tpu.memory_space<vmem>>, vector<16xf32>,
          %mul3A_951 = arith.mulf %get3A_479, %get3A_950 : vector<16xf32>
          %add3A_952 = arith.addf %mul3A_942, %mul3A_951 : vector<16xf32>
          %get3A_953 = arith.index_cast %add3A_934 : i32 to index
          %get3A_954 = arith.constant 64 : index
          %get3A_955 = tpu.vector_load %arg17[%get3A_953, %get3A_954] {strides = array<i32>} : memref<64x128xf32, #tpu.memory_space<vmem>>, vector<16xf32>,
          %mul3A_956 = arith.mulf %get3A_482, %get3A_955 : vector<16xf32>
          %add3A_957 = arith.addf %add3A_947, %mul3A_956 : vector<16xf32>
          %get3A_958 = arith.index_cast %add3A_934 : i32 to index
          %get3A_959 = arith.constant 80 : index
          %get3A_960 = tpu.vector_load %arg17[%get3A_958, %get3A_959] {strides = array<i32>} : memref<64x128xf32, #tpu.memory_space<vmem>>, vector<16xf32>,
          %mul3A_961 = arith.mulf %get3A_485, %get3A_960 : vector<16xf32>
          %add3A_962 = arith.addf %add3A_952, %mul3A_961 : vector<16xf32>
          %get3A_963 = arith.index_cast %add3A_934 : i32 to index
          %get3A_964 = arith.constant 96 : index
          %get3A_965 = tpu.vector_load %arg17[%get3A_963, %get3A_964] {strides = array<i32>} : memref<64x128xf32, #tpu.memory_space<vmem>>, vector<16xf32>,
          %mul3A_966 = arith.mulf %get3A_488, %get3A_965 : vector<16xf32>
          %add3A_967 = arith.addf %add3A_957, %mul3A_966 : vector<16xf32>
          %get3A_968 = arith.index_cast %add3A_934 : i32 to index
          %get3A_969 = arith.constant 112 : index
          %get3A_970 = tpu.vector_load %arg17[%get3A_968, %get3A_969] {strides = array<i32>} : memref<64x128xf32, #tpu.memory_space<vmem>>, vector<16xf32>,
          %mul3A_971 = arith.mulf %get3A_491, %get3A_970 : vector<16xf32>
          %add3A_972 = arith.addf %add3A_962, %mul3A_971 : vector<16xf32>
          %add3A_973 = arith.addf %add3A_967, %add3A_972 : vector<16xf32>
          %add3A_974 = arith.constant 10 : i32
          %add3A_975 = arith.addi %add3A_563, %add3A_974 : i32
          %get3A_976 = arith.index_cast %add3A_975 : i32 to index
          %get3A_977 = arith.constant 0 : index
          %get3A_978 = tpu.vector_load %arg17[%get3A_976, %get3A_977] {strides = array<i32>} : memref<64x128xf32, #tpu.memory_space<vmem>>, vector<16xf32>,
          %mul3A_979 = arith.mulf %get3A_470, %get3A_978 : vector<16xf32>
          %get3A_980 = arith.index_cast %add3A_975 : i32 to index
          %get3A_981 = arith.constant 16 : index
          %get3A_982 = tpu.vector_load %arg17[%get3A_980, %get3A_981] {strides = array<i32>} : memref<64x128xf32, #tpu.memory_space<vmem>>, vector<16xf32>,
          %mul3A_983 = arith.mulf %get3A_473, %get3A_982 : vector<16xf32>
          %get3A_984 = arith.index_cast %add3A_975 : i32 to index
          %get3A_985 = arith.constant 32 : index
          %get3A_986 = tpu.vector_load %arg17[%get3A_984, %get3A_985] {strides = array<i32>} : memref<64x128xf32, #tpu.memory_space<vmem>>, vector<16xf32>,
          %mul3A_987 = arith.mulf %get3A_476, %get3A_986 : vector<16xf32>
          %add3A_988 = arith.addf %mul3A_979, %mul3A_987 : vector<16xf32>
          %get3A_989 = arith.index_cast %add3A_975 : i32 to index
          %get3A_990 = arith.constant 48 : index
          %get3A_991 = tpu.vector_load %arg17[%get3A_989, %get3A_990] {strides = array<i32>} : memref<64x128xf32, #tpu.memory_space<vmem>>, vector<16xf32>,
          %mul3A_992 = arith.mulf %get3A_479, %get3A_991 : vector<16xf32>
          %add3A_993 = arith.addf %mul3A_983, %mul3A_992 : vector<16xf32>
          %get3A_994 = arith.index_cast %add3A_975 : i32 to index
          %get3A_995 = arith.constant 64 : index
          %get3A_996 = tpu.vector_load %arg17[%get3A_994, %get3A_995] {strides = array<i32>} : memref<64x128xf32, #tpu.memory_space<vmem>>, vector<16xf32>,
          %mul3A_997 = arith.mulf %get3A_482, %get3A_996 : vector<16xf32>
          %add3A_998 = arith.addf %add3A_988, %mul3A_997 : vector<16xf32>
          %get3A_999 = arith.index_cast %add3A_975 : i32 to index
          %get3A_1000 = arith.constant 80 : index
          %get3A_1001 = tpu.vector_load %arg17[%get3A_999, %get3A_1000] {strides = array<i32>} : memref<64x128xf32, #tpu.memory_space<vmem>>, vector<16xf32>,
          %mul3A_1002 = arith.mulf %get3A_485, %get3A_1001 : vector<16xf32>
          %add3A_1003 = arith.addf %add3A_993, %mul3A_1002 : vector<16xf32>
          %get3A_1004 = arith.index_cast %add3A_975 : i32 to index
          %get3A_1005 = arith.constant 96 : index
          %get3A_1006 = tpu.vector_load %arg17[%get3A_1004, %get3A_1005] {strides = array<i32>} : memref<64x128xf32, #tpu.memory_space<vmem>>, vector<16xf32>,
          %mul3A_1007 = arith.mulf %get3A_488, %get3A_1006 : vector<16xf32>
          %add3A_1008 = arith.addf %add3A_998, %mul3A_1007 : vector<16xf32>
          %get3A_1009 = arith.index_cast %add3A_975 : i32 to index
          %get3A_1010 = arith.constant 112 : index
          %get3A_1011 = tpu.vector_load %arg17[%get3A_1009, %get3A_1010] {strides = array<i32>} : memref<64x128xf32, #tpu.memory_space<vmem>>, vector<16xf32>,
          %mul3A_1012 = arith.mulf %get3A_491, %get3A_1011 : vector<16xf32>
          %add3A_1013 = arith.addf %add3A_1003, %mul3A_1012 : vector<16xf32>
          %add3A_1014 = arith.addf %add3A_1008, %add3A_1013 : vector<16xf32>
          %add3A_1015 = arith.constant 11 : i32
          %add3A_1016 = arith.addi %add3A_563, %add3A_1015 : i32
          %get3A_1017 = arith.index_cast %add3A_1016 : i32 to index
          %get3A_1018 = arith.constant 0 : index
          %get3A_1019 = tpu.vector_load %arg17[%get3A_1017, %get3A_1018] {strides = array<i32>} : memref<64x128xf32, #tpu.memory_space<vmem>>, vector<16xf32>,
          %mul3A_1020 = arith.mulf %get3A_470, %get3A_1019 : vector<16xf32>
          %get3A_1021 = arith.index_cast %add3A_1016 : i32 to index
          %get3A_1022 = arith.constant 16 : index
          %get3A_1023 = tpu.vector_load %arg17[%get3A_1021, %get3A_1022] {strides = array<i32>} : memref<64x128xf32, #tpu.memory_space<vmem>>, vector<16xf32>,
          %mul3A_1024 = arith.mulf %get3A_473, %get3A_1023 : vector<16xf32>
          %get3A_1025 = arith.index_cast %add3A_1016 : i32 to index
          %get3A_1026 = arith.constant 32 : index
          %get3A_1027 = tpu.vector_load %arg17[%get3A_1025, %get3A_1026] {strides = array<i32>} : memref<64x128xf32, #tpu.memory_space<vmem>>, vector<16xf32>,
          %mul3A_1028 = arith.mulf %get3A_476, %get3A_1027 : vector<16xf32>
          %add3A_1029 = arith.addf %mul3A_1020, %mul3A_1028 : vector<16xf32>
          %get3A_1030 = arith.index_cast %add3A_1016 : i32 to index
          %get3A_1031 = arith.constant 48 : index
          %get3A_1032 = tpu.vector_load %arg17[%get3A_1030, %get3A_1031] {strides = array<i32>} : memref<64x128xf32, #tpu.memory_space<vmem>>, vector<16xf32>,
          %mul3A_1033 = arith.mulf %get3A_479, %get3A_1032 : vector<16xf32>
          %add3A_1034 = arith.addf %mul3A_1024, %mul3A_1033 : vector<16xf32>
          %get3A_1035 = arith.index_cast %add3A_1016 : i32 to index
          %get3A_1036 = arith.constant 64 : index
          %get3A_1037 = tpu.vector_load %arg17[%get3A_1035, %get3A_1036] {strides = array<i32>} : memref<64x128xf32, #tpu.memory_space<vmem>>, vector<16xf32>,
          %mul3A_1038 = arith.mulf %get3A_482, %get3A_1037 : vector<16xf32>
          %add3A_1039 = arith.addf %add3A_1029, %mul3A_1038 : vector<16xf32>
          %get3A_1040 = arith.index_cast %add3A_1016 : i32 to index
          %get3A_1041 = arith.constant 80 : index
          %get3A_1042 = tpu.vector_load %arg17[%get3A_1040, %get3A_1041] {strides = array<i32>} : memref<64x128xf32, #tpu.memory_space<vmem>>, vector<16xf32>,
          %mul3A_1043 = arith.mulf %get3A_485, %get3A_1042 : vector<16xf32>
          %add3A_1044 = arith.addf %add3A_1034, %mul3A_1043 : vector<16xf32>
          %get3A_1045 = arith.index_cast %add3A_1016 : i32 to index
          %get3A_1046 = arith.constant 96 : index
          %get3A_1047 = tpu.vector_load %arg17[%get3A_1045, %get3A_1046] {strides = array<i32>} : memref<64x128xf32, #tpu.memory_space<vmem>>, vector<16xf32>,
          %mul3A_1048 = arith.mulf %get3A_488, %get3A_1047 : vector<16xf32>
          %add3A_1049 = arith.addf %add3A_1039, %mul3A_1048 : vector<16xf32>
          %get3A_1050 = arith.index_cast %add3A_1016 : i32 to index
          %get3A_1051 = arith.constant 112 : index
          %get3A_1052 = tpu.vector_load %arg17[%get3A_1050, %get3A_1051] {strides = array<i32>} : memref<64x128xf32, #tpu.memory_space<vmem>>, vector<16xf32>,
          %mul3A_1053 = arith.mulf %get3A_491, %get3A_1052 : vector<16xf32>
          %add3A_1054 = arith.addf %add3A_1044, %mul3A_1053 : vector<16xf32>
          %add3A_1055 = arith.addf %add3A_1049, %add3A_1054 : vector<16xf32>
          %add3A_1056 = arith.constant 12 : i32
          %add3A_1057 = arith.addi %add3A_563, %add3A_1056 : i32
          %get3A_1058 = arith.index_cast %add3A_1057 : i32 to index
          %get3A_1059 = arith.constant 0 : index
          %get3A_1060 = tpu.vector_load %arg17[%get3A_1058, %get3A_1059] {strides = array<i32>} : memref<64x128xf32, #tpu.memory_space<vmem>>, vector<16xf32>,
          %mul3A_1061 = arith.mulf %get3A_470, %get3A_1060 : vector<16xf32>
          %get3A_1062 = arith.index_cast %add3A_1057 : i32 to index
          %get3A_1063 = arith.constant 16 : index
          %get3A_1064 = tpu.vector_load %arg17[%get3A_1062, %get3A_1063] {strides = array<i32>} : memref<64x128xf32, #tpu.memory_space<vmem>>, vector<16xf32>,
          %mul3A_1065 = arith.mulf %get3A_473, %get3A_1064 : vector<16xf32>
          %get3A_1066 = arith.index_cast %add3A_1057 : i32 to index
          %get3A_1067 = arith.constant 32 : index
          %get3A_1068 = tpu.vector_load %arg17[%get3A_1066, %get3A_1067] {strides = array<i32>} : memref<64x128xf32, #tpu.memory_space<vmem>>, vector<16xf32>,
          %mul3A_1069 = arith.mulf %get3A_476, %get3A_1068 : vector<16xf32>
          %add3A_1070 = arith.addf %mul3A_1061, %mul3A_1069 : vector<16xf32>
          %get3A_1071 = arith.index_cast %add3A_1057 : i32 to index
          %get3A_1072 = arith.constant 48 : index
          %get3A_1073 = tpu.vector_load %arg17[%get3A_1071, %get3A_1072] {strides = array<i32>} : memref<64x128xf32, #tpu.memory_space<vmem>>, vector<16xf32>,
          %mul3A_1074 = arith.mulf %get3A_479, %get3A_1073 : vector<16xf32>
          %add3A_1075 = arith.addf %mul3A_1065, %mul3A_1074 : vector<16xf32>
          %get3A_1076 = arith.index_cast %add3A_1057 : i32 to index
          %get3A_1077 = arith.constant 64 : index
          %get3A_1078 = tpu.vector_load %arg17[%get3A_1076, %get3A_1077] {strides = array<i32>} : memref<64x128xf32, #tpu.memory_space<vmem>>, vector<16xf32>,
          %mul3A_1079 = arith.mulf %get3A_482, %get3A_1078 : vector<16xf32>
          %add3A_1080 = arith.addf %add3A_1070, %mul3A_1079 : vector<16xf32>
          %get3A_1081 = arith.index_cast %add3A_1057 : i32 to index
          %get3A_1082 = arith.constant 80 : index
          %get3A_1083 = tpu.vector_load %arg17[%get3A_1081, %get3A_1082] {strides = array<i32>} : memref<64x128xf32, #tpu.memory_space<vmem>>, vector<16xf32>,
          %mul3A_1084 = arith.mulf %get3A_485, %get3A_1083 : vector<16xf32>
          %add3A_1085 = arith.addf %add3A_1075, %mul3A_1084 : vector<16xf32>
          %get3A_1086 = arith.index_cast %add3A_1057 : i32 to index
          %get3A_1087 = arith.constant 96 : index
          %get3A_1088 = tpu.vector_load %arg17[%get3A_1086, %get3A_1087] {strides = array<i32>} : memref<64x128xf32, #tpu.memory_space<vmem>>, vector<16xf32>,
          %mul3A_1089 = arith.mulf %get3A_488, %get3A_1088 : vector<16xf32>
          %add3A_1090 = arith.addf %add3A_1080, %mul3A_1089 : vector<16xf32>
          %get3A_1091 = arith.index_cast %add3A_1057 : i32 to index
          %get3A_1092 = arith.constant 112 : index
          %get3A_1093 = tpu.vector_load %arg17[%get3A_1091, %get3A_1092] {strides = array<i32>} : memref<64x128xf32, #tpu.memory_space<vmem>>, vector<16xf32>,
          %mul3A_1094 = arith.mulf %get3A_491, %get3A_1093 : vector<16xf32>
          %add3A_1095 = arith.addf %add3A_1085, %mul3A_1094 : vector<16xf32>
          %add3A_1096 = arith.addf %add3A_1090, %add3A_1095 : vector<16xf32>
          %add3A_1097 = arith.constant 13 : i32
          %add3A_1098 = arith.addi %add3A_563, %add3A_1097 : i32
          %get3A_1099 = arith.index_cast %add3A_1098 : i32 to index
          %get3A_1100 = arith.constant 0 : index
          %get3A_1101 = tpu.vector_load %arg17[%get3A_1099, %get3A_1100] {strides = array<i32>} : memref<64x128xf32, #tpu.memory_space<vmem>>, vector<16xf32>,
          %mul3A_1102 = arith.mulf %get3A_470, %get3A_1101 : vector<16xf32>
          %get3A_1103 = arith.index_cast %add3A_1098 : i32 to index
          %get3A_1104 = arith.constant 16 : index
          %get3A_1105 = tpu.vector_load %arg17[%get3A_1103, %get3A_1104] {strides = array<i32>} : memref<64x128xf32, #tpu.memory_space<vmem>>, vector<16xf32>,
          %mul3A_1106 = arith.mulf %get3A_473, %get3A_1105 : vector<16xf32>
          %get3A_1107 = arith.index_cast %add3A_1098 : i32 to index
          %get3A_1108 = arith.constant 32 : index
          %get3A_1109 = tpu.vector_load %arg17[%get3A_1107, %get3A_1108] {strides = array<i32>} : memref<64x128xf32, #tpu.memory_space<vmem>>, vector<16xf32>,
          %mul3A_1110 = arith.mulf %get3A_476, %get3A_1109 : vector<16xf32>
          %add3A_1111 = arith.addf %mul3A_1102, %mul3A_1110 : vector<16xf32>
          %get3A_1112 = arith.index_cast %add3A_1098 : i32 to index
          %get3A_1113 = arith.constant 48 : index
          %get3A_1114 = tpu.vector_load %arg17[%get3A_1112, %get3A_1113] {strides = array<i32>} : memref<64x128xf32, #tpu.memory_space<vmem>>, vector<16xf32>,
          %mul3A_1115 = arith.mulf %get3A_479, %get3A_1114 : vector<16xf32>
          %add3A_1116 = arith.addf %mul3A_1106, %mul3A_1115 : vector<16xf32>
          %get3A_1117 = arith.index_cast %add3A_1098 : i32 to index
          %get3A_1118 = arith.constant 64 : index
          %get3A_1119 = tpu.vector_load %arg17[%get3A_1117, %get3A_1118] {strides = array<i32>} : memref<64x128xf32, #tpu.memory_space<vmem>>, vector<16xf32>,
          %mul3A_1120 = arith.mulf %get3A_482, %get3A_1119 : vector<16xf32>
          %add3A_1121 = arith.addf %add3A_1111, %mul3A_1120 : vector<16xf32>
          %get3A_1122 = arith.index_cast %add3A_1098 : i32 to index
          %get3A_1123 = arith.constant 80 : index
          %get3A_1124 = tpu.vector_load %arg17[%get3A_1122, %get3A_1123] {strides = array<i32>} : memref<64x128xf32, #tpu.memory_space<vmem>>, vector<16xf32>,
          %mul3A_1125 = arith.mulf %get3A_485, %get3A_1124 : vector<16xf32>
          %add3A_1126 = arith.addf %add3A_1116, %mul3A_1125 : vector<16xf32>
          %get3A_1127 = arith.index_cast %add3A_1098 : i32 to index
          %get3A_1128 = arith.constant 96 : index
          %get3A_1129 = tpu.vector_load %arg17[%get3A_1127, %get3A_1128] {strides = array<i32>} : memref<64x128xf32, #tpu.memory_space<vmem>>, vector<16xf32>,
          %mul3A_1130 = arith.mulf %get3A_488, %get3A_1129 : vector<16xf32>
          %add3A_1131 = arith.addf %add3A_1121, %mul3A_1130 : vector<16xf32>
          %get3A_1132 = arith.index_cast %add3A_1098 : i32 to index
          %get3A_1133 = arith.constant 112 : index
          %get3A_1134 = tpu.vector_load %arg17[%get3A_1132, %get3A_1133] {strides = array<i32>} : memref<64x128xf32, #tpu.memory_space<vmem>>, vector<16xf32>,
          %mul3A_1135 = arith.mulf %get3A_491, %get3A_1134 : vector<16xf32>
          %add3A_1136 = arith.addf %add3A_1126, %mul3A_1135 : vector<16xf32>
          %add3A_1137 = arith.addf %add3A_1131, %add3A_1136 : vector<16xf32>
          %add3A_1138 = arith.constant 14 : i32
          %add3A_1139 = arith.addi %add3A_563, %add3A_1138 : i32
          %get3A_1140 = arith.index_cast %add3A_1139 : i32 to index
          %get3A_1141 = arith.constant 0 : index
          %get3A_1142 = tpu.vector_load %arg17[%get3A_1140, %get3A_1141] {strides = array<i32>} : memref<64x128xf32, #tpu.memory_space<vmem>>, vector<16xf32>,
          %mul3A_1143 = arith.mulf %get3A_470, %get3A_1142 : vector<16xf32>
          %get3A_1144 = arith.index_cast %add3A_1139 : i32 to index
          %get3A_1145 = arith.constant 16 : index
          %get3A_1146 = tpu.vector_load %arg17[%get3A_1144, %get3A_1145] {strides = array<i32>} : memref<64x128xf32, #tpu.memory_space<vmem>>, vector<16xf32>,
          %mul3A_1147 = arith.mulf %get3A_473, %get3A_1146 : vector<16xf32>
          %get3A_1148 = arith.index_cast %add3A_1139 : i32 to index
          %get3A_1149 = arith.constant 32 : index
          %get3A_1150 = tpu.vector_load %arg17[%get3A_1148, %get3A_1149] {strides = array<i32>} : memref<64x128xf32, #tpu.memory_space<vmem>>, vector<16xf32>,
          %mul3A_1151 = arith.mulf %get3A_476, %get3A_1150 : vector<16xf32>
          %add3A_1152 = arith.addf %mul3A_1143, %mul3A_1151 : vector<16xf32>
          %get3A_1153 = arith.index_cast %add3A_1139 : i32 to index
          %get3A_1154 = arith.constant 48 : index
          %get3A_1155 = tpu.vector_load %arg17[%get3A_1153, %get3A_1154] {strides = array<i32>} : memref<64x128xf32, #tpu.memory_space<vmem>>, vector<16xf32>,
          %mul3A_1156 = arith.mulf %get3A_479, %get3A_1155 : vector<16xf32>
          %add3A_1157 = arith.addf %mul3A_1147, %mul3A_1156 : vector<16xf32>
          %get3A_1158 = arith.index_cast %add3A_1139 : i32 to index
          %get3A_1159 = arith.constant 64 : index
          %get3A_1160 = tpu.vector_load %arg17[%get3A_1158, %get3A_1159] {strides = array<i32>} : memref<64x128xf32, #tpu.memory_space<vmem>>, vector<16xf32>,
          %mul3A_1161 = arith.mulf %get3A_482, %get3A_1160 : vector<16xf32>
          %add3A_1162 = arith.addf %add3A_1152, %mul3A_1161 : vector<16xf32>
          %get3A_1163 = arith.index_cast %add3A_1139 : i32 to index
          %get3A_1164 = arith.constant 80 : index
          %get3A_1165 = tpu.vector_load %arg17[%get3A_1163, %get3A_1164] {strides = array<i32>} : memref<64x128xf32, #tpu.memory_space<vmem>>, vector<16xf32>,
          %mul3A_1166 = arith.mulf %get3A_485, %get3A_1165 : vector<16xf32>
          %add3A_1167 = arith.addf %add3A_1157, %mul3A_1166 : vector<16xf32>
          %get3A_1168 = arith.index_cast %add3A_1139 : i32 to index
          %get3A_1169 = arith.constant 96 : index
          %get3A_1170 = tpu.vector_load %arg17[%get3A_1168, %get3A_1169] {strides = array<i32>} : memref<64x128xf32, #tpu.memory_space<vmem>>, vector<16xf32>,
          %mul3A_1171 = arith.mulf %get3A_488, %get3A_1170 : vector<16xf32>
          %add3A_1172 = arith.addf %add3A_1162, %mul3A_1171 : vector<16xf32>
          %get3A_1173 = arith.index_cast %add3A_1139 : i32 to index
          %get3A_1174 = arith.constant 112 : index
          %get3A_1175 = tpu.vector_load %arg17[%get3A_1173, %get3A_1174] {strides = array<i32>} : memref<64x128xf32, #tpu.memory_space<vmem>>, vector<16xf32>,
          %mul3A_1176 = arith.mulf %get3A_491, %get3A_1175 : vector<16xf32>
          %add3A_1177 = arith.addf %add3A_1167, %mul3A_1176 : vector<16xf32>
          %add3A_1178 = arith.addf %add3A_1172, %add3A_1177 : vector<16xf32>
          %add3A_1179 = arith.constant 15 : i32
          %add3A_1180 = arith.addi %add3A_563, %add3A_1179 : i32
          %get3A_1181 = arith.index_cast %add3A_1180 : i32 to index
          %get3A_1182 = arith.constant 0 : index
          %get3A_1183 = tpu.vector_load %arg17[%get3A_1181, %get3A_1182] {strides = array<i32>} : memref<64x128xf32, #tpu.memory_space<vmem>>, vector<16xf32>,
          %mul3A_1184 = arith.mulf %get3A_470, %get3A_1183 : vector<16xf32>
          %get3A_1185 = arith.index_cast %add3A_1180 : i32 to index
          %get3A_1186 = arith.constant 16 : index
          %get3A_1187 = tpu.vector_load %arg17[%get3A_1185, %get3A_1186] {strides = array<i32>} : memref<64x128xf32, #tpu.memory_space<vmem>>, vector<16xf32>,
          %mul3A_1188 = arith.mulf %get3A_473, %get3A_1187 : vector<16xf32>
          %get3A_1189 = arith.index_cast %add3A_1180 : i32 to index
          %get3A_1190 = arith.constant 32 : index
          %get3A_1191 = tpu.vector_load %arg17[%get3A_1189, %get3A_1190] {strides = array<i32>} : memref<64x128xf32, #tpu.memory_space<vmem>>, vector<16xf32>,
          %mul3A_1192 = arith.mulf %get3A_476, %get3A_1191 : vector<16xf32>
          %add3A_1193 = arith.addf %mul3A_1184, %mul3A_1192 : vector<16xf32>
          %get3A_1194 = arith.index_cast %add3A_1180 : i32 to index
          %get3A_1195 = arith.constant 48 : index
          %get3A_1196 = tpu.vector_load %arg17[%get3A_1194, %get3A_1195] {strides = array<i32>} : memref<64x128xf32, #tpu.memory_space<vmem>>, vector<16xf32>,
          %mul3A_1197 = arith.mulf %get3A_479, %get3A_1196 : vector<16xf32>
          %add3A_1198 = arith.addf %mul3A_1188, %mul3A_1197 : vector<16xf32>
          %get3A_1199 = arith.index_cast %add3A_1180 : i32 to index
          %get3A_1200 = arith.constant 64 : index
          %get3A_1201 = tpu.vector_load %arg17[%get3A_1199, %get3A_1200] {strides = array<i32>} : memref<64x128xf32, #tpu.memory_space<vmem>>, vector<16xf32>,
          %mul3A_1202 = arith.mulf %get3A_482, %get3A_1201 : vector<16xf32>
          %add3A_1203 = arith.addf %add3A_1193, %mul3A_1202 : vector<16xf32>
          %get3A_1204 = arith.index_cast %add3A_1180 : i32 to index
          %get3A_1205 = arith.constant 80 : index
          %get3A_1206 = tpu.vector_load %arg17[%get3A_1204, %get3A_1205] {strides = array<i32>} : memref<64x128xf32, #tpu.memory_space<vmem>>, vector<16xf32>,
          %mul3A_1207 = arith.mulf %get3A_485, %get3A_1206 : vector<16xf32>
          %add3A_1208 = arith.addf %add3A_1198, %mul3A_1207 : vector<16xf32>
          %get3A_1209 = arith.index_cast %add3A_1180 : i32 to index
          %get3A_1210 = arith.constant 96 : index
          %get3A_1211 = tpu.vector_load %arg17[%get3A_1209, %get3A_1210] {strides = array<i32>} : memref<64x128xf32, #tpu.memory_space<vmem>>, vector<16xf32>,
          %mul3A_1212 = arith.mulf %get3A_488, %get3A_1211 : vector<16xf32>
          %add3A_1213 = arith.addf %add3A_1203, %mul3A_1212 : vector<16xf32>
          %get3A_1214 = arith.index_cast %add3A_1180 : i32 to index
          %get3A_1215 = arith.constant 112 : index
          %get3A_1216 = tpu.vector_load %arg17[%get3A_1214, %get3A_1215] {strides = array<i32>} : memref<64x128xf32, #tpu.memory_space<vmem>>, vector<16xf32>,
          %mul3A_1217 = arith.mulf %get3A_491, %get3A_1216 : vector<16xf32>
          %add3A_1218 = arith.addf %add3A_1208, %mul3A_1217 : vector<16xf32>
          %add3A_1219 = arith.addf %add3A_1213, %add3A_1218 : vector<16xf32>
          %add3A_1220 = arith.constant 0 : i32
          %add3A_1221 = vector.broadcast %add3A_1220 : i32 to vector<16xi32>
          %add3A_1222 = arith.addi %scan3A_559, %add3A_1221 : vector<16xi32>
          %broadcast_in_dim3A_1223 = arith.constant true
          %broadcast_in_dim3A_1224 = vector.broadcast %broadcast_in_dim3A_1223 : i1 to vector<16xi1>
          %masked_cumsum3A_1225 = tpu.scan <sum>, %add3A_604 masked %broadcast_in_dim3A_1224 : vector<16xf32>, vector<16xi1> -> vector<16xf32>
          tpu.vector_store_idx %arg21[%add3A_1222], %masked_cumsum3A_1225 masked %eq3A_4 : memref<64xf32, #tpu.memory_space<vmem>>[vector<16xi32>], vector<16xf32>, vector<16xi1>
          %add3A_1226 = arith.constant 1 : i32
          %add3A_1227 = vector.broadcast %add3A_1226 : i32 to vector<16xi32>
          %add3A_1228 = arith.addi %scan3A_559, %add3A_1227 : vector<16xi32>
          %broadcast_in_dim3A_1229 = arith.constant true
          %broadcast_in_dim3A_1230 = vector.broadcast %broadcast_in_dim3A_1229 : i1 to vector<16xi1>
          %masked_cumsum3A_1231 = tpu.scan <sum>, %add3A_645 masked %broadcast_in_dim3A_1230 : vector<16xf32>, vector<16xi1> -> vector<16xf32>
          tpu.vector_store_idx %arg21[%add3A_1228], %masked_cumsum3A_1231 masked %eq3A_4 : memref<64xf32, #tpu.memory_space<vmem>>[vector<16xi32>], vector<16xf32>, vector<16xi1>
          %add3A_1232 = arith.constant 2 : i32
          %add3A_1233 = vector.broadcast %add3A_1232 : i32 to vector<16xi32>
          %add3A_1234 = arith.addi %scan3A_559, %add3A_1233 : vector<16xi32>
          %broadcast_in_dim3A_1235 = arith.constant true
          %broadcast_in_dim3A_1236 = vector.broadcast %broadcast_in_dim3A_1235 : i1 to vector<16xi1>
          %masked_cumsum3A_1237 = tpu.scan <sum>, %add3A_686 masked %broadcast_in_dim3A_1236 : vector<16xf32>, vector<16xi1> -> vector<16xf32>
          tpu.vector_store_idx %arg21[%add3A_1234], %masked_cumsum3A_1237 masked %eq3A_4 : memref<64xf32, #tpu.memory_space<vmem>>[vector<16xi32>], vector<16xf32>, vector<16xi1>
          %add3A_1238 = arith.constant 3 : i32
          %add3A_1239 = vector.broadcast %add3A_1238 : i32 to vector<16xi32>
          %add3A_1240 = arith.addi %scan3A_559, %add3A_1239 : vector<16xi32>
          %broadcast_in_dim3A_1241 = arith.constant true
          %broadcast_in_dim3A_1242 = vector.broadcast %broadcast_in_dim3A_1241 : i1 to vector<16xi1>
          %masked_cumsum3A_1243 = tpu.scan <sum>, %add3A_727 masked %broadcast_in_dim3A_1242 : vector<16xf32>, vector<16xi1> -> vector<16xf32>
          tpu.vector_store_idx %arg21[%add3A_1240], %masked_cumsum3A_1243 masked %eq3A_4 : memref<64xf32, #tpu.memory_space<vmem>>[vector<16xi32>], vector<16xf32>, vector<16xi1>
          %add3A_1244 = arith.constant 4 : i32
          %add3A_1245 = vector.broadcast %add3A_1244 : i32 to vector<16xi32>
          %add3A_1246 = arith.addi %scan3A_559, %add3A_1245 : vector<16xi32>
          %broadcast_in_dim3A_1247 = arith.constant true
          %broadcast_in_dim3A_1248 = vector.broadcast %broadcast_in_dim3A_1247 : i1 to vector<16xi1>
          %masked_cumsum3A_1249 = tpu.scan <sum>, %add3A_768 masked %broadcast_in_dim3A_1248 : vector<16xf32>, vector<16xi1> -> vector<16xf32>
          tpu.vector_store_idx %arg21[%add3A_1246], %masked_cumsum3A_1249 masked %eq3A_4 : memref<64xf32, #tpu.memory_space<vmem>>[vector<16xi32>], vector<16xf32>, vector<16xi1>
          %add3A_1250 = arith.constant 5 : i32
          %add3A_1251 = vector.broadcast %add3A_1250 : i32 to vector<16xi32>
          %add3A_1252 = arith.addi %scan3A_559, %add3A_1251 : vector<16xi32>
          %broadcast_in_dim3A_1253 = arith.constant true
          %broadcast_in_dim3A_1254 = vector.broadcast %broadcast_in_dim3A_1253 : i1 to vector<16xi1>
          %masked_cumsum3A_1255 = tpu.scan <sum>, %add3A_809 masked %broadcast_in_dim3A_1254 : vector<16xf32>, vector<16xi1> -> vector<16xf32>
          tpu.vector_store_idx %arg21[%add3A_1252], %masked_cumsum3A_1255 masked %eq3A_4 : memref<64xf32, #tpu.memory_space<vmem>>[vector<16xi32>], vector<16xf32>, vector<16xi1>
          %add3A_1256 = arith.constant 6 : i32
          %add3A_1257 = vector.broadcast %add3A_1256 : i32 to vector<16xi32>
          %add3A_1258 = arith.addi %scan3A_559, %add3A_1257 : vector<16xi32>
          %broadcast_in_dim3A_1259 = arith.constant true
          %broadcast_in_dim3A_1260 = vector.broadcast %broadcast_in_dim3A_1259 : i1 to vector<16xi1>
          %masked_cumsum3A_1261 = tpu.scan <sum>, %add3A_850 masked %broadcast_in_dim3A_1260 : vector<16xf32>, vector<16xi1> -> vector<16xf32>
          tpu.vector_store_idx %arg21[%add3A_1258], %masked_cumsum3A_1261 masked %eq3A_4 : memref<64xf32, #tpu.memory_space<vmem>>[vector<16xi32>], vector<16xf32>, vector<16xi1>
          %add3A_1262 = arith.constant 7 : i32
          %add3A_1263 = vector.broadcast %add3A_1262 : i32 to vector<16xi32>
          %add3A_1264 = arith.addi %scan3A_559, %add3A_1263 : vector<16xi32>
          %broadcast_in_dim3A_1265 = arith.constant true
          %broadcast_in_dim3A_1266 = vector.broadcast %broadcast_in_dim3A_1265 : i1 to vector<16xi1>
          %masked_cumsum3A_1267 = tpu.scan <sum>, %add3A_891 masked %broadcast_in_dim3A_1266 : vector<16xf32>, vector<16xi1> -> vector<16xf32>
          tpu.vector_store_idx %arg21[%add3A_1264], %masked_cumsum3A_1267 masked %eq3A_4 : memref<64xf32, #tpu.memory_space<vmem>>[vector<16xi32>], vector<16xf32>, vector<16xi1>
          %add3A_1268 = arith.constant 8 : i32
          %add3A_1269 = vector.broadcast %add3A_1268 : i32 to vector<16xi32>
          %add3A_1270 = arith.addi %scan3A_559, %add3A_1269 : vector<16xi32>
          %broadcast_in_dim3A_1271 = arith.constant true
          %broadcast_in_dim3A_1272 = vector.broadcast %broadcast_in_dim3A_1271 : i1 to vector<16xi1>
          %masked_cumsum3A_1273 = tpu.scan <sum>, %add3A_932 masked %broadcast_in_dim3A_1272 : vector<16xf32>, vector<16xi1> -> vector<16xf32>
          tpu.vector_store_idx %arg21[%add3A_1270], %masked_cumsum3A_1273 masked %eq3A_4 : memref<64xf32, #tpu.memory_space<vmem>>[vector<16xi32>], vector<16xf32>, vector<16xi1>
          %add3A_1274 = arith.constant 9 : i32
          %add3A_1275 = vector.broadcast %add3A_1274 : i32 to vector<16xi32>
          %add3A_1276 = arith.addi %scan3A_559, %add3A_1275 : vector<16xi32>
          %broadcast_in_dim3A_1277 = arith.constant true
          %broadcast_in_dim3A_1278 = vector.broadcast %broadcast_in_dim3A_1277 : i1 to vector<16xi1>
          %masked_cumsum3A_1279 = tpu.scan <sum>, %add3A_973 masked %broadcast_in_dim3A_1278 : vector<16xf32>, vector<16xi1> -> vector<16xf32>
          tpu.vector_store_idx %arg21[%add3A_1276], %masked_cumsum3A_1279 masked %eq3A_4 : memref<64xf32, #tpu.memory_space<vmem>>[vector<16xi32>], vector<16xf32>, vector<16xi1>
          %add3A_1280 = arith.constant 10 : i32
          %add3A_1281 = vector.broadcast %add3A_1280 : i32 to vector<16xi32>
          %add3A_1282 = arith.addi %scan3A_559, %add3A_1281 : vector<16xi32>
          %broadcast_in_dim3A_1283 = arith.constant true
          %broadcast_in_dim3A_1284 = vector.broadcast %broadcast_in_dim3A_1283 : i1 to vector<16xi1>
          %masked_cumsum3A_1285 = tpu.scan <sum>, %add3A_1014 masked %broadcast_in_dim3A_1284 : vector<16xf32>, vector<16xi1> -> vector<16xf32>
          tpu.vector_store_idx %arg21[%add3A_1282], %masked_cumsum3A_1285 masked %eq3A_4 : memref<64xf32, #tpu.memory_space<vmem>>[vector<16xi32>], vector<16xf32>, vector<16xi1>
          %add3A_1286 = arith.constant 11 : i32
          %add3A_1287 = vector.broadcast %add3A_1286 : i32 to vector<16xi32>
          %add3A_1288 = arith.addi %scan3A_559, %add3A_1287 : vector<16xi32>
          %broadcast_in_dim3A_1289 = arith.constant true
          %broadcast_in_dim3A_1290 = vector.broadcast %broadcast_in_dim3A_1289 : i1 to vector<16xi1>
          %masked_cumsum3A_1291 = tpu.scan <sum>, %add3A_1055 masked %broadcast_in_dim3A_1290 : vector<16xf32>, vector<16xi1> -> vector<16xf32>
          tpu.vector_store_idx %arg21[%add3A_1288], %masked_cumsum3A_1291 masked %eq3A_4 : memref<64xf32, #tpu.memory_space<vmem>>[vector<16xi32>], vector<16xf32>, vector<16xi1>
          %add3A_1292 = arith.constant 12 : i32
          %add3A_1293 = vector.broadcast %add3A_1292 : i32 to vector<16xi32>
          %add3A_1294 = arith.addi %scan3A_559, %add3A_1293 : vector<16xi32>
          %broadcast_in_dim3A_1295 = arith.constant true
          %broadcast_in_dim3A_1296 = vector.broadcast %broadcast_in_dim3A_1295 : i1 to vector<16xi1>
          %masked_cumsum3A_1297 = tpu.scan <sum>, %add3A_1096 masked %broadcast_in_dim3A_1296 : vector<16xf32>, vector<16xi1> -> vector<16xf32>
          tpu.vector_store_idx %arg21[%add3A_1294], %masked_cumsum3A_1297 masked %eq3A_4 : memref<64xf32, #tpu.memory_space<vmem>>[vector<16xi32>], vector<16xf32>, vector<16xi1>
          %add3A_1298 = arith.constant 13 : i32
          %add3A_1299 = vector.broadcast %add3A_1298 : i32 to vector<16xi32>
          %add3A_1300 = arith.addi %scan3A_559, %add3A_1299 : vector<16xi32>
          %broadcast_in_dim3A_1301 = arith.constant true
          %broadcast_in_dim3A_1302 = vector.broadcast %broadcast_in_dim3A_1301 : i1 to vector<16xi1>
          %masked_cumsum3A_1303 = tpu.scan <sum>, %add3A_1137 masked %broadcast_in_dim3A_1302 : vector<16xf32>, vector<16xi1> -> vector<16xf32>
          tpu.vector_store_idx %arg21[%add3A_1300], %masked_cumsum3A_1303 masked %eq3A_4 : memref<64xf32, #tpu.memory_space<vmem>>[vector<16xi32>], vector<16xf32>, vector<16xi1>
          %add3A_1304 = arith.constant 14 : i32
          %add3A_1305 = vector.broadcast %add3A_1304 : i32 to vector<16xi32>
          %add3A_1306 = arith.addi %scan3A_559, %add3A_1305 : vector<16xi32>
          %broadcast_in_dim3A_1307 = arith.constant true
          %broadcast_in_dim3A_1308 = vector.broadcast %broadcast_in_dim3A_1307 : i1 to vector<16xi1>
          %masked_cumsum3A_1309 = tpu.scan <sum>, %add3A_1178 masked %broadcast_in_dim3A_1308 : vector<16xf32>, vector<16xi1> -> vector<16xf32>
          tpu.vector_store_idx %arg21[%add3A_1306], %masked_cumsum3A_1309 masked %eq3A_4 : memref<64xf32, #tpu.memory_space<vmem>>[vector<16xi32>], vector<16xf32>, vector<16xi1>
          %add3A_1310 = arith.constant 15 : i32
          %add3A_1311 = vector.broadcast %add3A_1310 : i32 to vector<16xi32>
          %add3A_1312 = arith.addi %scan3A_559, %add3A_1311 : vector<16xi32>
          %broadcast_in_dim3A_1313 = arith.constant true
          %broadcast_in_dim3A_1314 = vector.broadcast %broadcast_in_dim3A_1313 : i1 to vector<16xi1>
          %masked_cumsum3A_1315 = tpu.scan <sum>, %add3A_1219 masked %broadcast_in_dim3A_1314 : vector<16xf32>, vector<16xi1> -> vector<16xf32>
          tpu.vector_store_idx %arg21[%add3A_1312], %masked_cumsum3A_1315 masked %eq3A_4 : memref<64xf32, #tpu.memory_space<vmem>>[vector<16xi32>], vector<16xf32>, vector<16xi1>
          %add3A_1316 = arith.constant 16 : i32
          %add3A_1317 = vector.broadcast %add3A_1316 : i32 to vector<16xi32>
          %add3A_1318 = arith.addi %scan3A_559, %add3A_1317 : vector<16xi32>
          scf.yield %add3A_1318 : vector<16xi32>
        }
        %scan3A_542 = arith.constant 4 : i32
        %mul3A_543 = arith.constant 1 : i32
        %mul3A_544 = arith.muli %add3A_456, %mul3A_543 : i32
        %add3A_545 = arith.addi %add3A_15, %mul3A_544 : i32
        %mul3A_546 = arith.constant 64 : i32
        %mul3A_547 = arith.muli %add3A_545, %mul3A_546 : i32
        %dma_start3A_548 = tpu.memref_slice %arg8[%mul3A_547] : memref<1048576xf32, #tpu.memory_space<hbm>> -> memref<64xf32, #tpu.memory_space<hbm>>
        %dma_start3A_549 = tpu.memref_slice %arg8[%mul3A_547] : memref<1048576xf32, #tpu.memory_space<hbm>> -> memref<64xf32, #tpu.memory_space<hbm>>
        tpu.enqueue_dma source(%arg21 : memref<64xf32, #tpu.memory_space<vmem>>) target(%dma_start3A_549 : memref<64xf32, #tpu.memory_space<hbm>>) target_semaphore(%arg32 : memref<!tpu.dma_semaphore, #tpu.memory_space<semaphore_mem>>)
        %add3A_550 = arith.constant 4 : i32
        %add3A_551 = arith.addi %add3A_456, %add3A_550 : i32
        %lt3A_552 = arith.constant 256 : i32
        %lt3A_553 = arith.cmpi slt, %add3A_551, %lt3A_552 : i32
        %convert_element_type3A_554 = arith.extui %lt3A_553 : i1 to i32
        %cond3A_555 = arith.constant 0 : i32
        %cond3A_556 = arith.cmpi ne, %convert_element_type3A_554, %cond3A_555 : i32
        scf.if %cond3A_556 {
          %add3A_558 = arith.constant 4 : i32
          %add3A_559 = arith.addi %add3A_456, %add3A_558 : i32
          %dma_start3A_560 = arith.constant 0 : i32
          %dma_start3A_561 = tpu.memref_slice %arg11[%add3A_559, %dma_start3A_560] : memref<256x64xi32, #tpu.memory_space<vmem>> -> memref<1x64xi32, #tpu.memory_space<vmem>>
          %dma_start3A_562 = tpu.memref_squeeze %dma_start3A_561 : memref<1x64xi32, #tpu.memory_space<vmem>> -> memref<64xi32, #tpu.memory_space<vmem>>
          %dma_start3A_563 = arith.constant 0 : i32
          %dma_start3A_564 = arith.constant 0 : i32
          %dma_start3A_565 = tpu.memref_slice %arg6[%dma_start3A_563, %dma_start3A_564] : memref<100000x128xf32, #tpu.memory_space<hbm>> -> memref<100000x128xf32, #tpu.memory_space<hbm>>
          tpu.enqueue_indirect_dma source(%dma_start3A_565 : memref<100000x128xf32, #tpu.memory_space<hbm>>) target(%arg17 : memref<64x128xf32, #tpu.memory_space<vmem>>) offsets(%dma_start3A_562 : memref<64xi32, #tpu.memory_space<vmem>>) semaphore(%arg28 : memref<!tpu.dma_semaphore, #tpu.memory_space<semaphore_mem>>)
        } else {
        }
        %scan3A_557 = arith.constant 0 : i32
        scf.yield %scan3A_557 : i32
      }
      %scan3A_128 = arith.constant 64 : i32
      %dma_wait3A_129 = arith.constant 0 : i32
      %dma_wait3A_130 = tpu.memref_slice %arg8[%dma_wait3A_129] : memref<1048576xf32, #tpu.memory_space<hbm>> -> memref<64xf32, #tpu.memory_space<hbm>>
      %dma_wait3A_131 = arith.constant 0 : i32
      %dma_wait3A_132 = tpu.memref_slice %arg8[%dma_wait3A_131] : memref<1048576xf32, #tpu.memory_space<hbm>> -> memref<64xf32, #tpu.memory_space<hbm>>
      tpu.wait_dma2 semaphore(%arg29 : memref<!tpu.dma_semaphore, #tpu.memory_space<semaphore_mem>>) src(%arg18 : memref<64xf32, #tpu.memory_space<vmem>>) dst(%dma_wait3A_132 : memref<64xf32, #tpu.memory_space<hbm>>)
      %dma_wait3A_133 = arith.constant 0 : i32
      %dma_wait3A_134 = tpu.memref_slice %arg8[%dma_wait3A_133] : memref<1048576xf32, #tpu.memory_space<hbm>> -> memref<64xf32, #tpu.memory_space<hbm>>
      %dma_wait3A_135 = arith.constant 0 : i32
      %dma_wait3A_136 = tpu.memref_slice %arg8[%dma_wait3A_135] : memref<1048576xf32, #tpu.memory_space<hbm>> -> memref<64xf32, #tpu.memory_space<hbm>>
      tpu.wait_dma2 semaphore(%arg30 : memref<!tpu.dma_semaphore, #tpu.memory_space<semaphore_mem>>) src(%arg19 : memref<64xf32, #tpu.memory_space<vmem>>) dst(%dma_wait3A_136 : memref<64xf32, #tpu.memory_space<hbm>>)
      %dma_wait3A_137 = arith.constant 0 : i32
      %dma_wait3A_138 = tpu.memref_slice %arg8[%dma_wait3A_137] : memref<1048576xf32, #tpu.memory_space<hbm>> -> memref<64xf32, #tpu.memory_space<hbm>>
      %dma_wait3A_139 = arith.constant 0 : i32
      %dma_wait3A_140 = tpu.memref_slice %arg8[%dma_wait3A_139] : memref<1048576xf32, #tpu.memory_space<hbm>> -> memref<64xf32, #tpu.memory_space<hbm>>
      tpu.wait_dma2 semaphore(%arg31 : memref<!tpu.dma_semaphore, #tpu.memory_space<semaphore_mem>>) src(%arg20 : memref<64xf32, #tpu.memory_space<vmem>>) dst(%dma_wait3A_140 : memref<64xf32, #tpu.memory_space<hbm>>)
      %dma_wait3A_141 = arith.constant 0 : i32
      %dma_wait3A_142 = tpu.memref_slice %arg8[%dma_wait3A_141] : memref<1048576xf32, #tpu.memory_space<hbm>> -> memref<64xf32, #tpu.memory_space<hbm>>
      %dma_wait3A_143 = arith.constant 0 : i32
      %dma_wait3A_144 = tpu.memref_slice %arg8[%dma_wait3A_143] : memref<1048576xf32, #tpu.memory_space<hbm>> -> memref<64xf32, #tpu.memory_space<hbm>>
      tpu.wait_dma2 semaphore(%arg32 : memref<!tpu.dma_semaphore, #tpu.memory_space<semaphore_mem>>) src(%arg21 : memref<64xf32, #tpu.memory_space<vmem>>) dst(%dma_wait3A_144 : memref<64xf32, #tpu.memory_space<hbm>>)
      "tpu.region"() ({
        %run_scoped3A = tpu.sem_alloc : memref<!tpu.dma_semaphore, #tpu.memory_space<semaphore_mem>>
        %dma_start3A_146 = tpu.memref_slice %arg7[%add3A_15] : memref<16384xf32, #tpu.memory_space<hbm>> -> memref<256xf32, #tpu.memory_space<hbm>>
        %dma_start3A_147 = tpu.memref_slice %arg7[%add3A_15] : memref<16384xf32, #tpu.memory_space<hbm>> -> memref<256xf32, #tpu.memory_space<hbm>>
        tpu.enqueue_dma source(%arg22 : memref<256xf32, #tpu.memory_space<vmem>>) target(%dma_start3A_147 : memref<256xf32, #tpu.memory_space<hbm>>) target_semaphore(%run_scoped3A : memref<!tpu.dma_semaphore, #tpu.memory_space<semaphore_mem>>)
        %dma_wait3A_148 = tpu.memref_slice %arg7[%add3A_15] : memref<16384xf32, #tpu.memory_space<hbm>> -> memref<256xf32, #tpu.memory_space<hbm>>
        %dma_wait3A_149 = tpu.memref_slice %arg7[%add3A_15] : memref<16384xf32, #tpu.memory_space<hbm>> -> memref<256xf32, #tpu.memory_space<hbm>>
        tpu.wait_dma2 semaphore(%run_scoped3A : memref<!tpu.dma_semaphore, #tpu.memory_space<semaphore_mem>>) src(%arg22 : memref<256xf32, #tpu.memory_space<vmem>>) dst(%dma_wait3A_149 : memref<256xf32, #tpu.memory_space<hbm>>)
        tpu.yield
      }) : () -> ()
      %scan3A_145 = arith.constant 0 : i32
      scf.yield %scan3A_145 : i32
    }
    %scan3A_10 = arith.constant 2 : i32
    return
  }
}

module attributes {stable_mosaic.version = 14 : i64} {
  func.func @_loss_body(%arg0: memref<128x128xf32, #tpu.memory_space<vmem>>, %arg1: memref<8192x128xf32, #tpu.memory_space<vmem>>, %arg2: memref<1x1xf32, #tpu.memory_space<vmem>>) attributes {dimension_semantics = [], scalar_prefetch = 0 : i64, scratch_operands = 0 : i64, tpu.core_type = #tpu.core_type<tc>} {
    %get3A = arith.constant 0 : index
    %get3A_0 = arith.constant 0 : index
    %get3A_1 = vector.load %arg0[%get3A, %get3A_0] : memref<128x128xf32, #tpu.memory_space<vmem>>, vector<128x128xf32>
    %neg3A = arith.constant 0.000000e+00 : f32
    %neg3A_2 = vector.broadcast %neg3A : f32 to vector<128x128xf32>
    %neg3A_3 = arith.subf %neg3A_2, %get3A_1 : vector<128x128xf32>
    %custom_jvp_call3A = arith.constant 0.000000e+00 : f32
    %max3A = vector.broadcast %custom_jvp_call3A : f32 to vector<128x128xf32>
    %max3A_4 = arith.maximumf %neg3A_3, %max3A : vector<128x128xf32>
    %sub3A = vector.broadcast %custom_jvp_call3A : f32 to vector<128x128xf32>
    %sub3A_5 = arith.subf %neg3A_3, %sub3A : vector<128x128xf32>
    %ne3A = arith.cmpf one, %sub3A_5, %sub3A_5 : vector<128x128xf32>
    %add3A = vector.broadcast %custom_jvp_call3A : f32 to vector<128x128xf32>
    %add3A_6 = arith.addf %neg3A_3, %add3A : vector<128x128xf32>
    %abs3A = math.absf %sub3A_5 : vector<128x128xf32>
    %neg3A_7 = arith.constant 0.000000e+00 : f32
    %neg3A_8 = vector.broadcast %neg3A_7 : f32 to vector<128x128xf32>
    %neg3A_9 = arith.subf %neg3A_8, %abs3A : vector<128x128xf32>
    %exp3A = math.exp %neg3A_9 : vector<128x128xf32>
    %log1p3A = math.log1p %exp3A : vector<128x128xf32>
    %add3A_10 = arith.addf %max3A_4, %log1p3A : vector<128x128xf32>
    %select_n3A = arith.select %ne3A, %add3A_6, %add3A_10 : vector<128x128xi1>, vector<128x128xf32>
    %neg3A_11 = arith.constant 0.000000e+00 : f32
    %neg3A_12 = vector.broadcast %neg3A_11 : f32 to vector<128x128xf32>
    %neg3A_13 = arith.subf %neg3A_12, %select_n3A : vector<128x128xf32>
    %reduce_sum3A = vector.shape_cast %neg3A_13 : vector<128x128xf32> to vector<1x128x128xf32>
    %reduce_sum3A_14 = arith.constant dense<0.000000e+00> : vector<1xf32>
    %reduce_sum3A_15 = vector.multi_reduction <add>, %reduce_sum3A, %reduce_sum3A_14 [1, 2] : vector<1x128x128xf32> to vector<1xf32>
    %reduce_sum3A_16 = vector.shape_cast %reduce_sum3A_15 : vector<1xf32> to vector<1x1x1xf32>
    %reduce_sum3A_17 = vector.extract %reduce_sum3A_16[0, 0, 0] : f32 from vector<1x1x1xf32>
    %get3A_18 = arith.constant 0 : index
    %get3A_19 = arith.constant 0 : index
    %get3A_20 = vector.load %arg1[%get3A_18, %get3A_19] : memref<8192x128xf32, #tpu.memory_space<vmem>>, vector<8192x128xf32>
    %neg3A_21 = arith.constant 0.000000e+00 : f32
    %neg3A_22 = vector.broadcast %neg3A_21 : f32 to vector<8192x128xf32>
    %neg3A_23 = arith.subf %neg3A_22, %get3A_20 : vector<8192x128xf32>
    %neg3A_24 = arith.constant 0.000000e+00 : f32
    %neg3A_25 = vector.broadcast %neg3A_24 : f32 to vector<8192x128xf32>
    %neg3A_26 = arith.subf %neg3A_25, %neg3A_23 : vector<8192x128xf32>
    %custom_jvp_call3A_27 = arith.constant 0.000000e+00 : f32
    %max3A_28 = vector.broadcast %custom_jvp_call3A_27 : f32 to vector<8192x128xf32>
    %max3A_29 = arith.maximumf %neg3A_26, %max3A_28 : vector<8192x128xf32>
    %sub3A_30 = vector.broadcast %custom_jvp_call3A_27 : f32 to vector<8192x128xf32>
    %sub3A_31 = arith.subf %neg3A_26, %sub3A_30 : vector<8192x128xf32>
    %ne3A_32 = arith.cmpf one, %sub3A_31, %sub3A_31 : vector<8192x128xf32>
    %add3A_33 = vector.broadcast %custom_jvp_call3A_27 : f32 to vector<8192x128xf32>
    %add3A_34 = arith.addf %neg3A_26, %add3A_33 : vector<8192x128xf32>
    %abs3A_35 = math.absf %sub3A_31 : vector<8192x128xf32>
    %neg3A_36 = arith.constant 0.000000e+00 : f32
    %neg3A_37 = vector.broadcast %neg3A_36 : f32 to vector<8192x128xf32>
    %neg3A_38 = arith.subf %neg3A_37, %abs3A_35 : vector<8192x128xf32>
    %exp3A_39 = math.exp %neg3A_38 : vector<8192x128xf32>
    %log1p3A_40 = math.log1p %exp3A_39 : vector<8192x128xf32>
    %add3A_41 = arith.addf %max3A_29, %log1p3A_40 : vector<8192x128xf32>
    %select_n3A_42 = arith.select %ne3A_32, %add3A_34, %add3A_41 : vector<8192x128xi1>, vector<8192x128xf32>
    %neg3A_43 = arith.constant 0.000000e+00 : f32
    %neg3A_44 = vector.broadcast %neg3A_43 : f32 to vector<8192x128xf32>
    %neg3A_45 = arith.subf %neg3A_44, %select_n3A_42 : vector<8192x128xf32>
    %reduce_sum3A_46 = vector.shape_cast %neg3A_45 : vector<8192x128xf32> to vector<1x8192x128xf32>
    %reduce_sum3A_47 = arith.constant dense<0.000000e+00> : vector<1xf32>
    %reduce_sum3A_48 = vector.multi_reduction <add>, %reduce_sum3A_46, %reduce_sum3A_47 [1, 2] : vector<1x8192x128xf32> to vector<1xf32>
    %reduce_sum3A_49 = vector.shape_cast %reduce_sum3A_48 : vector<1xf32> to vector<1x1x1xf32>
    %reduce_sum3A_50 = vector.extract %reduce_sum3A_49[0, 0, 0] : f32 from vector<1x1x1xf32>
    %add3A_51 = arith.addf %reduce_sum3A_17, %reduce_sum3A_50 : f32
    %neg3A_52 = arith.constant 0.000000e+00 : f32
    %neg3A_53 = arith.subf %neg3A_52, %add3A_51 : f32
    %broadcast_in_dim3A = vector.broadcast %neg3A_53 : f32 to vector<1x1xf32>
    %swap3A = arith.constant 0 : index
    %swap3A_54 = arith.constant 0 : index
    %swap3A_55 = vector.load %arg2[%swap3A, %swap3A_54] : memref<1x1xf32, #tpu.memory_space<vmem>>, vector<1x1xf32>
    tpu.vector_store %arg2[%swap3A, %swap3A_54], %broadcast_in_dim3A {strides = array<i32>} : memref<1x1xf32, #tpu.memory_space<vmem>>, vector<1x1xf32>,
    return
  }
}

</mosaic_0001>

<sc_bundles>
// kernel: kernel.4.cloned.1.call-start
scs
__scs_entry_jumppad:
0x0: {  	(pc) =	sbr.rel $0x88, $3  }
0x1: {  	(tag) =	ssettag $0x0;
	lr =	simm.s32 $0x1  }
0x2: {  	[smem:$0x3F9C] =	sst lr;
	_ =	strace $0xD0000000  }
0x3: {  	_ = 	snop  }
0x4: {  	_ = 	snop  }
0x5: {  	_ = 	snop  }
0x6: {  	_ = 	snop  }
0x7: {  	_ = 	snop  }
__scs_overlays_trampoline_lowered:
0x8: {  	[smem:$0x3FAB] =	sst s0  }
0x9: {  	[smem:$0x3FAC] =	sst s1  }
0xa: {  	[smem:$0x3FAD] =	sst s2  }
0xb: {  	[smem:$0x3FAE] =	sst s3  }
0xc: {  	[smem:$0x3FAF] =	sst s4  }
0xd: {  	[smem:$0x3FB0] =	sst s5  }
0xe: {  	[smem:$0x3FB1] =	sst s6  }
0xf: {  	[smem:$0x3FB2] =	sst s7  }
0x10: {  	[smem:$0x3FB3] =	sst s8  }
0x11: {  	[smem:$0x3FB4] =	sst s9;
	s0 =	simm.s32 @!p0 $0x0  }
0x12: {  	s1 =	sld [smem:$0x3F9A];
	s0 =	simm.s32 @p0 $0x1  }
0x13: {  	[smem:$0x3FB5] =	sst s0;
	s0 =	simm.s32 @!p1 $0x0  }
0x14: {  	s2 =	sld [smem:$0x3F99];
	s0 =	simm.s32 @p1 $0x1  }
0x15: {  	[smem:$0x3FB6] =	sst s0;
	s0 =	simm.s32 @!p2 $0x0  }
0x16: {  	s3 =	sld [smem:$0x3FDB];
	s0 =	simm.s32 @p2 $0x1  }
0x17: {  	s4 =	simm.s32 $0x1BF5;
	[smem:$0x3FB8] =	sst s0  }
0x18: {  	s0 =	sld [smem:$0x3F9B];
	_ =	swait.ge [sflag:s4], $0x0  }
0x19: {  	s7 =	sld [smem:$0x3F9C]  }
0x1a: {  	s8 =	sadd.s32 $0xFFFFE003, lr  }
0x1b: {  	s9 =	sadd.s32 $0xFFFFFEF7, lr;
	s5 =	simm.s32 $0xFFFFFFFF;
	p2 =	slt.u32 s8, $0xFFFFF086  }
0x1c: {  	p1 =	slt.u32 s9, $0xF7A;
	s5 =	simm.s32 @!p2 $0x0  }
0x1d: {  	s5 =	simm.s32 @p1 $0x1;
	p0 =	seq.s32 s7, s2  }
0x1e: {  	s7 =	smul.u32 @!p0 $0xF7A, s2;
	p2 =	seq.s32 @!p0 s5, $0x0  }
0x1f: {  	s9 =	smul.u32 $0xF7A, s1;
	s8 =	simm.s32 @!p0 $0x1BF5;
	p2 =	por !p2, p0  }
0x20: {  	[sflag:s8] =	ssyncset.s32 @!p0 $0xFFFFF086;
	s6 =	sadd.s32 @!p0 s3, s7;
	s7 =	simm.s32 @!p0 $0x108  }
0x21: {  	s3 =	sadd.s32 s3, s9;
	s6 =	sadd.s32 @!p0 $0x88, s6;
	s7 =	simm.s32 @p2 $0x1082  }
0x22: {  	[simem:s7], [sflag:s8] =	dma.local @!p0 [hbm:s6], $0xF7A  }
0x23: {  	s9 =	sor.u32 $0xD0000000, s2;
	s6 =	simm.s32 $0x108;
	_ =	swait.ge @!p0 [sflag:s8], $0x0  }
0x24: {  	s3 =	sadd.s32 $0x88, s3;
	s6 =	simm.s32 @!p1 $0x1082;
	[sflag:s4] =	ssyncset.s32 $0xFFFFF086  }
0x25: {  	[simem:s6], [sflag:s4] =	dma.local [hbm:s3], $0xF7A  }
0x26: {  	[smem:$0x3F9C] =	sst s1;
	(tag) =	ssettag s2;
	_ =	strace s9  }
0x27: {  	s1 =	sld [smem:$0x3FAC]  }
0x28: {  	s2 =	sld [smem:$0x3FAD]  }
0x29: {  	s4 =	sld [smem:$0x3FAF]  }
0x2a: {  	p0 =	seq.s32 s5, $0x0;
	s5 =	sld [smem:$0x3FB0]  }
0x2b: {  	s6 =	sld [smem:$0x3FB1]  }
0x2c: {  	s7 =	sld [smem:$0x3FB2]  }
0x2d: {  	s3 =	simm.s32 $0x108;
	s8 =	sld [smem:$0x3FB3]  }
0x2e: {  	s3 =	simm.s32 @!p0 $0x1082;
	s9 =	sld [smem:$0x3FB4]  }
0x2f: {  	lr =	sadd.s32 s0, s3;
	s0 =	sld [smem:$0x3FAB]  }
0x30: {  	s3 =	sld [smem:$0x3FAE]  }
0x31: {  	[smem:$0x3FB7] =	sst s10  }
0x32: {  	s10 =	sld [smem:$0x3FB5];
	_ =	sdelay $0x3  }
0x33: {  	p0 =	seq.s32 s10, $0x1;
	s10 =	sld [smem:$0x3FB7];
	_ =	sdelay $0x3  }
0x34: {  	[smem:$0x3FB7] =	sst s10  }
0x35: {  	s10 =	sld [smem:$0x3FB6];
	_ =	sdelay $0x3  }
0x36: {  	p1 =	seq.s32 s10, $0x1;
	s10 =	sld [smem:$0x3FB7];
	_ =	sdelay $0x3  }
0x37: {  	[smem:$0x3FB7] =	sst s10  }
0x38: {  	s10 =	sld [smem:$0x3FB8]  }
0x39: {  	_ = 	snop;
	(pc) =	sbr.ind lr, $3  }
0x3a: {  	_ = 	snop  }
0x3b: {  	_ = 	snop  }
0x3c: {  	p2 =	seq.s32 s10, $0x1;
	s10 =	sld [smem:$0x3FB7]  }
0x3d: {  	_ =	shalt  }
0x3e: {  	_ =	shalt  }
0x3f: {  	_ =	shalt  }
0x40: {  	_ =	shalt  }
0x41: {  	_ =	shalt  }
0x42: {  	_ =	shalt  }
0x43: {  	_ =	shalt  }
0x44: {  	_ =	shalt  }
0x45: {  	_ =	shalt  }
0x46: {  	_ =	shalt  }
0x47: {  	_ =	shalt  }
0x48: {  	_ =	shalt  }
0x49: {  	_ =	shalt  }
0x4a: {  	_ =	shalt  }
0x4b: {  	_ =	shalt  }
0x4c: {  	_ =	shalt  }
0x4d: {  	_ =	shalt  }
0x4e: {  	_ =	shalt  }
0x4f: {  	_ =	shalt  }
0x50: {  	_ =	shalt  }
0x51: {  	_ =	shalt  }
0x52: {  	_ =	shalt  }
0x53: {  	_ =	shalt  }
0x54: {  	_ =	shalt  }
0x55: {  	_ =	shalt  }
0x56: {  	_ =	shalt  }
0x57: {  	_ =	shalt  }
0x58: {  	_ =	shalt  }
0x59: {  	_ =	shalt  }
0x5a: {  	_ =	shalt  }
0x5b: {  	_ =	shalt  }
0x5c: {  	_ =	shalt  }
0x5d: {  	_ =	shalt  }
0x5e: {  	_ =	shalt  }
0x5f: {  	_ =	shalt  }
0x60: {  	_ =	shalt  }
0x61: {  	_ =	shalt  }
0x62: {  	_ =	shalt  }
0x63: {  	_ =	shalt  }
0x64: {  	_ =	shalt  }
0x65: {  	_ =	shalt  }
0x66: {  	_ =	shalt  }
0x67: {  	_ =	shalt  }
0x68: {  	_ =	shalt  }
0x69: {  	_ =	shalt  }
0x6a: {  	_ =	shalt  }
0x6b: {  	_ =	shalt  }
0x6c: {  	_ =	shalt  }
0x6d: {  	_ =	shalt  }
0x6e: {  	_ =	shalt  }
0x6f: {  	_ =	shalt  }
0x70: {  	_ =	shalt  }
0x71: {  	_ =	shalt  }
0x72: {  	_ =	shalt  }
0x73: {  	_ =	shalt  }
0x74: {  	_ =	shalt  }
0x75: {  	_ =	shalt  }
0x76: {  	_ =	shalt  }
0x77: {  	_ =	shalt  }
0x78: {  	_ =	shalt  }
0x79: {  	_ =	shalt  }
0x7a: {  	_ =	shalt  }
0x7b: {  	_ =	shalt  }
0x7c: {  	_ =	shalt  }
0x7d: {  	_ =	shalt  }
0x7e: {  	_ =	shalt  }
0x7f: {  	_ =	shalt  }
0x80: {  	_ =	shalt  }
0x81: {  	_ =	shalt  }
0x82: {  	_ =	shalt  }
0x83: {  	_ =	shalt  }
0x84: {  	_ =	shalt  }
0x85: {  	_ =	shalt  }
0x86: {  	_ =	shalt  }
0x87: {  	_ =	shalt  }
.Lfunc_end0:
.L_simem_size_0:
called_computation_lowered:
.L_overlay_start_0:
0x88: {  	s2 =	sld [smem:$0x3FD9]  }
0x89: {  	s3 =	sld [smem:$0x3FFE];
	_ =	sdelay $0x1  }
0x8a: {  	s1 =	srdreg.scid  }
0x8b: {  	s0 =	sand.u32 $0x1, s1  }
0x8c: {  	s17 =	sshll.u32 s0, $0xA;
	s2 =	sadd.s32 s3, s2  }
0x8d: {  	s2 =	sadd.s32 s2, s17  }
0x8e: {  	[smem:$0x3FC3] =	sst s2  }
0x8f: {  	_ = 	snop  }
0x90: {  	s2 =	sld [smem:$0x3FC9]  }
0x91: {  	s18 =	sld [smem:$0x3FC8]  }
0x92: {  	s4 =	sld [smem:$0x3FC6]  }
0x93: {  	s5 =	sld [smem:$0x3FC5];
	(tm) =	ssettm $0x1  }
0x94: {  	s6 =	sld [smem:$0x3FFB];
	_ =	sdelay $0x3  }
0x95: {  	_ =	strace s6  }
0x96: {  	s6 =	sld [smem:$0x3FFC];
	_ =	sdelay $0x3  }
0x97: {  	_ =	strace s6  }
0x98: {  	s6 =	sld [smem:$0x3FFD];
	_ =	sdelay $0x3  }
0x99: {  	_ =	strace s6  }
0x9a: {  	_ =	strace $0x8FFFFFFF  }
0x9b: {  	s19 =	sld [smem:$0x3FDB];
	_ =	sdelay $0x1  }
0x9c: {  	s7 =	simm.s32 $_scs_section_size  }
0x9d: {  	s8 =	simm.s32 $_size__tile_overlayer_lowered;
	s9 =	simm.s32 $_tile_overlayer_lowered  }
0x9e: {  	s22 =	simm.s32 $0x1BFF;
	s21 =	sshll.u32 s9, $0x1;
	s6 =	sadd.s32 s7, s19  }
0x9f: {  	s10 =	simm.s32 $0x0;
	s20 =	sshll.u32 s8, $0x1;
	s8 =	sadd.s32 s21, s6  }
0xa0: {  	[timem:s10], [sflag:s22] =	dma.local [hbm:s8], s20  }
0xa1: {  	_ =	swait.ge [sflag:s22], s20  }
0xa2: {  	s7 =	ssub.s32 $0x0, s20;
	[sflag:s22] =	ssyncset.done $0x0  }
0xa3: {  	[sflag:s22] =	ssyncadd.s32 s7;
	_ =	sdelay $0x1  }
0xa4: {  	s23 =	simm.s32 $0x1B8B  }
0xa5: {  	_ =	swait.ge [sflag:s23], $0x1  }
0xa6: {  	[sflag:s23] =	ssyncset.done $0x0  }
0xa7: {  	s25 =	simm.s32 $0x1B8E;
	s24 =	sld [smem:$0x3FFE];
	[sflag:s23] =	ssyncadd.s32 $0xFFFFFFFF  }
0xa8: {  	s26 =	simm.s32 $execute0_lowered;
	[smem:$0x3FD2] =	sst s25  }
0xa9: {  	s8 =	sshll.u32 s26, $0x1;
	_ =	strace $0x80000046;
	[dreg:$0x1] =	wrdreg $0xFFFFFFFF  }
0xaa: {  	s28 =	simm.s32 $_size_execute0_lowered;
	s6 =	sadd.s32 s6, s8;
	[dreg:$0x0] =	wrdreg $0x0  }
0xab: {  	s8 =	sshll.u32 s28, $0x1;
	[dreg:$0x2] =	wrdreg s6  }
0xac: {  	[dreg:$0x3] =	wrdreg s8  }
0xad: {  	[dreg:$0x4] =	wrdreg $0xC0  }
0xae: {  	_ =	task [dreg:s10], $0x5FFFF  }
0xaf: {  	[dreg:$0x1] =	wrdreg $0xFFFFFFFF  }
0xb0: {  	[dreg:$0x0] =	wrdreg $0x60  }
0xb1: {  	[dreg:$0x2] =	wrdreg s2  }
0xb2: {  	[dreg:$0x3] =	wrdreg s18  }
0xb3: {  	[dreg:$0x4] =	wrdreg s24  }
0xb4: {  	[dreg:$0x5] =	wrdreg s4  }
0xb5: {  	[dreg:$0x6] =	wrdreg s5  }
0xb6: {  	[dreg:$0x7] =	wrdreg $0x9  }
0xb7: {  	_ =	task.clear_ibuf [dreg:s10], $0x8FFFF;
	_ =	strace $0x90000046  }
0xb8: {  	s29 =	simm.s32 $0x9;
	_ =	strace $0x80000048  }
0xb9: {  	_ =	swait.ge [sflag:s29], $0x1  }
0xba: {  	[sflag:s29] =	ssyncadd.s32 $0xFFFFFFFF  }
0xbb: {  	_ =	strace $0x90000048  }
0xbc: {  	_ =	sfence  }
0xbd: {  	s30 =	sld [smem:$0x0];
	_ =	sdelay $0x2  }
0xbe: {  	s31 =	sshll.u32 s1, $0xD;
	s1 =	sshrl.u32 s1, $0x2  }
0xbf: {  	s3 =	sand.u32 $0x4000, s31;
	s1 =	sadd.s32 s1, s30  }
0xc0: {  	s0 =	sor.u32 s3, s0;
	s1 =	sshll.u32 s1, $0x11  }
0xc1: {  	s0 =	sor.u32 s1, s0  }
0xc2: {  	s0 =	sadd.s32 $0x8F2B, s0  }
0xc3: {  	[sflag:s0] =	ssyncadd.remote.s32 $0x1  }
0xc4: {  	_ =	sfence.sel $0xFFFF  }
0xc5: {  	[dreg:$0x0] =	wrdreg $0xFFFFFFFF;
	(pc) =	sbr.abs _section_cstart, $3  }
0xc6: {  	[dreg:$0x1] =	wrdreg $0xFFFFFFFF  }
0xc7: {  	_ =	task.clear_ibuf [dreg:s10], $0x2FFFF;
	_ =	strace $0x9FFFFFFF  }
0xc8: {  	(tm) =	ssettm $0x7FFFFFFF  }
0xc9: {  	_ =	shalt  }
tec
execute0_lowered:
.L_overlay_start_1:
0x0: {  	(tag) =	ssettag $0x1  }
0x1: {  	s0 =	rddreg [dreg:$0x2]  }
0x2: {  	s4 =	rddreg [dreg:$0x4]  }
0x3: {  	s5 =	simm.s32 $0x0;
	s1 =	srdreg.scid;
	s6 =	stileid.u32  }
0x4: {  	s12 =	simm.s32 $0xB;
	s14 =	simm.s32 $0x80;
	s20 =	simm.s32 $0x200  }
0x5: {  	s21 =	simm.s32 $0x1;
	s22 =	simm.s32 $0x2;
	s23 =	simm.s32 $0x40  }
0x6: {  	s31 =	simm.s32 $0x1A200;
	s11 =	simm.s32 $0x1C200;
	s15 =	simm.s32 $0x5  }
0x7: {  	s16 =	simm.s32 $0x1C280;
	s17 =	simm.s32 $0x6;
	s18 =	simm.s32 $0x1C2C0  }
0x8: {  	s19 =	simm.s32 $0x7;
	s24 =	simm.s32 $0x8;
	s7 =	simm.s32 $0x0  }
0x9: {  	[smem:$0x7FF] =	sst s5;
	s1 =	sand.u32 $0x1, s1;
	s2 =	sadd.s32 $0xC00, s0  }
0xa: {  	s3 =	sadd.s32 $0x40C00, s0;
	s28 =	sshll.u32 s6, $0xA;
	s9 =	sadd.s32 $0x20C00, s0  }
0xb: {  	s0 =	simm.s32 $0x3;
	s6 =	simm.s32 $0x1C300;
	_ =	strace $0x80000047  }
.Ltmp0:
0xc: {  	[dreg:$0x6] =	wrdreg s2;
	s25 =	ssub.s32 $0x2, s1;
	(pc) =	sbr.rel .LBB2_1-.Ltmp0, $4  }
0xd: {  	[dreg:$0x7] =	wrdreg s3;
	s1 =	sshll.u32 s1, $0x9;
	s26 =	sshrl.u32 s25, $0x1  }
0xe: {  	s29 =	sor.u32 s1, s28;
	s1 =	simm.s32 $0x4;
	s2 =	ssub.s32 s25, s26  }
0xf: {  	[dreg:$0x8] =	wrdreg s29;
	s25 =	simm.s32 $0x9;
	s30 =	smax.u32 s2, $0x1  }
0x10: {  	vm0 =	vcmask $0x3F3C;
	s26 =	simm.s32 $0xA;
	s2 =	simm.s32 $0x1C240;
	[dreg:$0x9] =	wrdreg s30  }
.LBB2_14:
0x11: {  	s7 =	rddreg [dreg:$0xa]  }
0x12: {  	s3 =	rddreg [dreg:$0x9];
	s7 =	sadd.s32 $0x1, s7  }
0x13: {  	p0 =	sne.s32 s7, s3  }
.Ltmp1:
0x14: {  	_ = 	snop;
	(pc) =	sbr.rel @!p0 .LBB2_15-.Ltmp1, $1  }
0x15: {  	_ =	sdelay $0x3  }
.LBB2_1:
.Ltmp2:
0x16: {  	(pc) =	sbr.rel .LBB2_2-.Ltmp2, $2  }
0x17: {  	_ =	sdelay $0x2  }
0x18: {  	[dreg:$0xa] =	wrdreg s7;
	p1 =	por $0x1, $0x1;
	s3 =	simm.s32 $0x0  }
.LBB2_13:
0x19: {  	_ =	swait.ge [sflag:s19], $0x40  }
0x1a: {  	[sflag:s19] =	ssyncset.done $0x0  }
0x1b: {  	[sflag:s19] =	ssyncadd.s32 $0xFFFFFFC0  }
0x1c: {  	_ =	swait.ge [sflag:s24], $0x40  }
0x1d: {  	[sflag:s24] =	ssyncset.done $0x0  }
0x1e: {  	[sflag:s24] =	ssyncadd.s32 $0xFFFFFFC0  }
0x1f: {  	_ =	swait.ge [sflag:s25], $0x40  }
0x20: {  	[sflag:s25] =	ssyncset.done $0x0  }
0x21: {  	[sflag:s25] =	ssyncadd.s32 $0xFFFFFFC0  }
0x22: {  	_ =	swait.ge [sflag:s26], $0x40  }
0x23: {  	[sflag:s26] =	ssyncset.done $0x0;
	s3 =	rddreg [dreg:$0x7]  }
.Ltmp3:
0x24: {  	[sflag:s26] =	ssyncadd.s32 $0xFFFFFFC0;
	s3 =	sadd.s32 s3, s28;
	(pc) =	sbr.rel @!p0 .LBB2_14-.Ltmp3, $4  }
0x25: {  	[hbm4b:s3+s5] =	stream.linear.scatter [tilespmem:s6], [sflag:$0xB], $0x100, $0x38;
	[tilespmem:$0x1C400] =	vst v63  }
0x26: {  	_ =	swait.ge [sflag:s12], $0x100  }
0x27: {  	[sflag:s12] =	ssyncset.done $0x0  }
0x28: {  	p1 =	por $0x0, $0x0;
	s3 =	simm.s32 $0x100;
	[sflag:s12] =	ssyncadd.s32 $0xFFFFFF00  }
.LBB2_2:
0x29: {  	s7 =	rddreg [dreg:$0x8]  }
0x2a: {  	s29 =	sor.u32 s7, s3  }
0x2b: {  	s8 =	rddreg [dreg:$0x0];
	s28 =	sshrl.u32 s29, $0x3  }
0x2c: {  	s30 =	simm.s32 $0x0;
	s3 =	sadd.s32 s8, s28  }
0x2d: {  	[tilespmem:s30], [sflag:$0xB] =	stream.linear.gather [hbm4b:s3+s30], $0x100, $0x38;
	[tilespmem:$0x1C400] =	vst v63  }
0x2e: {  	_ =	swait.ge [sflag:s12], $0x100  }
0x2f: {  	[sflag:s12] =	ssyncset.done $0x0  }
0x30: {  	[sflag:s12] =	ssyncadd.s32 $0xFFFFFF00  }
0x31: {  	s10 =	rddreg [dreg:$0x1]  }
0x32: {  	s7 =	simm.s32 $0x100;
	s3 =	sadd.s32 s10, s28  }
0x33: {  	[tilespmem:s7], [sflag:$0xB] =	stream.linear.gather [hbm4b:s3+s30], $0x100, $0x38;
	[tilespmem:$0x1C400] =	vst v63  }
0x34: {  	_ =	swait.ge [sflag:s12], $0x100  }
0x35: {  	[sflag:s12] =	ssyncset.done $0x0  }
0x36: {  	[sflag:s12] =	ssyncadd.s32 $0xFFFFFF00  }
0x37: {  	s8 =	simm.s32 $0x4200;
	s13 =	rddreg [dreg:$0x3]  }
0x38: {  	[tilespmem:s8], [sflag:$0x1] =	stream.indirect.gather [hbm4b:s13+s14], $0x80, s30, s14, $0xb8;
	[tilespmem:$0x1C400] =	vst v63  }
0x39: {  	s10 =	simm.s32 $0x8200  }
0x3a: {  	[tilespmem:s10], [sflag:$0x1] =	stream.indirect.gather [hbm4b:s13+s14], $0x80, s14, s14, $0xb8;
	[tilespmem:$0x1C400] =	vst v63  }
0x3b: {  	s8 =	simm.s32 $0x10200;
	s13 =	simm.s32 $0xC200  }
0x3c: {  	[tilespmem:s13], [sflag:$0x2] =	stream.indirect.gather [hbm4b:s4+s14], $0x80, s7, s14, $0xb8;
	[tilespmem:$0x1C400] =	vst v63  }
0x3d: {  	s10 =	sshll.u32 s29, $0x3;
	s7 =	simm.s32 $0x180;
	s13 =	rddreg [dreg:$0x6]  }
0x3e: {  	[tilespmem:s8], [sflag:$0x2] =	stream.indirect.gather [hbm4b:s4+s14], $0x80, s7, s14, $0xb8;
	[tilespmem:$0x1C400] =	vst v63  }
0x3f: {  	s3 =	sadd.s32 s13, s10  }
0x40: {  	[tilespmem:s20], [sflag:$0xB] =	stream.linear.gather [hbm4b:s3+s30], $0x4000, $0x38;
	[tilespmem:$0x1C400] =	vst v63  }
0x41: {  	_ =	swait.ge [sflag:s12], $0x4000  }
0x42: {  	[sflag:s12] =	ssyncset.done $0x0  }
0x43: {  	[sflag:s12] =	ssyncadd.s32 $0xFFFFC000  }
0x44: {  	_ =	swait.ge [sflag:s21], $0x4000  }
0x45: {  	[sflag:s21] =	ssyncset.done $0x0  }
0x46: {  	[sflag:s21] =	ssyncadd.s32 $0xFFFFC000  }
0x47: {  	_ =	swait.ge [sflag:s21], $0x4000  }
0x48: {  	[sflag:s21] =	ssyncset.done $0x0  }
0x49: {  	[sflag:s21] =	ssyncadd.s32 $0xFFFFC000  }
0x4a: {  	_ =	swait.ge [sflag:s22], $0x4000  }
0x4b: {  	[sflag:s22] =	ssyncset.done $0x0  }
0x4c: {  	[sflag:s22] =	ssyncadd.s32 $0xFFFFC000  }
0x4d: {  	_ =	swait.ge [sflag:s22], $0x4000  }
0x4e: {  	[sflag:s22] =	ssyncset.done $0x0  }
0x4f: {  	s8 =	simm.s32 $0x14200;
	[sflag:s22] =	ssyncadd.s32 $0xFFFFC000  }
0x50: {  	[tilespmem:s8], [sflag:$0x3] =	stream.indirect.gather [hbm4b:s4+s23], $0x80, s20, s23, $0xb8;
	[tilespmem:$0x1C400] =	vst v63  }
0x51: {  	s10 =	simm.s32 $0x240;
	s13 =	simm.s32 $0x16200  }
0x52: {  	[tilespmem:s13], [sflag:$0x4] =	stream.indirect.gather [hbm4b:s4+s23], $0x80, s10, s23, $0xb8;
	[tilespmem:$0x1C400] =	vst v63  }
0x53: {  	s8 =	simm.s32 $0x280;
	s10 =	simm.s32 $0x18200  }
0x54: {  	[tilespmem:s10], [sflag:$0x5] =	stream.indirect.gather [hbm4b:s4+s23], $0x80, s8, s23, $0xb8;
	[tilespmem:$0x1C400] =	vst v63  }
0x55: {  	p0 =	por p1, p1;
	s13 =	simm.s32 $0x2C0  }
0x56: {  	[tilespmem:s31], [sflag:$0x6] =	stream.indirect.gather [hbm4b:s4+s23], $0x80, s13, s23, $0xb8;
	[tilespmem:$0x1C400] =	vst v63  }
.LBB2_3:
0x57: {  	_ =	swait.ge [sflag:s0], $0x2000  }
0x58: {  	p1 =	seq.s32 s30, $0x0;
	[sflag:s0] =	ssyncset.done $0x0  }
0x59: {  	s3 =	simm.s32 @!p1 $0x7;
	[sflag:s0] =	ssyncadd.s32 $0xFFFFE000  }
0x5a: {  	_ =	swait.ge @!p1 [sflag:s3], $0x40  }
0x5b: {  	[sflag:s3] =	ssyncset.done @!p1 $0x0  }
0x5c: {  	s13 =	sshll.u32 s30, $0x9;
	[sflag:s3] =	ssyncadd.s32 @!p1 $0xFFFFFFC0  }
0x5d: {  	v0 =	vld [tilespmem:s13+$0x4200]  }
0x5e: {  	v1 =	vld [tilespmem:s13+$0x4210]  }
0x5f: {  	v2 =	vld [tilespmem:s13+$0x4220]  }
0x60: {  	v3 =	vld [tilespmem:s13+$0x4230]  }
0x61: {  	v4 =	vld [tilespmem:s13+$0x4240]  }
0x62: {  	v5 =	vld [tilespmem:s13+$0x4250]  }
0x63: {  	v6 =	vld [tilespmem:s13+$0x4260]  }
0x64: {  	v7 =	vld [tilespmem:s13+$0x4270]  }
0x65: {  	v8 =	vld [tilespmem:s13+$0xC200]  }
0x66: {  	v9 =	vld [tilespmem:s13+$0xC210]  }
0x67: {  	v10 =	vld [tilespmem:s13+$0xC220]  }
0x68: {  	v11 =	vld [tilespmem:s13+$0xC230]  }
0x69: {  	v12 =	vld [tilespmem:s13+$0xC240]  }
0x6a: {  	v13 =	vld [tilespmem:s13+$0xC250]  }
0x6b: {  	v14 =	vld [tilespmem:s13+$0xC260]  }
0x6c: {  	v15 =	vld [tilespmem:s13+$0xC270];
	v8 =	vmul.f32 v8, v0;
	v10 =	vmul.f32 v10, v2  }
0x6d: {  	v9 =	vmul.f32 v9, v1;
	v11 =	vmul.f32 v11, v3  }
0x6e: {  	v8 =	vadd.f32 v10, v8;
	v10 =	vmul.f32 v12, v4  }
0x6f: {  	v9 =	vadd.f32 v11, v9;
	v11 =	vmul.f32 v13, v5  }
0x70: {  	v8 =	vadd.f32 v10, v8  }
0x71: {  	v9 =	vadd.f32 v11, v9;
	v10 =	vmul.f32 v14, v6;
	v11 =	vmul.f32 v15, v7;
	_ =	sdelay $0x1  }
0x72: {  	v8 =	vadd.f32 v10, v8;
	v9 =	vadd.f32 v11, v9;
	_ =	sdelay $0x1  }
0x73: {  	v8 =	vadd.f32 v9, v8;
	_ =	sdelay $0x1  }
0x74: {  	(xrf2) =	vadd.scan.msk.f32 $0xffff, v8;
	_ =	sdelay $0x1  }
0x75: {  	s3 =	sshll.u32 s30, $0x2  }
0x76: {  	v8 =	vmov s3  }
0x77: {  	v8 =	vand.u32 $0xFFFFFFFC, v8  }
0x78: {  	v8 =	vbroadcast v8, $0x0;
	_ =	sdelay $0x4  }
0x79: {  	v9, _, _ =	vpop (xrf2)  }
0x7a: {  	s7 =	simm.s32 $0x0;
	[tilespmem:v8+s6+$0x0] =	vst.idx.msk vm0, v9;
	v8 =	vimm.s32 $0x0  }
.LBB2_4:
0x7b: {  	s8 =	sshra.s32 s7, $0x2  }
0x7c: {  	v9 =	vld [tilespmem:s8+$0x14200]  }
0x7d: {  	v10 =	vld [tilespmem:s8+$0x14210]  }
0x7e: {  	v11 =	vld [tilespmem:s8+$0x14220]  }
0x7f: {  	v12 =	vld [tilespmem:s8+$0x14230]  }
0x80: {  	v13 =	vld [tilespmem:s8+$0x14240]  }
0x81: {  	v14 =	vld [tilespmem:s8+$0x14250]  }
0x82: {  	v16 =	vld [tilespmem:s8+$0x14260]  }
0x83: {  	v17 =	vld [tilespmem:s8+$0x14270]  }
0x84: {  	v15 =	vld [tilespmem:s8+$0x14280]  }
0x85: {  	v18 =	vld [tilespmem:s8+$0x14290]  }
0x86: {  	v19 =	vld [tilespmem:s8+$0x142A0]  }
0x87: {  	v20 =	vld [tilespmem:s8+$0x142B0]  }
0x88: {  	v21 =	vld [tilespmem:s8+$0x142C0]  }
0x89: {  	v22 =	vld [tilespmem:s8+$0x142D0]  }
0x8a: {  	v23 =	vld [tilespmem:s8+$0x142E0]  }
0x8b: {  	v24 =	vld [tilespmem:s8+$0x142F0]  }
0x8c: {  	v25 =	vld [tilespmem:s8+$0x14300]  }
0x8d: {  	v26 =	vld [tilespmem:s8+$0x14310]  }
0x8e: {  	v27 =	vld [tilespmem:s8+$0x14320]  }
0x8f: {  	v28 =	vld [tilespmem:s8+$0x14330]  }
0x90: {  	v29 =	vld [tilespmem:s8+$0x14340]  }
0x91: {  	v30 =	vld [tilespmem:s8+$0x14350]  }
0x92: {  	v31 =	vld [tilespmem:s8+$0x14360]  }
0x93: {  	v32 =	vld [tilespmem:s8+$0x14370]  }
0x94: {  	v33 =	vld [tilespmem:s8+$0x14380]  }
0x95: {  	v34 =	vld [tilespmem:s8+$0x14390]  }
0x96: {  	v35 =	vld [tilespmem:s8+$0x143A0]  }
0x97: {  	v36 =	vld [tilespmem:s8+$0x143B0]  }
0x98: {  	v37 =	vld [tilespmem:s8+$0x143C0]  }
0x99: {  	v38 =	vld [tilespmem:s8+$0x143D0]  }
0x9a: {  	v39 =	vld [tilespmem:s8+$0x143E0]  }
0x9b: {  	v40 =	vld [tilespmem:s8+$0x143F0]  }
0x9c: {  	v41 =	vld [tilespmem:s8+$0x14400]  }
0x9d: {  	v42 =	vld [tilespmem:s8+$0x14410]  }
0x9e: {  	v43 =	vld [tilespmem:s8+$0x14420]  }
0x9f: {  	v44 =	vld [tilespmem:s8+$0x14430]  }
0xa0: {  	v45 =	vld [tilespmem:s8+$0x14440]  }
0xa1: {  	v46 =	vld [tilespmem:s8+$0x14450]  }
0xa2: {  	v47 =	vld [tilespmem:s8+$0x14460]  }
0xa3: {  	v48 =	vld [tilespmem:s8+$0x14470]  }
0xa4: {  	v49 =	vld [tilespmem:s8+$0x14480]  }
0xa5: {  	v50 =	vld [tilespmem:s8+$0x14490]  }
0xa6: {  	v51 =	vld [tilespmem:s8+$0x144A0]  }
0xa7: {  	v52 =	vld [tilespmem:s8+$0x144B0]  }
0xa8: {  	v53 =	vld [tilespmem:s8+$0x144C0]  }
0xa9: {  	v54 =	vld [tilespmem:s8+$0x144D0]  }
0xaa: {  	v55 =	vld [tilespmem:s8+$0x144E0]  }
0xab: {  	v56 =	vld [tilespmem:s8+$0x144F0]  }
0xac: {  	v57 =	vld [tilespmem:s8+$0x14500]  }
0xad: {  	v58 =	vld [tilespmem:s8+$0x14510];
	v9 =	vmul.f32 v9, v0;
	v11 =	vmul.f32 v11, v2  }
0xae: {  	v59 =	vld [tilespmem:s8+$0x14520];
	v10 =	vmul.f32 v10, v1;
	v12 =	vmul.f32 v12, v3  }
0xaf: {  	v60 =	vld [tilespmem:s8+$0x14530];
	v63 =	vmul.f32 v19, v2;
	v62 =	vmul.f32 v20, v3  }
0xb0: {  	v61 =	vld [tilespmem:s8+$0x14540];
	v17 =	vmul.f32 v17, v7;
	v36 =	vmul.f32 v36, v3  }
0xb1: {  	v19 =	vld [tilespmem:s8+$0x14550];
	v9 =	vadd.f32 v11, v9;
	v11 =	vmul.f32 v13, v4;
	v13 =	vmul.f32 v14, v5  }
0xb2: {  	v10 =	vadd.f32 v12, v10;
	v12 =	vmul.f32 v15, v0;
	v14 =	vmul.f32 v16, v6;
	v16 =	vld [tilespmem:s8+$0x145A0]  }
0xb3: {  	v20 =	vld [tilespmem:s8+$0x14570];
	v31 =	vmul.f32 v31, v6;
	v9 =	vadd.f32 v11, v9;
	v11 =	vmul.f32 v18, v1  }
0xb4: {  	v10 =	vadd.f32 v13, v10;
	v12 =	vadd.f32 v63, v12;
	v63 =	vmul.f32 v21, v4;
	v18 =	vld [tilespmem:s8+$0x14580]  }
0xb5: {  	v21 =	vld [tilespmem:s8+$0x14590];
	v13 =	vmul.f32 v25, v0;
	v11 =	vadd.f32 v62, v11;
	v62 =	vmul.f32 v22, v5  }
0xb6: {  	v15 =	vld [tilespmem:s8+$0x14560];
	v12 =	vadd.f32 v63, v12;
	v63 =	vmul.f32 v23, v6;
	v9 =	vadd.f32 v14, v9  }
0xb7: {  	v10 =	vadd.f32 v17, v10;
	v17 =	vld [tilespmem:s8+$0x145B0];
	v14 =	vmul.f32 v26, v1;
	v16 =	vmul.f32 v16, v2  }
0xb8: {  	v25 =	vld [tilespmem:s8+$0x145D0];
	v11 =	vadd.f32 v62, v11;
	v62 =	vmul.f32 v24, v7;
	v12 =	vadd.f32 v63, v12  }
0xb9: {  	v22 =	vld [tilespmem:s8+$0x145C0];
	v10 =	vadd.f32 v10, v9;
	v63 =	vmul.f32 v27, v2;
	v18 =	vmul.f32 v18, v0  }
0xba: {  	v26 =	vld [tilespmem:s8+$0x145E0];
	v21 =	vmul.f32 v21, v1;
	v11 =	vadd.f32 v62, v11;
	v62 =	vmul.f32 v28, v3  }
0xbb: {  	v23 =	vld [tilespmem:s8+$0x14630];
	v13 =	vadd.f32 v63, v13;
	v63 =	vmul.f32 v33, v0;
	v33 =	vmul.f32 v35, v2  }
0xbc: {  	v27 =	vld [tilespmem:s8+$0x14610];
	v35 =	vmul.f32 v34, v1;
	v17 =	vmul.f32 v17, v3;
	v9 =	vadd.f32 v11, v12  }
0xbd: {  	v24 =	vld [tilespmem:s8+$0x14660];
	v11 =	vmul.f32 v29, v4;
	v12 =	vmul.f32 v30, v5;
	v14 =	vadd.f32 v62, v14  }
0xbe: {  	v28 =	vld [tilespmem:s8+$0x145F0];
	v62 =	vadd.f32 v33, v63;
	v63 =	vmul.f32 v37, v4;
	v37 =	vmul.f32 v38, v5  }
0xbf: {  	v34 =	vld [tilespmem:s8+$0x14640];
	v38 =	vmul.f32 v39, v6;
	v39 =	vmul.f32 v40, v7  }
0xc0: {  	(xrf2) =	vadd.scan.msk.f32 $0xffff, v10;
	v10 =	vld [tilespmem:s8+$0x149B0];
	v40 =	vmul.f32 v41, v0;
	v41 =	vmul.f32 v43, v2  }
0xc1: {  	v16 =	vadd.f32 v16, v18;
	v18 =	vld [tilespmem:s8+$0x14780];
	v43 =	vmul.f32 v44, v3;
	v44 =	vmul.f32 v45, v4  }
0xc2: {  	v30 =	vld [tilespmem:s8+$0x14600];
	v45 =	vmul.f32 v51, v2;
	v51 =	vmul.f32 v47, v6  }
0xc3: {  	v29 =	vld [tilespmem:s8+$0x14620];
	v11 =	vadd.f32 v11, v13;
	v13 =	vadd.f32 v63, v62;
	v62 =	vmul.f32 v46, v5  }
0xc4: {  	v36 =	vadd.f32 v36, v35;
	v35 =	vld [tilespmem:s8+$0x14670];
	v63 =	vmul.f32 v49, v0;
	v46 =	vmul.f32 v50, v1  }
0xc5: {  	v47 =	vld [tilespmem:s8+$0x14710];
	v17 =	vadd.f32 v17, v21;
	v49 =	vmul.f32 v52, v3;
	v50 =	vmul.f32 v53, v4  }
0xc6: {  	v21 =	vld [tilespmem:s8+$0x147B0];
	v12 =	vadd.f32 v12, v14;
	v52 =	vmul.f32 v54, v5;
	v53 =	vmul.f32 v48, v7  }
0xc7: {  	v14 =	vadd.f32 v37, v36;
	v36 =	vld [tilespmem:s8+$0x14680];
	v54 =	vmul.f32 v55, v6;
	v55 =	vmul.f32 v56, v7  }
0xc8: {  	v37 =	vld [tilespmem:s8+$0x14700];
	v56 =	vmul.f32 v57, v0;
	v57 =	vmul.f32 v58, v1  }
0xc9: {  	v58 =	vmul.f32 v59, v2;
	v59 =	vmul.f32 v60, v3;
	v48 =	vld [tilespmem:s8+$0x14750]  }
0xca: {  	v60 =	vmul.f32 v61, v4;
	v61 =	vmul.f32 v22, v4;
	v22 =	vld [tilespmem:s8+$0x14760]  }
0xcb: {  	(xrf2) =	vadd.scan.msk.f32 $0xffff, v9;
	v9 =	vld [tilespmem:s8+$0x149C0]  }
0xcc: {  	v32 =	vmul.f32 v32, v7;
	v11 =	vadd.f32 v31, v11;
	v31 =	vld [tilespmem:s8+$0x14650]  }
0xcd: {  	v13 =	vadd.f32 v38, v13;
	v38 =	vld [tilespmem:s8+$0x14690]  }
0xce: {  	v12 =	vadd.f32 v32, v12;
	v32 =	vadd.f32 v41, v40;
	v40 =	vld [tilespmem:s8+$0x146A0]  }
0xcf: {  	v14 =	vadd.f32 v39, v14;
	v39 =	vld [tilespmem:s8+$0x146C0]  }
0xd0: {  	v42 =	vmul.f32 v42, v1;
	v33 =	vadd.f32 v49, v46;
	v46 =	vld [tilespmem:s8+$0x146E0]  }
0xd1: {  	v19 =	vmul.f32 v19, v5;
	v20 =	vmul.f32 v20, v7;
	v49 =	vld [tilespmem:s8+$0x14720]  }
0xd2: {  	v15 =	vmul.f32 v15, v6;
	v23 =	vmul.f32 v23, v3;
	v41 =	vld [tilespmem:s8+$0x14740];
	v12 =	vadd.f32 v12, v11  }
0xd3: {  	v24 =	vmul.f32 v24, v6;
	v11 =	vadd.f32 v14, v13;
	v13 =	vadd.f32 v43, v42;
	v42 =	vld [tilespmem:s8+$0x146B0]  }
0xd4: {  	v10 =	vmul.f32 v10, v3;
	v16 =	vadd.f32 v61, v16;
	v32 =	vadd.f32 v44, v32;
	v44 =	vld [tilespmem:s8+$0x146D0]  }
0xd5: {  	v18 =	vmul.f32 v18, v0;
	v35 =	vmul.f32 v35, v7;
	v14 =	vadd.f32 v45, v63;
	v43 =	vld [tilespmem:s8+$0x146F0]  }
0xd6: {  	v33 =	vadd.f32 v52, v33;
	v63 =	vmul.f32 v26, v6;
	v52 =	vmul.f32 v27, v1;
	v27 =	vld [tilespmem:s8+$0x147D0]  }
0xd7: {  	v45 =	vadd.f32 v59, v57;
	v57 =	vld [tilespmem:s8+$0x147F0];
	v21 =	vmul.f32 v21, v3;
	v22 =	vmul.f32 v22, v6  }
0xd8: {  	v9 =	vmul.f32 v9, v4;
	v13 =	vadd.f32 v62, v13;
	v14 =	vadd.f32 v50, v14;
	v50 =	vld [tilespmem:s8+$0x14730]  }
0xd9: {  	v32 =	vadd.f32 v51, v32;
	v33 =	vadd.f32 v55, v33;
	v62 =	vmul.f32 v25, v5;
	v25 =	vld [tilespmem:s8+$0x14770]  }
0xda: {  	v19 =	vadd.f32 v19, v45;
	v45 =	vmul.f32 v30, v0;
	v51 =	vmul.f32 v29, v2;
	v29 =	vld [tilespmem:s8+$0x147C0]  }
0xdb: {  	v16 =	vadd.f32 v63, v16;
	v55 =	vmul.f32 v36, v0;
	v36 =	vld [tilespmem:s8+$0x14800];
	v63 =	vmul.f32 v46, v6  }
0xdc: {  	v30 =	vld [tilespmem:s8+$0x14850];
	(xrf2) =	vadd.scan.msk.f32 $0xffff, v12;
	v46 =	vmul.f32 v47, v1;
	v47 =	vmul.f32 v49, v2;
	v13 =	vadd.f32 v53, v13  }
0xdd: {  	(xrf2) =	vadd.scan.msk.f32 $0xffff, v11;
	v11 =	vld [tilespmem:s8+$0x149E0];
	v14 =	vadd.f32 v54, v14;
	v53 =	vmul.f32 v34, v4;
	v54 =	vmul.f32 v31, v5  }
0xde: {  	v19 =	vadd.f32 v20, v19;
	v20 =	vld [tilespmem:s8+$0x147A0];
	v59 =	vmul.f32 v42, v3;
	v61 =	vmul.f32 v44, v5  }
0xdf: {  	v17 =	vadd.f32 v62, v17;
	v31 =	vld [tilespmem:s8+$0x147E0];
	v44 =	vmul.f32 v43, v7;
	v27 =	vmul.f32 v27, v5  }
0xe0: {  	v62 =	vld [tilespmem:s8+$0x14820];
	v57 =	vmul.f32 v57, v7;
	v13 =	vadd.f32 v13, v32;
	v14 =	vadd.f32 v33, v14  }
0xe1: {  	v34 =	vld [tilespmem:s8+$0x14840];
	v32 =	vadd.f32 v58, v56;
	v33 =	vmul.f32 v28, v7;
	v56 =	vmul.f32 v40, v2  }
0xe2: {  	v28 =	vld [tilespmem:s8+$0x14790];
	v58 =	vmul.f32 v38, v1;
	v49 =	vmul.f32 v50, v3  }
0xe3: {  	v50 =	vmul.f32 v41, v4;
	v32 =	vadd.f32 v60, v32;
	v60 =	vmul.f32 v39, v4;
	v39 =	vld [tilespmem:s8+$0x14830]  }
0xe4: {  	v25 =	vmul.f32 v25, v7;
	v17 =	vadd.f32 v33, v17;
	v26 =	vadd.f32 v59, v58;
	v59 =	vld [tilespmem:s8+$0x148F0]  }
0xe5: {  	v30 =	vmul.f32 v30, v5;
	v11 =	vmul.f32 v11, v6;
	v15 =	vadd.f32 v15, v32;
	v32 =	vld [tilespmem:s8+$0x14810]  }
0xe6: {  	v20 =	vmul.f32 v20, v2;
	v16 =	vadd.f32 v17, v16;
	v17 =	vadd.f32 v23, v52;
	v52 =	vld [tilespmem:s8+$0x14880]  }
0xe7: {  	v62 =	vmul.f32 v62, v2;
	v23 =	vadd.f32 v56, v55;
	v42 =	vadd.f32 v61, v26;
	v26 =	vld [tilespmem:s8+$0x14890]  }
0xe8: {  	v28 =	vmul.f32 v28, v1;
	v18 =	vadd.f32 v20, v18;
	v20 =	vld [tilespmem:s8+$0x148D0];
	v15 =	vadd.f32 v19, v15  }
0xe9: {  	v19 =	vadd.f32 v51, v45;
	v17 =	vadd.f32 v54, v17;
	v45 =	vmul.f32 v37, v0;
	v37 =	vld [tilespmem:s8+$0x14860]  }
0xea: {  	v23 =	vadd.f32 v60, v23;
	v51 =	vmul.f32 v48, v5;
	v60 =	vld [tilespmem:s8+$0x14900];
	v21 =	vadd.f32 v21, v28  }
0xeb: {  	v54 =	vmul.f32 v29, v4;
	v48 =	vld [tilespmem:s8+$0x14930];
	v19 =	vadd.f32 v53, v19;
	v17 =	vadd.f32 v35, v17  }
0xec: {  	v56 =	vmul.f32 v31, v6;
	v28 =	vld [tilespmem:s8+$0x148C0];
	v23 =	vadd.f32 v63, v23;
	v35 =	vadd.f32 v49, v46  }
0xed: {  	v61 =	vmul.f32 v36, v0;
	v53 =	vld [tilespmem:s8+$0x148A0];
	v18 =	vadd.f32 v54, v18;
	v21 =	vadd.f32 v27, v21  }
0xee: {  	v63 =	vld [tilespmem:s8+$0x14910];
	v52 =	vmul.f32 v52, v0;
	v19 =	vadd.f32 v24, v19;
	v24 =	vadd.f32 v44, v42  }
0xef: {  	v46 =	vld [tilespmem:s8+$0x14920];
	v26 =	vmul.f32 v26, v1;
	v55 =	vadd.f32 v51, v35;
	v18 =	vadd.f32 v56, v18  }
0xf0: {  	v54 =	vld [tilespmem:s8+$0x14950];
	v44 =	vmul.f32 v32, v1;
	v20 =	vmul.f32 v20, v5;
	v21 =	vadd.f32 v57, v21  }
0xf1: {  	v42 =	vld [tilespmem:s8+$0x14870];
	v49 =	vmul.f32 v37, v6;
	v60 =	vmul.f32 v60, v0;
	v17 =	vadd.f32 v17, v19  }
0xf2: {  	v51 =	vld [tilespmem:s8+$0x14940];
	v19 =	vadd.f32 v47, v45;
	v45 =	vmul.f32 v39, v3;
	v47 =	vmul.f32 v34, v4  }
0xf3: {  	v56 =	vld [tilespmem:s8+$0x14970];
	v58 =	vadd.f32 v25, v55;
	v28 =	vmul.f32 v28, v4;
	v25 =	vmul.f32 v59, v7  }
0xf4: {  	v23 =	vadd.f32 v24, v23;
	v24 =	vld [tilespmem:s8+$0x148B0];
	v34 =	vmul.f32 v48, v3;
	v53 =	vmul.f32 v53, v2  }
0xf5: {  	v59 =	vld [tilespmem:s8+$0x14990];
	v18 =	vadd.f32 v21, v18;
	v63 =	vmul.f32 v63, v1;
	v38 =	vmul.f32 v54, v5  }
0xf6: {  	v39 =	vld [tilespmem:s8+$0x149D0];
	v19 =	vadd.f32 v50, v19;
	v21 =	vadd.f32 v45, v44;
	v50 =	vmul.f32 v42, v7  }
0xf7: {  	v33 =	vld [tilespmem:s8+$0x148E0];
	v29 =	vadd.f32 v53, v52;
	v36 =	vmul.f32 v51, v4;
	v37 =	vadd.f32 v34, v63  }
0xf8: {  	v57 =	vld [tilespmem:s8+$0x14980];
	v45 =	vmul.f32 v56, v7;
	v51 =	vor.u32 $0x4, v8;
	v19 =	vadd.f32 v22, v19  }
0xf9: {  	v22 =	vadd.f32 v62, v61;
	v21 =	vadd.f32 v30, v21;
	v61 =	vmul.f32 v46, v2;
	v62 =	vld [tilespmem:s8+$0x149A0]  }
0xfa: {  	v24 =	vmul.f32 v24, v3;
	v28 =	vadd.f32 v28, v29;
	v43 =	vmul.f32 v59, v1  }
0xfb: {  	v55 =	vld [tilespmem:s8+$0x14960];
	v12 =	vmul.f32 v39, v5;
	v19 =	vadd.f32 v58, v19;
	v22 =	vadd.f32 v47, v22  }
0xfc: {  	v42 =	vld [tilespmem:s8+$0x149F0];
	v21 =	vadd.f32 v50, v21;
	v58 =	vmul.f32 v33, v6;
	v24 =	vadd.f32 v24, v26  }
0xfd: {  	v26 =	vmul.f32 v57, v0;
	v10 =	vadd.f32 v10, v43;
	v22 =	vadd.f32 v49, v22  }
0xfe: {  	(xrf2) =	vadd.scan.msk.f32 $0xffff, v13;
	v28 =	vadd.f32 v58, v28;
	v20 =	vadd.f32 v20, v24;
	v41 =	vmul.f32 v62, v2  }
0xff: {  	(xrf2) =	vadd.scan.msk.f32 $0xffff, v14;
	v46 =	vor.u32 $0x1, v8;
	v24 =	vadd.f32 v61, v60;
	v10 =	vadd.f32 v12, v10  }
0x100: {  	(xrf2) =	vadd.scan.msk.f32 $0xffff, v15;
	v40 =	vmul.f32 v55, v6;
	v21 =	vadd.f32 v21, v22;
	v44 =	vadd.f32 v41, v26  }
0x101: {  	(xrf2) =	vadd.scan.msk.f32 $0xffff, v16;
	v48 =	vmul.f32 v42, v7;
	v22 =	vadd.f32 v38, v37;
	v20 =	vadd.f32 v25, v20  }
0x102: {  	(xrf2) =	vadd.scan.msk.f32 $0xffff, v17;
	v47 =	vor.u32 $0x2, v8;
	v24 =	vadd.f32 v36, v24;
	v9 =	vadd.f32 v9, v44  }
0x103: {  	(xrf2) =	vadd.scan.msk.f32 $0xffff, v23;
	v49 =	vor.u32 $0x3, v8;
	v10 =	vadd.f32 v48, v10;
	v50 =	vadd.f32 v45, v22  }
0x104: {  	v52 =	vor.u32 $0x5, v8;
	v24 =	vadd.f32 v40, v24;
	v9 =	vadd.f32 v11, v9;
	v11, _, _ =	vpop (xrf2);
	(xrf2) =	vadd.scan.msk.f32 $0xffff, v19  }
0x105: {  	v53 =	vor.u32 $0x6, v8;
	v20 =	vadd.f32 v20, v28;
	[tilespmem:v8+s11+$0x0] =	vst.idx.msk vm0, v11;
	v11, _, _ =	vpop (xrf2);
	(xrf2) =	vadd.scan.msk.f32 $0xffff, v18  }
0x106: {  	v16 =	vadd.f32 v50, v24;
	[tilespmem:v46+s11+$0x0] =	vst.idx.msk vm0, v11;
	v11, _, _ =	vpop (xrf2);
	(xrf2) =	vadd.scan.msk.f32 $0xffff, v21;
	v9 =	vadd.f32 v10, v9  }
0x107: {  	[tilespmem:v47+s11+$0x0] =	vst.idx.msk vm0, v11;
	v10, _, _ =	vpop (xrf2);
	v11 =	vor.u32 $0x7, v8;
	(xrf2) =	vadd.scan.msk.f32 $0xffff, v20  }
0x108: {  	v54 =	vor.u32 $0x8, v8;
	[tilespmem:v49+s11+$0x0] =	vst.idx.msk vm0, v10;
	v10, _, _ =	vpop (xrf2);
	(xrf2) =	vadd.scan.msk.f32 $0xffff, v16  }
0x109: {  	v55 =	vor.u32 $0x9, v8;
	[tilespmem:v51+s11+$0x0] =	vst.idx.msk vm0, v10;
	v10, _, _ =	vpop (xrf2);
	(xrf2) =	vadd.scan.msk.f32 $0xffff, v9  }
0x10a: {  	v9, _, _ =	vpop (xrf2);
	[tilespmem:v52+s11+$0x0] =	vst.idx.msk vm0, v10;
	v10 =	vor.u32 $0xA, v8  }
0x10b: {  	v56, _, _ =	vpop (xrf2);
	[tilespmem:v53+s11+$0x0] =	vst.idx.msk vm0, v9;
	v9 =	vor.u32 $0xB, v8  }
0x10c: {  	v57, _, _ =	vpop (xrf2);
	[tilespmem:v11+s11+$0x0] =	vst.idx.msk vm0, v56;
	v11 =	vor.u32 $0xC, v8  }
0x10d: {  	v59 =	vor.u32 $0xD, v8;
	v58, _, _ =	vpop (xrf2);
	[tilespmem:v54+s11+$0x0] =	vst.idx.msk vm0, v57  }
0x10e: {  	v61 =	vor.u32 $0xE, v8;
	v60, _, _ =	vpop (xrf2);
	[tilespmem:v55+s11+$0x0] =	vst.idx.msk vm0, v58  }
0x10f: {  	p2 =	sne.s32 s7, $0x6000;
	v62, _, _ =	vpop (xrf2);
	[tilespmem:v10+s11+$0x0] =	vst.idx.msk vm0, v60;
	v10 =	vor.u32 $0xF, v8  }
.Ltmp4:
0x110: {  	v63, _, _ =	vpop (xrf2);
	[tilespmem:v9+s11+$0x0] =	vst.idx.msk vm0, v62;
	(pc) =	sbr.rel @p2 .LBB2_4-.Ltmp4, $4  }
0x111: {  	v9, _, _ =	vpop (xrf2);
	[tilespmem:v11+s11+$0x0] =	vst.idx.msk vm0, v63  }
0x112: {  	v11, _, _ =	vpop (xrf2);
	[tilespmem:v59+s11+$0x0] =	vst.idx.msk vm0, v9  }
0x113: {  	[tilespmem:v61+s11+$0x0] =	vst.idx.msk vm0, v11;
	v9, _, _ =	vpop (xrf2)  }
0x114: {  	s7 =	sadd.s32 $0x2000, s7;
	v8 =	vadd.s32 $0x10, v8;
	[tilespmem:v10+s11+$0x0] =	vst.idx.msk vm0, v9  }
0x115: {  	s7 =	sadd.s32 s29, s3  }
0x116: {  	s7 =	sshll.u32 s7, $0x3  }
0x117: {  	p2 =	seq.s32 s30, $0x3F;
	s7 =	sadd.s32 s9, s7  }
0x118: {  	[hbm4b:s7+s5] =	stream.linear.scatter [tilespmem:s11], [sflag:$0x7], $0x40, $0x38;
	[tilespmem:$0x1C400] =	vst v63  }
0x119: {  	s7 =	sshll.u32 @!p2 s30, $0x8  }
0x11a: {  	s7 =	sand.u32 @!p2 $0x3FFFFF00, s7  }
0x11b: {  	s10 =	simm.s32 @!p2 $0x40;
	s13 =	simm.s32 @!p2 $0x14200;
	s8 =	sadd.s32 @!p2 $0x300, s7  }
0x11c: {  	[tilespmem:s13], [sflag:$0x3] =	stream.indirect.gather @!p2 [hbm4b:s4+s10], $0x80, s8, s10, $0xb8;
	[tilespmem:$0x1C400] =	vst v63  }
0x11d: {  	_ =	swait.ge [sflag:s1], $0x2000  }
0x11e: {  	[sflag:s1] =	ssyncset.done $0x0  }
0x11f: {  	s10 =	simm.s32 @!p1 $0x8;
	[sflag:s1] =	ssyncadd.s32 $0xFFFFE000  }
0x120: {  	_ =	swait.ge @!p1 [sflag:s10], $0x40  }
0x121: {  	s8 =	sor.u32 $0x1, s3;
	[sflag:s10] =	ssyncset.done @!p1 $0x0  }
0x122: {  	s13 =	sshll.u32 s8, $0x7;
	[sflag:s10] =	ssyncadd.s32 @!p1 $0xFFFFFFC0  }
0x123: {  	v0 =	vld [tilespmem:s13+$0x4200]  }
0x124: {  	v1 =	vld [tilespmem:s13+$0x4210]  }
0x125: {  	v2 =	vld [tilespmem:s13+$0x4220]  }
0x126: {  	v3 =	vld [tilespmem:s13+$0x4230]  }
0x127: {  	v4 =	vld [tilespmem:s13+$0x4240]  }
0x128: {  	v5 =	vld [tilespmem:s13+$0x4250]  }
0x129: {  	v6 =	vld [tilespmem:s13+$0x4260]  }
0x12a: {  	v7 =	vld [tilespmem:s13+$0x4270]  }
0x12b: {  	v8 =	vld [tilespmem:s13+$0xC200]  }
0x12c: {  	v9 =	vld [tilespmem:s13+$0xC210]  }
0x12d: {  	v10 =	vld [tilespmem:s13+$0xC220]  }
0x12e: {  	v11 =	vld [tilespmem:s13+$0xC230]  }
0x12f: {  	v12 =	vld [tilespmem:s13+$0xC240]  }
0x130: {  	v13 =	vld [tilespmem:s13+$0xC250]  }
0x131: {  	v14 =	vld [tilespmem:s13+$0xC260]  }
0x132: {  	v15 =	vld [tilespmem:s13+$0xC270];
	v8 =	vmul.f32 v8, v0;
	v10 =	vmul.f32 v10, v2  }
0x133: {  	v9 =	vmul.f32 v9, v1;
	v11 =	vmul.f32 v11, v3  }
0x134: {  	v8 =	vadd.f32 v10, v8;
	v10 =	vmul.f32 v12, v4  }
0x135: {  	v9 =	vadd.f32 v11, v9;
	v11 =	vmul.f32 v13, v5  }
0x136: {  	v8 =	vadd.f32 v10, v8  }
0x137: {  	v9 =	vadd.f32 v11, v9;
	v10 =	vmul.f32 v14, v6;
	v11 =	vmul.f32 v15, v7;
	_ =	sdelay $0x1  }
0x138: {  	v8 =	vadd.f32 v10, v8;
	v9 =	vadd.f32 v11, v9;
	_ =	sdelay $0x1  }
0x139: {  	v8 =	vadd.f32 v9, v8;
	_ =	sdelay $0x1  }
0x13a: {  	(xrf2) =	vadd.scan.msk.f32 $0xffff, v8;
	_ =	sdelay $0x2  }
0x13b: {  	v8 =	vmov s8  }
0x13c: {  	v8 =	vand.u32 $0xFFFFFFFD, v8  }
0x13d: {  	v8 =	vbroadcast v8, $0x0;
	_ =	sdelay $0x4  }
0x13e: {  	v9, _, _ =	vpop (xrf2)  }
0x13f: {  	s10 =	simm.s32 $0x0;
	[tilespmem:v8+s6+$0x0] =	vst.idx.msk vm0, v9;
	v8 =	vimm.s32 $0x0  }
.LBB2_6:
0x140: {  	s13 =	sshra.s32 s10, $0x2  }
0x141: {  	v9 =	vld [tilespmem:s13+$0x16200]  }
0x142: {  	v10 =	vld [tilespmem:s13+$0x16210]  }
0x143: {  	v11 =	vld [tilespmem:s13+$0x16220]  }
0x144: {  	v12 =	vld [tilespmem:s13+$0x16230]  }
0x145: {  	v13 =	vld [tilespmem:s13+$0x16240]  }
0x146: {  	v14 =	vld [tilespmem:s13+$0x16250]  }
0x147: {  	v16 =	vld [tilespmem:s13+$0x16260]  }
0x148: {  	v17 =	vld [tilespmem:s13+$0x16270]  }
0x149: {  	v15 =	vld [tilespmem:s13+$0x16280]  }
0x14a: {  	v18 =	vld [tilespmem:s13+$0x16290]  }
0x14b: {  	v19 =	vld [tilespmem:s13+$0x162A0]  }
0x14c: {  	v20 =	vld [tilespmem:s13+$0x162B0]  }
0x14d: {  	v21 =	vld [tilespmem:s13+$0x162C0]  }
0x14e: {  	v22 =	vld [tilespmem:s13+$0x162D0]  }
0x14f: {  	v23 =	vld [tilespmem:s13+$0x162E0]  }
0x150: {  	v24 =	vld [tilespmem:s13+$0x162F0]  }
0x151: {  	v25 =	vld [tilespmem:s13+$0x16300]  }
0x152: {  	v26 =	vld [tilespmem:s13+$0x16310]  }
0x153: {  	v27 =	vld [tilespmem:s13+$0x16320]  }
0x154: {  	v28 =	vld [tilespmem:s13+$0x16330]  }
0x155: {  	v29 =	vld [tilespmem:s13+$0x16340]  }
0x156: {  	v30 =	vld [tilespmem:s13+$0x16350]  }
0x157: {  	v31 =	vld [tilespmem:s13+$0x16360]  }
0x158: {  	v32 =	vld [tilespmem:s13+$0x16370]  }
0x159: {  	v33 =	vld [tilespmem:s13+$0x16380]  }
0x15a: {  	v34 =	vld [tilespmem:s13+$0x16390]  }
0x15b: {  	v35 =	vld [tilespmem:s13+$0x163A0]  }
0x15c: {  	v36 =	vld [tilespmem:s13+$0x163B0]  }
0x15d: {  	v37 =	vld [tilespmem:s13+$0x163C0]  }
0x15e: {  	v38 =	vld [tilespmem:s13+$0x163D0]  }
0x15f: {  	v39 =	vld [tilespmem:s13+$0x163E0]  }
0x160: {  	v40 =	vld [tilespmem:s13+$0x163F0]  }
0x161: {  	v41 =	vld [tilespmem:s13+$0x16400]  }
0x162: {  	v42 =	vld [tilespmem:s13+$0x16410]  }
0x163: {  	v43 =	vld [tilespmem:s13+$0x16420]  }
0x164: {  	v44 =	vld [tilespmem:s13+$0x16430]  }
0x165: {  	v45 =	vld [tilespmem:s13+$0x16440]  }
0x166: {  	v46 =	vld [tilespmem:s13+$0x16450]  }
0x167: {  	v47 =	vld [tilespmem:s13+$0x16460]  }
0x168: {  	v48 =	vld [tilespmem:s13+$0x16470]  }
0x169: {  	v49 =	vld [tilespmem:s13+$0x16480]  }
0x16a: {  	v50 =	vld [tilespmem:s13+$0x16490]  }
0x16b: {  	v51 =	vld [tilespmem:s13+$0x164A0]  }
0x16c: {  	v52 =	vld [tilespmem:s13+$0x164B0]  }
0x16d: {  	v53 =	vld [tilespmem:s13+$0x164C0]  }
0x16e: {  	v54 =	vld [tilespmem:s13+$0x164D0]  }
0x16f: {  	v55 =	vld [tilespmem:s13+$0x164E0]  }
0x170: {  	v56 =	vld [tilespmem:s13+$0x164F0]  }
0x171: {  	v57 =	vld [tilespmem:s13+$0x16500]  }
0x172: {  	v58 =	vld [tilespmem:s13+$0x16510];
	v9 =	vmul.f32 v9, v0;
	v11 =	vmul.f32 v11, v2  }
0x173: {  	v59 =	vld [tilespmem:s13+$0x16520];
	v10 =	vmul.f32 v10, v1;
	v12 =	vmul.f32 v12, v3  }
0x174: {  	v60 =	vld [tilespmem:s13+$0x16530];
	v63 =	vmul.f32 v19, v2;
	v62 =	vmul.f32 v20, v3  }
0x175: {  	v61 =	vld [tilespmem:s13+$0x16540];
	v17 =	vmul.f32 v17, v7;
	v36 =	vmul.f32 v36, v3  }
0x176: {  	v19 =	vld [tilespmem:s13+$0x16550];
	v9 =	vadd.f32 v11, v9;
	v11 =	vmul.f32 v13, v4;
	v13 =	vmul.f32 v14, v5  }
0x177: {  	v10 =	vadd.f32 v12, v10;
	v12 =	vmul.f32 v15, v0;
	v14 =	vmul.f32 v16, v6;
	v16 =	vld [tilespmem:s13+$0x165A0]  }
0x178: {  	v20 =	vld [tilespmem:s13+$0x16570];
	v31 =	vmul.f32 v31, v6;
	v9 =	vadd.f32 v11, v9;
	v11 =	vmul.f32 v18, v1  }
0x179: {  	v10 =	vadd.f32 v13, v10;
	v12 =	vadd.f32 v63, v12;
	v63 =	vmul.f32 v21, v4;
	v18 =	vld [tilespmem:s13+$0x16580]  }
0x17a: {  	v21 =	vld [tilespmem:s13+$0x16590];
	v13 =	vmul.f32 v25, v0;
	v11 =	vadd.f32 v62, v11;
	v62 =	vmul.f32 v22, v5  }
0x17b: {  	v15 =	vld [tilespmem:s13+$0x16560];
	v12 =	vadd.f32 v63, v12;
	v63 =	vmul.f32 v23, v6;
	v9 =	vadd.f32 v14, v9  }
0x17c: {  	v10 =	vadd.f32 v17, v10;
	v17 =	vld [tilespmem:s13+$0x165B0];
	v14 =	vmul.f32 v26, v1;
	v16 =	vmul.f32 v16, v2  }
0x17d: {  	v25 =	vld [tilespmem:s13+$0x165D0];
	v11 =	vadd.f32 v62, v11;
	v62 =	vmul.f32 v24, v7;
	v12 =	vadd.f32 v63, v12  }
0x17e: {  	v22 =	vld [tilespmem:s13+$0x165C0];
	v10 =	vadd.f32 v10, v9;
	v63 =	vmul.f32 v27, v2;
	v18 =	vmul.f32 v18, v0  }
0x17f: {  	v26 =	vld [tilespmem:s13+$0x165E0];
	v21 =	vmul.f32 v21, v1;
	v11 =	vadd.f32 v62, v11;
	v62 =	vmul.f32 v28, v3  }
0x180: {  	v23 =	vld [tilespmem:s13+$0x16630];
	v13 =	vadd.f32 v63, v13;
	v63 =	vmul.f32 v33, v0;
	v33 =	vmul.f32 v35, v2  }
0x181: {  	v27 =	vld [tilespmem:s13+$0x16610];
	v35 =	vmul.f32 v34, v1;
	v17 =	vmul.f32 v17, v3;
	v9 =	vadd.f32 v11, v12  }
0x182: {  	v24 =	vld [tilespmem:s13+$0x16660];
	v11 =	vmul.f32 v29, v4;
	v12 =	vmul.f32 v30, v5;
	v14 =	vadd.f32 v62, v14  }
0x183: {  	v28 =	vld [tilespmem:s13+$0x165F0];
	v62 =	vadd.f32 v33, v63;
	v63 =	vmul.f32 v37, v4;
	v37 =	vmul.f32 v38, v5  }
0x184: {  	v34 =	vld [tilespmem:s13+$0x16640];
	v38 =	vmul.f32 v39, v6;
	v39 =	vmul.f32 v40, v7  }
0x185: {  	(xrf2) =	vadd.scan.msk.f32 $0xffff, v10;
	v10 =	vld [tilespmem:s13+$0x169B0];
	v40 =	vmul.f32 v41, v0;
	v41 =	vmul.f32 v43, v2  }
0x186: {  	v16 =	vadd.f32 v16, v18;
	v18 =	vld [tilespmem:s13+$0x16780];
	v43 =	vmul.f32 v44, v3;
	v44 =	vmul.f32 v45, v4  }
0x187: {  	v30 =	vld [tilespmem:s13+$0x16600];
	v45 =	vmul.f32 v51, v2;
	v51 =	vmul.f32 v47, v6  }
0x188: {  	v29 =	vld [tilespmem:s13+$0x16620];
	v11 =	vadd.f32 v11, v13;
	v13 =	vadd.f32 v63, v62;
	v62 =	vmul.f32 v46, v5  }
0x189: {  	v36 =	vadd.f32 v36, v35;
	v35 =	vld [tilespmem:s13+$0x16670];
	v63 =	vmul.f32 v49, v0;
	v46 =	vmul.f32 v50, v1  }
0x18a: {  	v47 =	vld [tilespmem:s13+$0x16710];
	v17 =	vadd.f32 v17, v21;
	v49 =	vmul.f32 v52, v3;
	v50 =	vmul.f32 v53, v4  }
0x18b: {  	v21 =	vld [tilespmem:s13+$0x167B0];
	v12 =	vadd.f32 v12, v14;
	v52 =	vmul.f32 v54, v5;
	v53 =	vmul.f32 v48, v7  }
0x18c: {  	v14 =	vadd.f32 v37, v36;
	v36 =	vld [tilespmem:s13+$0x16680];
	v54 =	vmul.f32 v55, v6;
	v55 =	vmul.f32 v56, v7  }
0x18d: {  	v37 =	vld [tilespmem:s13+$0x16700];
	v56 =	vmul.f32 v57, v0;
	v57 =	vmul.f32 v58, v1  }
0x18e: {  	v58 =	vmul.f32 v59, v2;
	v59 =	vmul.f32 v60, v3;
	v48 =	vld [tilespmem:s13+$0x16750]  }
0x18f: {  	v60 =	vmul.f32 v61, v4;
	v61 =	vmul.f32 v22, v4;
	v22 =	vld [tilespmem:s13+$0x16760]  }
0x190: {  	(xrf2) =	vadd.scan.msk.f32 $0xffff, v9;
	v9 =	vld [tilespmem:s13+$0x169C0]  }
0x191: {  	v32 =	vmul.f32 v32, v7;
	v11 =	vadd.f32 v31, v11;
	v31 =	vld [tilespmem:s13+$0x16650]  }
0x192: {  	v13 =	vadd.f32 v38, v13;
	v38 =	vld [tilespmem:s13+$0x16690]  }
0x193: {  	v12 =	vadd.f32 v32, v12;
	v32 =	vadd.f32 v41, v40;
	v40 =	vld [tilespmem:s13+$0x166A0]  }
0x194: {  	v14 =	vadd.f32 v39, v14;
	v39 =	vld [tilespmem:s13+$0x166C0]  }
0x195: {  	v42 =	vmul.f32 v42, v1;
	v33 =	vadd.f32 v49, v46;
	v46 =	vld [tilespmem:s13+$0x166E0]  }
0x196: {  	v19 =	vmul.f32 v19, v5;
	v20 =	vmul.f32 v20, v7;
	v49 =	vld [tilespmem:s13+$0x16720]  }
0x197: {  	v15 =	vmul.f32 v15, v6;
	v23 =	vmul.f32 v23, v3;
	v41 =	vld [tilespmem:s13+$0x16740];
	v12 =	vadd.f32 v12, v11  }
0x198: {  	v24 =	vmul.f32 v24, v6;
	v11 =	vadd.f32 v14, v13;
	v13 =	vadd.f32 v43, v42;
	v42 =	vld [tilespmem:s13+$0x166B0]  }
0x199: {  	v10 =	vmul.f32 v10, v3;
	v16 =	vadd.f32 v61, v16;
	v32 =	vadd.f32 v44, v32;
	v44 =	vld [tilespmem:s13+$0x166D0]  }
0x19a: {  	v18 =	vmul.f32 v18, v0;
	v35 =	vmul.f32 v35, v7;
	v14 =	vadd.f32 v45, v63;
	v43 =	vld [tilespmem:s13+$0x166F0]  }
0x19b: {  	v33 =	vadd.f32 v52, v33;
	v63 =	vmul.f32 v26, v6;
	v52 =	vmul.f32 v27, v1;
	v27 =	vld [tilespmem:s13+$0x167D0]  }
0x19c: {  	v45 =	vadd.f32 v59, v57;
	v57 =	vld [tilespmem:s13+$0x167F0];
	v21 =	vmul.f32 v21, v3;
	v22 =	vmul.f32 v22, v6  }
0x19d: {  	v9 =	vmul.f32 v9, v4;
	v13 =	vadd.f32 v62, v13;
	v14 =	vadd.f32 v50, v14;
	v50 =	vld [tilespmem:s13+$0x16730]  }
0x19e: {  	v32 =	vadd.f32 v51, v32;
	v33 =	vadd.f32 v55, v33;
	v62 =	vmul.f32 v25, v5;
	v25 =	vld [tilespmem:s13+$0x16770]  }
0x19f: {  	v19 =	vadd.f32 v19, v45;
	v45 =	vmul.f32 v30, v0;
	v51 =	vmul.f32 v29, v2;
	v29 =	vld [tilespmem:s13+$0x167C0]  }
0x1a0: {  	v16 =	vadd.f32 v63, v16;
	v55 =	vmul.f32 v36, v0;
	v36 =	vld [tilespmem:s13+$0x16800];
	v63 =	vmul.f32 v46, v6  }
0x1a1: {  	v30 =	vld [tilespmem:s13+$0x16850];
	(xrf2) =	vadd.scan.msk.f32 $0xffff, v12;
	v46 =	vmul.f32 v47, v1;
	v47 =	vmul.f32 v49, v2;
	v13 =	vadd.f32 v53, v13  }
0x1a2: {  	(xrf2) =	vadd.scan.msk.f32 $0xffff, v11;
	v11 =	vld [tilespmem:s13+$0x169E0];
	v14 =	vadd.f32 v54, v14;
	v53 =	vmul.f32 v34, v4;
	v54 =	vmul.f32 v31, v5  }
0x1a3: {  	v19 =	vadd.f32 v20, v19;
	v20 =	vld [tilespmem:s13+$0x167A0];
	v59 =	vmul.f32 v42, v3;
	v61 =	vmul.f32 v44, v5  }
0x1a4: {  	v17 =	vadd.f32 v62, v17;
	v31 =	vld [tilespmem:s13+$0x167E0];
	v44 =	vmul.f32 v43, v7;
	v27 =	vmul.f32 v27, v5  }
0x1a5: {  	v62 =	vld [tilespmem:s13+$0x16820];
	v57 =	vmul.f32 v57, v7;
	v13 =	vadd.f32 v13, v32;
	v14 =	vadd.f32 v33, v14  }
0x1a6: {  	v34 =	vld [tilespmem:s13+$0x16840];
	v32 =	vadd.f32 v58, v56;
	v33 =	vmul.f32 v28, v7;
	v56 =	vmul.f32 v40, v2  }
0x1a7: {  	v28 =	vld [tilespmem:s13+$0x16790];
	v58 =	vmul.f32 v38, v1;
	v49 =	vmul.f32 v50, v3  }
0x1a8: {  	v50 =	vmul.f32 v41, v4;
	v32 =	vadd.f32 v60, v32;
	v60 =	vmul.f32 v39, v4;
	v39 =	vld [tilespmem:s13+$0x16830]  }
0x1a9: {  	v25 =	vmul.f32 v25, v7;
	v17 =	vadd.f32 v33, v17;
	v26 =	vadd.f32 v59, v58;
	v59 =	vld [tilespmem:s13+$0x168F0]  }
0x1aa: {  	v30 =	vmul.f32 v30, v5;
	v11 =	vmul.f32 v11, v6;
	v15 =	vadd.f32 v15, v32;
	v32 =	vld [tilespmem:s13+$0x16810]  }
0x1ab: {  	v20 =	vmul.f32 v20, v2;
	v16 =	vadd.f32 v17, v16;
	v17 =	vadd.f32 v23, v52;
	v52 =	vld [tilespmem:s13+$0x16880]  }
0x1ac: {  	v62 =	vmul.f32 v62, v2;
	v23 =	vadd.f32 v56, v55;
	v42 =	vadd.f32 v61, v26;
	v26 =	vld [tilespmem:s13+$0x16890]  }
0x1ad: {  	v28 =	vmul.f32 v28, v1;
	v18 =	vadd.f32 v20, v18;
	v20 =	vld [tilespmem:s13+$0x168D0];
	v15 =	vadd.f32 v19, v15  }
0x1ae: {  	v19 =	vadd.f32 v51, v45;
	v17 =	vadd.f32 v54, v17;
	v45 =	vmul.f32 v37, v0;
	v37 =	vld [tilespmem:s13+$0x16860]  }
0x1af: {  	v23 =	vadd.f32 v60, v23;
	v51 =	vmul.f32 v48, v5;
	v60 =	vld [tilespmem:s13+$0x16900];
	v21 =	vadd.f32 v21, v28  }
0x1b0: {  	v54 =	vmul.f32 v29, v4;
	v48 =	vld [tilespmem:s13+$0x16930];
	v19 =	vadd.f32 v53, v19;
	v17 =	vadd.f32 v35, v17  }
0x1b1: {  	v56 =	vmul.f32 v31, v6;
	v28 =	vld [tilespmem:s13+$0x168C0];
	v23 =	vadd.f32 v63, v23;
	v35 =	vadd.f32 v49, v46  }
0x1b2: {  	v61 =	vmul.f32 v36, v0;
	v53 =	vld [tilespmem:s13+$0x168A0];
	v18 =	vadd.f32 v54, v18;
	v21 =	vadd.f32 v27, v21  }
0x1b3: {  	v63 =	vld [tilespmem:s13+$0x16910];
	v52 =	vmul.f32 v52, v0;
	v19 =	vadd.f32 v24, v19;
	v24 =	vadd.f32 v44, v42  }
0x1b4: {  	v46 =	vld [tilespmem:s13+$0x16920];
	v26 =	vmul.f32 v26, v1;
	v55 =	vadd.f32 v51, v35;
	v18 =	vadd.f32 v56, v18  }
0x1b5: {  	v54 =	vld [tilespmem:s13+$0x16950];
	v44 =	vmul.f32 v32, v1;
	v20 =	vmul.f32 v20, v5;
	v21 =	vadd.f32 v57, v21  }
0x1b6: {  	v42 =	vld [tilespmem:s13+$0x16870];
	v49 =	vmul.f32 v37, v6;
	v60 =	vmul.f32 v60, v0;
	v17 =	vadd.f32 v17, v19  }
0x1b7: {  	v51 =	vld [tilespmem:s13+$0x16940];
	v19 =	vadd.f32 v47, v45;
	v45 =	vmul.f32 v39, v3;
	v47 =	vmul.f32 v34, v4  }
0x1b8: {  	v56 =	vld [tilespmem:s13+$0x16970];
	v58 =	vadd.f32 v25, v55;
	v28 =	vmul.f32 v28, v4;
	v25 =	vmul.f32 v59, v7  }
0x1b9: {  	v23 =	vadd.f32 v24, v23;
	v24 =	vld [tilespmem:s13+$0x168B0];
	v34 =	vmul.f32 v48, v3;
	v53 =	vmul.f32 v53, v2  }
0x1ba: {  	v59 =	vld [tilespmem:s13+$0x16990];
	v18 =	vadd.f32 v21, v18;
	v63 =	vmul.f32 v63, v1;
	v38 =	vmul.f32 v54, v5  }
0x1bb: {  	v39 =	vld [tilespmem:s13+$0x169D0];
	v19 =	vadd.f32 v50, v19;
	v21 =	vadd.f32 v45, v44;
	v50 =	vmul.f32 v42, v7  }
0x1bc: {  	v33 =	vld [tilespmem:s13+$0x168E0];
	v29 =	vadd.f32 v53, v52;
	v36 =	vmul.f32 v51, v4;
	v37 =	vadd.f32 v34, v63  }
0x1bd: {  	v57 =	vld [tilespmem:s13+$0x16980];
	v45 =	vmul.f32 v56, v7;
	v51 =	vor.u32 $0x4, v8;
	v19 =	vadd.f32 v22, v19  }
0x1be: {  	v22 =	vadd.f32 v62, v61;
	v21 =	vadd.f32 v30, v21;
	v61 =	vmul.f32 v46, v2;
	v62 =	vld [tilespmem:s13+$0x169A0]  }
0x1bf: {  	v24 =	vmul.f32 v24, v3;
	v28 =	vadd.f32 v28, v29;
	v43 =	vmul.f32 v59, v1  }
0x1c0: {  	v55 =	vld [tilespmem:s13+$0x16960];
	v12 =	vmul.f32 v39, v5;
	v19 =	vadd.f32 v58, v19;
	v22 =	vadd.f32 v47, v22  }
0x1c1: {  	v42 =	vld [tilespmem:s13+$0x169F0];
	v21 =	vadd.f32 v50, v21;
	v58 =	vmul.f32 v33, v6;
	v24 =	vadd.f32 v24, v26  }
0x1c2: {  	v26 =	vmul.f32 v57, v0;
	v10 =	vadd.f32 v10, v43;
	v22 =	vadd.f32 v49, v22  }
0x1c3: {  	(xrf2) =	vadd.scan.msk.f32 $0xffff, v13;
	v28 =	vadd.f32 v58, v28;
	v20 =	vadd.f32 v20, v24;
	v41 =	vmul.f32 v62, v2  }
0x1c4: {  	(xrf2) =	vadd.scan.msk.f32 $0xffff, v14;
	v46 =	vor.u32 $0x1, v8;
	v24 =	vadd.f32 v61, v60;
	v10 =	vadd.f32 v12, v10  }
0x1c5: {  	(xrf2) =	vadd.scan.msk.f32 $0xffff, v15;
	v40 =	vmul.f32 v55, v6;
	v21 =	vadd.f32 v21, v22;
	v44 =	vadd.f32 v41, v26  }
0x1c6: {  	(xrf2) =	vadd.scan.msk.f32 $0xffff, v16;
	v48 =	vmul.f32 v42, v7;
	v22 =	vadd.f32 v38, v37;
	v20 =	vadd.f32 v25, v20  }
0x1c7: {  	(xrf2) =	vadd.scan.msk.f32 $0xffff, v17;
	v47 =	vor.u32 $0x2, v8;
	v24 =	vadd.f32 v36, v24;
	v9 =	vadd.f32 v9, v44  }
0x1c8: {  	(xrf2) =	vadd.scan.msk.f32 $0xffff, v23;
	v49 =	vor.u32 $0x3, v8;
	v10 =	vadd.f32 v48, v10;
	v50 =	vadd.f32 v45, v22  }
0x1c9: {  	v52 =	vor.u32 $0x5, v8;
	v24 =	vadd.f32 v40, v24;
	v9 =	vadd.f32 v11, v9;
	v11, _, _ =	vpop (xrf2);
	(xrf2) =	vadd.scan.msk.f32 $0xffff, v19  }
0x1ca: {  	v53 =	vor.u32 $0x6, v8;
	v20 =	vadd.f32 v20, v28;
	[tilespmem:v8+s2+$0x0] =	vst.idx.msk vm0, v11;
	v11, _, _ =	vpop (xrf2);
	(xrf2) =	vadd.scan.msk.f32 $0xffff, v18  }
0x1cb: {  	v16 =	vadd.f32 v50, v24;
	[tilespmem:v46+s2+$0x0] =	vst.idx.msk vm0, v11;
	v11, _, _ =	vpop (xrf2);
	(xrf2) =	vadd.scan.msk.f32 $0xffff, v21;
	v9 =	vadd.f32 v10, v9  }
0x1cc: {  	[tilespmem:v47+s2+$0x0] =	vst.idx.msk vm0, v11;
	v10, _, _ =	vpop (xrf2);
	v11 =	vor.u32 $0x7, v8;
	(xrf2) =	vadd.scan.msk.f32 $0xffff, v20  }
0x1cd: {  	v54 =	vor.u32 $0x8, v8;
	[tilespmem:v49+s2+$0x0] =	vst.idx.msk vm0, v10;
	v10, _, _ =	vpop (xrf2);
	(xrf2) =	vadd.scan.msk.f32 $0xffff, v16  }
0x1ce: {  	v55 =	vor.u32 $0x9, v8;
	[tilespmem:v51+s2+$0x0] =	vst.idx.msk vm0, v10;
	v10, _, _ =	vpop (xrf2);
	(xrf2) =	vadd.scan.msk.f32 $0xffff, v9  }
0x1cf: {  	v9, _, _ =	vpop (xrf2);
	[tilespmem:v52+s2+$0x0] =	vst.idx.msk vm0, v10;
	v10 =	vor.u32 $0xA, v8  }
0x1d0: {  	v56, _, _ =	vpop (xrf2);
	[tilespmem:v53+s2+$0x0] =	vst.idx.msk vm0, v9;
	v9 =	vor.u32 $0xB, v8  }
0x1d1: {  	v57, _, _ =	vpop (xrf2);
	[tilespmem:v11+s2+$0x0] =	vst.idx.msk vm0, v56;
	v11 =	vor.u32 $0xC, v8  }
0x1d2: {  	v59 =	vor.u32 $0xD, v8;
	v58, _, _ =	vpop (xrf2);
	[tilespmem:v54+s2+$0x0] =	vst.idx.msk vm0, v57  }
0x1d3: {  	v61 =	vor.u32 $0xE, v8;
	v60, _, _ =	vpop (xrf2);
	[tilespmem:v55+s2+$0x0] =	vst.idx.msk vm0, v58  }
0x1d4: {  	p3 =	sne.s32 s10, $0x6000;
	v62, _, _ =	vpop (xrf2);
	[tilespmem:v10+s2+$0x0] =	vst.idx.msk vm0, v60;
	v10 =	vor.u32 $0xF, v8  }
.Ltmp5:
0x1d5: {  	v63, _, _ =	vpop (xrf2);
	[tilespmem:v9+s2+$0x0] =	vst.idx.msk vm0, v62;
	(pc) =	sbr.rel @p3 .LBB2_6-.Ltmp5, $4  }
0x1d6: {  	v9, _, _ =	vpop (xrf2);
	[tilespmem:v11+s2+$0x0] =	vst.idx.msk vm0, v63  }
0x1d7: {  	v11, _, _ =	vpop (xrf2);
	[tilespmem:v59+s2+$0x0] =	vst.idx.msk vm0, v9  }
0x1d8: {  	[tilespmem:v61+s2+$0x0] =	vst.idx.msk vm0, v11;
	v9, _, _ =	vpop (xrf2)  }
0x1d9: {  	s10 =	sadd.s32 $0x2000, s10;
	v8 =	vadd.s32 $0x10, v8;
	[tilespmem:v10+s2+$0x0] =	vst.idx.msk vm0, v9  }
0x1da: {  	s8 =	sadd.s32 s29, s8  }
0x1db: {  	s8 =	sshll.u32 s8, $0x3  }
0x1dc: {  	s8 =	sand.u32 $0x1FFFFFE8, s8  }
0x1dd: {  	s8 =	sadd.s32 s9, s8  }
0x1de: {  	[hbm4b:s8+s5] =	stream.linear.scatter [tilespmem:s2], [sflag:$0x8], $0x40, $0x38;
	[tilespmem:$0x1C400] =	vst v63  }
0x1df: {  	s10 =	simm.s32 @!p2 $0x40;
	s13 =	simm.s32 @!p2 $0x16200;
	s8 =	sadd.s32 @!p2 $0x340, s7  }
0x1e0: {  	[tilespmem:s13], [sflag:$0x4] =	stream.indirect.gather @!p2 [hbm4b:s4+s10], $0x80, s8, s10, $0xb8;
	[tilespmem:$0x1C400] =	vst v63  }
0x1e1: {  	_ =	swait.ge [sflag:s15], $0x2000  }
0x1e2: {  	[sflag:s15] =	ssyncset.done $0x0  }
0x1e3: {  	s10 =	simm.s32 @!p1 $0x9;
	[sflag:s15] =	ssyncadd.s32 $0xFFFFE000  }
0x1e4: {  	_ =	swait.ge @!p1 [sflag:s10], $0x40  }
0x1e5: {  	s8 =	sor.u32 $0x2, s3;
	[sflag:s10] =	ssyncset.done @!p1 $0x0  }
0x1e6: {  	s13 =	sshll.u32 s8, $0x7;
	[sflag:s10] =	ssyncadd.s32 @!p1 $0xFFFFFFC0  }
0x1e7: {  	v0 =	vld [tilespmem:s13+$0x4200]  }
0x1e8: {  	v1 =	vld [tilespmem:s13+$0x4210]  }
0x1e9: {  	v2 =	vld [tilespmem:s13+$0x4220]  }
0x1ea: {  	v3 =	vld [tilespmem:s13+$0x4230]  }
0x1eb: {  	v4 =	vld [tilespmem:s13+$0x4240]  }
0x1ec: {  	v5 =	vld [tilespmem:s13+$0x4250]  }
0x1ed: {  	v6 =	vld [tilespmem:s13+$0x4260]  }
0x1ee: {  	v7 =	vld [tilespmem:s13+$0x4270]  }
0x1ef: {  	v8 =	vld [tilespmem:s13+$0xC200]  }
0x1f0: {  	v9 =	vld [tilespmem:s13+$0xC210]  }
0x1f1: {  	v10 =	vld [tilespmem:s13+$0xC220]  }
0x1f2: {  	v11 =	vld [tilespmem:s13+$0xC230]  }
0x1f3: {  	v12 =	vld [tilespmem:s13+$0xC240]  }
0x1f4: {  	v13 =	vld [tilespmem:s13+$0xC250]  }
0x1f5: {  	v14 =	vld [tilespmem:s13+$0xC260]  }
0x1f6: {  	v15 =	vld [tilespmem:s13+$0xC270];
	v8 =	vmul.f32 v8, v0;
	v10 =	vmul.f32 v10, v2  }
0x1f7: {  	v9 =	vmul.f32 v9, v1;
	v11 =	vmul.f32 v11, v3  }
0x1f8: {  	v8 =	vadd.f32 v10, v8;
	v10 =	vmul.f32 v12, v4  }
0x1f9: {  	v9 =	vadd.f32 v11, v9;
	v11 =	vmul.f32 v13, v5  }
0x1fa: {  	v8 =	vadd.f32 v10, v8  }
0x1fb: {  	v9 =	vadd.f32 v11, v9;
	v10 =	vmul.f32 v14, v6;
	v11 =	vmul.f32 v15, v7;
	_ =	sdelay $0x1  }
0x1fc: {  	v8 =	vadd.f32 v10, v8;
	v9 =	vadd.f32 v11, v9;
	_ =	sdelay $0x1  }
0x1fd: {  	v8 =	vadd.f32 v9, v8;
	_ =	sdelay $0x1  }
0x1fe: {  	(xrf2) =	vadd.scan.msk.f32 $0xffff, v8;
	_ =	sdelay $0x2  }
0x1ff: {  	v8 =	vmov s8  }
0x200: {  	v8 =	vand.u32 $0xFFFFFFFE, v8  }
0x201: {  	v8 =	vbroadcast v8, $0x0;
	_ =	sdelay $0x4  }
0x202: {  	v9, _, _ =	vpop (xrf2)  }
0x203: {  	s10 =	simm.s32 $0x0;
	[tilespmem:v8+s6+$0x0] =	vst.idx.msk vm0, v9;
	v8 =	vimm.s32 $0x0  }
.LBB2_8:
0x204: {  	s13 =	sshra.s32 s10, $0x2  }
0x205: {  	v9 =	vld [tilespmem:s13+$0x18200]  }
0x206: {  	v10 =	vld [tilespmem:s13+$0x18210]  }
0x207: {  	v11 =	vld [tilespmem:s13+$0x18220]  }
0x208: {  	v12 =	vld [tilespmem:s13+$0x18230]  }
0x209: {  	v13 =	vld [tilespmem:s13+$0x18240]  }
0x20a: {  	v14 =	vld [tilespmem:s13+$0x18250]  }
0x20b: {  	v16 =	vld [tilespmem:s13+$0x18260]  }
0x20c: {  	v17 =	vld [tilespmem:s13+$0x18270]  }
0x20d: {  	v15 =	vld [tilespmem:s13+$0x18280]  }
0x20e: {  	v18 =	vld [tilespmem:s13+$0x18290]  }
0x20f: {  	v19 =	vld [tilespmem:s13+$0x182A0]  }
0x210: {  	v20 =	vld [tilespmem:s13+$0x182B0]  }
0x211: {  	v21 =	vld [tilespmem:s13+$0x182C0]  }
0x212: {  	v22 =	vld [tilespmem:s13+$0x182D0]  }
0x213: {  	v23 =	vld [tilespmem:s13+$0x182E0]  }
0x214: {  	v24 =	vld [tilespmem:s13+$0x182F0]  }
0x215: {  	v25 =	vld [tilespmem:s13+$0x18300]  }
0x216: {  	v26 =	vld [tilespmem:s13+$0x18310]  }
0x217: {  	v27 =	vld [tilespmem:s13+$0x18320]  }
0x218: {  	v28 =	vld [tilespmem:s13+$0x18330]  }
0x219: {  	v29 =	vld [tilespmem:s13+$0x18340]  }
0x21a: {  	v30 =	vld [tilespmem:s13+$0x18350]  }
0x21b: {  	v31 =	vld [tilespmem:s13+$0x18360]  }
0x21c: {  	v32 =	vld [tilespmem:s13+$0x18370]  }
0x21d: {  	v33 =	vld [tilespmem:s13+$0x18380]  }
0x21e: {  	v34 =	vld [tilespmem:s13+$0x18390]  }
0x21f: {  	v35 =	vld [tilespmem:s13+$0x183A0]  }
0x220: {  	v36 =	vld [tilespmem:s13+$0x183B0]  }
0x221: {  	v37 =	vld [tilespmem:s13+$0x183C0]  }
0x222: {  	v38 =	vld [tilespmem:s13+$0x183D0]  }
0x223: {  	v39 =	vld [tilespmem:s13+$0x183E0]  }
0x224: {  	v40 =	vld [tilespmem:s13+$0x183F0]  }
0x225: {  	v41 =	vld [tilespmem:s13+$0x18400]  }
0x226: {  	v42 =	vld [tilespmem:s13+$0x18410]  }
0x227: {  	v43 =	vld [tilespmem:s13+$0x18420]  }
0x228: {  	v44 =	vld [tilespmem:s13+$0x18430]  }
0x229: {  	v45 =	vld [tilespmem:s13+$0x18440]  }
0x22a: {  	v46 =	vld [tilespmem:s13+$0x18450]  }
0x22b: {  	v47 =	vld [tilespmem:s13+$0x18460]  }
0x22c: {  	v48 =	vld [tilespmem:s13+$0x18470]  }
0x22d: {  	v49 =	vld [tilespmem:s13+$0x18480]  }
0x22e: {  	v50 =	vld [tilespmem:s13+$0x18490]  }
0x22f: {  	v51 =	vld [tilespmem:s13+$0x184A0]  }
0x230: {  	v52 =	vld [tilespmem:s13+$0x184B0]  }
0x231: {  	v53 =	vld [tilespmem:s13+$0x184C0]  }
0x232: {  	v54 =	vld [tilespmem:s13+$0x184D0]  }
0x233: {  	v55 =	vld [tilespmem:s13+$0x184E0]  }
0x234: {  	v56 =	vld [tilespmem:s13+$0x184F0]  }
0x235: {  	v57 =	vld [tilespmem:s13+$0x18500]  }
0x236: {  	v58 =	vld [tilespmem:s13+$0x18510];
	v9 =	vmul.f32 v9, v0;
	v11 =	vmul.f32 v11, v2  }
0x237: {  	v59 =	vld [tilespmem:s13+$0x18520];
	v10 =	vmul.f32 v10, v1;
	v12 =	vmul.f32 v12, v3  }
0x238: {  	v60 =	vld [tilespmem:s13+$0x18530];
	v63 =	vmul.f32 v19, v2;
	v62 =	vmul.f32 v20, v3  }
0x239: {  	v61 =	vld [tilespmem:s13+$0x18540];
	v17 =	vmul.f32 v17, v7;
	v36 =	vmul.f32 v36, v3  }
0x23a: {  	v19 =	vld [tilespmem:s13+$0x18550];
	v9 =	vadd.f32 v11, v9;
	v11 =	vmul.f32 v13, v4;
	v13 =	vmul.f32 v14, v5  }
0x23b: {  	v10 =	vadd.f32 v12, v10;
	v12 =	vmul.f32 v15, v0;
	v14 =	vmul.f32 v16, v6;
	v16 =	vld [tilespmem:s13+$0x185A0]  }
0x23c: {  	v20 =	vld [tilespmem:s13+$0x18570];
	v31 =	vmul.f32 v31, v6;
	v9 =	vadd.f32 v11, v9;
	v11 =	vmul.f32 v18, v1  }
0x23d: {  	v10 =	vadd.f32 v13, v10;
	v12 =	vadd.f32 v63, v12;
	v63 =	vmul.f32 v21, v4;
	v18 =	vld [tilespmem:s13+$0x18580]  }
0x23e: {  	v21 =	vld [tilespmem:s13+$0x18590];
	v13 =	vmul.f32 v25, v0;
	v11 =	vadd.f32 v62, v11;
	v62 =	vmul.f32 v22, v5  }
0x23f: {  	v15 =	vld [tilespmem:s13+$0x18560];
	v12 =	vadd.f32 v63, v12;
	v63 =	vmul.f32 v23, v6;
	v9 =	vadd.f32 v14, v9  }
0x240: {  	v10 =	vadd.f32 v17, v10;
	v17 =	vld [tilespmem:s13+$0x185B0];
	v14 =	vmul.f32 v26, v1;
	v16 =	vmul.f32 v16, v2  }
0x241: {  	v25 =	vld [tilespmem:s13+$0x185D0];
	v11 =	vadd.f32 v62, v11;
	v62 =	vmul.f32 v24, v7;
	v12 =	vadd.f32 v63, v12  }
0x242: {  	v22 =	vld [tilespmem:s13+$0x185C0];
	v10 =	vadd.f32 v10, v9;
	v63 =	vmul.f32 v27, v2;
	v18 =	vmul.f32 v18, v0  }
0x243: {  	v26 =	vld [tilespmem:s13+$0x185E0];
	v21 =	vmul.f32 v21, v1;
	v11 =	vadd.f32 v62, v11;
	v62 =	vmul.f32 v28, v3  }
0x244: {  	v23 =	vld [tilespmem:s13+$0x18630];
	v13 =	vadd.f32 v63, v13;
	v63 =	vmul.f32 v33, v0;
	v33 =	vmul.f32 v35, v2  }
0x245: {  	v27 =	vld [tilespmem:s13+$0x18610];
	v35 =	vmul.f32 v34, v1;
	v17 =	vmul.f32 v17, v3;
	v9 =	vadd.f32 v11, v12  }
0x246: {  	v24 =	vld [tilespmem:s13+$0x18660];
	v11 =	vmul.f32 v29, v4;
	v12 =	vmul.f32 v30, v5;
	v14 =	vadd.f32 v62, v14  }
0x247: {  	v28 =	vld [tilespmem:s13+$0x185F0];
	v62 =	vadd.f32 v33, v63;
	v63 =	vmul.f32 v37, v4;
	v37 =	vmul.f32 v38, v5  }
0x248: {  	v34 =	vld [tilespmem:s13+$0x18640];
	v38 =	vmul.f32 v39, v6;
	v39 =	vmul.f32 v40, v7  }
0x249: {  	(xrf2) =	vadd.scan.msk.f32 $0xffff, v10;
	v10 =	vld [tilespmem:s13+$0x189B0];
	v40 =	vmul.f32 v41, v0;
	v41 =	vmul.f32 v43, v2  }
0x24a: {  	v16 =	vadd.f32 v16, v18;
	v18 =	vld [tilespmem:s13+$0x18780];
	v43 =	vmul.f32 v44, v3;
	v44 =	vmul.f32 v45, v4  }
0x24b: {  	v30 =	vld [tilespmem:s13+$0x18600];
	v45 =	vmul.f32 v51, v2;
	v51 =	vmul.f32 v47, v6  }
0x24c: {  	v29 =	vld [tilespmem:s13+$0x18620];
	v11 =	vadd.f32 v11, v13;
	v13 =	vadd.f32 v63, v62;
	v62 =	vmul.f32 v46, v5  }
0x24d: {  	v36 =	vadd.f32 v36, v35;
	v35 =	vld [tilespmem:s13+$0x18670];
	v63 =	vmul.f32 v49, v0;
	v46 =	vmul.f32 v50, v1  }
0x24e: {  	v47 =	vld [tilespmem:s13+$0x18710];
	v17 =	vadd.f32 v17, v21;
	v49 =	vmul.f32 v52, v3;
	v50 =	vmul.f32 v53, v4  }
0x24f: {  	v21 =	vld [tilespmem:s13+$0x187B0];
	v12 =	vadd.f32 v12, v14;
	v52 =	vmul.f32 v54, v5;
	v53 =	vmul.f32 v48, v7  }
0x250: {  	v14 =	vadd.f32 v37, v36;
	v36 =	vld [tilespmem:s13+$0x18680];
	v54 =	vmul.f32 v55, v6;
	v55 =	vmul.f32 v56, v7  }
0x251: {  	v37 =	vld [tilespmem:s13+$0x18700];
	v56 =	vmul.f32 v57, v0;
	v57 =	vmul.f32 v58, v1  }
0x252: {  	v58 =	vmul.f32 v59, v2;
	v59 =	vmul.f32 v60, v3;
	v48 =	vld [tilespmem:s13+$0x18750]  }
0x253: {  	v60 =	vmul.f32 v61, v4;
	v61 =	vmul.f32 v22, v4;
	v22 =	vld [tilespmem:s13+$0x18760]  }
0x254: {  	(xrf2) =	vadd.scan.msk.f32 $0xffff, v9;
	v9 =	vld [tilespmem:s13+$0x189C0]  }
0x255: {  	v32 =	vmul.f32 v32, v7;
	v11 =	vadd.f32 v31, v11;
	v31 =	vld [tilespmem:s13+$0x18650]  }
0x256: {  	v13 =	vadd.f32 v38, v13;
	v38 =	vld [tilespmem:s13+$0x18690]  }
0x257: {  	v12 =	vadd.f32 v32, v12;
	v32 =	vadd.f32 v41, v40;
	v40 =	vld [tilespmem:s13+$0x186A0]  }
0x258: {  	v14 =	vadd.f32 v39, v14;
	v39 =	vld [tilespmem:s13+$0x186C0]  }
0x259: {  	v42 =	vmul.f32 v42, v1;
	v33 =	vadd.f32 v49, v46;
	v46 =	vld [tilespmem:s13+$0x186E0]  }
0x25a: {  	v19 =	vmul.f32 v19, v5;
	v20 =	vmul.f32 v20, v7;
	v49 =	vld [tilespmem:s13+$0x18720]  }
0x25b: {  	v15 =	vmul.f32 v15, v6;
	v23 =	vmul.f32 v23, v3;
	v41 =	vld [tilespmem:s13+$0x18740];
	v12 =	vadd.f32 v12, v11  }
0x25c: {  	v24 =	vmul.f32 v24, v6;
	v11 =	vadd.f32 v14, v13;
	v13 =	vadd.f32 v43, v42;
	v42 =	vld [tilespmem:s13+$0x186B0]  }
0x25d: {  	v10 =	vmul.f32 v10, v3;
	v16 =	vadd.f32 v61, v16;
	v32 =	vadd.f32 v44, v32;
	v44 =	vld [tilespmem:s13+$0x186D0]  }
0x25e: {  	v18 =	vmul.f32 v18, v0;
	v35 =	vmul.f32 v35, v7;
	v14 =	vadd.f32 v45, v63;
	v43 =	vld [tilespmem:s13+$0x186F0]  }
0x25f: {  	v33 =	vadd.f32 v52, v33;
	v63 =	vmul.f32 v26, v6;
	v52 =	vmul.f32 v27, v1;
	v27 =	vld [tilespmem:s13+$0x187D0]  }
0x260: {  	v45 =	vadd.f32 v59, v57;
	v57 =	vld [tilespmem:s13+$0x187F0];
	v21 =	vmul.f32 v21, v3;
	v22 =	vmul.f32 v22, v6  }
0x261: {  	v9 =	vmul.f32 v9, v4;
	v13 =	vadd.f32 v62, v13;
	v14 =	vadd.f32 v50, v14;
	v50 =	vld [tilespmem:s13+$0x18730]  }
0x262: {  	v32 =	vadd.f32 v51, v32;
	v33 =	vadd.f32 v55, v33;
	v62 =	vmul.f32 v25, v5;
	v25 =	vld [tilespmem:s13+$0x18770]  }
0x263: {  	v19 =	vadd.f32 v19, v45;
	v45 =	vmul.f32 v30, v0;
	v51 =	vmul.f32 v29, v2;
	v29 =	vld [tilespmem:s13+$0x187C0]  }
0x264: {  	v16 =	vadd.f32 v63, v16;
	v55 =	vmul.f32 v36, v0;
	v36 =	vld [tilespmem:s13+$0x18800];
	v63 =	vmul.f32 v46, v6  }
0x265: {  	v30 =	vld [tilespmem:s13+$0x18850];
	(xrf2) =	vadd.scan.msk.f32 $0xffff, v12;
	v46 =	vmul.f32 v47, v1;
	v47 =	vmul.f32 v49, v2;
	v13 =	vadd.f32 v53, v13  }
0x266: {  	(xrf2) =	vadd.scan.msk.f32 $0xffff, v11;
	v11 =	vld [tilespmem:s13+$0x189E0];
	v14 =	vadd.f32 v54, v14;
	v53 =	vmul.f32 v34, v4;
	v54 =	vmul.f32 v31, v5  }
0x267: {  	v19 =	vadd.f32 v20, v19;
	v20 =	vld [tilespmem:s13+$0x187A0];
	v59 =	vmul.f32 v42, v3;
	v61 =	vmul.f32 v44, v5  }
0x268: {  	v17 =	vadd.f32 v62, v17;
	v31 =	vld [tilespmem:s13+$0x187E0];
	v44 =	vmul.f32 v43, v7;
	v27 =	vmul.f32 v27, v5  }
0x269: {  	v62 =	vld [tilespmem:s13+$0x18820];
	v57 =	vmul.f32 v57, v7;
	v13 =	vadd.f32 v13, v32;
	v14 =	vadd.f32 v33, v14  }
0x26a: {  	v34 =	vld [tilespmem:s13+$0x18840];
	v32 =	vadd.f32 v58, v56;
	v33 =	vmul.f32 v28, v7;
	v56 =	vmul.f32 v40, v2  }
0x26b: {  	v28 =	vld [tilespmem:s13+$0x18790];
	v58 =	vmul.f32 v38, v1;
	v49 =	vmul.f32 v50, v3  }
0x26c: {  	v50 =	vmul.f32 v41, v4;
	v32 =	vadd.f32 v60, v32;
	v60 =	vmul.f32 v39, v4;
	v39 =	vld [tilespmem:s13+$0x18830]  }
0x26d: {  	v25 =	vmul.f32 v25, v7;
	v17 =	vadd.f32 v33, v17;
	v26 =	vadd.f32 v59, v58;
	v59 =	vld [tilespmem:s13+$0x188F0]  }
0x26e: {  	v30 =	vmul.f32 v30, v5;
	v11 =	vmul.f32 v11, v6;
	v15 =	vadd.f32 v15, v32;
	v32 =	vld [tilespmem:s13+$0x18810]  }
0x26f: {  	v20 =	vmul.f32 v20, v2;
	v16 =	vadd.f32 v17, v16;
	v17 =	vadd.f32 v23, v52;
	v52 =	vld [tilespmem:s13+$0x18880]  }
0x270: {  	v62 =	vmul.f32 v62, v2;
	v23 =	vadd.f32 v56, v55;
	v42 =	vadd.f32 v61, v26;
	v26 =	vld [tilespmem:s13+$0x18890]  }
0x271: {  	v28 =	vmul.f32 v28, v1;
	v18 =	vadd.f32 v20, v18;
	v20 =	vld [tilespmem:s13+$0x188D0];
	v15 =	vadd.f32 v19, v15  }
0x272: {  	v19 =	vadd.f32 v51, v45;
	v17 =	vadd.f32 v54, v17;
	v45 =	vmul.f32 v37, v0;
	v37 =	vld [tilespmem:s13+$0x18860]  }
0x273: {  	v23 =	vadd.f32 v60, v23;
	v51 =	vmul.f32 v48, v5;
	v60 =	vld [tilespmem:s13+$0x18900];
	v21 =	vadd.f32 v21, v28  }
0x274: {  	v54 =	vmul.f32 v29, v4;
	v48 =	vld [tilespmem:s13+$0x18930];
	v19 =	vadd.f32 v53, v19;
	v17 =	vadd.f32 v35, v17  }
0x275: {  	v56 =	vmul.f32 v31, v6;
	v28 =	vld [tilespmem:s13+$0x188C0];
	v23 =	vadd.f32 v63, v23;
	v35 =	vadd.f32 v49, v46  }
0x276: {  	v61 =	vmul.f32 v36, v0;
	v53 =	vld [tilespmem:s13+$0x188A0];
	v18 =	vadd.f32 v54, v18;
	v21 =	vadd.f32 v27, v21  }
0x277: {  	v63 =	vld [tilespmem:s13+$0x18910];
	v52 =	vmul.f32 v52, v0;
	v19 =	vadd.f32 v24, v19;
	v24 =	vadd.f32 v44, v42  }
0x278: {  	v46 =	vld [tilespmem:s13+$0x18920];
	v26 =	vmul.f32 v26, v1;
	v55 =	vadd.f32 v51, v35;
	v18 =	vadd.f32 v56, v18  }
0x279: {  	v54 =	vld [tilespmem:s13+$0x18950];
	v44 =	vmul.f32 v32, v1;
	v20 =	vmul.f32 v20, v5;
	v21 =	vadd.f32 v57, v21  }
0x27a: {  	v42 =	vld [tilespmem:s13+$0x18870];
	v49 =	vmul.f32 v37, v6;
	v60 =	vmul.f32 v60, v0;
	v17 =	vadd.f32 v17, v19  }
0x27b: {  	v51 =	vld [tilespmem:s13+$0x18940];
	v19 =	vadd.f32 v47, v45;
	v45 =	vmul.f32 v39, v3;
	v47 =	vmul.f32 v34, v4  }
0x27c: {  	v56 =	vld [tilespmem:s13+$0x18970];
	v58 =	vadd.f32 v25, v55;
	v28 =	vmul.f32 v28, v4;
	v25 =	vmul.f32 v59, v7  }
0x27d: {  	v23 =	vadd.f32 v24, v23;
	v24 =	vld [tilespmem:s13+$0x188B0];
	v34 =	vmul.f32 v48, v3;
	v53 =	vmul.f32 v53, v2  }
0x27e: {  	v59 =	vld [tilespmem:s13+$0x18990];
	v18 =	vadd.f32 v21, v18;
	v63 =	vmul.f32 v63, v1;
	v38 =	vmul.f32 v54, v5  }
0x27f: {  	v39 =	vld [tilespmem:s13+$0x189D0];
	v19 =	vadd.f32 v50, v19;
	v21 =	vadd.f32 v45, v44;
	v50 =	vmul.f32 v42, v7  }
0x280: {  	v33 =	vld [tilespmem:s13+$0x188E0];
	v29 =	vadd.f32 v53, v52;
	v36 =	vmul.f32 v51, v4;
	v37 =	vadd.f32 v34, v63  }
0x281: {  	v57 =	vld [tilespmem:s13+$0x18980];
	v45 =	vmul.f32 v56, v7;
	v51 =	vor.u32 $0x4, v8;
	v19 =	vadd.f32 v22, v19  }
0x282: {  	v22 =	vadd.f32 v62, v61;
	v21 =	vadd.f32 v30, v21;
	v61 =	vmul.f32 v46, v2;
	v62 =	vld [tilespmem:s13+$0x189A0]  }
0x283: {  	v24 =	vmul.f32 v24, v3;
	v28 =	vadd.f32 v28, v29;
	v43 =	vmul.f32 v59, v1  }
0x284: {  	v55 =	vld [tilespmem:s13+$0x18960];
	v12 =	vmul.f32 v39, v5;
	v19 =	vadd.f32 v58, v19;
	v22 =	vadd.f32 v47, v22  }
0x285: {  	v42 =	vld [tilespmem:s13+$0x189F0];
	v21 =	vadd.f32 v50, v21;
	v58 =	vmul.f32 v33, v6;
	v24 =	vadd.f32 v24, v26  }
0x286: {  	v26 =	vmul.f32 v57, v0;
	v10 =	vadd.f32 v10, v43;
	v22 =	vadd.f32 v49, v22  }
0x287: {  	(xrf2) =	vadd.scan.msk.f32 $0xffff, v13;
	v28 =	vadd.f32 v58, v28;
	v20 =	vadd.f32 v20, v24;
	v41 =	vmul.f32 v62, v2  }
0x288: {  	(xrf2) =	vadd.scan.msk.f32 $0xffff, v14;
	v46 =	vor.u32 $0x1, v8;
	v24 =	vadd.f32 v61, v60;
	v10 =	vadd.f32 v12, v10  }
0x289: {  	(xrf2) =	vadd.scan.msk.f32 $0xffff, v15;
	v40 =	vmul.f32 v55, v6;
	v21 =	vadd.f32 v21, v22;
	v44 =	vadd.f32 v41, v26  }
0x28a: {  	(xrf2) =	vadd.scan.msk.f32 $0xffff, v16;
	v48 =	vmul.f32 v42, v7;
	v22 =	vadd.f32 v38, v37;
	v20 =	vadd.f32 v25, v20  }
0x28b: {  	(xrf2) =	vadd.scan.msk.f32 $0xffff, v17;
	v47 =	vor.u32 $0x2, v8;
	v24 =	vadd.f32 v36, v24;
	v9 =	vadd.f32 v9, v44  }
0x28c: {  	(xrf2) =	vadd.scan.msk.f32 $0xffff, v23;
	v49 =	vor.u32 $0x3, v8;
	v10 =	vadd.f32 v48, v10;
	v50 =	vadd.f32 v45, v22  }
0x28d: {  	v52 =	vor.u32 $0x5, v8;
	v24 =	vadd.f32 v40, v24;
	v9 =	vadd.f32 v11, v9;
	v11, _, _ =	vpop (xrf2);
	(xrf2) =	vadd.scan.msk.f32 $0xffff, v19  }
0x28e: {  	v53 =	vor.u32 $0x6, v8;
	v20 =	vadd.f32 v20, v28;
	[tilespmem:v8+s16+$0x0] =	vst.idx.msk vm0, v11;
	v11, _, _ =	vpop (xrf2);
	(xrf2) =	vadd.scan.msk.f32 $0xffff, v18  }
0x28f: {  	v16 =	vadd.f32 v50, v24;
	[tilespmem:v46+s16+$0x0] =	vst.idx.msk vm0, v11;
	v11, _, _ =	vpop (xrf2);
	(xrf2) =	vadd.scan.msk.f32 $0xffff, v21;
	v9 =	vadd.f32 v10, v9  }
0x290: {  	[tilespmem:v47+s16+$0x0] =	vst.idx.msk vm0, v11;
	v10, _, _ =	vpop (xrf2);
	v11 =	vor.u32 $0x7, v8;
	(xrf2) =	vadd.scan.msk.f32 $0xffff, v20  }
0x291: {  	v54 =	vor.u32 $0x8, v8;
	[tilespmem:v49+s16+$0x0] =	vst.idx.msk vm0, v10;
	v10, _, _ =	vpop (xrf2);
	(xrf2) =	vadd.scan.msk.f32 $0xffff, v16  }
0x292: {  	v55 =	vor.u32 $0x9, v8;
	[tilespmem:v51+s16+$0x0] =	vst.idx.msk vm0, v10;
	v10, _, _ =	vpop (xrf2);
	(xrf2) =	vadd.scan.msk.f32 $0xffff, v9  }
0x293: {  	v9, _, _ =	vpop (xrf2);
	[tilespmem:v52+s16+$0x0] =	vst.idx.msk vm0, v10;
	v10 =	vor.u32 $0xA, v8  }
0x294: {  	v56, _, _ =	vpop (xrf2);
	[tilespmem:v53+s16+$0x0] =	vst.idx.msk vm0, v9;
	v9 =	vor.u32 $0xB, v8  }
0x295: {  	v57, _, _ =	vpop (xrf2);
	[tilespmem:v11+s16+$0x0] =	vst.idx.msk vm0, v56;
	v11 =	vor.u32 $0xC, v8  }
0x296: {  	v59 =	vor.u32 $0xD, v8;
	v58, _, _ =	vpop (xrf2);
	[tilespmem:v54+s16+$0x0] =	vst.idx.msk vm0, v57  }
0x297: {  	v61 =	vor.u32 $0xE, v8;
	v60, _, _ =	vpop (xrf2);
	[tilespmem:v55+s16+$0x0] =	vst.idx.msk vm0, v58  }
0x298: {  	p3 =	sne.s32 s10, $0x6000;
	v62, _, _ =	vpop (xrf2);
	[tilespmem:v10+s16+$0x0] =	vst.idx.msk vm0, v60;
	v10 =	vor.u32 $0xF, v8  }
.Ltmp6:
0x299: {  	v63, _, _ =	vpop (xrf2);
	[tilespmem:v9+s16+$0x0] =	vst.idx.msk vm0, v62;
	(pc) =	sbr.rel @p3 .LBB2_8-.Ltmp6, $4  }
0x29a: {  	v9, _, _ =	vpop (xrf2);
	[tilespmem:v11+s16+$0x0] =	vst.idx.msk vm0, v63  }
0x29b: {  	v11, _, _ =	vpop (xrf2);
	[tilespmem:v59+s16+$0x0] =	vst.idx.msk vm0, v9  }
0x29c: {  	[tilespmem:v61+s16+$0x0] =	vst.idx.msk vm0, v11;
	v9, _, _ =	vpop (xrf2)  }
0x29d: {  	s10 =	sadd.s32 $0x2000, s10;
	v8 =	vadd.s32 $0x10, v8;
	[tilespmem:v10+s16+$0x0] =	vst.idx.msk vm0, v9  }
0x29e: {  	s8 =	sadd.s32 s29, s8  }
0x29f: {  	s8 =	sshll.u32 s8, $0x3  }
0x2a0: {  	s8 =	sand.u32 $0x1FFFFFF0, s8  }
0x2a1: {  	s8 =	sadd.s32 s9, s8  }
0x2a2: {  	[hbm4b:s8+s5] =	stream.linear.scatter [tilespmem:s16], [sflag:$0x9], $0x40, $0x38;
	[tilespmem:$0x1C400] =	vst v63  }
0x2a3: {  	s7 =	sadd.s32 @!p2 $0x380, s7;
	s10 =	simm.s32 @!p2 $0x18200;
	s8 =	simm.s32 @!p2 $0x40  }
0x2a4: {  	[tilespmem:s10], [sflag:$0x5] =	stream.indirect.gather @!p2 [hbm4b:s4+s8], $0x80, s7, s8, $0xb8;
	[tilespmem:$0x1C400] =	vst v63  }
0x2a5: {  	_ =	swait.ge [sflag:s17], $0x2000  }
0x2a6: {  	[sflag:s17] =	ssyncset.done $0x0  }
0x2a7: {  	s7 =	simm.s32 @!p1 $0xA;
	[sflag:s17] =	ssyncadd.s32 $0xFFFFE000  }
0x2a8: {  	_ =	swait.ge @!p1 [sflag:s7], $0x40  }
0x2a9: {  	s3 =	sor.u32 $0x3, s3;
	[sflag:s7] =	ssyncset.done @!p1 $0x0  }
0x2aa: {  	s13 =	sshll.u32 s3, $0x7;
	[sflag:s7] =	ssyncadd.s32 @!p1 $0xFFFFFFC0  }
0x2ab: {  	v0 =	vld [tilespmem:s13+$0x4200]  }
0x2ac: {  	v1 =	vld [tilespmem:s13+$0x4210]  }
0x2ad: {  	v2 =	vld [tilespmem:s13+$0x4220]  }
0x2ae: {  	v3 =	vld [tilespmem:s13+$0x4230]  }
0x2af: {  	v4 =	vld [tilespmem:s13+$0x4240]  }
0x2b0: {  	v5 =	vld [tilespmem:s13+$0x4250]  }
0x2b1: {  	v6 =	vld [tilespmem:s13+$0x4260]  }
0x2b2: {  	v7 =	vld [tilespmem:s13+$0x4270]  }
0x2b3: {  	v8 =	vld [tilespmem:s13+$0xC200]  }
0x2b4: {  	v9 =	vld [tilespmem:s13+$0xC210]  }
0x2b5: {  	v10 =	vld [tilespmem:s13+$0xC220]  }
0x2b6: {  	v11 =	vld [tilespmem:s13+$0xC230]  }
0x2b7: {  	v12 =	vld [tilespmem:s13+$0xC240]  }
0x2b8: {  	v13 =	vld [tilespmem:s13+$0xC250]  }
0x2b9: {  	v14 =	vld [tilespmem:s13+$0xC260]  }
0x2ba: {  	v15 =	vld [tilespmem:s13+$0xC270];
	v8 =	vmul.f32 v8, v0;
	v10 =	vmul.f32 v10, v2  }
0x2bb: {  	v9 =	vmul.f32 v9, v1;
	v11 =	vmul.f32 v11, v3  }
0x2bc: {  	v8 =	vadd.f32 v10, v8;
	v10 =	vmul.f32 v12, v4  }
0x2bd: {  	v9 =	vadd.f32 v11, v9;
	v11 =	vmul.f32 v13, v5  }
0x2be: {  	v8 =	vadd.f32 v10, v8  }
0x2bf: {  	v9 =	vadd.f32 v11, v9;
	v10 =	vmul.f32 v14, v6;
	v11 =	vmul.f32 v15, v7;
	_ =	sdelay $0x1  }
0x2c0: {  	v8 =	vadd.f32 v10, v8;
	v9 =	vadd.f32 v11, v9;
	_ =	sdelay $0x1  }
0x2c1: {  	v8 =	vadd.f32 v9, v8;
	_ =	sdelay $0x1  }
0x2c2: {  	(xrf2) =	vadd.scan.msk.f32 $0xffff, v8;
	_ =	sdelay $0x5  }
0x2c3: {  	v8 =	vmov s3;
	_ =	sdelay $0x3  }
0x2c4: {  	v9, _, _ =	vpop (xrf2)  }
0x2c5: {  	s7 =	simm.s32 $0x0;
	[tilespmem:v8+s6+$0x0] =	vst.idx.msk vm0, v9;
	v8 =	vimm.s32 $0x0  }
.LBB2_10:
0x2c6: {  	s8 =	sshra.s32 s7, $0x2  }
0x2c7: {  	v9 =	vld [tilespmem:s8+$0x1A200]  }
0x2c8: {  	v10 =	vld [tilespmem:s8+$0x1A210]  }
0x2c9: {  	v11 =	vld [tilespmem:s8+$0x1A220]  }
0x2ca: {  	v12 =	vld [tilespmem:s8+$0x1A230]  }
0x2cb: {  	v13 =	vld [tilespmem:s8+$0x1A240]  }
0x2cc: {  	v14 =	vld [tilespmem:s8+$0x1A250]  }
0x2cd: {  	v16 =	vld [tilespmem:s8+$0x1A260]  }
0x2ce: {  	v17 =	vld [tilespmem:s8+$0x1A270]  }
0x2cf: {  	v15 =	vld [tilespmem:s8+$0x1A280]  }
0x2d0: {  	v18 =	vld [tilespmem:s8+$0x1A290]  }
0x2d1: {  	v19 =	vld [tilespmem:s8+$0x1A2A0]  }
0x2d2: {  	v20 =	vld [tilespmem:s8+$0x1A2B0]  }
0x2d3: {  	v21 =	vld [tilespmem:s8+$0x1A2C0]  }
0x2d4: {  	v22 =	vld [tilespmem:s8+$0x1A2D0]  }
0x2d5: {  	v23 =	vld [tilespmem:s8+$0x1A2E0]  }
0x2d6: {  	v24 =	vld [tilespmem:s8+$0x1A2F0]  }
0x2d7: {  	v25 =	vld [tilespmem:s8+$0x1A300]  }
0x2d8: {  	v26 =	vld [tilespmem:s8+$0x1A310]  }
0x2d9: {  	v27 =	vld [tilespmem:s8+$0x1A320]  }
0x2da: {  	v28 =	vld [tilespmem:s8+$0x1A330]  }
0x2db: {  	v29 =	vld [tilespmem:s8+$0x1A340]  }
0x2dc: {  	v30 =	vld [tilespmem:s8+$0x1A350]  }
0x2dd: {  	v31 =	vld [tilespmem:s8+$0x1A360]  }
0x2de: {  	v32 =	vld [tilespmem:s8+$0x1A370]  }
0x2df: {  	v33 =	vld [tilespmem:s8+$0x1A380]  }
0x2e0: {  	v34 =	vld [tilespmem:s8+$0x1A390]  }
0x2e1: {  	v35 =	vld [tilespmem:s8+$0x1A3A0]  }
0x2e2: {  	v36 =	vld [tilespmem:s8+$0x1A3B0]  }
0x2e3: {  	v37 =	vld [tilespmem:s8+$0x1A3C0]  }
0x2e4: {  	v38 =	vld [tilespmem:s8+$0x1A3D0]  }
0x2e5: {  	v39 =	vld [tilespmem:s8+$0x1A3E0]  }
0x2e6: {  	v40 =	vld [tilespmem:s8+$0x1A3F0]  }
0x2e7: {  	v41 =	vld [tilespmem:s8+$0x1A400]  }
0x2e8: {  	v42 =	vld [tilespmem:s8+$0x1A410]  }
0x2e9: {  	v43 =	vld [tilespmem:s8+$0x1A420]  }
0x2ea: {  	v44 =	vld [tilespmem:s8+$0x1A430]  }
0x2eb: {  	v45 =	vld [tilespmem:s8+$0x1A440]  }
0x2ec: {  	v46 =	vld [tilespmem:s8+$0x1A450]  }
0x2ed: {  	v47 =	vld [tilespmem:s8+$0x1A460]  }
0x2ee: {  	v48 =	vld [tilespmem:s8+$0x1A470]  }
0x2ef: {  	v49 =	vld [tilespmem:s8+$0x1A480]  }
0x2f0: {  	v50 =	vld [tilespmem:s8+$0x1A490]  }
0x2f1: {  	v51 =	vld [tilespmem:s8+$0x1A4A0]  }
0x2f2: {  	v52 =	vld [tilespmem:s8+$0x1A4B0]  }
0x2f3: {  	v53 =	vld [tilespmem:s8+$0x1A4C0]  }
0x2f4: {  	v54 =	vld [tilespmem:s8+$0x1A4D0]  }
0x2f5: {  	v55 =	vld [tilespmem:s8+$0x1A4E0]  }
0x2f6: {  	v56 =	vld [tilespmem:s8+$0x1A4F0]  }
0x2f7: {  	v57 =	vld [tilespmem:s8+$0x1A500]  }
0x2f8: {  	v58 =	vld [tilespmem:s8+$0x1A510];
	v9 =	vmul.f32 v9, v0;
	v11 =	vmul.f32 v11, v2  }
0x2f9: {  	v59 =	vld [tilespmem:s8+$0x1A520];
	v10 =	vmul.f32 v10, v1;
	v12 =	vmul.f32 v12, v3  }
0x2fa: {  	v60 =	vld [tilespmem:s8+$0x1A530];
	v63 =	vmul.f32 v19, v2;
	v62 =	vmul.f32 v20, v3  }
0x2fb: {  	v61 =	vld [tilespmem:s8+$0x1A540];
	v17 =	vmul.f32 v17, v7;
	v36 =	vmul.f32 v36, v3  }
0x2fc: {  	v19 =	vld [tilespmem:s8+$0x1A550];
	v9 =	vadd.f32 v11, v9;
	v11 =	vmul.f32 v13, v4;
	v13 =	vmul.f32 v14, v5  }
0x2fd: {  	v10 =	vadd.f32 v12, v10;
	v12 =	vmul.f32 v15, v0;
	v14 =	vmul.f32 v16, v6;
	v16 =	vld [tilespmem:s8+$0x1A5A0]  }
0x2fe: {  	v20 =	vld [tilespmem:s8+$0x1A570];
	v31 =	vmul.f32 v31, v6;
	v9 =	vadd.f32 v11, v9;
	v11 =	vmul.f32 v18, v1  }
0x2ff: {  	v10 =	vadd.f32 v13, v10;
	v12 =	vadd.f32 v63, v12;
	v63 =	vmul.f32 v21, v4;
	v18 =	vld [tilespmem:s8+$0x1A580]  }
0x300: {  	v21 =	vld [tilespmem:s8+$0x1A590];
	v13 =	vmul.f32 v25, v0;
	v11 =	vadd.f32 v62, v11;
	v62 =	vmul.f32 v22, v5  }
0x301: {  	v15 =	vld [tilespmem:s8+$0x1A560];
	v12 =	vadd.f32 v63, v12;
	v63 =	vmul.f32 v23, v6;
	v9 =	vadd.f32 v14, v9  }
0x302: {  	v10 =	vadd.f32 v17, v10;
	v17 =	vld [tilespmem:s8+$0x1A5B0];
	v14 =	vmul.f32 v26, v1;
	v16 =	vmul.f32 v16, v2  }
0x303: {  	v25 =	vld [tilespmem:s8+$0x1A5D0];
	v11 =	vadd.f32 v62, v11;
	v62 =	vmul.f32 v24, v7;
	v12 =	vadd.f32 v63, v12  }
0x304: {  	v22 =	vld [tilespmem:s8+$0x1A5C0];
	v10 =	vadd.f32 v10, v9;
	v63 =	vmul.f32 v27, v2;
	v18 =	vmul.f32 v18, v0  }
0x305: {  	v26 =	vld [tilespmem:s8+$0x1A5E0];
	v21 =	vmul.f32 v21, v1;
	v11 =	vadd.f32 v62, v11;
	v62 =	vmul.f32 v28, v3  }
0x306: {  	v23 =	vld [tilespmem:s8+$0x1A630];
	v13 =	vadd.f32 v63, v13;
	v63 =	vmul.f32 v33, v0;
	v33 =	vmul.f32 v35, v2  }
0x307: {  	v27 =	vld [tilespmem:s8+$0x1A610];
	v35 =	vmul.f32 v34, v1;
	v17 =	vmul.f32 v17, v3;
	v9 =	vadd.f32 v11, v12  }
0x308: {  	v24 =	vld [tilespmem:s8+$0x1A660];
	v11 =	vmul.f32 v29, v4;
	v12 =	vmul.f32 v30, v5;
	v14 =	vadd.f32 v62, v14  }
0x309: {  	v28 =	vld [tilespmem:s8+$0x1A5F0];
	v62 =	vadd.f32 v33, v63;
	v63 =	vmul.f32 v37, v4;
	v37 =	vmul.f32 v38, v5  }
0x30a: {  	v34 =	vld [tilespmem:s8+$0x1A640];
	v38 =	vmul.f32 v39, v6;
	v39 =	vmul.f32 v40, v7  }
0x30b: {  	(xrf2) =	vadd.scan.msk.f32 $0xffff, v10;
	v10 =	vld [tilespmem:s8+$0x1A9B0];
	v40 =	vmul.f32 v41, v0;
	v41 =	vmul.f32 v43, v2  }
0x30c: {  	v16 =	vadd.f32 v16, v18;
	v18 =	vld [tilespmem:s8+$0x1A780];
	v43 =	vmul.f32 v44, v3;
	v44 =	vmul.f32 v45, v4  }
0x30d: {  	v30 =	vld [tilespmem:s8+$0x1A600];
	v45 =	vmul.f32 v51, v2;
	v51 =	vmul.f32 v47, v6  }
0x30e: {  	v29 =	vld [tilespmem:s8+$0x1A620];
	v11 =	vadd.f32 v11, v13;
	v13 =	vadd.f32 v63, v62;
	v62 =	vmul.f32 v46, v5  }
0x30f: {  	v36 =	vadd.f32 v36, v35;
	v35 =	vld [tilespmem:s8+$0x1A670];
	v63 =	vmul.f32 v49, v0;
	v46 =	vmul.f32 v50, v1  }
0x310: {  	v47 =	vld [tilespmem:s8+$0x1A710];
	v17 =	vadd.f32 v17, v21;
	v49 =	vmul.f32 v52, v3;
	v50 =	vmul.f32 v53, v4  }
0x311: {  	v21 =	vld [tilespmem:s8+$0x1A7B0];
	v12 =	vadd.f32 v12, v14;
	v52 =	vmul.f32 v54, v5;
	v53 =	vmul.f32 v48, v7  }
0x312: {  	v14 =	vadd.f32 v37, v36;
	v36 =	vld [tilespmem:s8+$0x1A680];
	v54 =	vmul.f32 v55, v6;
	v55 =	vmul.f32 v56, v7  }
0x313: {  	v37 =	vld [tilespmem:s8+$0x1A700];
	v56 =	vmul.f32 v57, v0;
	v57 =	vmul.f32 v58, v1  }
0x314: {  	v58 =	vmul.f32 v59, v2;
	v59 =	vmul.f32 v60, v3;
	v48 =	vld [tilespmem:s8+$0x1A750]  }
0x315: {  	v60 =	vmul.f32 v61, v4;
	v61 =	vmul.f32 v22, v4;
	v22 =	vld [tilespmem:s8+$0x1A760]  }
0x316: {  	(xrf2) =	vadd.scan.msk.f32 $0xffff, v9;
	v9 =	vld [tilespmem:s8+$0x1A9C0]  }
0x317: {  	v32 =	vmul.f32 v32, v7;
	v11 =	vadd.f32 v31, v11;
	v31 =	vld [tilespmem:s8+$0x1A650]  }
0x318: {  	v13 =	vadd.f32 v38, v13;
	v38 =	vld [tilespmem:s8+$0x1A690]  }
0x319: {  	v12 =	vadd.f32 v32, v12;
	v32 =	vadd.f32 v41, v40;
	v40 =	vld [tilespmem:s8+$0x1A6A0]  }
0x31a: {  	v14 =	vadd.f32 v39, v14;
	v39 =	vld [tilespmem:s8+$0x1A6C0]  }
0x31b: {  	v42 =	vmul.f32 v42, v1;
	v33 =	vadd.f32 v49, v46;
	v46 =	vld [tilespmem:s8+$0x1A6E0]  }
0x31c: {  	v19 =	vmul.f32 v19, v5;
	v20 =	vmul.f32 v20, v7;
	v49 =	vld [tilespmem:s8+$0x1A720]  }
0x31d: {  	v15 =	vmul.f32 v15, v6;
	v23 =	vmul.f32 v23, v3;
	v41 =	vld [tilespmem:s8+$0x1A740];
	v12 =	vadd.f32 v12, v11  }
0x31e: {  	v24 =	vmul.f32 v24, v6;
	v11 =	vadd.f32 v14, v13;
	v13 =	vadd.f32 v43, v42;
	v42 =	vld [tilespmem:s8+$0x1A6B0]  }
0x31f: {  	v10 =	vmul.f32 v10, v3;
	v16 =	vadd.f32 v61, v16;
	v32 =	vadd.f32 v44, v32;
	v44 =	vld [tilespmem:s8+$0x1A6D0]  }
0x320: {  	v18 =	vmul.f32 v18, v0;
	v35 =	vmul.f32 v35, v7;
	v14 =	vadd.f32 v45, v63;
	v43 =	vld [tilespmem:s8+$0x1A6F0]  }
0x321: {  	v33 =	vadd.f32 v52, v33;
	v63 =	vmul.f32 v26, v6;
	v52 =	vmul.f32 v27, v1;
	v27 =	vld [tilespmem:s8+$0x1A7D0]  }
0x322: {  	v45 =	vadd.f32 v59, v57;
	v57 =	vld [tilespmem:s8+$0x1A7F0];
	v21 =	vmul.f32 v21, v3;
	v22 =	vmul.f32 v22, v6  }
0x323: {  	v9 =	vmul.f32 v9, v4;
	v13 =	vadd.f32 v62, v13;
	v14 =	vadd.f32 v50, v14;
	v50 =	vld [tilespmem:s8+$0x1A730]  }
0x324: {  	v32 =	vadd.f32 v51, v32;
	v33 =	vadd.f32 v55, v33;
	v62 =	vmul.f32 v25, v5;
	v25 =	vld [tilespmem:s8+$0x1A770]  }
0x325: {  	v19 =	vadd.f32 v19, v45;
	v45 =	vmul.f32 v30, v0;
	v51 =	vmul.f32 v29, v2;
	v29 =	vld [tilespmem:s8+$0x1A7C0]  }
0x326: {  	v16 =	vadd.f32 v63, v16;
	v55 =	vmul.f32 v36, v0;
	v36 =	vld [tilespmem:s8+$0x1A800];
	v63 =	vmul.f32 v46, v6  }
0x327: {  	v30 =	vld [tilespmem:s8+$0x1A850];
	(xrf2) =	vadd.scan.msk.f32 $0xffff, v12;
	v46 =	vmul.f32 v47, v1;
	v47 =	vmul.f32 v49, v2;
	v13 =	vadd.f32 v53, v13  }
0x328: {  	(xrf2) =	vadd.scan.msk.f32 $0xffff, v11;
	v11 =	vld [tilespmem:s8+$0x1A9E0];
	v14 =	vadd.f32 v54, v14;
	v53 =	vmul.f32 v34, v4;
	v54 =	vmul.f32 v31, v5  }
0x329: {  	v19 =	vadd.f32 v20, v19;
	v20 =	vld [tilespmem:s8+$0x1A7A0];
	v59 =	vmul.f32 v42, v3;
	v61 =	vmul.f32 v44, v5  }
0x32a: {  	v17 =	vadd.f32 v62, v17;
	v31 =	vld [tilespmem:s8+$0x1A7E0];
	v44 =	vmul.f32 v43, v7;
	v27 =	vmul.f32 v27, v5  }
0x32b: {  	v62 =	vld [tilespmem:s8+$0x1A820];
	v57 =	vmul.f32 v57, v7;
	v13 =	vadd.f32 v13, v32;
	v14 =	vadd.f32 v33, v14  }
0x32c: {  	v34 =	vld [tilespmem:s8+$0x1A840];
	v32 =	vadd.f32 v58, v56;
	v33 =	vmul.f32 v28, v7;
	v56 =	vmul.f32 v40, v2  }
0x32d: {  	v28 =	vld [tilespmem:s8+$0x1A790];
	v58 =	vmul.f32 v38, v1;
	v49 =	vmul.f32 v50, v3  }
0x32e: {  	v50 =	vmul.f32 v41, v4;
	v32 =	vadd.f32 v60, v32;
	v60 =	vmul.f32 v39, v4;
	v39 =	vld [tilespmem:s8+$0x1A830]  }
0x32f: {  	v25 =	vmul.f32 v25, v7;
	v17 =	vadd.f32 v33, v17;
	v26 =	vadd.f32 v59, v58;
	v59 =	vld [tilespmem:s8+$0x1A8F0]  }
0x330: {  	v30 =	vmul.f32 v30, v5;
	v11 =	vmul.f32 v11, v6;
	v15 =	vadd.f32 v15, v32;
	v32 =	vld [tilespmem:s8+$0x1A810]  }
0x331: {  	v20 =	vmul.f32 v20, v2;
	v16 =	vadd.f32 v17, v16;
	v17 =	vadd.f32 v23, v52;
	v52 =	vld [tilespmem:s8+$0x1A880]  }
0x332: {  	v62 =	vmul.f32 v62, v2;
	v23 =	vadd.f32 v56, v55;
	v42 =	vadd.f32 v61, v26;
	v26 =	vld [tilespmem:s8+$0x1A890]  }
0x333: {  	v28 =	vmul.f32 v28, v1;
	v18 =	vadd.f32 v20, v18;
	v20 =	vld [tilespmem:s8+$0x1A8D0];
	v15 =	vadd.f32 v19, v15  }
0x334: {  	v19 =	vadd.f32 v51, v45;
	v17 =	vadd.f32 v54, v17;
	v45 =	vmul.f32 v37, v0;
	v37 =	vld [tilespmem:s8+$0x1A860]  }
0x335: {  	v23 =	vadd.f32 v60, v23;
	v51 =	vmul.f32 v48, v5;
	v60 =	vld [tilespmem:s8+$0x1A900];
	v21 =	vadd.f32 v21, v28  }
0x336: {  	v54 =	vmul.f32 v29, v4;
	v48 =	vld [tilespmem:s8+$0x1A930];
	v19 =	vadd.f32 v53, v19;
	v17 =	vadd.f32 v35, v17  }
0x337: {  	v56 =	vmul.f32 v31, v6;
	v28 =	vld [tilespmem:s8+$0x1A8C0];
	v23 =	vadd.f32 v63, v23;
	v35 =	vadd.f32 v49, v46  }
0x338: {  	v61 =	vmul.f32 v36, v0;
	v53 =	vld [tilespmem:s8+$0x1A8A0];
	v18 =	vadd.f32 v54, v18;
	v21 =	vadd.f32 v27, v21  }
0x339: {  	v63 =	vld [tilespmem:s8+$0x1A910];
	v52 =	vmul.f32 v52, v0;
	v19 =	vadd.f32 v24, v19;
	v24 =	vadd.f32 v44, v42  }
0x33a: {  	v46 =	vld [tilespmem:s8+$0x1A920];
	v26 =	vmul.f32 v26, v1;
	v55 =	vadd.f32 v51, v35;
	v18 =	vadd.f32 v56, v18  }
0x33b: {  	v54 =	vld [tilespmem:s8+$0x1A950];
	v44 =	vmul.f32 v32, v1;
	v20 =	vmul.f32 v20, v5;
	v21 =	vadd.f32 v57, v21  }
0x33c: {  	v42 =	vld [tilespmem:s8+$0x1A870];
	v49 =	vmul.f32 v37, v6;
	v60 =	vmul.f32 v60, v0;
	v17 =	vadd.f32 v17, v19  }
0x33d: {  	v51 =	vld [tilespmem:s8+$0x1A940];
	v19 =	vadd.f32 v47, v45;
	v45 =	vmul.f32 v39, v3;
	v47 =	vmul.f32 v34, v4  }
0x33e: {  	v56 =	vld [tilespmem:s8+$0x1A970];
	v58 =	vadd.f32 v25, v55;
	v28 =	vmul.f32 v28, v4;
	v25 =	vmul.f32 v59, v7  }
0x33f: {  	v23 =	vadd.f32 v24, v23;
	v24 =	vld [tilespmem:s8+$0x1A8B0];
	v34 =	vmul.f32 v48, v3;
	v53 =	vmul.f32 v53, v2  }
0x340: {  	v59 =	vld [tilespmem:s8+$0x1A990];
	v18 =	vadd.f32 v21, v18;
	v63 =	vmul.f32 v63, v1;
	v38 =	vmul.f32 v54, v5  }
0x341: {  	v39 =	vld [tilespmem:s8+$0x1A9D0];
	v19 =	vadd.f32 v50, v19;
	v21 =	vadd.f32 v45, v44;
	v50 =	vmul.f32 v42, v7  }
0x342: {  	v33 =	vld [tilespmem:s8+$0x1A8E0];
	v29 =	vadd.f32 v53, v52;
	v36 =	vmul.f32 v51, v4;
	v37 =	vadd.f32 v34, v63  }
0x343: {  	v57 =	vld [tilespmem:s8+$0x1A980];
	v45 =	vmul.f32 v56, v7;
	v51 =	vor.u32 $0x4, v8;
	v19 =	vadd.f32 v22, v19  }
0x344: {  	v22 =	vadd.f32 v62, v61;
	v21 =	vadd.f32 v30, v21;
	v61 =	vmul.f32 v46, v2;
	v62 =	vld [tilespmem:s8+$0x1A9A0]  }
0x345: {  	v24 =	vmul.f32 v24, v3;
	v28 =	vadd.f32 v28, v29;
	v43 =	vmul.f32 v59, v1  }
0x346: {  	v55 =	vld [tilespmem:s8+$0x1A960];
	v12 =	vmul.f32 v39, v5;
	v19 =	vadd.f32 v58, v19;
	v22 =	vadd.f32 v47, v22  }
0x347: {  	v42 =	vld [tilespmem:s8+$0x1A9F0];
	v21 =	vadd.f32 v50, v21;
	v58 =	vmul.f32 v33, v6;
	v24 =	vadd.f32 v24, v26  }
0x348: {  	v26 =	vmul.f32 v57, v0;
	v10 =	vadd.f32 v10, v43;
	v22 =	vadd.f32 v49, v22  }
0x349: {  	(xrf2) =	vadd.scan.msk.f32 $0xffff, v13;
	v28 =	vadd.f32 v58, v28;
	v20 =	vadd.f32 v20, v24;
	v41 =	vmul.f32 v62, v2  }
0x34a: {  	(xrf2) =	vadd.scan.msk.f32 $0xffff, v14;
	v46 =	vor.u32 $0x1, v8;
	v24 =	vadd.f32 v61, v60;
	v10 =	vadd.f32 v12, v10  }
0x34b: {  	(xrf2) =	vadd.scan.msk.f32 $0xffff, v15;
	v40 =	vmul.f32 v55, v6;
	v21 =	vadd.f32 v21, v22;
	v44 =	vadd.f32 v41, v26  }
0x34c: {  	(xrf2) =	vadd.scan.msk.f32 $0xffff, v16;
	v48 =	vmul.f32 v42, v7;
	v22 =	vadd.f32 v38, v37;
	v20 =	vadd.f32 v25, v20  }
0x34d: {  	(xrf2) =	vadd.scan.msk.f32 $0xffff, v17;
	v47 =	vor.u32 $0x2, v8;
	v24 =	vadd.f32 v36, v24;
	v9 =	vadd.f32 v9, v44  }
0x34e: {  	(xrf2) =	vadd.scan.msk.f32 $0xffff, v23;
	v49 =	vor.u32 $0x3, v8;
	v10 =	vadd.f32 v48, v10;
	v50 =	vadd.f32 v45, v22  }
0x34f: {  	v52 =	vor.u32 $0x5, v8;
	v24 =	vadd.f32 v40, v24;
	v9 =	vadd.f32 v11, v9;
	v11, _, _ =	vpop (xrf2);
	(xrf2) =	vadd.scan.msk.f32 $0xffff, v19  }
0x350: {  	v53 =	vor.u32 $0x6, v8;
	v20 =	vadd.f32 v20, v28;
	[tilespmem:v8+s18+$0x0] =	vst.idx.msk vm0, v11;
	v11, _, _ =	vpop (xrf2);
	(xrf2) =	vadd.scan.msk.f32 $0xffff, v18  }
0x351: {  	v16 =	vadd.f32 v50, v24;
	[tilespmem:v46+s18+$0x0] =	vst.idx.msk vm0, v11;
	v11, _, _ =	vpop (xrf2);
	(xrf2) =	vadd.scan.msk.f32 $0xffff, v21;
	v9 =	vadd.f32 v10, v9  }
0x352: {  	[tilespmem:v47+s18+$0x0] =	vst.idx.msk vm0, v11;
	v10, _, _ =	vpop (xrf2);
	v11 =	vor.u32 $0x7, v8;
	(xrf2) =	vadd.scan.msk.f32 $0xffff, v20  }
0x353: {  	v54 =	vor.u32 $0x8, v8;
	[tilespmem:v49+s18+$0x0] =	vst.idx.msk vm0, v10;
	v10, _, _ =	vpop (xrf2);
	(xrf2) =	vadd.scan.msk.f32 $0xffff, v16  }
0x354: {  	v55 =	vor.u32 $0x9, v8;
	[tilespmem:v51+s18+$0x0] =	vst.idx.msk vm0, v10;
	v10, _, _ =	vpop (xrf2);
	(xrf2) =	vadd.scan.msk.f32 $0xffff, v9  }
0x355: {  	v9, _, _ =	vpop (xrf2);
	[tilespmem:v52+s18+$0x0] =	vst.idx.msk vm0, v10;
	v10 =	vor.u32 $0xA, v8  }
0x356: {  	v56, _, _ =	vpop (xrf2);
	[tilespmem:v53+s18+$0x0] =	vst.idx.msk vm0, v9;
	v9 =	vor.u32 $0xB, v8  }
0x357: {  	v57, _, _ =	vpop (xrf2);
	[tilespmem:v11+s18+$0x0] =	vst.idx.msk vm0, v56;
	v11 =	vor.u32 $0xC, v8  }
0x358: {  	v59 =	vor.u32 $0xD, v8;
	v58, _, _ =	vpop (xrf2);
	[tilespmem:v54+s18+$0x0] =	vst.idx.msk vm0, v57  }
0x359: {  	v61 =	vor.u32 $0xE, v8;
	v60, _, _ =	vpop (xrf2);
	[tilespmem:v55+s18+$0x0] =	vst.idx.msk vm0, v58  }
0x35a: {  	p1 =	sne.s32 s7, $0x6000;
	v62, _, _ =	vpop (xrf2);
	[tilespmem:v10+s18+$0x0] =	vst.idx.msk vm0, v60;
	v10 =	vor.u32 $0xF, v8  }
.Ltmp7:
0x35b: {  	v63, _, _ =	vpop (xrf2);
	[tilespmem:v9+s18+$0x0] =	vst.idx.msk vm0, v62;
	(pc) =	sbr.rel @p1 .LBB2_10-.Ltmp7, $4  }
0x35c: {  	v9, _, _ =	vpop (xrf2);
	[tilespmem:v11+s18+$0x0] =	vst.idx.msk vm0, v63  }
0x35d: {  	v11, _, _ =	vpop (xrf2);
	[tilespmem:v59+s18+$0x0] =	vst.idx.msk vm0, v9  }
0x35e: {  	[tilespmem:v61+s18+$0x0] =	vst.idx.msk vm0, v11;
	v9, _, _ =	vpop (xrf2)  }
0x35f: {  	s7 =	sadd.s32 $0x2000, s7;
	v8 =	vadd.s32 $0x10, v8;
	[tilespmem:v10+s18+$0x0] =	vst.idx.msk vm0, v9  }
.Ltmp8:
0x360: {  	s3 =	sadd.s32 s29, s3;
	(pc) =	sbr.rel @p2 .LBB2_13-.Ltmp8, $4  }
0x361: {  	s3 =	sshll.u32 s3, $0x3  }
0x362: {  	s3 =	sand.u32 $0x1FFFFFF8, s3  }
0x363: {  	s3 =	sadd.s32 s9, s3  }
0x364: {  	[hbm4b:s3+s5] =	stream.linear.scatter [tilespmem:s18], [sflag:$0xA], $0x40, $0x38;
	[tilespmem:$0x1C400] =	vst v63  }
.Ltmp9:
0x365: {  	(pc) =	sbr.rel .LBB2_3-.Ltmp9, $4  }
0x366: {  	s3 =	sshll.u32 s30, $0x8  }
0x367: {  	s3 =	sand.u32 $0x3FFFFF00, s3  }
0x368: {  	s30 =	sadd.s32 $0x1, s30;
	s3 =	sadd.s32 $0x3C0, s3  }
0x369: {  	[tilespmem:s31], [sflag:$0x6] =	stream.indirect.gather [hbm4b:s4+s23], $0x80, s3, s23, $0xb8;
	[tilespmem:$0x1C400] =	vst v63  }
.LBB2_15:
0x36a: {  	_ =	sfence.sel $0x180000  }
0x36b: {  	[bflag:$0x0] =	sbarrier.arrive $0xFFFF  }
0x36c: {  	_ =	strace $0x90000047  }
0x36d: {  	s0 =	stileid.u32;
	[bflag:$0x2] =	sbarrier.arrive $0xFFFF  }
0x36e: {  	p0 =	sne.s32 s0, $0x0;
	s0 =	rddreg [dreg:$0x5]  }
0x36f: {  	s0 =	sadd.s32 @!p0 $0x100000, s0  }
0x370: {  	[sflag:s0] =	ssyncadd.tile.s32 @!p0 $0x1;
	_ =	shalt  }
.Lfunc_end2:
_tile_overlayer_lowered:
.L_overlay_start_2:
0x371: {  	(tag) =	ssettag $0x2  }
0x372: {  	s0 =	rddreg [dreg:$0x0];
	s2 =	stileid.u32  }
0x373: {  	s1 =	rddreg [dreg:$0x1];
	p0 =	sne.s32 s2, $0x0  }
0x374: {  	s3 =	rddreg [dreg:$0x2];
	[bflag:$0x3] =	sbarrier.arrive $0xFFFF;
	s2 =	simm.s32 @!p0 $0x1C0B  }
0x375: {  	[timem:s3], [sflag:s2] =	dma.local @!p0 [hbm:s0], s1  }
0x376: {  	s0 =	simm.s32 @!p0 $0xB  }
0x377: {  	_ =	swait.ge @!p0 [sflag:s0], s1  }
0x378: {  	s1 =	ssub.s32 @!p0 $0x0, s1;
	[sflag:s0] =	ssyncset.done @!p0 $0x0  }
0x379: {  	[sflag:s0] =	ssyncadd.s32 @!p0 s1  }
0x37a: {  	[bflag:$0x3] =	sbarrier.arrive $0xFFFF  }
0x37b: {  	_ =	shalt  }

</sc_bundles>
